<compile_context>
chip_gen: v7x
topology: tpu7x:2x2x1
jax: 0.10.2.dev20260603
libtpu: 0.0.44.dev20260713+nightly
codegen_flags: <defaults>
</compile_context>

<pallas_src>
import dataclasses
import functools

import jax
import jax.numpy as jnp
from jax import lax
from jax.experimental import pallas as pl
from jax.experimental.pallas import tpu as pltpu
from jax.experimental.pallas import tpu_sc as plsc

_N = 10000
_E = 320000
_NSUB = 16
_NW = 32
_EPT = _E // _NW
_CH = 80
_NCH = _EPT // _CH
_NP = 10240
_RPT = _NP // _NSUB

_BLK = 1000


def _sc_mesh():
    return plsc.VectorSubcoreMesh(core_axis_name="c", subcore_axis_name="s")


def _sc_degree(ei4):
    cp = pltpu.CompilerParams()
    if "needs_layout_passes" in pltpu.CompilerParams.__dataclass_fields__:
        cp = dataclasses.replace(cp, needs_layout_passes=False)

    @functools.partial(
        pl.kernel,
        out_type=[jax.ShapeDtypeStruct((2, _NP, 16), jnp.float32),
                  jax.ShapeDtypeStruct((_NW, _NCH, _CH), jnp.int32)],
        mesh=_sc_mesh(),
        compiler_params=cp,
        scratch_types=[
            pltpu.VMEM((_NCH, _CH), jnp.int32),
            pltpu.VMEM((_NCH, _CH), jnp.int32),
            pltpu.VMEM((_NP,), jnp.float32),
            pltpu.VMEM((_NSUB, _RPT // 5), jnp.float32),
            pltpu.VMEM((_RPT // 5,), jnp.float32),
            pltpu.VMEM((_RPT // 5, 16), jnp.float32),
            pltpu.VMEM_SHARED((_NSUB, _NP), jnp.float32),
        ],
    )
    def deg_kernel(ei_hbm, out_hbm, pk_hbm,
                   ri_v, ci_v, tab_v, red_v, sum_v, deg16_v, stage_sh):
        c = lax.axis_index("c")
        s = lax.axis_index("s")
        wid = c * _NSUB + s
        pltpu.sync_copy(ei_hbm.at[0, wid], ri_v)
        pltpu.sync_copy(ei_hbm.at[1, wid], ci_v)

        @pl.loop(0, _NP // 16, unroll=8)
        def _(t):
            tab_v[pl.ds(t * 16, 16)] = jnp.zeros((16,), jnp.float32)

        ones = jnp.ones((16,), jnp.float32)

        @pl.loop(0, _NCH, unroll=2)
        def _(m):
            @pl.loop(0, _CH // 16, unroll=5)
            def _(t):
                ci = ci_v.at[m][pl.ds(t * 16, 16)]
                plsc.addupdate_scatter(tab_v, [ci], ones)
                ri_v.at[m][pl.ds(t * 16, 16)] = lax.bitwise_or(
                    ri_v.at[m][pl.ds(t * 16, 16)], lax.shift_left(ci, 16))

        pltpu.sync_copy(tab_v, stage_sh.at[s])
        pltpu.sync_copy(ri_v, pk_hbm.at[wid])
        plsc.subcore_barrier()
        rc_n = _RPT // 5

        @pl.loop(0, 5)
        def _(rc):
            pltpu.sync_copy(
                stage_sh.at[:, pl.ds(s * _RPT + rc * rc_n, rc_n)], red_v)

            @pl.loop(0, rc_n // 16, unroll=4)
            def _(q):
                acc = red_v[0, pl.ds(q * 16, 16)]
                for r in range(1, _NSUB):
                    acc = acc + red_v[r, pl.ds(q * 16, 16)]
                sum_v[pl.ds(q * 16, 16)] = acc
                for r in range(16):
                    deg16_v[q * 16 + r, :] = plsc.load_gather(
                        sum_v, [jnp.full((16,), q * 16 + r, jnp.int32)])

            pltpu.sync_copy(deg16_v,
                            out_hbm.at[c, pl.ds(s * _RPT + rc * rc_n, rc_n)])

    return deg_kernel(ei4)


def _sc_aggregate(p, pk3):
    zeros = jnp.zeros((_RPT, 128), jnp.float32)

    @functools.partial(
        pl.kernel,
        out_type=jax.ShapeDtypeStruct((2, _NP, 128), jnp.float32),
        mesh=_sc_mesh(),
        scratch_types=[
            pltpu.VMEM((_NCH, _CH), jnp.int32),
            pltpu.VMEM((_CH,), jnp.int32),
            pltpu.VMEM((_CH,), jnp.int32),
            pltpu.VMEM((_CH,), jnp.int32),
            pltpu.VMEM((_CH,), jnp.int32),
            pltpu.VMEM((_CH, 128), jnp.float32),
            pltpu.VMEM((_CH, 128), jnp.float32),
            pltpu.VMEM_SHARED((_NP, 128), jnp.float32),
            pltpu.SemaphoreType.DMA,
            pltpu.SemaphoreType.DMA,
            pltpu.SemaphoreType.DMA,
            pltpu.SemaphoreType.DMA,
        ],
    )
    def agg_kernel(p_hbm, pk_hbm, zeros_hbm, out_hbm,
                   pk_v, ri0_v, ci0_v, ri1_v, ci1_v, rows0_v, rows1_v,
                   agg_sh, gsem0, gsem1, ssem0, ssem1):
        c = lax.axis_index("c")
        s = lax.axis_index("s")
        wid = c * _NSUB + s
        pltpu.sync_copy(pk_hbm.at[wid], pk_v)
        pltpu.sync_copy(zeros_hbm, agg_sh.at[pl.ds(s * _RPT, _RPT)])

        def unpack(m, ri_b, ci_b):
            @pl.loop(0, _CH // 16)
            def _(t):
                v = pk_v.at[m][pl.ds(t * 16, 16)]
                ri_b[pl.ds(t * 16, 16)] = lax.bitwise_and(v, 0xFFFF)
                ci_b[pl.ds(t * 16, 16)] = lax.shift_right_logical(v, 16)

        unpack(0, ri0_v, ci0_v)
        unpack(1, ri1_v, ci1_v)
        plsc.subcore_barrier()

        pltpu.async_copy(p_hbm.at[ri0_v], rows0_v, gsem0)
        pltpu.async_copy(p_hbm.at[ri1_v], rows1_v, gsem1)

        @pl.loop(0, (_NCH - 1) // 2)
        def _(k):
            j1 = 2 * k + 1
            pltpu.make_async_copy(p_hbm.at[ri0_v], rows0_v, gsem0).wait()
            pltpu.async_copy(rows0_v, agg_sh.at[ci0_v], ssem0, add=True)
            pltpu.make_async_copy(p_hbm.at[ri1_v], rows1_v, gsem1).wait()
            pltpu.async_copy(rows1_v, agg_sh.at[ci1_v], ssem1, add=True)
            pltpu.make_async_copy(rows0_v, agg_sh.at[ci0_v], ssem0).wait()
            unpack(j1 + 1, ri0_v, ci0_v)
            pltpu.async_copy(p_hbm.at[ri0_v], rows0_v, gsem0)
            pltpu.make_async_copy(rows1_v, agg_sh.at[ci1_v], ssem1).wait()

            @pl.when(j1 + 2 < _NCH)
            def _():
                unpack(j1 + 2, ri1_v, ci1_v)
                pltpu.async_copy(p_hbm.at[ri1_v], rows1_v, gsem1)

        pltpu.make_async_copy(p_hbm.at[ri0_v], rows0_v, gsem0).wait()
        pltpu.sync_copy(rows0_v, agg_sh.at[ci0_v], add=True)

        plsc.subcore_barrier()
        pltpu.sync_copy(agg_sh.at[pl.ds(s * _RPT, _RPT)],
                        out_hbm.at[c, pl.ds(s * _RPT, _RPT)])

    return agg_kernel(p, pk3, zeros)



def _dot3(x, whi, wlo):
    xhi = x.astype(jnp.bfloat16)
    xlo = (x - xhi.astype(jnp.float32)).astype(jnp.bfloat16)
    return (jnp.dot(xhi, whi, preferred_element_type=jnp.float32)
            + jnp.dot(xhi, wlo, preferred_element_type=jnp.float32)
            + jnp.dot(xlo, whi, preferred_element_type=jnp.float32))


def _split_w(w):
    whi = w.astype(jnp.bfloat16)
    wlo = (w - whi.astype(jnp.float32)).astype(jnp.bfloat16)
    return whi, wlo


def _tc_encode_scale(x, w1hi, w1lo, b1, w2hi, w2lo, b2, g, b, deg0, deg1):
    def body(x_ref, w1hi_ref, w1lo_ref, b1_ref, w2hi_ref, w2lo_ref, b2_ref,
             g_ref, bb_ref, d0_ref, d1_ref, h_ref, p_ref):
        h = jnp.maximum(
            _dot3(x_ref[...], w1hi_ref[...], w1lo_ref[...]) + b1_ref[...], 0.0)
        h = _dot3(h, w2hi_ref[...], w2lo_ref[...]) + b2_ref[...]
        mu = jnp.mean(h, axis=-1, keepdims=True)
        var = jnp.mean((h - mu) ** 2, axis=-1, keepdims=True)
        h = (h - mu) * lax.rsqrt(var + 1e-5) * g_ref[...] + bb_ref[...]
        h_ref[...] = h
        d = d0_ref[0][:, :1] + d1_ref[0][:, :1] + 2.0
        p_ref[...] = lax.rsqrt(d) * h

    full = lambda shape: pl.BlockSpec(shape, lambda i: (0, 0))
    return pl.pallas_call(
        body,
        grid=(_N // _BLK,),
        in_specs=[
            pl.BlockSpec((_BLK, 128), lambda i: (i, 0)),
            full((128, 128)), full((128, 128)), full((1, 128)),
            full((128, 128)), full((128, 128)), full((1, 128)),
            full((1, 128)), full((1, 128)),
            pl.BlockSpec((1, _BLK, 16), lambda i: (0, i, 0)),
            pl.BlockSpec((1, _BLK, 16), lambda i: (1, i, 0)),
        ],
        out_specs=[pl.BlockSpec((_BLK, 128), lambda i: (i, 0)),
                   pl.BlockSpec((_BLK, 128), lambda i: (i, 0))],
        out_shape=[jax.ShapeDtypeStruct((_N, 128), jnp.float32),
                   jax.ShapeDtypeStruct((_N, 128), jnp.float32)],
    )(x, w1hi, w1lo, b1, w2hi, w2lo, b2, g, b, deg0, deg1)


def _tc_decode(h, agg0, agg1, deg0, deg1, cwhi, cwlo, conv_b, swhi, swlo,
               skip_b, w1hi, w1lo, dec_b1, dec_W2, dec_b2):
    def body(h_ref, a0_ref, a1_ref, d0_ref, d1_ref, cwhi_ref, cwlo_ref,
             cb_ref, swhi_ref, swlo_ref, sb_ref, w1hi_ref, w1lo_ref, b1_ref,
             w2_ref, b2_ref, y_ref):
        h = h_ref[...]
        d = d0_ref[0][:, :1] + d1_ref[0][:, :1] + 2.0
        dinv = lax.rsqrt(d)
        tmp = dinv * (a0_ref[0] + a1_ref[0]) + (2.0 * dinv * dinv) * h
        out = (_dot3(tmp, cwhi_ref[...], cwlo_ref[...]) + cb_ref[...]
               + _dot3(h, swhi_ref[...], swlo_ref[...]) + sb_ref[...])
        out = jnp.where(out > 0, out, 0.1 * (jnp.exp(out) - 1.0))
        dd = _dot3(out, w1hi_ref[...], w1lo_ref[...]) + b1_ref[...]
        dd = jnp.where(dd > 0, dd, 0.1 * dd)
        y_ref[...] = jnp.dot(dd, w2_ref[...],
                             preferred_element_type=jnp.float32,
                    precision=lax.Precision.HIGHEST) + b2_ref[...]

    full = lambda shape: pl.BlockSpec(shape, lambda i: (0, 0))
    return pl.pallas_call(
        body,
        grid=(_N // _BLK,),
        in_specs=[
            pl.BlockSpec((_BLK, 128), lambda i: (i, 0)),
            pl.BlockSpec((1, _BLK, 128), lambda i: (0, i, 0)),
            pl.BlockSpec((1, _BLK, 128), lambda i: (1, i, 0)),
            pl.BlockSpec((1, _BLK, 16), lambda i: (0, i, 0)),
            pl.BlockSpec((1, _BLK, 16), lambda i: (1, i, 0)),
            full((128, 256)), full((128, 256)), full((1, 256)),
            full((128, 256)), full((128, 256)), full((1, 256)),
            full((256, 256)), full((256, 256)), full((1, 256)),
            full((256, 1)), full((1, 1)),
        ],
        out_specs=pl.BlockSpec((_BLK, 1), lambda i: (i, 0)),
        out_shape=jax.ShapeDtypeStruct((_N, 1), jnp.float32),
    )(h, agg0, agg1, deg0, deg1, cwhi, cwlo, conv_b, swhi, swlo, skip_b,
      w1hi, w1lo, dec_b1, dec_W2, dec_b2)


def kernel(x, edge_index, enc_W1, enc_b1, enc_W2, enc_b2, ln_g, ln_b,
           conv_W, conv_b, skip_W, skip_b, dec_W1, dec_b1, dec_W2, dec_b2):
    ei4 = edge_index.reshape(2, _NW, _NCH, _CH)

    deg_parts, pk3 = _sc_degree(ei4)
    w1hi, w1lo = _split_w(enc_W1)
    w2hi, w2lo = _split_w(enc_W2)
    h, p = _tc_encode_scale(x, w1hi, w1lo, enc_b1.reshape(1, -1), w2hi, w2lo,
                            enc_b2.reshape(1, -1), ln_g.reshape(1, -1),
                            ln_b.reshape(1, -1), deg_parts, deg_parts)
    agg_parts = _sc_aggregate(p, pk3)
    cwhi, cwlo = _split_w(conv_W)
    swhi, swlo = _split_w(skip_W)
    d1hi, d1lo = _split_w(dec_W1)
    return _tc_decode(h, agg_parts, agg_parts, deg_parts, deg_parts,
                      cwhi, cwlo, conv_b.reshape(1, -1), swhi, swlo,
                      skip_b.reshape(1, -1), d1hi, d1lo,
                      dec_b1.reshape(1, -1), dec_W2,
                      dec_b2.reshape(1, -1))

# --- scband reference (transcript-rebuilt; emitter-appended) ---
"""Pipeline reference for scband-transductive-gcn-19980187861405 (READ-ONLY COPY).

The authoritative reference and input builder live on the scoring server;
editing this copy changes nothing except your own understanding.
"""

import jax, jax.numpy as jnp
import numpy as np

N = 10000
E = 320000
D_IN = 128
H0 = 128
H1 = 256


def setup_inputs(seed: int = 0) -> dict:
    key = jax.random.key(seed)
    ks = jax.random.split(key, 18)
    def g(k, shape, scale=0.05):
        return jax.random.normal(k, shape, dtype=jnp.float32) * scale
    inp = {}
    inp['x'] = jax.random.normal(ks[0], (N, D_IN), dtype=jnp.float32)
    inp['edge_index'] = jax.random.randint(ks[1], (2, E), 0, N, dtype=jnp.int32)
    # encoder: Linear(128,128), ReLU, Linear(128,128), LayerNorm(128)
    inp['enc_W1'] = g(ks[2], (D_IN, H0))
    inp['enc_b1'] = jnp.zeros((H0,), dtype=jnp.float32)
    inp['enc_W2'] = g(ks[3], (H0, H0))
    inp['enc_b2'] = jnp.zeros((H0,), dtype=jnp.float32)
    inp['ln_g'] = jnp.ones((H0,), dtype=jnp.float32)
    inp['ln_b'] = jnp.zeros((H0,), dtype=jnp.float32)
    # GCNBlock(128 -> 256): GCNConv(improved=True) + skip Linear
    inp['conv_W'] = g(ks[4], (H0, H1))
    inp['conv_b'] = jnp.zeros((H1,), dtype=jnp.float32)
    inp['skip_W'] = g(ks[5], (H0, H1))
    inp['skip_b'] = jnp.zeros((H1,), dtype=jnp.float32)
    # decoder: Linear(256,256), LeakyReLU(0.1), Linear(256,1)
    inp['dec_W1'] = g(ks[6], (H1, H1))
    inp['dec_b1'] = jnp.zeros((H1,), dtype=jnp.float32)
    inp['dec_W2'] = g(ks[7], (H1, 1))
    inp['dec_b2'] = jnp.zeros((1,), dtype=jnp.float32)
    return inp


def _gcn_conv_improved(x, edge_index, W, b):
    # PyG GCNConv with improved=True: self-loop weight 2.0, sym normalization
    h = x @ W
    row = edge_index[0]
    col = edge_index[1]
    loop = jnp.arange(N, dtype=edge_index.dtype)
    row2 = jnp.concatenate([row, loop])
    col2 = jnp.concatenate([col, loop])
    ew = jnp.concatenate([jnp.ones((E,), jnp.float32), 2.0 * jnp.ones((N,), jnp.float32)])
    deg = jnp.zeros((N,), jnp.float32).at[col2].add(ew)
    dinv = jnp.where(deg > 0, jax.lax.rsqrt(jnp.maximum(deg, 1e-12)), 0.0)
    norm = dinv[row2] * ew * dinv[col2]
    msg = norm[:, None] * h[row2]
    out = jnp.zeros((N, h.shape[1]), jnp.float32).at[col2].add(msg)
    return out + b


def reference(x, edge_index, enc_W1, enc_b1, enc_W2, enc_b2, ln_g, ln_b,
              conv_W, conv_b, skip_W, skip_b, dec_W1, dec_b1, dec_W2, dec_b2):
    # encoder
    h = jax.nn.relu(x @ enc_W1 + enc_b1)
    h = h @ enc_W2 + enc_b2
    mu = jnp.mean(h, axis=-1, keepdims=True)
    var = jnp.mean((h - mu) ** 2, axis=-1, keepdims=True)
    h = (h - mu) / jnp.sqrt(var + 1e-5) * ln_g + ln_b
    # GCNBlock (dropout is identity in eval)
    out = _gcn_conv_improved(h, edge_index, conv_W, conv_b) + (h @ skip_W + skip_b)
    out = jnp.where(out > 0, out, 0.1 * (jnp.exp(out) - 1.0))  # ELU(alpha=0.1)
    # decoder
    d = out @ dec_W1 + dec_b1
    d = jnp.where(d > 0, d, 0.1 * d)  # LeakyReLU(0.1)
    return d @ dec_W2 + dec_b2

if __name__ == "__main__":
    import jax
    _d = setup_inputs()
    print(jax.jit(kernel)(*tuple(_d.values())))

</pallas_src>

<mosaic_0001>
#map = affine_map<(d0, d1) -> (0, 0)>
#map1 = affine_map<(d0, d1) -> (0, 0, 0)>
module attributes {stable_mosaic.version = 14 : i64} {
  func.func @agg_kernel(%arg0: i32, %arg1: i32, %arg2: memref<10000x128xf32, #tpu.memory_space<hbm>>, %arg3: memref<32x125x80xi32, #tpu.memory_space<hbm>>, %arg4: memref<640x128xf32, #tpu.memory_space<hbm>>, %arg5: memref<2x10240x128xf32, #tpu.memory_space<hbm>>, %arg6: memref<125x80xi32, #tpu.memory_space<vmem>>, %arg7: memref<80xi32, #tpu.memory_space<vmem>>, %arg8: memref<80xi32, #tpu.memory_space<vmem>>, %arg9: memref<80xi32, #tpu.memory_space<vmem>>, %arg10: memref<80xi32, #tpu.memory_space<vmem>>, %arg11: memref<80x128xf32, #tpu.memory_space<vmem>>, %arg12: memref<80x128xf32, #tpu.memory_space<vmem>>, %arg13: memref<10240x128xf32, #tpu.memory_space<vmem_shared>>, %arg14: memref<!tpu.dma_semaphore, #tpu.memory_space<semaphore_mem>>, %arg15: memref<!tpu.dma_semaphore, #tpu.memory_space<semaphore_mem>>, %arg16: memref<!tpu.dma_semaphore, #tpu.memory_space<semaphore_mem>>, %arg17: memref<!tpu.dma_semaphore, #tpu.memory_space<semaphore_mem>>) attributes {dimension_semantics = [#tpu.dimension_semantics<core_parallel>, #tpu.dimension_semantics<subcore_parallel>], iteration_bounds = array<i64: 2, 16>, scalar_prefetch = 0 : i64, scratch_operands = 12 : i64, tpu.core_type = #tpu.core_type<sc_vector_subcore>, window_params = [{transform_indices = #map}, {transform_indices = #map1}, {transform_indices = #map}, {transform_indices = #map1}]} {
    %mul3A = arith.constant 16 : i32
    %mul3A_0 = arith.muli %arg0, %mul3A : i32
    %add3A = arith.addi %mul3A_0, %arg1 : i32
    "tpu.region"() ({
      %run_scoped3A = tpu.sem_alloc : memref<!tpu.dma_semaphore, #tpu.memory_space<semaphore_mem>>
      %dma_start3A_29 = arith.constant 0 : i32
      %dma_start3A_30 = arith.constant 0 : i32
      %dma_start3A_31 = tpu.memref_slice %arg3[%add3A, %dma_start3A_29, %dma_start3A_30] : memref<32x125x80xi32, #tpu.memory_space<hbm>> -> memref<1x125x80xi32, #tpu.memory_space<hbm>>
      %dma_start3A_32 = tpu.memref_squeeze %dma_start3A_31 : memref<1x125x80xi32, #tpu.memory_space<hbm>> -> memref<125x80xi32, #tpu.memory_space<hbm>>
      %dma_start3A_33 = arith.constant 0 : i32
      %dma_start3A_34 = arith.constant 0 : i32
      %dma_start3A_35 = tpu.memref_slice %arg3[%add3A, %dma_start3A_33, %dma_start3A_34] : memref<32x125x80xi32, #tpu.memory_space<hbm>> -> memref<1x125x80xi32, #tpu.memory_space<hbm>>
      %dma_start3A_36 = tpu.memref_squeeze %dma_start3A_35 : memref<1x125x80xi32, #tpu.memory_space<hbm>> -> memref<125x80xi32, #tpu.memory_space<hbm>>
      tpu.enqueue_dma source(%dma_start3A_36 : memref<125x80xi32, #tpu.memory_space<hbm>>) target(%arg6 : memref<125x80xi32, #tpu.memory_space<vmem>>) target_semaphore(%run_scoped3A : memref<!tpu.dma_semaphore, #tpu.memory_space<semaphore_mem>>)
      %dma_wait3A_37 = arith.constant 0 : i32
      %dma_wait3A_38 = arith.constant 0 : i32
      %dma_wait3A_39 = tpu.memref_slice %arg3[%add3A, %dma_wait3A_37, %dma_wait3A_38] : memref<32x125x80xi32, #tpu.memory_space<hbm>> -> memref<1x125x80xi32, #tpu.memory_space<hbm>>
      %dma_wait3A_40 = tpu.memref_squeeze %dma_wait3A_39 : memref<1x125x80xi32, #tpu.memory_space<hbm>> -> memref<125x80xi32, #tpu.memory_space<hbm>>
      %dma_wait3A_41 = arith.constant 0 : i32
      %dma_wait3A_42 = arith.constant 0 : i32
      %dma_wait3A_43 = tpu.memref_slice %arg3[%add3A, %dma_wait3A_41, %dma_wait3A_42] : memref<32x125x80xi32, #tpu.memory_space<hbm>> -> memref<1x125x80xi32, #tpu.memory_space<hbm>>
      %dma_wait3A_44 = tpu.memref_squeeze %dma_wait3A_43 : memref<1x125x80xi32, #tpu.memory_space<hbm>> -> memref<125x80xi32, #tpu.memory_space<hbm>>
      tpu.wait_dma2 semaphore(%run_scoped3A : memref<!tpu.dma_semaphore, #tpu.memory_space<semaphore_mem>>) src(%dma_wait3A_44 : memref<125x80xi32, #tpu.memory_space<hbm>>) dst(%arg6 : memref<125x80xi32, #tpu.memory_space<vmem>>)
      tpu.yield
    }) : () -> ()
    %mul3A_1 = arith.constant 640 : i32
    %mul3A_2 = arith.muli %arg1, %mul3A_1 : i32
    "tpu.region"() ({
      %run_scoped3A = tpu.sem_alloc : memref<!tpu.dma_semaphore, #tpu.memory_space<semaphore_mem>>
      %dma_start3A_29 = arith.constant 0 : i32
      %dma_start3A_30 = tpu.memref_slice %arg13[%mul3A_2, %dma_start3A_29] : memref<10240x128xf32, #tpu.memory_space<vmem_shared>> -> memref<640x128xf32, #tpu.memory_space<vmem_shared>>
      tpu.enqueue_dma source(%arg4 : memref<640x128xf32, #tpu.memory_space<hbm>>) target(%dma_start3A_30 : memref<640x128xf32, #tpu.memory_space<vmem_shared>>) target_semaphore(%run_scoped3A : memref<!tpu.dma_semaphore, #tpu.memory_space<semaphore_mem>>)
      %dma_wait3A_31 = arith.constant 0 : i32
      %dma_wait3A_32 = tpu.memref_slice %arg13[%mul3A_2, %dma_wait3A_31] : memref<10240x128xf32, #tpu.memory_space<vmem_shared>> -> memref<640x128xf32, #tpu.memory_space<vmem_shared>>
      tpu.wait_dma2 semaphore(%run_scoped3A : memref<!tpu.dma_semaphore, #tpu.memory_space<semaphore_mem>>) src(%arg4 : memref<640x128xf32, #tpu.memory_space<hbm>>) dst(%dma_wait3A_32 : memref<640x128xf32, #tpu.memory_space<vmem_shared>>)
      tpu.yield
    }) : () -> ()
    %scan3A = arith.constant 0 : i32
    %scan3A_3 = arith.constant 5 : i32
    %scan3A_4 = arith.addi %scan3A, %scan3A_3 : i32
    %scan3A_5 = arith.constant 1 : i32
    scf.for %scan3A_29 = %scan3A to %scan3A_4 step %scan3A_5  : i32 {
      %mul3A_30 = arith.constant 1 : i32
      %mul3A_31 = arith.muli %scan3A_29, %mul3A_30 : i32
      %add3A_32 = arith.constant 0 : i32
      %add3A_33 = arith.addi %add3A_32, %mul3A_31 : i32
      %mul3A_34 = arith.constant 16 : i32
      %mul3A_35 = arith.muli %add3A_33, %mul3A_34 : i32
      %get3A = arith.constant 0 : i32
      %get3A_36 = arith.constant 0 : i32
      %get3A_37 = tpu.memref_slice %arg6[%get3A, %get3A_36] : memref<125x80xi32, #tpu.memory_space<vmem>> -> memref<1x80xi32, #tpu.memory_space<vmem>>
      %get3A_38 = tpu.memref_squeeze %get3A_37 : memref<1x80xi32, #tpu.memory_space<vmem>> -> memref<80xi32, #tpu.memory_space<vmem>>
      %get3A_39 = arith.index_cast %mul3A_35 : i32 to index
      %get3A_40 = tpu.vector_load %get3A_38[%get3A_39] {strides = array<i32>} : memref<80xi32, #tpu.memory_space<vmem>>, vector<16xi32>,
      %and3A = arith.constant 65535 : i32
      %and3A_41 = vector.broadcast %and3A : i32 to vector<16xi32>
      %and3A_42 = arith.andi %get3A_40, %and3A_41 : vector<16xi32>
      %mul3A_43 = arith.constant 16 : i32
      %mul3A_44 = arith.muli %add3A_33, %mul3A_43 : i32
      %swap3A = arith.index_cast %mul3A_44 : i32 to index
      %swap3A_45 = tpu.vector_load %arg7[%swap3A] {strides = array<i32>} : memref<80xi32, #tpu.memory_space<vmem>>, vector<16xi32>,
      %swap3A_46 = vector.shape_cast %swap3A_45 : vector<16xi32> to vector<16xi32>
      %swap3A_47 = vector.shape_cast %and3A_42 : vector<16xi32> to vector<16xi32>
      tpu.vector_store %arg7[%swap3A], %swap3A_47 {strides = array<i32>} : memref<80xi32, #tpu.memory_space<vmem>>, vector<16xi32>,
      %shift_right_logical3A = arith.constant 16 : i32
      %shift_right_logical3A_48 = vector.broadcast %shift_right_logical3A : i32 to vector<16xi32>
      %shift_right_logical3A_49 = arith.shrui %get3A_40, %shift_right_logical3A_48 : vector<16xi32>
      %mul3A_50 = arith.constant 16 : i32
      %mul3A_51 = arith.muli %add3A_33, %mul3A_50 : i32
      %swap3A_52 = arith.index_cast %mul3A_51 : i32 to index
      %swap3A_53 = tpu.vector_load %arg8[%swap3A_52] {strides = array<i32>} : memref<80xi32, #tpu.memory_space<vmem>>, vector<16xi32>,
      %swap3A_54 = vector.shape_cast %swap3A_53 : vector<16xi32> to vector<16xi32>
      %swap3A_55 = vector.shape_cast %shift_right_logical3A_49 : vector<16xi32> to vector<16xi32>
      tpu.vector_store %arg8[%swap3A_52], %swap3A_55 {strides = array<i32>} : memref<80xi32, #tpu.memory_space<vmem>>, vector<16xi32>,
    }
    %scan3A_6 = arith.constant 5 : i32
    %scan3A_7 = arith.constant 0 : i32
    %scan3A_8 = arith.constant 5 : i32
    %scan3A_9 = arith.addi %scan3A_7, %scan3A_8 : i32
    %scan3A_10 = arith.constant 1 : i32
    scf.for %scan3A_29 = %scan3A_7 to %scan3A_9 step %scan3A_10  : i32 {
      %mul3A_30 = arith.constant 1 : i32
      %mul3A_31 = arith.muli %scan3A_29, %mul3A_30 : i32
      %add3A_32 = arith.constant 0 : i32
      %add3A_33 = arith.addi %add3A_32, %mul3A_31 : i32
      %mul3A_34 = arith.constant 16 : i32
      %mul3A_35 = arith.muli %add3A_33, %mul3A_34 : i32
      %get3A = arith.constant 1 : i32
      %get3A_36 = arith.constant 0 : i32
      %get3A_37 = tpu.memref_slice %arg6[%get3A, %get3A_36] : memref<125x80xi32, #tpu.memory_space<vmem>> -> memref<1x80xi32, #tpu.memory_space<vmem>>
      %get3A_38 = tpu.memref_squeeze %get3A_37 : memref<1x80xi32, #tpu.memory_space<vmem>> -> memref<80xi32, #tpu.memory_space<vmem>>
      %get3A_39 = arith.index_cast %mul3A_35 : i32 to index
      %get3A_40 = tpu.vector_load %get3A_38[%get3A_39] {strides = array<i32>} : memref<80xi32, #tpu.memory_space<vmem>>, vector<16xi32>,
      %and3A = arith.constant 65535 : i32
      %and3A_41 = vector.broadcast %and3A : i32 to vector<16xi32>
      %and3A_42 = arith.andi %get3A_40, %and3A_41 : vector<16xi32>
      %mul3A_43 = arith.constant 16 : i32
      %mul3A_44 = arith.muli %add3A_33, %mul3A_43 : i32
      %swap3A = arith.index_cast %mul3A_44 : i32 to index
      %swap3A_45 = tpu.vector_load %arg9[%swap3A] {strides = array<i32>} : memref<80xi32, #tpu.memory_space<vmem>>, vector<16xi32>,
      %swap3A_46 = vector.shape_cast %swap3A_45 : vector<16xi32> to vector<16xi32>
      %swap3A_47 = vector.shape_cast %and3A_42 : vector<16xi32> to vector<16xi32>
      tpu.vector_store %arg9[%swap3A], %swap3A_47 {strides = array<i32>} : memref<80xi32, #tpu.memory_space<vmem>>, vector<16xi32>,
      %shift_right_logical3A = arith.constant 16 : i32
      %shift_right_logical3A_48 = vector.broadcast %shift_right_logical3A : i32 to vector<16xi32>
      %shift_right_logical3A_49 = arith.shrui %get3A_40, %shift_right_logical3A_48 : vector<16xi32>
      %mul3A_50 = arith.constant 16 : i32
      %mul3A_51 = arith.muli %add3A_33, %mul3A_50 : i32
      %swap3A_52 = arith.index_cast %mul3A_51 : i32 to index
      %swap3A_53 = tpu.vector_load %arg10[%swap3A_52] {strides = array<i32>} : memref<80xi32, #tpu.memory_space<vmem>>, vector<16xi32>,
      %swap3A_54 = vector.shape_cast %swap3A_53 : vector<16xi32> to vector<16xi32>
      %swap3A_55 = vector.shape_cast %shift_right_logical3A_49 : vector<16xi32> to vector<16xi32>
      tpu.vector_store %arg10[%swap3A_52], %swap3A_55 {strides = array<i32>} : memref<80xi32, #tpu.memory_space<vmem>>, vector<16xi32>,
    }
    %scan3A_11 = arith.constant 5 : i32
    %barrier3A = arith.constant 0 : index
    tpu.barrier barrier_id(%barrier3A)
    %dma_start3A = arith.constant 0 : i32
    %dma_start3A_12 = arith.constant 0 : i32
    %dma_start3A_13 = tpu.memref_slice %arg2[%dma_start3A, %dma_start3A_12] : memref<10000x128xf32, #tpu.memory_space<hbm>> -> memref<10000x128xf32, #tpu.memory_space<hbm>>
    tpu.enqueue_indirect_dma source(%dma_start3A_13 : memref<10000x128xf32, #tpu.memory_space<hbm>>) target(%arg11 : memref<80x128xf32, #tpu.memory_space<vmem>>) offsets(%arg7 : memref<80xi32, #tpu.memory_space<vmem>>) semaphore(%arg14 : memref<!tpu.dma_semaphore, #tpu.memory_space<semaphore_mem>>)
    %dma_start3A_14 = arith.constant 0 : i32
    %dma_start3A_15 = arith.constant 0 : i32
    %dma_start3A_16 = tpu.memref_slice %arg2[%dma_start3A_14, %dma_start3A_15] : memref<10000x128xf32, #tpu.memory_space<hbm>> -> memref<10000x128xf32, #tpu.memory_space<hbm>>
    tpu.enqueue_indirect_dma source(%dma_start3A_16 : memref<10000x128xf32, #tpu.memory_space<hbm>>) target(%arg12 : memref<80x128xf32, #tpu.memory_space<vmem>>) offsets(%arg9 : memref<80xi32, #tpu.memory_space<vmem>>) semaphore(%arg15 : memref<!tpu.dma_semaphore, #tpu.memory_space<semaphore_mem>>)
    %scan3A_17 = arith.constant 0 : i32
    %scan3A_18 = arith.constant 62 : i32
    %scan3A_19 = arith.addi %scan3A_17, %scan3A_18 : i32
    %scan3A_20 = arith.constant 1 : i32
    scf.for %scan3A_29 = %scan3A_17 to %scan3A_19 step %scan3A_20  : i32 {
      %mul3A_30 = arith.constant 1 : i32
      %mul3A_31 = arith.muli %scan3A_29, %mul3A_30 : i32
      %add3A_32 = arith.constant 0 : i32
      %add3A_33 = arith.addi %add3A_32, %mul3A_31 : i32
      %mul3A_34 = arith.constant 2 : i32
      %mul3A_35 = arith.muli %mul3A_34, %add3A_33 : i32
      %add3A_36 = arith.constant 1 : i32
      %add3A_37 = arith.addi %mul3A_35, %add3A_36 : i32
      %dma_wait3A_38 = arith.constant 0 : i32
      %dma_wait3A_39 = arith.constant 0 : i32
      %dma_wait3A_40 = tpu.memref_slice %arg2[%dma_wait3A_38, %dma_wait3A_39] : memref<10000x128xf32, #tpu.memory_space<hbm>> -> memref<10000x128xf32, #tpu.memory_space<hbm>>
      tpu.wait_indirect_dma semaphore(%arg14 : memref<!tpu.dma_semaphore, #tpu.memory_space<semaphore_mem>>) src(%dma_wait3A_40 : memref<10000x128xf32, #tpu.memory_space<hbm>>) dst(%arg11 : memref<80x128xf32, #tpu.memory_space<vmem>>)
      %dma_start3A_41 = arith.constant 0 : i32
      %dma_start3A_42 = arith.constant 0 : i32
      %dma_start3A_43 = tpu.memref_slice %arg13[%dma_start3A_41, %dma_start3A_42] : memref<10240x128xf32, #tpu.memory_space<vmem_shared>> -> memref<10240x128xf32, #tpu.memory_space<vmem_shared>>
      tpu.enqueue_indirect_dma source(%arg11 : memref<80x128xf32, #tpu.memory_space<vmem>>) target(%dma_start3A_43 : memref<10240x128xf32, #tpu.memory_space<vmem_shared>>) offsets(%arg8 : memref<80xi32, #tpu.memory_space<vmem>>) semaphore(%arg16 : memref<!tpu.dma_semaphore, #tpu.memory_space<semaphore_mem>>) {add = true}
      %dma_wait3A_44 = arith.constant 0 : i32
      %dma_wait3A_45 = arith.constant 0 : i32
      %dma_wait3A_46 = tpu.memref_slice %arg2[%dma_wait3A_44, %dma_wait3A_45] : memref<10000x128xf32, #tpu.memory_space<hbm>> -> memref<10000x128xf32, #tpu.memory_space<hbm>>
      tpu.wait_indirect_dma semaphore(%arg15 : memref<!tpu.dma_semaphore, #tpu.memory_space<semaphore_mem>>) src(%dma_wait3A_46 : memref<10000x128xf32, #tpu.memory_space<hbm>>) dst(%arg12 : memref<80x128xf32, #tpu.memory_space<vmem>>)
      %dma_start3A_47 = arith.constant 0 : i32
      %dma_start3A_48 = arith.constant 0 : i32
      %dma_start3A_49 = tpu.memref_slice %arg13[%dma_start3A_47, %dma_start3A_48] : memref<10240x128xf32, #tpu.memory_space<vmem_shared>> -> memref<10240x128xf32, #tpu.memory_space<vmem_shared>>
      tpu.enqueue_indirect_dma source(%arg12 : memref<80x128xf32, #tpu.memory_space<vmem>>) target(%dma_start3A_49 : memref<10240x128xf32, #tpu.memory_space<vmem_shared>>) offsets(%arg10 : memref<80xi32, #tpu.memory_space<vmem>>) semaphore(%arg17 : memref<!tpu.dma_semaphore, #tpu.memory_space<semaphore_mem>>) {add = true}
      %dma_wait3A_50 = arith.constant 0 : i32
      %dma_wait3A_51 = arith.constant 0 : i32
      %dma_wait3A_52 = tpu.memref_slice %arg13[%dma_wait3A_50, %dma_wait3A_51] : memref<10240x128xf32, #tpu.memory_space<vmem_shared>> -> memref<10240x128xf32, #tpu.memory_space<vmem_shared>>
      tpu.wait_indirect_dma semaphore(%arg16 : memref<!tpu.dma_semaphore, #tpu.memory_space<semaphore_mem>>) src(%arg11 : memref<80x128xf32, #tpu.memory_space<vmem>>) dst(%dma_wait3A_52 : memref<10240x128xf32, #tpu.memory_space<vmem_shared>>)
      %add3A_53 = arith.constant 1 : i32
      %add3A_54 = arith.addi %add3A_37, %add3A_53 : i32
      %scan3A_55 = arith.constant 0 : i32
      %scan3A_56 = arith.constant 5 : i32
      %scan3A_57 = arith.addi %scan3A_55, %scan3A_56 : i32
      %scan3A_58 = arith.constant 1 : i32
      scf.for %scan3A_70 = %scan3A_55 to %scan3A_57 step %scan3A_58  : i32 {
        %mul3A_71 = arith.constant 1 : i32
        %mul3A_72 = arith.muli %scan3A_70, %mul3A_71 : i32
        %add3A_73 = arith.constant 0 : i32
        %add3A_74 = arith.addi %add3A_73, %mul3A_72 : i32
        %mul3A_75 = arith.constant 16 : i32
        %mul3A_76 = arith.muli %add3A_74, %mul3A_75 : i32
        %get3A = arith.constant 0 : i32
        %get3A_77 = tpu.memref_slice %arg6[%add3A_54, %get3A] : memref<125x80xi32, #tpu.memory_space<vmem>> -> memref<1x80xi32, #tpu.memory_space<vmem>>
        %get3A_78 = tpu.memref_squeeze %get3A_77 : memref<1x80xi32, #tpu.memory_space<vmem>> -> memref<80xi32, #tpu.memory_space<vmem>>
        %get3A_79 = arith.index_cast %mul3A_76 : i32 to index
        %get3A_80 = tpu.vector_load %get3A_78[%get3A_79] {strides = array<i32>} : memref<80xi32, #tpu.memory_space<vmem>>, vector<16xi32>,
        %and3A = arith.constant 65535 : i32
        %and3A_81 = vector.broadcast %and3A : i32 to vector<16xi32>
        %and3A_82 = arith.andi %get3A_80, %and3A_81 : vector<16xi32>
        %mul3A_83 = arith.constant 16 : i32
        %mul3A_84 = arith.muli %add3A_74, %mul3A_83 : i32
        %swap3A = arith.index_cast %mul3A_84 : i32 to index
        %swap3A_85 = tpu.vector_load %arg7[%swap3A] {strides = array<i32>} : memref<80xi32, #tpu.memory_space<vmem>>, vector<16xi32>,
        %swap3A_86 = vector.shape_cast %swap3A_85 : vector<16xi32> to vector<16xi32>
        %swap3A_87 = vector.shape_cast %and3A_82 : vector<16xi32> to vector<16xi32>
        tpu.vector_store %arg7[%swap3A], %swap3A_87 {strides = array<i32>} : memref<80xi32, #tpu.memory_space<vmem>>, vector<16xi32>,
        %shift_right_logical3A = arith.constant 16 : i32
        %shift_right_logical3A_88 = vector.broadcast %shift_right_logical3A : i32 to vector<16xi32>
        %shift_right_logical3A_89 = arith.shrui %get3A_80, %shift_right_logical3A_88 : vector<16xi32>
        %mul3A_90 = arith.constant 16 : i32
        %mul3A_91 = arith.muli %add3A_74, %mul3A_90 : i32
        %swap3A_92 = arith.index_cast %mul3A_91 : i32 to index
        %swap3A_93 = tpu.vector_load %arg8[%swap3A_92] {strides = array<i32>} : memref<80xi32, #tpu.memory_space<vmem>>, vector<16xi32>,
        %swap3A_94 = vector.shape_cast %swap3A_93 : vector<16xi32> to vector<16xi32>
        %swap3A_95 = vector.shape_cast %shift_right_logical3A_89 : vector<16xi32> to vector<16xi32>
        tpu.vector_store %arg8[%swap3A_92], %swap3A_95 {strides = array<i32>} : memref<80xi32, #tpu.memory_space<vmem>>, vector<16xi32>,
      }
      %scan3A_59 = arith.constant 5 : i32
      %dma_start3A_60 = arith.constant 0 : i32
      %dma_start3A_61 = arith.constant 0 : i32
      %dma_start3A_62 = tpu.memref_slice %arg2[%dma_start3A_60, %dma_start3A_61] : memref<10000x128xf32, #tpu.memory_space<hbm>> -> memref<10000x128xf32, #tpu.memory_space<hbm>>
      tpu.enqueue_indirect_dma source(%dma_start3A_62 : memref<10000x128xf32, #tpu.memory_space<hbm>>) target(%arg11 : memref<80x128xf32, #tpu.memory_space<vmem>>) offsets(%arg7 : memref<80xi32, #tpu.memory_space<vmem>>) semaphore(%arg14 : memref<!tpu.dma_semaphore, #tpu.memory_space<semaphore_mem>>)
      %dma_wait3A_63 = arith.constant 0 : i32
      %dma_wait3A_64 = arith.constant 0 : i32
      %dma_wait3A_65 = tpu.memref_slice %arg13[%dma_wait3A_63, %dma_wait3A_64] : memref<10240x128xf32, #tpu.memory_space<vmem_shared>> -> memref<10240x128xf32, #tpu.memory_space<vmem_shared>>
      tpu.wait_indirect_dma semaphore(%arg17 : memref<!tpu.dma_semaphore, #tpu.memory_space<semaphore_mem>>) src(%arg12 : memref<80x128xf32, #tpu.memory_space<vmem>>) dst(%dma_wait3A_65 : memref<10240x128xf32, #tpu.memory_space<vmem_shared>>)
      %add3A_66 = arith.constant 2 : i32
      %add3A_67 = arith.addi %add3A_37, %add3A_66 : i32
      %lt3A = arith.constant 125 : i32
      %lt3A_68 = arith.cmpi slt, %add3A_67, %lt3A : i32
      %convert_element_type3A = arith.extui %lt3A_68 : i1 to i32
      %cond3A = arith.constant 0 : i32
      %cond3A_69 = arith.cmpi ne, %convert_element_type3A, %cond3A : i32
      scf.if %cond3A_69 {
        %add3A_70 = arith.constant 2 : i32
        %add3A_71 = arith.addi %add3A_37, %add3A_70 : i32
        %scan3A_72 = arith.constant 0 : i32
        %scan3A_73 = arith.constant 5 : i32
        %scan3A_74 = arith.addi %scan3A_72, %scan3A_73 : i32
        %scan3A_75 = arith.constant 1 : i32
        scf.for %scan3A_80 = %scan3A_72 to %scan3A_74 step %scan3A_75  : i32 {
          %mul3A_81 = arith.constant 1 : i32
          %mul3A_82 = arith.muli %scan3A_80, %mul3A_81 : i32
          %add3A_83 = arith.constant 0 : i32
          %add3A_84 = arith.addi %add3A_83, %mul3A_82 : i32
          %mul3A_85 = arith.constant 16 : i32
          %mul3A_86 = arith.muli %add3A_84, %mul3A_85 : i32
          %get3A = arith.constant 0 : i32
          %get3A_87 = tpu.memref_slice %arg6[%add3A_71, %get3A] : memref<125x80xi32, #tpu.memory_space<vmem>> -> memref<1x80xi32, #tpu.memory_space<vmem>>
          %get3A_88 = tpu.memref_squeeze %get3A_87 : memref<1x80xi32, #tpu.memory_space<vmem>> -> memref<80xi32, #tpu.memory_space<vmem>>
          %get3A_89 = arith.index_cast %mul3A_86 : i32 to index
          %get3A_90 = tpu.vector_load %get3A_88[%get3A_89] {strides = array<i32>} : memref<80xi32, #tpu.memory_space<vmem>>, vector<16xi32>,
          %and3A = arith.constant 65535 : i32
          %and3A_91 = vector.broadcast %and3A : i32 to vector<16xi32>
          %and3A_92 = arith.andi %get3A_90, %and3A_91 : vector<16xi32>
          %mul3A_93 = arith.constant 16 : i32
          %mul3A_94 = arith.muli %add3A_84, %mul3A_93 : i32
          %swap3A = arith.index_cast %mul3A_94 : i32 to index
          %swap3A_95 = tpu.vector_load %arg9[%swap3A] {strides = array<i32>} : memref<80xi32, #tpu.memory_space<vmem>>, vector<16xi32>,
          %swap3A_96 = vector.shape_cast %swap3A_95 : vector<16xi32> to vector<16xi32>
          %swap3A_97 = vector.shape_cast %and3A_92 : vector<16xi32> to vector<16xi32>
          tpu.vector_store %arg9[%swap3A], %swap3A_97 {strides = array<i32>} : memref<80xi32, #tpu.memory_space<vmem>>, vector<16xi32>,
          %shift_right_logical3A = arith.constant 16 : i32
          %shift_right_logical3A_98 = vector.broadcast %shift_right_logical3A : i32 to vector<16xi32>
          %shift_right_logical3A_99 = arith.shrui %get3A_90, %shift_right_logical3A_98 : vector<16xi32>
          %mul3A_100 = arith.constant 16 : i32
          %mul3A_101 = arith.muli %add3A_84, %mul3A_100 : i32
          %swap3A_102 = arith.index_cast %mul3A_101 : i32 to index
          %swap3A_103 = tpu.vector_load %arg10[%swap3A_102] {strides = array<i32>} : memref<80xi32, #tpu.memory_space<vmem>>, vector<16xi32>,
          %swap3A_104 = vector.shape_cast %swap3A_103 : vector<16xi32> to vector<16xi32>
          %swap3A_105 = vector.shape_cast %shift_right_logical3A_99 : vector<16xi32> to vector<16xi32>
          tpu.vector_store %arg10[%swap3A_102], %swap3A_105 {strides = array<i32>} : memref<80xi32, #tpu.memory_space<vmem>>, vector<16xi32>,
        }
        %scan3A_76 = arith.constant 5 : i32
        %dma_start3A_77 = arith.constant 0 : i32
        %dma_start3A_78 = arith.constant 0 : i32
        %dma_start3A_79 = tpu.memref_slice %arg2[%dma_start3A_77, %dma_start3A_78] : memref<10000x128xf32, #tpu.memory_space<hbm>> -> memref<10000x128xf32, #tpu.memory_space<hbm>>
        tpu.enqueue_indirect_dma source(%dma_start3A_79 : memref<10000x128xf32, #tpu.memory_space<hbm>>) target(%arg12 : memref<80x128xf32, #tpu.memory_space<vmem>>) offsets(%arg9 : memref<80xi32, #tpu.memory_space<vmem>>) semaphore(%arg15 : memref<!tpu.dma_semaphore, #tpu.memory_space<semaphore_mem>>)
      } else {
      }
    }
    %scan3A_21 = arith.constant 62 : i32
    %dma_wait3A = arith.constant 0 : i32
    %dma_wait3A_22 = arith.constant 0 : i32
    %dma_wait3A_23 = tpu.memref_slice %arg2[%dma_wait3A, %dma_wait3A_22] : memref<10000x128xf32, #tpu.memory_space<hbm>> -> memref<10000x128xf32, #tpu.memory_space<hbm>>
    tpu.wait_indirect_dma semaphore(%arg14 : memref<!tpu.dma_semaphore, #tpu.memory_space<semaphore_mem>>) src(%dma_wait3A_23 : memref<10000x128xf32, #tpu.memory_space<hbm>>) dst(%arg11 : memref<80x128xf32, #tpu.memory_space<vmem>>)
    "tpu.region"() ({
      %run_scoped3A = tpu.sem_alloc : memref<!tpu.dma_semaphore, #tpu.memory_space<semaphore_mem>>
      %dma_start3A_29 = arith.constant 0 : i32
      %dma_start3A_30 = arith.constant 0 : i32
      %dma_start3A_31 = tpu.memref_slice %arg13[%dma_start3A_29, %dma_start3A_30] : memref<10240x128xf32, #tpu.memory_space<vmem_shared>> -> memref<10240x128xf32, #tpu.memory_space<vmem_shared>>
      tpu.enqueue_indirect_dma source(%arg11 : memref<80x128xf32, #tpu.memory_space<vmem>>) target(%dma_start3A_31 : memref<10240x128xf32, #tpu.memory_space<vmem_shared>>) offsets(%arg8 : memref<80xi32, #tpu.memory_space<vmem>>) semaphore(%run_scoped3A : memref<!tpu.dma_semaphore, #tpu.memory_space<semaphore_mem>>) {add = true}
      %dma_wait3A_32 = arith.constant 0 : i32
      %dma_wait3A_33 = arith.constant 0 : i32
      %dma_wait3A_34 = tpu.memref_slice %arg13[%dma_wait3A_32, %dma_wait3A_33] : memref<10240x128xf32, #tpu.memory_space<vmem_shared>> -> memref<10240x128xf32, #tpu.memory_space<vmem_shared>>
      tpu.wait_indirect_dma semaphore(%run_scoped3A : memref<!tpu.dma_semaphore, #tpu.memory_space<semaphore_mem>>) src(%arg11 : memref<80x128xf32, #tpu.memory_space<vmem>>) dst(%dma_wait3A_34 : memref<10240x128xf32, #tpu.memory_space<vmem_shared>>)
      tpu.yield
    }) : () -> ()
    %barrier3A_24 = arith.constant 0 : index
    tpu.barrier barrier_id(%barrier3A_24)
    %mul3A_25 = arith.constant 640 : i32
    %mul3A_26 = arith.muli %arg1, %mul3A_25 : i32
    %mul3A_27 = arith.constant 640 : i32
    %mul3A_28 = arith.muli %arg1, %mul3A_27 : i32
    "tpu.region"() ({
      %run_scoped3A = tpu.sem_alloc : memref<!tpu.dma_semaphore, #tpu.memory_space<semaphore_mem>>
      %dma_start3A_29 = arith.constant 0 : i32
      %dma_start3A_30 = tpu.memref_slice %arg5[%arg0, %mul3A_28, %dma_start3A_29] : memref<2x10240x128xf32, #tpu.memory_space<hbm>> -> memref<1x640x128xf32, #tpu.memory_space<hbm>>
      %dma_start3A_31 = tpu.memref_squeeze %dma_start3A_30 : memref<1x640x128xf32, #tpu.memory_space<hbm>> -> memref<640x128xf32, #tpu.memory_space<hbm>>
      %dma_start3A_32 = arith.constant 0 : i32
      %dma_start3A_33 = tpu.memref_slice %arg13[%mul3A_26, %dma_start3A_32] : memref<10240x128xf32, #tpu.memory_space<vmem_shared>> -> memref<640x128xf32, #tpu.memory_space<vmem_shared>>
      tpu.enqueue_dma source(%dma_start3A_33 : memref<640x128xf32, #tpu.memory_space<vmem_shared>>) target(%dma_start3A_31 : memref<640x128xf32, #tpu.memory_space<hbm>>) target_semaphore(%run_scoped3A : memref<!tpu.dma_semaphore, #tpu.memory_space<semaphore_mem>>)
      %dma_wait3A_34 = arith.constant 0 : i32
      %dma_wait3A_35 = tpu.memref_slice %arg5[%arg0, %mul3A_28, %dma_wait3A_34] : memref<2x10240x128xf32, #tpu.memory_space<hbm>> -> memref<1x640x128xf32, #tpu.memory_space<hbm>>
      %dma_wait3A_36 = tpu.memref_squeeze %dma_wait3A_35 : memref<1x640x128xf32, #tpu.memory_space<hbm>> -> memref<640x128xf32, #tpu.memory_space<hbm>>
      %dma_wait3A_37 = arith.constant 0 : i32
      %dma_wait3A_38 = tpu.memref_slice %arg13[%mul3A_26, %dma_wait3A_37] : memref<10240x128xf32, #tpu.memory_space<vmem_shared>> -> memref<640x128xf32, #tpu.memory_space<vmem_shared>>
      tpu.wait_dma2 semaphore(%run_scoped3A : memref<!tpu.dma_semaphore, #tpu.memory_space<semaphore_mem>>) src(%dma_wait3A_38 : memref<640x128xf32, #tpu.memory_space<vmem_shared>>) dst(%dma_wait3A_36 : memref<640x128xf32, #tpu.memory_space<hbm>>)
      tpu.yield
    }) : () -> ()
    return
  }
}

#map = affine_map<(d0, d1) -> (0, 0, 0, 0)>
#map1 = affine_map<(d0, d1) -> (0, 0, 0)>
module attributes {stable_mosaic.version = 14 : i64} {
  func.func @deg_kernel(%arg0: i32, %arg1: i32, %arg2: memref<2x32x125x80xi32, #tpu.memory_space<hbm>>, %arg3: memref<2x10240x16xf32, #tpu.memory_space<hbm>>, %arg4: memref<32x125x80xi32, #tpu.memory_space<hbm>>, %arg5: memref<125x80xi32, #tpu.memory_space<vmem>>, %arg6: memref<125x80xi32, #tpu.memory_space<vmem>>, %arg7: memref<10240xf32, #tpu.memory_space<vmem>>, %arg8: memref<16x128xf32, #tpu.memory_space<vmem>>, %arg9: memref<128xf32, #tpu.memory_space<vmem>>, %arg10: memref<128x16xf32, #tpu.memory_space<vmem>>, %arg11: memref<16x10240xf32, #tpu.memory_space<vmem_shared>>) attributes {dimension_semantics = [#tpu.dimension_semantics<core_parallel>, #tpu.dimension_semantics<subcore_parallel>], iteration_bounds = array<i64: 2, 16>, scalar_prefetch = 0 : i64, scratch_operands = 7 : i64, tpu.core_type = #tpu.core_type<sc_vector_subcore>, window_params = [{transform_indices = #map}, {transform_indices = #map1}, {transform_indices = #map1}]} {
    %mul3A = arith.constant 16 : i32
    %mul3A_0 = arith.muli %arg0, %mul3A : i32
    %add3A = arith.addi %mul3A_0, %arg1 : i32
    %run_scoped3A = arith.constant 0 : i32
    "tpu.region"() ({
      %run_scoped3A_170 = tpu.sem_alloc : memref<!tpu.dma_semaphore, #tpu.memory_space<semaphore_mem>>
      %dma_start3A = arith.constant 0 : i32
      %dma_start3A_171 = arith.constant 0 : i32
      %dma_start3A_172 = tpu.memref_slice %arg2[%run_scoped3A, %add3A, %dma_start3A, %dma_start3A_171] : memref<2x32x125x80xi32, #tpu.memory_space<hbm>> -> memref<1x1x125x80xi32, #tpu.memory_space<hbm>>
      %dma_start3A_173 = tpu.memref_squeeze %dma_start3A_172 : memref<1x1x125x80xi32, #tpu.memory_space<hbm>> -> memref<125x80xi32, #tpu.memory_space<hbm>>
      %dma_start3A_174 = arith.constant 0 : i32
      %dma_start3A_175 = arith.constant 0 : i32
      %dma_start3A_176 = tpu.memref_slice %arg2[%run_scoped3A, %add3A, %dma_start3A_174, %dma_start3A_175] : memref<2x32x125x80xi32, #tpu.memory_space<hbm>> -> memref<1x1x125x80xi32, #tpu.memory_space<hbm>>
      %dma_start3A_177 = tpu.memref_squeeze %dma_start3A_176 : memref<1x1x125x80xi32, #tpu.memory_space<hbm>> -> memref<125x80xi32, #tpu.memory_space<hbm>>
      tpu.enqueue_dma source(%dma_start3A_177 : memref<125x80xi32, #tpu.memory_space<hbm>>) target(%arg5 : memref<125x80xi32, #tpu.memory_space<vmem>>) target_semaphore(%run_scoped3A_170 : memref<!tpu.dma_semaphore, #tpu.memory_space<semaphore_mem>>)
      %dma_wait3A = arith.constant 0 : i32
      %dma_wait3A_178 = arith.constant 0 : i32
      %dma_wait3A_179 = tpu.memref_slice %arg2[%run_scoped3A, %add3A, %dma_wait3A, %dma_wait3A_178] : memref<2x32x125x80xi32, #tpu.memory_space<hbm>> -> memref<1x1x125x80xi32, #tpu.memory_space<hbm>>
      %dma_wait3A_180 = tpu.memref_squeeze %dma_wait3A_179 : memref<1x1x125x80xi32, #tpu.memory_space<hbm>> -> memref<125x80xi32, #tpu.memory_space<hbm>>
      %dma_wait3A_181 = arith.constant 0 : i32
      %dma_wait3A_182 = arith.constant 0 : i32
      %dma_wait3A_183 = tpu.memref_slice %arg2[%run_scoped3A, %add3A, %dma_wait3A_181, %dma_wait3A_182] : memref<2x32x125x80xi32, #tpu.memory_space<hbm>> -> memref<1x1x125x80xi32, #tpu.memory_space<hbm>>
      %dma_wait3A_184 = tpu.memref_squeeze %dma_wait3A_183 : memref<1x1x125x80xi32, #tpu.memory_space<hbm>> -> memref<125x80xi32, #tpu.memory_space<hbm>>
      tpu.wait_dma2 semaphore(%run_scoped3A_170 : memref<!tpu.dma_semaphore, #tpu.memory_space<semaphore_mem>>) src(%dma_wait3A_184 : memref<125x80xi32, #tpu.memory_space<hbm>>) dst(%arg5 : memref<125x80xi32, #tpu.memory_space<vmem>>)
      tpu.yield
    }) : () -> ()
    %run_scoped3A_1 = arith.constant 1 : i32
    "tpu.region"() ({
      %run_scoped3A_170 = tpu.sem_alloc : memref<!tpu.dma_semaphore, #tpu.memory_space<semaphore_mem>>
      %dma_start3A = arith.constant 0 : i32
      %dma_start3A_171 = arith.constant 0 : i32
      %dma_start3A_172 = tpu.memref_slice %arg2[%run_scoped3A_1, %add3A, %dma_start3A, %dma_start3A_171] : memref<2x32x125x80xi32, #tpu.memory_space<hbm>> -> memref<1x1x125x80xi32, #tpu.memory_space<hbm>>
      %dma_start3A_173 = tpu.memref_squeeze %dma_start3A_172 : memref<1x1x125x80xi32, #tpu.memory_space<hbm>> -> memref<125x80xi32, #tpu.memory_space<hbm>>
      %dma_start3A_174 = arith.constant 0 : i32
      %dma_start3A_175 = arith.constant 0 : i32
      %dma_start3A_176 = tpu.memref_slice %arg2[%run_scoped3A_1, %add3A, %dma_start3A_174, %dma_start3A_175] : memref<2x32x125x80xi32, #tpu.memory_space<hbm>> -> memref<1x1x125x80xi32, #tpu.memory_space<hbm>>
      %dma_start3A_177 = tpu.memref_squeeze %dma_start3A_176 : memref<1x1x125x80xi32, #tpu.memory_space<hbm>> -> memref<125x80xi32, #tpu.memory_space<hbm>>
      tpu.enqueue_dma source(%dma_start3A_177 : memref<125x80xi32, #tpu.memory_space<hbm>>) target(%arg6 : memref<125x80xi32, #tpu.memory_space<vmem>>) target_semaphore(%run_scoped3A_170 : memref<!tpu.dma_semaphore, #tpu.memory_space<semaphore_mem>>)
      %dma_wait3A = arith.constant 0 : i32
      %dma_wait3A_178 = arith.constant 0 : i32
      %dma_wait3A_179 = tpu.memref_slice %arg2[%run_scoped3A_1, %add3A, %dma_wait3A, %dma_wait3A_178] : memref<2x32x125x80xi32, #tpu.memory_space<hbm>> -> memref<1x1x125x80xi32, #tpu.memory_space<hbm>>
      %dma_wait3A_180 = tpu.memref_squeeze %dma_wait3A_179 : memref<1x1x125x80xi32, #tpu.memory_space<hbm>> -> memref<125x80xi32, #tpu.memory_space<hbm>>
      %dma_wait3A_181 = arith.constant 0 : i32
      %dma_wait3A_182 = arith.constant 0 : i32
      %dma_wait3A_183 = tpu.memref_slice %arg2[%run_scoped3A_1, %add3A, %dma_wait3A_181, %dma_wait3A_182] : memref<2x32x125x80xi32, #tpu.memory_space<hbm>> -> memref<1x1x125x80xi32, #tpu.memory_space<hbm>>
      %dma_wait3A_184 = tpu.memref_squeeze %dma_wait3A_183 : memref<1x1x125x80xi32, #tpu.memory_space<hbm>> -> memref<125x80xi32, #tpu.memory_space<hbm>>
      tpu.wait_dma2 semaphore(%run_scoped3A_170 : memref<!tpu.dma_semaphore, #tpu.memory_space<semaphore_mem>>) src(%dma_wait3A_184 : memref<125x80xi32, #tpu.memory_space<hbm>>) dst(%arg6 : memref<125x80xi32, #tpu.memory_space<vmem>>)
      tpu.yield
    }) : () -> ()
    %scan3A = arith.constant 0 : i32
    %scan3A_2 = arith.constant 640 : i32
    %scan3A_3 = arith.addi %scan3A, %scan3A_2 : i32
    %scan3A_4 = arith.constant 8 : i32
    scf.for %scan3A_170 = %scan3A to %scan3A_3 step %scan3A_4  : i32 {
      %mul3A_171 = arith.constant 1 : i32
      %mul3A_172 = arith.muli %scan3A_170, %mul3A_171 : i32
      %add3A_173 = arith.constant 0 : i32
      %add3A_174 = arith.addi %add3A_173, %mul3A_172 : i32
      %broadcast_in_dim3A_175 = arith.constant 0.000000e+00 : f32
      %broadcast_in_dim3A_176 = vector.broadcast %broadcast_in_dim3A_175 : f32 to vector<16xf32>
      %mul3A_177 = arith.constant 16 : i32
      %mul3A_178 = arith.muli %add3A_174, %mul3A_177 : i32
      %swap3A_179 = arith.index_cast %mul3A_178 : i32 to index
      %swap3A_180 = tpu.vector_load %arg7[%swap3A_179] {strides = array<i32>} : memref<10240xf32, #tpu.memory_space<vmem>>, vector<16xf32>,
      tpu.vector_store %arg7[%swap3A_179], %broadcast_in_dim3A_176 {strides = array<i32>} : memref<10240xf32, #tpu.memory_space<vmem>>, vector<16xf32>,
      %scan3A_181 = arith.constant 1 : i32
      %scan3A_182 = arith.addi %scan3A_170, %scan3A_181 : i32
      %mul3A_183 = arith.constant 1 : i32
      %mul3A_184 = arith.muli %scan3A_182, %mul3A_183 : i32
      %add3A_185 = arith.constant 0 : i32
      %add3A_186 = arith.addi %add3A_185, %mul3A_184 : i32
      %broadcast_in_dim3A_187 = arith.constant 0.000000e+00 : f32
      %broadcast_in_dim3A_188 = vector.broadcast %broadcast_in_dim3A_187 : f32 to vector<16xf32>
      %mul3A_189 = arith.constant 16 : i32
      %mul3A_190 = arith.muli %add3A_186, %mul3A_189 : i32
      %swap3A_191 = arith.index_cast %mul3A_190 : i32 to index
      %swap3A_192 = tpu.vector_load %arg7[%swap3A_191] {strides = array<i32>} : memref<10240xf32, #tpu.memory_space<vmem>>, vector<16xf32>,
      tpu.vector_store %arg7[%swap3A_191], %broadcast_in_dim3A_188 {strides = array<i32>} : memref<10240xf32, #tpu.memory_space<vmem>>, vector<16xf32>,
      %scan3A_193 = arith.constant 2 : i32
      %scan3A_194 = arith.addi %scan3A_170, %scan3A_193 : i32
      %mul3A_195 = arith.constant 1 : i32
      %mul3A_196 = arith.muli %scan3A_194, %mul3A_195 : i32
      %add3A_197 = arith.constant 0 : i32
      %add3A_198 = arith.addi %add3A_197, %mul3A_196 : i32
      %broadcast_in_dim3A_199 = arith.constant 0.000000e+00 : f32
      %broadcast_in_dim3A_200 = vector.broadcast %broadcast_in_dim3A_199 : f32 to vector<16xf32>
      %mul3A_201 = arith.constant 16 : i32
      %mul3A_202 = arith.muli %add3A_198, %mul3A_201 : i32
      %swap3A_203 = arith.index_cast %mul3A_202 : i32 to index
      %swap3A_204 = tpu.vector_load %arg7[%swap3A_203] {strides = array<i32>} : memref<10240xf32, #tpu.memory_space<vmem>>, vector<16xf32>,
      tpu.vector_store %arg7[%swap3A_203], %broadcast_in_dim3A_200 {strides = array<i32>} : memref<10240xf32, #tpu.memory_space<vmem>>, vector<16xf32>,
      %scan3A_205 = arith.constant 3 : i32
      %scan3A_206 = arith.addi %scan3A_170, %scan3A_205 : i32
      %mul3A_207 = arith.constant 1 : i32
      %mul3A_208 = arith.muli %scan3A_206, %mul3A_207 : i32
      %add3A_209 = arith.constant 0 : i32
      %add3A_210 = arith.addi %add3A_209, %mul3A_208 : i32
      %broadcast_in_dim3A_211 = arith.constant 0.000000e+00 : f32
      %broadcast_in_dim3A_212 = vector.broadcast %broadcast_in_dim3A_211 : f32 to vector<16xf32>
      %mul3A_213 = arith.constant 16 : i32
      %mul3A_214 = arith.muli %add3A_210, %mul3A_213 : i32
      %swap3A_215 = arith.index_cast %mul3A_214 : i32 to index
      %swap3A_216 = tpu.vector_load %arg7[%swap3A_215] {strides = array<i32>} : memref<10240xf32, #tpu.memory_space<vmem>>, vector<16xf32>,
      tpu.vector_store %arg7[%swap3A_215], %broadcast_in_dim3A_212 {strides = array<i32>} : memref<10240xf32, #tpu.memory_space<vmem>>, vector<16xf32>,
      %scan3A_217 = arith.constant 4 : i32
      %scan3A_218 = arith.addi %scan3A_170, %scan3A_217 : i32
      %mul3A_219 = arith.constant 1 : i32
      %mul3A_220 = arith.muli %scan3A_218, %mul3A_219 : i32
      %add3A_221 = arith.constant 0 : i32
      %add3A_222 = arith.addi %add3A_221, %mul3A_220 : i32
      %broadcast_in_dim3A_223 = arith.constant 0.000000e+00 : f32
      %broadcast_in_dim3A_224 = vector.broadcast %broadcast_in_dim3A_223 : f32 to vector<16xf32>
      %mul3A_225 = arith.constant 16 : i32
      %mul3A_226 = arith.muli %add3A_222, %mul3A_225 : i32
      %swap3A_227 = arith.index_cast %mul3A_226 : i32 to index
      %swap3A_228 = tpu.vector_load %arg7[%swap3A_227] {strides = array<i32>} : memref<10240xf32, #tpu.memory_space<vmem>>, vector<16xf32>,
      tpu.vector_store %arg7[%swap3A_227], %broadcast_in_dim3A_224 {strides = array<i32>} : memref<10240xf32, #tpu.memory_space<vmem>>, vector<16xf32>,
      %scan3A_229 = arith.constant 5 : i32
      %scan3A_230 = arith.addi %scan3A_170, %scan3A_229 : i32
      %mul3A_231 = arith.constant 1 : i32
      %mul3A_232 = arith.muli %scan3A_230, %mul3A_231 : i32
      %add3A_233 = arith.constant 0 : i32
      %add3A_234 = arith.addi %add3A_233, %mul3A_232 : i32
      %broadcast_in_dim3A_235 = arith.constant 0.000000e+00 : f32
      %broadcast_in_dim3A_236 = vector.broadcast %broadcast_in_dim3A_235 : f32 to vector<16xf32>
      %mul3A_237 = arith.constant 16 : i32
      %mul3A_238 = arith.muli %add3A_234, %mul3A_237 : i32
      %swap3A_239 = arith.index_cast %mul3A_238 : i32 to index
      %swap3A_240 = tpu.vector_load %arg7[%swap3A_239] {strides = array<i32>} : memref<10240xf32, #tpu.memory_space<vmem>>, vector<16xf32>,
      tpu.vector_store %arg7[%swap3A_239], %broadcast_in_dim3A_236 {strides = array<i32>} : memref<10240xf32, #tpu.memory_space<vmem>>, vector<16xf32>,
      %scan3A_241 = arith.constant 6 : i32
      %scan3A_242 = arith.addi %scan3A_170, %scan3A_241 : i32
      %mul3A_243 = arith.constant 1 : i32
      %mul3A_244 = arith.muli %scan3A_242, %mul3A_243 : i32
      %add3A_245 = arith.constant 0 : i32
      %add3A_246 = arith.addi %add3A_245, %mul3A_244 : i32
      %broadcast_in_dim3A_247 = arith.constant 0.000000e+00 : f32
      %broadcast_in_dim3A_248 = vector.broadcast %broadcast_in_dim3A_247 : f32 to vector<16xf32>
      %mul3A_249 = arith.constant 16 : i32
      %mul3A_250 = arith.muli %add3A_246, %mul3A_249 : i32
      %swap3A_251 = arith.index_cast %mul3A_250 : i32 to index
      %swap3A_252 = tpu.vector_load %arg7[%swap3A_251] {strides = array<i32>} : memref<10240xf32, #tpu.memory_space<vmem>>, vector<16xf32>,
      tpu.vector_store %arg7[%swap3A_251], %broadcast_in_dim3A_248 {strides = array<i32>} : memref<10240xf32, #tpu.memory_space<vmem>>, vector<16xf32>,
      %scan3A_253 = arith.constant 7 : i32
      %scan3A_254 = arith.addi %scan3A_170, %scan3A_253 : i32
      %mul3A_255 = arith.constant 1 : i32
      %mul3A_256 = arith.muli %scan3A_254, %mul3A_255 : i32
      %add3A_257 = arith.constant 0 : i32
      %add3A_258 = arith.addi %add3A_257, %mul3A_256 : i32
      %broadcast_in_dim3A_259 = arith.constant 0.000000e+00 : f32
      %broadcast_in_dim3A_260 = vector.broadcast %broadcast_in_dim3A_259 : f32 to vector<16xf32>
      %mul3A_261 = arith.constant 16 : i32
      %mul3A_262 = arith.muli %add3A_258, %mul3A_261 : i32
      %swap3A_263 = arith.index_cast %mul3A_262 : i32 to index
      %swap3A_264 = tpu.vector_load %arg7[%swap3A_263] {strides = array<i32>} : memref<10240xf32, #tpu.memory_space<vmem>>, vector<16xf32>,
      tpu.vector_store %arg7[%swap3A_263], %broadcast_in_dim3A_260 {strides = array<i32>} : memref<10240xf32, #tpu.memory_space<vmem>>, vector<16xf32>,
    }
    %scan3A_5 = arith.constant 640 : i32
    %broadcast_in_dim3A = arith.constant 1.000000e+00 : f32
    %broadcast_in_dim3A_6 = vector.broadcast %broadcast_in_dim3A : f32 to vector<16xf32>
    %scan3A_7 = arith.constant 0 : i32
    %scan3A_8 = arith.constant 124 : i32
    %scan3A_9 = arith.addi %scan3A_7, %scan3A_8 : i32
    %scan3A_10 = arith.constant 2 : i32
    scf.for %scan3A_170 = %scan3A_7 to %scan3A_9 step %scan3A_10  : i32 {
      %mul3A_171 = arith.constant 1 : i32
      %mul3A_172 = arith.muli %scan3A_170, %mul3A_171 : i32
      %add3A_173 = arith.constant 0 : i32
      %add3A_174 = arith.addi %add3A_173, %mul3A_172 : i32
      %scan3A_175 = arith.constant 0 : i32
      %mul3A_176 = arith.constant 1 : i32
      %mul3A_177 = arith.muli %scan3A_175, %mul3A_176 : i32
      %add3A_178 = arith.constant 0 : i32
      %add3A_179 = arith.addi %add3A_178, %mul3A_177 : i32
      %mul3A_180 = arith.constant 16 : i32
      %mul3A_181 = arith.muli %add3A_179, %mul3A_180 : i32
      %get3A_182 = arith.constant 0 : i32
      %get3A_183 = tpu.memref_slice %arg6[%add3A_174, %get3A_182] : memref<125x80xi32, #tpu.memory_space<vmem>> -> memref<1x80xi32, #tpu.memory_space<vmem>>
      %get3A_184 = tpu.memref_squeeze %get3A_183 : memref<1x80xi32, #tpu.memory_space<vmem>> -> memref<80xi32, #tpu.memory_space<vmem>>
      %get3A_185 = arith.index_cast %mul3A_181 : i32 to index
      %get3A_186 = tpu.vector_load %get3A_184[%get3A_185] {strides = array<i32>} : memref<80xi32, #tpu.memory_space<vmem>>, vector<16xi32>,
      tpu.vector_store_idx %arg7[%get3A_186], %broadcast_in_dim3A_6 {add = true} : memref<10240xf32, #tpu.memory_space<vmem>>[vector<16xi32>], vector<16xf32>,
      %mul3A_187 = arith.constant 16 : i32
      %mul3A_188 = arith.muli %add3A_179, %mul3A_187 : i32
      %get3A_189 = arith.constant 0 : i32
      %get3A_190 = tpu.memref_slice %arg5[%add3A_174, %get3A_189] : memref<125x80xi32, #tpu.memory_space<vmem>> -> memref<1x80xi32, #tpu.memory_space<vmem>>
      %get3A_191 = tpu.memref_squeeze %get3A_190 : memref<1x80xi32, #tpu.memory_space<vmem>> -> memref<80xi32, #tpu.memory_space<vmem>>
      %get3A_192 = arith.index_cast %mul3A_188 : i32 to index
      %get3A_193 = tpu.vector_load %get3A_191[%get3A_192] {strides = array<i32>} : memref<80xi32, #tpu.memory_space<vmem>>, vector<16xi32>,
      %shift_left3A_194 = arith.constant 16 : i32
      %shift_left3A_195 = vector.broadcast %shift_left3A_194 : i32 to vector<16xi32>
      %shift_left3A_196 = arith.shli %get3A_186, %shift_left3A_195 : vector<16xi32>
      %or3A_197 = arith.ori %get3A_193, %shift_left3A_196 : vector<16xi32>
      %mul3A_198 = arith.constant 16 : i32
      %mul3A_199 = arith.muli %add3A_179, %mul3A_198 : i32
      %swap3A_200 = arith.constant 0 : i32
      %swap3A_201 = tpu.memref_slice %arg5[%add3A_174, %swap3A_200] : memref<125x80xi32, #tpu.memory_space<vmem>> -> memref<1x80xi32, #tpu.memory_space<vmem>>
      %swap3A_202 = tpu.memref_squeeze %swap3A_201 : memref<1x80xi32, #tpu.memory_space<vmem>> -> memref<80xi32, #tpu.memory_space<vmem>>
      %swap3A_203 = arith.index_cast %mul3A_199 : i32 to index
      %swap3A_204 = tpu.vector_load %swap3A_202[%swap3A_203] {strides = array<i32>} : memref<80xi32, #tpu.memory_space<vmem>>, vector<16xi32>,
      tpu.vector_store %swap3A_202[%swap3A_203], %or3A_197 {strides = array<i32>} : memref<80xi32, #tpu.memory_space<vmem>>, vector<16xi32>,
      %scan3A_205 = arith.constant 1 : i32
      %mul3A_206 = arith.constant 1 : i32
      %mul3A_207 = arith.muli %scan3A_205, %mul3A_206 : i32
      %add3A_208 = arith.constant 0 : i32
      %add3A_209 = arith.addi %add3A_208, %mul3A_207 : i32
      %mul3A_210 = arith.constant 16 : i32
      %mul3A_211 = arith.muli %add3A_209, %mul3A_210 : i32
      %get3A_212 = arith.constant 0 : i32
      %get3A_213 = tpu.memref_slice %arg6[%add3A_174, %get3A_212] : memref<125x80xi32, #tpu.memory_space<vmem>> -> memref<1x80xi32, #tpu.memory_space<vmem>>
      %get3A_214 = tpu.memref_squeeze %get3A_213 : memref<1x80xi32, #tpu.memory_space<vmem>> -> memref<80xi32, #tpu.memory_space<vmem>>
      %get3A_215 = arith.index_cast %mul3A_211 : i32 to index
      %get3A_216 = tpu.vector_load %get3A_214[%get3A_215] {strides = array<i32>} : memref<80xi32, #tpu.memory_space<vmem>>, vector<16xi32>,
      tpu.vector_store_idx %arg7[%get3A_216], %broadcast_in_dim3A_6 {add = true} : memref<10240xf32, #tpu.memory_space<vmem>>[vector<16xi32>], vector<16xf32>,
      %mul3A_217 = arith.constant 16 : i32
      %mul3A_218 = arith.muli %add3A_209, %mul3A_217 : i32
      %get3A_219 = arith.constant 0 : i32
      %get3A_220 = tpu.memref_slice %arg5[%add3A_174, %get3A_219] : memref<125x80xi32, #tpu.memory_space<vmem>> -> memref<1x80xi32, #tpu.memory_space<vmem>>
      %get3A_221 = tpu.memref_squeeze %get3A_220 : memref<1x80xi32, #tpu.memory_space<vmem>> -> memref<80xi32, #tpu.memory_space<vmem>>
      %get3A_222 = arith.index_cast %mul3A_218 : i32 to index
      %get3A_223 = tpu.vector_load %get3A_221[%get3A_222] {strides = array<i32>} : memref<80xi32, #tpu.memory_space<vmem>>, vector<16xi32>,
      %shift_left3A_224 = arith.constant 16 : i32
      %shift_left3A_225 = vector.broadcast %shift_left3A_224 : i32 to vector<16xi32>
      %shift_left3A_226 = arith.shli %get3A_216, %shift_left3A_225 : vector<16xi32>
      %or3A_227 = arith.ori %get3A_223, %shift_left3A_226 : vector<16xi32>
      %mul3A_228 = arith.constant 16 : i32
      %mul3A_229 = arith.muli %add3A_209, %mul3A_228 : i32
      %swap3A_230 = arith.constant 0 : i32
      %swap3A_231 = tpu.memref_slice %arg5[%add3A_174, %swap3A_230] : memref<125x80xi32, #tpu.memory_space<vmem>> -> memref<1x80xi32, #tpu.memory_space<vmem>>
      %swap3A_232 = tpu.memref_squeeze %swap3A_231 : memref<1x80xi32, #tpu.memory_space<vmem>> -> memref<80xi32, #tpu.memory_space<vmem>>
      %swap3A_233 = arith.index_cast %mul3A_229 : i32 to index
      %swap3A_234 = tpu.vector_load %swap3A_232[%swap3A_233] {strides = array<i32>} : memref<80xi32, #tpu.memory_space<vmem>>, vector<16xi32>,
      tpu.vector_store %swap3A_232[%swap3A_233], %or3A_227 {strides = array<i32>} : memref<80xi32, #tpu.memory_space<vmem>>, vector<16xi32>,
      %scan3A_235 = arith.constant 2 : i32
      %mul3A_236 = arith.constant 1 : i32
      %mul3A_237 = arith.muli %scan3A_235, %mul3A_236 : i32
      %add3A_238 = arith.constant 0 : i32
      %add3A_239 = arith.addi %add3A_238, %mul3A_237 : i32
      %mul3A_240 = arith.constant 16 : i32
      %mul3A_241 = arith.muli %add3A_239, %mul3A_240 : i32
      %get3A_242 = arith.constant 0 : i32
      %get3A_243 = tpu.memref_slice %arg6[%add3A_174, %get3A_242] : memref<125x80xi32, #tpu.memory_space<vmem>> -> memref<1x80xi32, #tpu.memory_space<vmem>>
      %get3A_244 = tpu.memref_squeeze %get3A_243 : memref<1x80xi32, #tpu.memory_space<vmem>> -> memref<80xi32, #tpu.memory_space<vmem>>
      %get3A_245 = arith.index_cast %mul3A_241 : i32 to index
      %get3A_246 = tpu.vector_load %get3A_244[%get3A_245] {strides = array<i32>} : memref<80xi32, #tpu.memory_space<vmem>>, vector<16xi32>,
      tpu.vector_store_idx %arg7[%get3A_246], %broadcast_in_dim3A_6 {add = true} : memref<10240xf32, #tpu.memory_space<vmem>>[vector<16xi32>], vector<16xf32>,
      %mul3A_247 = arith.constant 16 : i32
      %mul3A_248 = arith.muli %add3A_239, %mul3A_247 : i32
      %get3A_249 = arith.constant 0 : i32
      %get3A_250 = tpu.memref_slice %arg5[%add3A_174, %get3A_249] : memref<125x80xi32, #tpu.memory_space<vmem>> -> memref<1x80xi32, #tpu.memory_space<vmem>>
      %get3A_251 = tpu.memref_squeeze %get3A_250 : memref<1x80xi32, #tpu.memory_space<vmem>> -> memref<80xi32, #tpu.memory_space<vmem>>
      %get3A_252 = arith.index_cast %mul3A_248 : i32 to index
      %get3A_253 = tpu.vector_load %get3A_251[%get3A_252] {strides = array<i32>} : memref<80xi32, #tpu.memory_space<vmem>>, vector<16xi32>,
      %shift_left3A_254 = arith.constant 16 : i32
      %shift_left3A_255 = vector.broadcast %shift_left3A_254 : i32 to vector<16xi32>
      %shift_left3A_256 = arith.shli %get3A_246, %shift_left3A_255 : vector<16xi32>
      %or3A_257 = arith.ori %get3A_253, %shift_left3A_256 : vector<16xi32>
      %mul3A_258 = arith.constant 16 : i32
      %mul3A_259 = arith.muli %add3A_239, %mul3A_258 : i32
      %swap3A_260 = arith.constant 0 : i32
      %swap3A_261 = tpu.memref_slice %arg5[%add3A_174, %swap3A_260] : memref<125x80xi32, #tpu.memory_space<vmem>> -> memref<1x80xi32, #tpu.memory_space<vmem>>
      %swap3A_262 = tpu.memref_squeeze %swap3A_261 : memref<1x80xi32, #tpu.memory_space<vmem>> -> memref<80xi32, #tpu.memory_space<vmem>>
      %swap3A_263 = arith.index_cast %mul3A_259 : i32 to index
      %swap3A_264 = tpu.vector_load %swap3A_262[%swap3A_263] {strides = array<i32>} : memref<80xi32, #tpu.memory_space<vmem>>, vector<16xi32>,
      tpu.vector_store %swap3A_262[%swap3A_263], %or3A_257 {strides = array<i32>} : memref<80xi32, #tpu.memory_space<vmem>>, vector<16xi32>,
      %scan3A_265 = arith.constant 3 : i32
      %mul3A_266 = arith.constant 1 : i32
      %mul3A_267 = arith.muli %scan3A_265, %mul3A_266 : i32
      %add3A_268 = arith.constant 0 : i32
      %add3A_269 = arith.addi %add3A_268, %mul3A_267 : i32
      %mul3A_270 = arith.constant 16 : i32
      %mul3A_271 = arith.muli %add3A_269, %mul3A_270 : i32
      %get3A_272 = arith.constant 0 : i32
      %get3A_273 = tpu.memref_slice %arg6[%add3A_174, %get3A_272] : memref<125x80xi32, #tpu.memory_space<vmem>> -> memref<1x80xi32, #tpu.memory_space<vmem>>
      %get3A_274 = tpu.memref_squeeze %get3A_273 : memref<1x80xi32, #tpu.memory_space<vmem>> -> memref<80xi32, #tpu.memory_space<vmem>>
      %get3A_275 = arith.index_cast %mul3A_271 : i32 to index
      %get3A_276 = tpu.vector_load %get3A_274[%get3A_275] {strides = array<i32>} : memref<80xi32, #tpu.memory_space<vmem>>, vector<16xi32>,
      tpu.vector_store_idx %arg7[%get3A_276], %broadcast_in_dim3A_6 {add = true} : memref<10240xf32, #tpu.memory_space<vmem>>[vector<16xi32>], vector<16xf32>,
      %mul3A_277 = arith.constant 16 : i32
      %mul3A_278 = arith.muli %add3A_269, %mul3A_277 : i32
      %get3A_279 = arith.constant 0 : i32
      %get3A_280 = tpu.memref_slice %arg5[%add3A_174, %get3A_279] : memref<125x80xi32, #tpu.memory_space<vmem>> -> memref<1x80xi32, #tpu.memory_space<vmem>>
      %get3A_281 = tpu.memref_squeeze %get3A_280 : memref<1x80xi32, #tpu.memory_space<vmem>> -> memref<80xi32, #tpu.memory_space<vmem>>
      %get3A_282 = arith.index_cast %mul3A_278 : i32 to index
      %get3A_283 = tpu.vector_load %get3A_281[%get3A_282] {strides = array<i32>} : memref<80xi32, #tpu.memory_space<vmem>>, vector<16xi32>,
      %shift_left3A_284 = arith.constant 16 : i32
      %shift_left3A_285 = vector.broadcast %shift_left3A_284 : i32 to vector<16xi32>
      %shift_left3A_286 = arith.shli %get3A_276, %shift_left3A_285 : vector<16xi32>
      %or3A_287 = arith.ori %get3A_283, %shift_left3A_286 : vector<16xi32>
      %mul3A_288 = arith.constant 16 : i32
      %mul3A_289 = arith.muli %add3A_269, %mul3A_288 : i32
      %swap3A_290 = arith.constant 0 : i32
      %swap3A_291 = tpu.memref_slice %arg5[%add3A_174, %swap3A_290] : memref<125x80xi32, #tpu.memory_space<vmem>> -> memref<1x80xi32, #tpu.memory_space<vmem>>
      %swap3A_292 = tpu.memref_squeeze %swap3A_291 : memref<1x80xi32, #tpu.memory_space<vmem>> -> memref<80xi32, #tpu.memory_space<vmem>>
      %swap3A_293 = arith.index_cast %mul3A_289 : i32 to index
      %swap3A_294 = tpu.vector_load %swap3A_292[%swap3A_293] {strides = array<i32>} : memref<80xi32, #tpu.memory_space<vmem>>, vector<16xi32>,
      tpu.vector_store %swap3A_292[%swap3A_293], %or3A_287 {strides = array<i32>} : memref<80xi32, #tpu.memory_space<vmem>>, vector<16xi32>,
      %scan3A_295 = arith.constant 4 : i32
      %mul3A_296 = arith.constant 1 : i32
      %mul3A_297 = arith.muli %scan3A_295, %mul3A_296 : i32
      %add3A_298 = arith.constant 0 : i32
      %add3A_299 = arith.addi %add3A_298, %mul3A_297 : i32
      %mul3A_300 = arith.constant 16 : i32
      %mul3A_301 = arith.muli %add3A_299, %mul3A_300 : i32
      %get3A_302 = arith.constant 0 : i32
      %get3A_303 = tpu.memref_slice %arg6[%add3A_174, %get3A_302] : memref<125x80xi32, #tpu.memory_space<vmem>> -> memref<1x80xi32, #tpu.memory_space<vmem>>
      %get3A_304 = tpu.memref_squeeze %get3A_303 : memref<1x80xi32, #tpu.memory_space<vmem>> -> memref<80xi32, #tpu.memory_space<vmem>>
      %get3A_305 = arith.index_cast %mul3A_301 : i32 to index
      %get3A_306 = tpu.vector_load %get3A_304[%get3A_305] {strides = array<i32>} : memref<80xi32, #tpu.memory_space<vmem>>, vector<16xi32>,
      tpu.vector_store_idx %arg7[%get3A_306], %broadcast_in_dim3A_6 {add = true} : memref<10240xf32, #tpu.memory_space<vmem>>[vector<16xi32>], vector<16xf32>,
      %mul3A_307 = arith.constant 16 : i32
      %mul3A_308 = arith.muli %add3A_299, %mul3A_307 : i32
      %get3A_309 = arith.constant 0 : i32
      %get3A_310 = tpu.memref_slice %arg5[%add3A_174, %get3A_309] : memref<125x80xi32, #tpu.memory_space<vmem>> -> memref<1x80xi32, #tpu.memory_space<vmem>>
      %get3A_311 = tpu.memref_squeeze %get3A_310 : memref<1x80xi32, #tpu.memory_space<vmem>> -> memref<80xi32, #tpu.memory_space<vmem>>
      %get3A_312 = arith.index_cast %mul3A_308 : i32 to index
      %get3A_313 = tpu.vector_load %get3A_311[%get3A_312] {strides = array<i32>} : memref<80xi32, #tpu.memory_space<vmem>>, vector<16xi32>,
      %shift_left3A_314 = arith.constant 16 : i32
      %shift_left3A_315 = vector.broadcast %shift_left3A_314 : i32 to vector<16xi32>
      %shift_left3A_316 = arith.shli %get3A_306, %shift_left3A_315 : vector<16xi32>
      %or3A_317 = arith.ori %get3A_313, %shift_left3A_316 : vector<16xi32>
      %mul3A_318 = arith.constant 16 : i32
      %mul3A_319 = arith.muli %add3A_299, %mul3A_318 : i32
      %swap3A_320 = arith.constant 0 : i32
      %swap3A_321 = tpu.memref_slice %arg5[%add3A_174, %swap3A_320] : memref<125x80xi32, #tpu.memory_space<vmem>> -> memref<1x80xi32, #tpu.memory_space<vmem>>
      %swap3A_322 = tpu.memref_squeeze %swap3A_321 : memref<1x80xi32, #tpu.memory_space<vmem>> -> memref<80xi32, #tpu.memory_space<vmem>>
      %swap3A_323 = arith.index_cast %mul3A_319 : i32 to index
      %swap3A_324 = tpu.vector_load %swap3A_322[%swap3A_323] {strides = array<i32>} : memref<80xi32, #tpu.memory_space<vmem>>, vector<16xi32>,
      tpu.vector_store %swap3A_322[%swap3A_323], %or3A_317 {strides = array<i32>} : memref<80xi32, #tpu.memory_space<vmem>>, vector<16xi32>,
      %scan3A_325 = arith.constant 5 : i32
      %scan3A_326 = arith.constant 1 : i32
      %scan3A_327 = arith.addi %scan3A_170, %scan3A_326 : i32
      %mul3A_328 = arith.constant 1 : i32
      %mul3A_329 = arith.muli %scan3A_327, %mul3A_328 : i32
      %add3A_330 = arith.constant 0 : i32
      %add3A_331 = arith.addi %add3A_330, %mul3A_329 : i32
      %scan3A_332 = arith.constant 0 : i32
      %mul3A_333 = arith.constant 1 : i32
      %mul3A_334 = arith.muli %scan3A_332, %mul3A_333 : i32
      %add3A_335 = arith.constant 0 : i32
      %add3A_336 = arith.addi %add3A_335, %mul3A_334 : i32
      %mul3A_337 = arith.constant 16 : i32
      %mul3A_338 = arith.muli %add3A_336, %mul3A_337 : i32
      %get3A_339 = arith.constant 0 : i32
      %get3A_340 = tpu.memref_slice %arg6[%add3A_331, %get3A_339] : memref<125x80xi32, #tpu.memory_space<vmem>> -> memref<1x80xi32, #tpu.memory_space<vmem>>
      %get3A_341 = tpu.memref_squeeze %get3A_340 : memref<1x80xi32, #tpu.memory_space<vmem>> -> memref<80xi32, #tpu.memory_space<vmem>>
      %get3A_342 = arith.index_cast %mul3A_338 : i32 to index
      %get3A_343 = tpu.vector_load %get3A_341[%get3A_342] {strides = array<i32>} : memref<80xi32, #tpu.memory_space<vmem>>, vector<16xi32>,
      tpu.vector_store_idx %arg7[%get3A_343], %broadcast_in_dim3A_6 {add = true} : memref<10240xf32, #tpu.memory_space<vmem>>[vector<16xi32>], vector<16xf32>,
      %mul3A_344 = arith.constant 16 : i32
      %mul3A_345 = arith.muli %add3A_336, %mul3A_344 : i32
      %get3A_346 = arith.constant 0 : i32
      %get3A_347 = tpu.memref_slice %arg5[%add3A_331, %get3A_346] : memref<125x80xi32, #tpu.memory_space<vmem>> -> memref<1x80xi32, #tpu.memory_space<vmem>>
      %get3A_348 = tpu.memref_squeeze %get3A_347 : memref<1x80xi32, #tpu.memory_space<vmem>> -> memref<80xi32, #tpu.memory_space<vmem>>
      %get3A_349 = arith.index_cast %mul3A_345 : i32 to index
      %get3A_350 = tpu.vector_load %get3A_348[%get3A_349] {strides = array<i32>} : memref<80xi32, #tpu.memory_space<vmem>>, vector<16xi32>,
      %shift_left3A_351 = arith.constant 16 : i32
      %shift_left3A_352 = vector.broadcast %shift_left3A_351 : i32 to vector<16xi32>
      %shift_left3A_353 = arith.shli %get3A_343, %shift_left3A_352 : vector<16xi32>
      %or3A_354 = arith.ori %get3A_350, %shift_left3A_353 : vector<16xi32>
      %mul3A_355 = arith.constant 16 : i32
      %mul3A_356 = arith.muli %add3A_336, %mul3A_355 : i32
      %swap3A_357 = arith.constant 0 : i32
      %swap3A_358 = tpu.memref_slice %arg5[%add3A_331, %swap3A_357] : memref<125x80xi32, #tpu.memory_space<vmem>> -> memref<1x80xi32, #tpu.memory_space<vmem>>
      %swap3A_359 = tpu.memref_squeeze %swap3A_358 : memref<1x80xi32, #tpu.memory_space<vmem>> -> memref<80xi32, #tpu.memory_space<vmem>>
      %swap3A_360 = arith.index_cast %mul3A_356 : i32 to index
      %swap3A_361 = tpu.vector_load %swap3A_359[%swap3A_360] {strides = array<i32>} : memref<80xi32, #tpu.memory_space<vmem>>, vector<16xi32>,
      tpu.vector_store %swap3A_359[%swap3A_360], %or3A_354 {strides = array<i32>} : memref<80xi32, #tpu.memory_space<vmem>>, vector<16xi32>,
      %scan3A_362 = arith.constant 1 : i32
      %mul3A_363 = arith.constant 1 : i32
      %mul3A_364 = arith.muli %scan3A_362, %mul3A_363 : i32
      %add3A_365 = arith.constant 0 : i32
      %add3A_366 = arith.addi %add3A_365, %mul3A_364 : i32
      %mul3A_367 = arith.constant 16 : i32
      %mul3A_368 = arith.muli %add3A_366, %mul3A_367 : i32
      %get3A_369 = arith.constant 0 : i32
      %get3A_370 = tpu.memref_slice %arg6[%add3A_331, %get3A_369] : memref<125x80xi32, #tpu.memory_space<vmem>> -> memref<1x80xi32, #tpu.memory_space<vmem>>
      %get3A_371 = tpu.memref_squeeze %get3A_370 : memref<1x80xi32, #tpu.memory_space<vmem>> -> memref<80xi32, #tpu.memory_space<vmem>>
      %get3A_372 = arith.index_cast %mul3A_368 : i32 to index
      %get3A_373 = tpu.vector_load %get3A_371[%get3A_372] {strides = array<i32>} : memref<80xi32, #tpu.memory_space<vmem>>, vector<16xi32>,
      tpu.vector_store_idx %arg7[%get3A_373], %broadcast_in_dim3A_6 {add = true} : memref<10240xf32, #tpu.memory_space<vmem>>[vector<16xi32>], vector<16xf32>,
      %mul3A_374 = arith.constant 16 : i32
      %mul3A_375 = arith.muli %add3A_366, %mul3A_374 : i32
      %get3A_376 = arith.constant 0 : i32
      %get3A_377 = tpu.memref_slice %arg5[%add3A_331, %get3A_376] : memref<125x80xi32, #tpu.memory_space<vmem>> -> memref<1x80xi32, #tpu.memory_space<vmem>>
      %get3A_378 = tpu.memref_squeeze %get3A_377 : memref<1x80xi32, #tpu.memory_space<vmem>> -> memref<80xi32, #tpu.memory_space<vmem>>
      %get3A_379 = arith.index_cast %mul3A_375 : i32 to index
      %get3A_380 = tpu.vector_load %get3A_378[%get3A_379] {strides = array<i32>} : memref<80xi32, #tpu.memory_space<vmem>>, vector<16xi32>,
      %shift_left3A_381 = arith.constant 16 : i32
      %shift_left3A_382 = vector.broadcast %shift_left3A_381 : i32 to vector<16xi32>
      %shift_left3A_383 = arith.shli %get3A_373, %shift_left3A_382 : vector<16xi32>
      %or3A_384 = arith.ori %get3A_380, %shift_left3A_383 : vector<16xi32>
      %mul3A_385 = arith.constant 16 : i32
      %mul3A_386 = arith.muli %add3A_366, %mul3A_385 : i32
      %swap3A_387 = arith.constant 0 : i32
      %swap3A_388 = tpu.memref_slice %arg5[%add3A_331, %swap3A_387] : memref<125x80xi32, #tpu.memory_space<vmem>> -> memref<1x80xi32, #tpu.memory_space<vmem>>
      %swap3A_389 = tpu.memref_squeeze %swap3A_388 : memref<1x80xi32, #tpu.memory_space<vmem>> -> memref<80xi32, #tpu.memory_space<vmem>>
      %swap3A_390 = arith.index_cast %mul3A_386 : i32 to index
      %swap3A_391 = tpu.vector_load %swap3A_389[%swap3A_390] {strides = array<i32>} : memref<80xi32, #tpu.memory_space<vmem>>, vector<16xi32>,
      tpu.vector_store %swap3A_389[%swap3A_390], %or3A_384 {strides = array<i32>} : memref<80xi32, #tpu.memory_space<vmem>>, vector<16xi32>,
      %scan3A_392 = arith.constant 2 : i32
      %mul3A_393 = arith.constant 1 : i32
      %mul3A_394 = arith.muli %scan3A_392, %mul3A_393 : i32
      %add3A_395 = arith.constant 0 : i32
      %add3A_396 = arith.addi %add3A_395, %mul3A_394 : i32
      %mul3A_397 = arith.constant 16 : i32
      %mul3A_398 = arith.muli %add3A_396, %mul3A_397 : i32
      %get3A_399 = arith.constant 0 : i32
      %get3A_400 = tpu.memref_slice %arg6[%add3A_331, %get3A_399] : memref<125x80xi32, #tpu.memory_space<vmem>> -> memref<1x80xi32, #tpu.memory_space<vmem>>
      %get3A_401 = tpu.memref_squeeze %get3A_400 : memref<1x80xi32, #tpu.memory_space<vmem>> -> memref<80xi32, #tpu.memory_space<vmem>>
      %get3A_402 = arith.index_cast %mul3A_398 : i32 to index
      %get3A_403 = tpu.vector_load %get3A_401[%get3A_402] {strides = array<i32>} : memref<80xi32, #tpu.memory_space<vmem>>, vector<16xi32>,
      tpu.vector_store_idx %arg7[%get3A_403], %broadcast_in_dim3A_6 {add = true} : memref<10240xf32, #tpu.memory_space<vmem>>[vector<16xi32>], vector<16xf32>,
      %mul3A_404 = arith.constant 16 : i32
      %mul3A_405 = arith.muli %add3A_396, %mul3A_404 : i32
      %get3A_406 = arith.constant 0 : i32
      %get3A_407 = tpu.memref_slice %arg5[%add3A_331, %get3A_406] : memref<125x80xi32, #tpu.memory_space<vmem>> -> memref<1x80xi32, #tpu.memory_space<vmem>>
      %get3A_408 = tpu.memref_squeeze %get3A_407 : memref<1x80xi32, #tpu.memory_space<vmem>> -> memref<80xi32, #tpu.memory_space<vmem>>
      %get3A_409 = arith.index_cast %mul3A_405 : i32 to index
      %get3A_410 = tpu.vector_load %get3A_408[%get3A_409] {strides = array<i32>} : memref<80xi32, #tpu.memory_space<vmem>>, vector<16xi32>,
      %shift_left3A_411 = arith.constant 16 : i32
      %shift_left3A_412 = vector.broadcast %shift_left3A_411 : i32 to vector<16xi32>
      %shift_left3A_413 = arith.shli %get3A_403, %shift_left3A_412 : vector<16xi32>
      %or3A_414 = arith.ori %get3A_410, %shift_left3A_413 : vector<16xi32>
      %mul3A_415 = arith.constant 16 : i32
      %mul3A_416 = arith.muli %add3A_396, %mul3A_415 : i32
      %swap3A_417 = arith.constant 0 : i32
      %swap3A_418 = tpu.memref_slice %arg5[%add3A_331, %swap3A_417] : memref<125x80xi32, #tpu.memory_space<vmem>> -> memref<1x80xi32, #tpu.memory_space<vmem>>
      %swap3A_419 = tpu.memref_squeeze %swap3A_418 : memref<1x80xi32, #tpu.memory_space<vmem>> -> memref<80xi32, #tpu.memory_space<vmem>>
      %swap3A_420 = arith.index_cast %mul3A_416 : i32 to index
      %swap3A_421 = tpu.vector_load %swap3A_419[%swap3A_420] {strides = array<i32>} : memref<80xi32, #tpu.memory_space<vmem>>, vector<16xi32>,
      tpu.vector_store %swap3A_419[%swap3A_420], %or3A_414 {strides = array<i32>} : memref<80xi32, #tpu.memory_space<vmem>>, vector<16xi32>,
      %scan3A_422 = arith.constant 3 : i32
      %mul3A_423 = arith.constant 1 : i32
      %mul3A_424 = arith.muli %scan3A_422, %mul3A_423 : i32
      %add3A_425 = arith.constant 0 : i32
      %add3A_426 = arith.addi %add3A_425, %mul3A_424 : i32
      %mul3A_427 = arith.constant 16 : i32
      %mul3A_428 = arith.muli %add3A_426, %mul3A_427 : i32
      %get3A_429 = arith.constant 0 : i32
      %get3A_430 = tpu.memref_slice %arg6[%add3A_331, %get3A_429] : memref<125x80xi32, #tpu.memory_space<vmem>> -> memref<1x80xi32, #tpu.memory_space<vmem>>
      %get3A_431 = tpu.memref_squeeze %get3A_430 : memref<1x80xi32, #tpu.memory_space<vmem>> -> memref<80xi32, #tpu.memory_space<vmem>>
      %get3A_432 = arith.index_cast %mul3A_428 : i32 to index
      %get3A_433 = tpu.vector_load %get3A_431[%get3A_432] {strides = array<i32>} : memref<80xi32, #tpu.memory_space<vmem>>, vector<16xi32>,
      tpu.vector_store_idx %arg7[%get3A_433], %broadcast_in_dim3A_6 {add = true} : memref<10240xf32, #tpu.memory_space<vmem>>[vector<16xi32>], vector<16xf32>,
      %mul3A_434 = arith.constant 16 : i32
      %mul3A_435 = arith.muli %add3A_426, %mul3A_434 : i32
      %get3A_436 = arith.constant 0 : i32
      %get3A_437 = tpu.memref_slice %arg5[%add3A_331, %get3A_436] : memref<125x80xi32, #tpu.memory_space<vmem>> -> memref<1x80xi32, #tpu.memory_space<vmem>>
      %get3A_438 = tpu.memref_squeeze %get3A_437 : memref<1x80xi32, #tpu.memory_space<vmem>> -> memref<80xi32, #tpu.memory_space<vmem>>
      %get3A_439 = arith.index_cast %mul3A_435 : i32 to index
      %get3A_440 = tpu.vector_load %get3A_438[%get3A_439] {strides = array<i32>} : memref<80xi32, #tpu.memory_space<vmem>>, vector<16xi32>,
      %shift_left3A_441 = arith.constant 16 : i32
      %shift_left3A_442 = vector.broadcast %shift_left3A_441 : i32 to vector<16xi32>
      %shift_left3A_443 = arith.shli %get3A_433, %shift_left3A_442 : vector<16xi32>
      %or3A_444 = arith.ori %get3A_440, %shift_left3A_443 : vector<16xi32>
      %mul3A_445 = arith.constant 16 : i32
      %mul3A_446 = arith.muli %add3A_426, %mul3A_445 : i32
      %swap3A_447 = arith.constant 0 : i32
      %swap3A_448 = tpu.memref_slice %arg5[%add3A_331, %swap3A_447] : memref<125x80xi32, #tpu.memory_space<vmem>> -> memref<1x80xi32, #tpu.memory_space<vmem>>
      %swap3A_449 = tpu.memref_squeeze %swap3A_448 : memref<1x80xi32, #tpu.memory_space<vmem>> -> memref<80xi32, #tpu.memory_space<vmem>>
      %swap3A_450 = arith.index_cast %mul3A_446 : i32 to index
      %swap3A_451 = tpu.vector_load %swap3A_449[%swap3A_450] {strides = array<i32>} : memref<80xi32, #tpu.memory_space<vmem>>, vector<16xi32>,
      tpu.vector_store %swap3A_449[%swap3A_450], %or3A_444 {strides = array<i32>} : memref<80xi32, #tpu.memory_space<vmem>>, vector<16xi32>,
      %scan3A_452 = arith.constant 4 : i32
      %mul3A_453 = arith.constant 1 : i32
      %mul3A_454 = arith.muli %scan3A_452, %mul3A_453 : i32
      %add3A_455 = arith.constant 0 : i32
      %add3A_456 = arith.addi %add3A_455, %mul3A_454 : i32
      %mul3A_457 = arith.constant 16 : i32
      %mul3A_458 = arith.muli %add3A_456, %mul3A_457 : i32
      %get3A_459 = arith.constant 0 : i32
      %get3A_460 = tpu.memref_slice %arg6[%add3A_331, %get3A_459] : memref<125x80xi32, #tpu.memory_space<vmem>> -> memref<1x80xi32, #tpu.memory_space<vmem>>
      %get3A_461 = tpu.memref_squeeze %get3A_460 : memref<1x80xi32, #tpu.memory_space<vmem>> -> memref<80xi32, #tpu.memory_space<vmem>>
      %get3A_462 = arith.index_cast %mul3A_458 : i32 to index
      %get3A_463 = tpu.vector_load %get3A_461[%get3A_462] {strides = array<i32>} : memref<80xi32, #tpu.memory_space<vmem>>, vector<16xi32>,
      tpu.vector_store_idx %arg7[%get3A_463], %broadcast_in_dim3A_6 {add = true} : memref<10240xf32, #tpu.memory_space<vmem>>[vector<16xi32>], vector<16xf32>,
      %mul3A_464 = arith.constant 16 : i32
      %mul3A_465 = arith.muli %add3A_456, %mul3A_464 : i32
      %get3A_466 = arith.constant 0 : i32
      %get3A_467 = tpu.memref_slice %arg5[%add3A_331, %get3A_466] : memref<125x80xi32, #tpu.memory_space<vmem>> -> memref<1x80xi32, #tpu.memory_space<vmem>>
      %get3A_468 = tpu.memref_squeeze %get3A_467 : memref<1x80xi32, #tpu.memory_space<vmem>> -> memref<80xi32, #tpu.memory_space<vmem>>
      %get3A_469 = arith.index_cast %mul3A_465 : i32 to index
      %get3A_470 = tpu.vector_load %get3A_468[%get3A_469] {strides = array<i32>} : memref<80xi32, #tpu.memory_space<vmem>>, vector<16xi32>,
      %shift_left3A_471 = arith.constant 16 : i32
      %shift_left3A_472 = vector.broadcast %shift_left3A_471 : i32 to vector<16xi32>
      %shift_left3A_473 = arith.shli %get3A_463, %shift_left3A_472 : vector<16xi32>
      %or3A_474 = arith.ori %get3A_470, %shift_left3A_473 : vector<16xi32>
      %mul3A_475 = arith.constant 16 : i32
      %mul3A_476 = arith.muli %add3A_456, %mul3A_475 : i32
      %swap3A_477 = arith.constant 0 : i32
      %swap3A_478 = tpu.memref_slice %arg5[%add3A_331, %swap3A_477] : memref<125x80xi32, #tpu.memory_space<vmem>> -> memref<1x80xi32, #tpu.memory_space<vmem>>
      %swap3A_479 = tpu.memref_squeeze %swap3A_478 : memref<1x80xi32, #tpu.memory_space<vmem>> -> memref<80xi32, #tpu.memory_space<vmem>>
      %swap3A_480 = arith.index_cast %mul3A_476 : i32 to index
      %swap3A_481 = tpu.vector_load %swap3A_479[%swap3A_480] {strides = array<i32>} : memref<80xi32, #tpu.memory_space<vmem>>, vector<16xi32>,
      tpu.vector_store %swap3A_479[%swap3A_480], %or3A_474 {strides = array<i32>} : memref<80xi32, #tpu.memory_space<vmem>>, vector<16xi32>,
      %scan3A_482 = arith.constant 5 : i32
    }
    %scan3A_11 = arith.constant 124 : i32
    %scan3A_12 = arith.addi %scan3A_7, %scan3A_11 : i32
    %mul3A_13 = arith.constant 1 : i32
    %mul3A_14 = arith.muli %scan3A_12, %mul3A_13 : i32
    %add3A_15 = arith.constant 0 : i32
    %add3A_16 = arith.addi %add3A_15, %mul3A_14 : i32
    %scan3A_17 = arith.constant 0 : i32
    %mul3A_18 = arith.constant 1 : i32
    %mul3A_19 = arith.muli %scan3A_17, %mul3A_18 : i32
    %add3A_20 = arith.constant 0 : i32
    %add3A_21 = arith.addi %add3A_20, %mul3A_19 : i32
    %mul3A_22 = arith.constant 16 : i32
    %mul3A_23 = arith.muli %add3A_21, %mul3A_22 : i32
    %get3A = arith.constant 0 : i32
    %get3A_24 = tpu.memref_slice %arg6[%add3A_16, %get3A] : memref<125x80xi32, #tpu.memory_space<vmem>> -> memref<1x80xi32, #tpu.memory_space<vmem>>
    %get3A_25 = tpu.memref_squeeze %get3A_24 : memref<1x80xi32, #tpu.memory_space<vmem>> -> memref<80xi32, #tpu.memory_space<vmem>>
    %get3A_26 = arith.index_cast %mul3A_23 : i32 to index
    %get3A_27 = tpu.vector_load %get3A_25[%get3A_26] {strides = array<i32>} : memref<80xi32, #tpu.memory_space<vmem>>, vector<16xi32>,
    tpu.vector_store_idx %arg7[%get3A_27], %broadcast_in_dim3A_6 {add = true} : memref<10240xf32, #tpu.memory_space<vmem>>[vector<16xi32>], vector<16xf32>,
    %mul3A_28 = arith.constant 16 : i32
    %mul3A_29 = arith.muli %add3A_21, %mul3A_28 : i32
    %get3A_30 = arith.constant 0 : i32
    %get3A_31 = tpu.memref_slice %arg5[%add3A_16, %get3A_30] : memref<125x80xi32, #tpu.memory_space<vmem>> -> memref<1x80xi32, #tpu.memory_space<vmem>>
    %get3A_32 = tpu.memref_squeeze %get3A_31 : memref<1x80xi32, #tpu.memory_space<vmem>> -> memref<80xi32, #tpu.memory_space<vmem>>
    %get3A_33 = arith.index_cast %mul3A_29 : i32 to index
    %get3A_34 = tpu.vector_load %get3A_32[%get3A_33] {strides = array<i32>} : memref<80xi32, #tpu.memory_space<vmem>>, vector<16xi32>,
    %shift_left3A = arith.constant 16 : i32
    %shift_left3A_35 = vector.broadcast %shift_left3A : i32 to vector<16xi32>
    %shift_left3A_36 = arith.shli %get3A_27, %shift_left3A_35 : vector<16xi32>
    %or3A = arith.ori %get3A_34, %shift_left3A_36 : vector<16xi32>
    %mul3A_37 = arith.constant 16 : i32
    %mul3A_38 = arith.muli %add3A_21, %mul3A_37 : i32
    %swap3A = arith.constant 0 : i32
    %swap3A_39 = tpu.memref_slice %arg5[%add3A_16, %swap3A] : memref<125x80xi32, #tpu.memory_space<vmem>> -> memref<1x80xi32, #tpu.memory_space<vmem>>
    %swap3A_40 = tpu.memref_squeeze %swap3A_39 : memref<1x80xi32, #tpu.memory_space<vmem>> -> memref<80xi32, #tpu.memory_space<vmem>>
    %swap3A_41 = arith.index_cast %mul3A_38 : i32 to index
    %swap3A_42 = tpu.vector_load %swap3A_40[%swap3A_41] {strides = array<i32>} : memref<80xi32, #tpu.memory_space<vmem>>, vector<16xi32>,
    tpu.vector_store %swap3A_40[%swap3A_41], %or3A {strides = array<i32>} : memref<80xi32, #tpu.memory_space<vmem>>, vector<16xi32>,
    %scan3A_43 = arith.constant 1 : i32
    %mul3A_44 = arith.constant 1 : i32
    %mul3A_45 = arith.muli %scan3A_43, %mul3A_44 : i32
    %add3A_46 = arith.constant 0 : i32
    %add3A_47 = arith.addi %add3A_46, %mul3A_45 : i32
    %mul3A_48 = arith.constant 16 : i32
    %mul3A_49 = arith.muli %add3A_47, %mul3A_48 : i32
    %get3A_50 = arith.constant 0 : i32
    %get3A_51 = tpu.memref_slice %arg6[%add3A_16, %get3A_50] : memref<125x80xi32, #tpu.memory_space<vmem>> -> memref<1x80xi32, #tpu.memory_space<vmem>>
    %get3A_52 = tpu.memref_squeeze %get3A_51 : memref<1x80xi32, #tpu.memory_space<vmem>> -> memref<80xi32, #tpu.memory_space<vmem>>
    %get3A_53 = arith.index_cast %mul3A_49 : i32 to index
    %get3A_54 = tpu.vector_load %get3A_52[%get3A_53] {strides = array<i32>} : memref<80xi32, #tpu.memory_space<vmem>>, vector<16xi32>,
    tpu.vector_store_idx %arg7[%get3A_54], %broadcast_in_dim3A_6 {add = true} : memref<10240xf32, #tpu.memory_space<vmem>>[vector<16xi32>], vector<16xf32>,
    %mul3A_55 = arith.constant 16 : i32
    %mul3A_56 = arith.muli %add3A_47, %mul3A_55 : i32
    %get3A_57 = arith.constant 0 : i32
    %get3A_58 = tpu.memref_slice %arg5[%add3A_16, %get3A_57] : memref<125x80xi32, #tpu.memory_space<vmem>> -> memref<1x80xi32, #tpu.memory_space<vmem>>
    %get3A_59 = tpu.memref_squeeze %get3A_58 : memref<1x80xi32, #tpu.memory_space<vmem>> -> memref<80xi32, #tpu.memory_space<vmem>>
    %get3A_60 = arith.index_cast %mul3A_56 : i32 to index
    %get3A_61 = tpu.vector_load %get3A_59[%get3A_60] {strides = array<i32>} : memref<80xi32, #tpu.memory_space<vmem>>, vector<16xi32>,
    %shift_left3A_62 = arith.constant 16 : i32
    %shift_left3A_63 = vector.broadcast %shift_left3A_62 : i32 to vector<16xi32>
    %shift_left3A_64 = arith.shli %get3A_54, %shift_left3A_63 : vector<16xi32>
    %or3A_65 = arith.ori %get3A_61, %shift_left3A_64 : vector<16xi32>
    %mul3A_66 = arith.constant 16 : i32
    %mul3A_67 = arith.muli %add3A_47, %mul3A_66 : i32
    %swap3A_68 = arith.constant 0 : i32
    %swap3A_69 = tpu.memref_slice %arg5[%add3A_16, %swap3A_68] : memref<125x80xi32, #tpu.memory_space<vmem>> -> memref<1x80xi32, #tpu.memory_space<vmem>>
    %swap3A_70 = tpu.memref_squeeze %swap3A_69 : memref<1x80xi32, #tpu.memory_space<vmem>> -> memref<80xi32, #tpu.memory_space<vmem>>
    %swap3A_71 = arith.index_cast %mul3A_67 : i32 to index
    %swap3A_72 = tpu.vector_load %swap3A_70[%swap3A_71] {strides = array<i32>} : memref<80xi32, #tpu.memory_space<vmem>>, vector<16xi32>,
    tpu.vector_store %swap3A_70[%swap3A_71], %or3A_65 {strides = array<i32>} : memref<80xi32, #tpu.memory_space<vmem>>, vector<16xi32>,
    %scan3A_73 = arith.constant 2 : i32
    %mul3A_74 = arith.constant 1 : i32
    %mul3A_75 = arith.muli %scan3A_73, %mul3A_74 : i32
    %add3A_76 = arith.constant 0 : i32
    %add3A_77 = arith.addi %add3A_76, %mul3A_75 : i32
    %mul3A_78 = arith.constant 16 : i32
    %mul3A_79 = arith.muli %add3A_77, %mul3A_78 : i32
    %get3A_80 = arith.constant 0 : i32
    %get3A_81 = tpu.memref_slice %arg6[%add3A_16, %get3A_80] : memref<125x80xi32, #tpu.memory_space<vmem>> -> memref<1x80xi32, #tpu.memory_space<vmem>>
    %get3A_82 = tpu.memref_squeeze %get3A_81 : memref<1x80xi32, #tpu.memory_space<vmem>> -> memref<80xi32, #tpu.memory_space<vmem>>
    %get3A_83 = arith.index_cast %mul3A_79 : i32 to index
    %get3A_84 = tpu.vector_load %get3A_82[%get3A_83] {strides = array<i32>} : memref<80xi32, #tpu.memory_space<vmem>>, vector<16xi32>,
    tpu.vector_store_idx %arg7[%get3A_84], %broadcast_in_dim3A_6 {add = true} : memref<10240xf32, #tpu.memory_space<vmem>>[vector<16xi32>], vector<16xf32>,
    %mul3A_85 = arith.constant 16 : i32
    %mul3A_86 = arith.muli %add3A_77, %mul3A_85 : i32
    %get3A_87 = arith.constant 0 : i32
    %get3A_88 = tpu.memref_slice %arg5[%add3A_16, %get3A_87] : memref<125x80xi32, #tpu.memory_space<vmem>> -> memref<1x80xi32, #tpu.memory_space<vmem>>
    %get3A_89 = tpu.memref_squeeze %get3A_88 : memref<1x80xi32, #tpu.memory_space<vmem>> -> memref<80xi32, #tpu.memory_space<vmem>>
    %get3A_90 = arith.index_cast %mul3A_86 : i32 to index
    %get3A_91 = tpu.vector_load %get3A_89[%get3A_90] {strides = array<i32>} : memref<80xi32, #tpu.memory_space<vmem>>, vector<16xi32>,
    %shift_left3A_92 = arith.constant 16 : i32
    %shift_left3A_93 = vector.broadcast %shift_left3A_92 : i32 to vector<16xi32>
    %shift_left3A_94 = arith.shli %get3A_84, %shift_left3A_93 : vector<16xi32>
    %or3A_95 = arith.ori %get3A_91, %shift_left3A_94 : vector<16xi32>
    %mul3A_96 = arith.constant 16 : i32
    %mul3A_97 = arith.muli %add3A_77, %mul3A_96 : i32
    %swap3A_98 = arith.constant 0 : i32
    %swap3A_99 = tpu.memref_slice %arg5[%add3A_16, %swap3A_98] : memref<125x80xi32, #tpu.memory_space<vmem>> -> memref<1x80xi32, #tpu.memory_space<vmem>>
    %swap3A_100 = tpu.memref_squeeze %swap3A_99 : memref<1x80xi32, #tpu.memory_space<vmem>> -> memref<80xi32, #tpu.memory_space<vmem>>
    %swap3A_101 = arith.index_cast %mul3A_97 : i32 to index
    %swap3A_102 = tpu.vector_load %swap3A_100[%swap3A_101] {strides = array<i32>} : memref<80xi32, #tpu.memory_space<vmem>>, vector<16xi32>,
    tpu.vector_store %swap3A_100[%swap3A_101], %or3A_95 {strides = array<i32>} : memref<80xi32, #tpu.memory_space<vmem>>, vector<16xi32>,
    %scan3A_103 = arith.constant 3 : i32
    %mul3A_104 = arith.constant 1 : i32
    %mul3A_105 = arith.muli %scan3A_103, %mul3A_104 : i32
    %add3A_106 = arith.constant 0 : i32
    %add3A_107 = arith.addi %add3A_106, %mul3A_105 : i32
    %mul3A_108 = arith.constant 16 : i32
    %mul3A_109 = arith.muli %add3A_107, %mul3A_108 : i32
    %get3A_110 = arith.constant 0 : i32
    %get3A_111 = tpu.memref_slice %arg6[%add3A_16, %get3A_110] : memref<125x80xi32, #tpu.memory_space<vmem>> -> memref<1x80xi32, #tpu.memory_space<vmem>>
    %get3A_112 = tpu.memref_squeeze %get3A_111 : memref<1x80xi32, #tpu.memory_space<vmem>> -> memref<80xi32, #tpu.memory_space<vmem>>
    %get3A_113 = arith.index_cast %mul3A_109 : i32 to index
    %get3A_114 = tpu.vector_load %get3A_112[%get3A_113] {strides = array<i32>} : memref<80xi32, #tpu.memory_space<vmem>>, vector<16xi32>,
    tpu.vector_store_idx %arg7[%get3A_114], %broadcast_in_dim3A_6 {add = true} : memref<10240xf32, #tpu.memory_space<vmem>>[vector<16xi32>], vector<16xf32>,
    %mul3A_115 = arith.constant 16 : i32
    %mul3A_116 = arith.muli %add3A_107, %mul3A_115 : i32
    %get3A_117 = arith.constant 0 : i32
    %get3A_118 = tpu.memref_slice %arg5[%add3A_16, %get3A_117] : memref<125x80xi32, #tpu.memory_space<vmem>> -> memref<1x80xi32, #tpu.memory_space<vmem>>
    %get3A_119 = tpu.memref_squeeze %get3A_118 : memref<1x80xi32, #tpu.memory_space<vmem>> -> memref<80xi32, #tpu.memory_space<vmem>>
    %get3A_120 = arith.index_cast %mul3A_116 : i32 to index
    %get3A_121 = tpu.vector_load %get3A_119[%get3A_120] {strides = array<i32>} : memref<80xi32, #tpu.memory_space<vmem>>, vector<16xi32>,
    %shift_left3A_122 = arith.constant 16 : i32
    %shift_left3A_123 = vector.broadcast %shift_left3A_122 : i32 to vector<16xi32>
    %shift_left3A_124 = arith.shli %get3A_114, %shift_left3A_123 : vector<16xi32>
    %or3A_125 = arith.ori %get3A_121, %shift_left3A_124 : vector<16xi32>
    %mul3A_126 = arith.constant 16 : i32
    %mul3A_127 = arith.muli %add3A_107, %mul3A_126 : i32
    %swap3A_128 = arith.constant 0 : i32
    %swap3A_129 = tpu.memref_slice %arg5[%add3A_16, %swap3A_128] : memref<125x80xi32, #tpu.memory_space<vmem>> -> memref<1x80xi32, #tpu.memory_space<vmem>>
    %swap3A_130 = tpu.memref_squeeze %swap3A_129 : memref<1x80xi32, #tpu.memory_space<vmem>> -> memref<80xi32, #tpu.memory_space<vmem>>
    %swap3A_131 = arith.index_cast %mul3A_127 : i32 to index
    %swap3A_132 = tpu.vector_load %swap3A_130[%swap3A_131] {strides = array<i32>} : memref<80xi32, #tpu.memory_space<vmem>>, vector<16xi32>,
    tpu.vector_store %swap3A_130[%swap3A_131], %or3A_125 {strides = array<i32>} : memref<80xi32, #tpu.memory_space<vmem>>, vector<16xi32>,
    %scan3A_133 = arith.constant 4 : i32
    %mul3A_134 = arith.constant 1 : i32
    %mul3A_135 = arith.muli %scan3A_133, %mul3A_134 : i32
    %add3A_136 = arith.constant 0 : i32
    %add3A_137 = arith.addi %add3A_136, %mul3A_135 : i32
    %mul3A_138 = arith.constant 16 : i32
    %mul3A_139 = arith.muli %add3A_137, %mul3A_138 : i32
    %get3A_140 = arith.constant 0 : i32
    %get3A_141 = tpu.memref_slice %arg6[%add3A_16, %get3A_140] : memref<125x80xi32, #tpu.memory_space<vmem>> -> memref<1x80xi32, #tpu.memory_space<vmem>>
    %get3A_142 = tpu.memref_squeeze %get3A_141 : memref<1x80xi32, #tpu.memory_space<vmem>> -> memref<80xi32, #tpu.memory_space<vmem>>
    %get3A_143 = arith.index_cast %mul3A_139 : i32 to index
    %get3A_144 = tpu.vector_load %get3A_142[%get3A_143] {strides = array<i32>} : memref<80xi32, #tpu.memory_space<vmem>>, vector<16xi32>,
    tpu.vector_store_idx %arg7[%get3A_144], %broadcast_in_dim3A_6 {add = true} : memref<10240xf32, #tpu.memory_space<vmem>>[vector<16xi32>], vector<16xf32>,
    %mul3A_145 = arith.constant 16 : i32
    %mul3A_146 = arith.muli %add3A_137, %mul3A_145 : i32
    %get3A_147 = arith.constant 0 : i32
    %get3A_148 = tpu.memref_slice %arg5[%add3A_16, %get3A_147] : memref<125x80xi32, #tpu.memory_space<vmem>> -> memref<1x80xi32, #tpu.memory_space<vmem>>
    %get3A_149 = tpu.memref_squeeze %get3A_148 : memref<1x80xi32, #tpu.memory_space<vmem>> -> memref<80xi32, #tpu.memory_space<vmem>>
    %get3A_150 = arith.index_cast %mul3A_146 : i32 to index
    %get3A_151 = tpu.vector_load %get3A_149[%get3A_150] {strides = array<i32>} : memref<80xi32, #tpu.memory_space<vmem>>, vector<16xi32>,
    %shift_left3A_152 = arith.constant 16 : i32
    %shift_left3A_153 = vector.broadcast %shift_left3A_152 : i32 to vector<16xi32>
    %shift_left3A_154 = arith.shli %get3A_144, %shift_left3A_153 : vector<16xi32>
    %or3A_155 = arith.ori %get3A_151, %shift_left3A_154 : vector<16xi32>
    %mul3A_156 = arith.constant 16 : i32
    %mul3A_157 = arith.muli %add3A_137, %mul3A_156 : i32
    %swap3A_158 = arith.constant 0 : i32
    %swap3A_159 = tpu.memref_slice %arg5[%add3A_16, %swap3A_158] : memref<125x80xi32, #tpu.memory_space<vmem>> -> memref<1x80xi32, #tpu.memory_space<vmem>>
    %swap3A_160 = tpu.memref_squeeze %swap3A_159 : memref<1x80xi32, #tpu.memory_space<vmem>> -> memref<80xi32, #tpu.memory_space<vmem>>
    %swap3A_161 = arith.index_cast %mul3A_157 : i32 to index
    %swap3A_162 = tpu.vector_load %swap3A_160[%swap3A_161] {strides = array<i32>} : memref<80xi32, #tpu.memory_space<vmem>>, vector<16xi32>,
    tpu.vector_store %swap3A_160[%swap3A_161], %or3A_155 {strides = array<i32>} : memref<80xi32, #tpu.memory_space<vmem>>, vector<16xi32>,
    %scan3A_163 = arith.constant 5 : i32
    %scan3A_164 = arith.constant 125 : i32
    "tpu.region"() ({
      %run_scoped3A_170 = tpu.sem_alloc : memref<!tpu.dma_semaphore, #tpu.memory_space<semaphore_mem>>
      %dma_start3A = arith.constant 0 : i32
      %dma_start3A_171 = tpu.memref_slice %arg11[%arg1, %dma_start3A] : memref<16x10240xf32, #tpu.memory_space<vmem_shared>> -> memref<1x10240xf32, #tpu.memory_space<vmem_shared>>
      %dma_start3A_172 = tpu.memref_squeeze %dma_start3A_171 : memref<1x10240xf32, #tpu.memory_space<vmem_shared>> -> memref<10240xf32, #tpu.memory_space<vmem_shared>>
      %dma_start3A_173 = arith.constant 0 : i32
      %dma_start3A_174 = tpu.memref_slice %arg11[%arg1, %dma_start3A_173] : memref<16x10240xf32, #tpu.memory_space<vmem_shared>> -> memref<1x10240xf32, #tpu.memory_space<vmem_shared>>
      %dma_start3A_175 = tpu.memref_squeeze %dma_start3A_174 : memref<1x10240xf32, #tpu.memory_space<vmem_shared>> -> memref<10240xf32, #tpu.memory_space<vmem_shared>>
      tpu.enqueue_dma source(%arg7 : memref<10240xf32, #tpu.memory_space<vmem>>) target(%dma_start3A_175 : memref<10240xf32, #tpu.memory_space<vmem_shared>>) target_semaphore(%run_scoped3A_170 : memref<!tpu.dma_semaphore, #tpu.memory_space<semaphore_mem>>)
      %dma_wait3A = arith.constant 0 : i32
      %dma_wait3A_176 = tpu.memref_slice %arg11[%arg1, %dma_wait3A] : memref<16x10240xf32, #tpu.memory_space<vmem_shared>> -> memref<1x10240xf32, #tpu.memory_space<vmem_shared>>
      %dma_wait3A_177 = tpu.memref_squeeze %dma_wait3A_176 : memref<1x10240xf32, #tpu.memory_space<vmem_shared>> -> memref<10240xf32, #tpu.memory_space<vmem_shared>>
      %dma_wait3A_178 = arith.constant 0 : i32
      %dma_wait3A_179 = tpu.memref_slice %arg11[%arg1, %dma_wait3A_178] : memref<16x10240xf32, #tpu.memory_space<vmem_shared>> -> memref<1x10240xf32, #tpu.memory_space<vmem_shared>>
      %dma_wait3A_180 = tpu.memref_squeeze %dma_wait3A_179 : memref<1x10240xf32, #tpu.memory_space<vmem_shared>> -> memref<10240xf32, #tpu.memory_space<vmem_shared>>
      tpu.wait_dma2 semaphore(%run_scoped3A_170 : memref<!tpu.dma_semaphore, #tpu.memory_space<semaphore_mem>>) src(%arg7 : memref<10240xf32, #tpu.memory_space<vmem>>) dst(%dma_wait3A_180 : memref<10240xf32, #tpu.memory_space<vmem_shared>>)
      tpu.yield
    }) : () -> ()
    "tpu.region"() ({
      %run_scoped3A_170 = tpu.sem_alloc : memref<!tpu.dma_semaphore, #tpu.memory_space<semaphore_mem>>
      %dma_start3A = arith.constant 0 : i32
      %dma_start3A_171 = arith.constant 0 : i32
      %dma_start3A_172 = tpu.memref_slice %arg4[%add3A, %dma_start3A, %dma_start3A_171] : memref<32x125x80xi32, #tpu.memory_space<hbm>> -> memref<1x125x80xi32, #tpu.memory_space<hbm>>
      %dma_start3A_173 = tpu.memref_squeeze %dma_start3A_172 : memref<1x125x80xi32, #tpu.memory_space<hbm>> -> memref<125x80xi32, #tpu.memory_space<hbm>>
      %dma_start3A_174 = arith.constant 0 : i32
      %dma_start3A_175 = arith.constant 0 : i32
      %dma_start3A_176 = tpu.memref_slice %arg4[%add3A, %dma_start3A_174, %dma_start3A_175] : memref<32x125x80xi32, #tpu.memory_space<hbm>> -> memref<1x125x80xi32, #tpu.memory_space<hbm>>
      %dma_start3A_177 = tpu.memref_squeeze %dma_start3A_176 : memref<1x125x80xi32, #tpu.memory_space<hbm>> -> memref<125x80xi32, #tpu.memory_space<hbm>>
      tpu.enqueue_dma source(%arg5 : memref<125x80xi32, #tpu.memory_space<vmem>>) target(%dma_start3A_177 : memref<125x80xi32, #tpu.memory_space<hbm>>) target_semaphore(%run_scoped3A_170 : memref<!tpu.dma_semaphore, #tpu.memory_space<semaphore_mem>>)
      %dma_wait3A = arith.constant 0 : i32
      %dma_wait3A_178 = arith.constant 0 : i32
      %dma_wait3A_179 = tpu.memref_slice %arg4[%add3A, %dma_wait3A, %dma_wait3A_178] : memref<32x125x80xi32, #tpu.memory_space<hbm>> -> memref<1x125x80xi32, #tpu.memory_space<hbm>>
      %dma_wait3A_180 = tpu.memref_squeeze %dma_wait3A_179 : memref<1x125x80xi32, #tpu.memory_space<hbm>> -> memref<125x80xi32, #tpu.memory_space<hbm>>
      %dma_wait3A_181 = arith.constant 0 : i32
      %dma_wait3A_182 = arith.constant 0 : i32
      %dma_wait3A_183 = tpu.memref_slice %arg4[%add3A, %dma_wait3A_181, %dma_wait3A_182] : memref<32x125x80xi32, #tpu.memory_space<hbm>> -> memref<1x125x80xi32, #tpu.memory_space<hbm>>
      %dma_wait3A_184 = tpu.memref_squeeze %dma_wait3A_183 : memref<1x125x80xi32, #tpu.memory_space<hbm>> -> memref<125x80xi32, #tpu.memory_space<hbm>>
      tpu.wait_dma2 semaphore(%run_scoped3A_170 : memref<!tpu.dma_semaphore, #tpu.memory_space<semaphore_mem>>) src(%arg5 : memref<125x80xi32, #tpu.memory_space<vmem>>) dst(%dma_wait3A_184 : memref<125x80xi32, #tpu.memory_space<hbm>>)
      tpu.yield
    }) : () -> ()
    %barrier3A = arith.constant 0 : index
    tpu.barrier barrier_id(%barrier3A)
    %scan3A_165 = arith.constant 0 : i32
    %scan3A_166 = arith.constant 5 : i32
    %scan3A_167 = arith.addi %scan3A_165, %scan3A_166 : i32
    %scan3A_168 = arith.constant 1 : i32
    scf.for %scan3A_170 = %scan3A_165 to %scan3A_167 step %scan3A_168  : i32 {
      %mul3A_171 = arith.constant 1 : i32
      %mul3A_172 = arith.muli %scan3A_170, %mul3A_171 : i32
      %add3A_173 = arith.constant 0 : i32
      %add3A_174 = arith.addi %add3A_173, %mul3A_172 : i32
      %mul3A_175 = arith.constant 640 : i32
      %mul3A_176 = arith.muli %arg1, %mul3A_175 : i32
      %mul3A_177 = arith.constant 128 : i32
      %mul3A_178 = arith.muli %add3A_174, %mul3A_177 : i32
      %add3A_179 = arith.addi %mul3A_176, %mul3A_178 : i32
      "tpu.region"() ({
        %run_scoped3A_190 = tpu.sem_alloc : memref<!tpu.dma_semaphore, #tpu.memory_space<semaphore_mem>>
        %dma_start3A = arith.constant 0 : i32
        %dma_start3A_191 = tpu.memref_slice %arg11[%dma_start3A, %add3A_179] : memref<16x10240xf32, #tpu.memory_space<vmem_shared>> -> memref<16x128xf32, #tpu.memory_space<vmem_shared>>
        %dma_start3A_192 = arith.constant 0 : i32
        %dma_start3A_193 = tpu.memref_slice %arg11[%dma_start3A_192, %add3A_179] : memref<16x10240xf32, #tpu.memory_space<vmem_shared>> -> memref<16x128xf32, #tpu.memory_space<vmem_shared>>
        tpu.enqueue_dma source(%dma_start3A_193 : memref<16x128xf32, #tpu.memory_space<vmem_shared>>) target(%arg8 : memref<16x128xf32, #tpu.memory_space<vmem>>) target_semaphore(%run_scoped3A_190 : memref<!tpu.dma_semaphore, #tpu.memory_space<semaphore_mem>>)
        %dma_wait3A = arith.constant 0 : i32
        %dma_wait3A_194 = tpu.memref_slice %arg11[%dma_wait3A, %add3A_179] : memref<16x10240xf32, #tpu.memory_space<vmem_shared>> -> memref<16x128xf32, #tpu.memory_space<vmem_shared>>
        %dma_wait3A_195 = arith.constant 0 : i32
        %dma_wait3A_196 = tpu.memref_slice %arg11[%dma_wait3A_195, %add3A_179] : memref<16x10240xf32, #tpu.memory_space<vmem_shared>> -> memref<16x128xf32, #tpu.memory_space<vmem_shared>>
        tpu.wait_dma2 semaphore(%run_scoped3A_190 : memref<!tpu.dma_semaphore, #tpu.memory_space<semaphore_mem>>) src(%dma_wait3A_196 : memref<16x128xf32, #tpu.memory_space<vmem_shared>>) dst(%arg8 : memref<16x128xf32, #tpu.memory_space<vmem>>)
        tpu.yield
      }) : () -> ()
      %scan3A_180 = arith.constant 0 : i32
      %scan3A_181 = arith.constant 8 : i32
      %scan3A_182 = arith.addi %scan3A_180, %scan3A_181 : i32
      %scan3A_183 = arith.constant 4 : i32
      scf.for %scan3A_190 = %scan3A_180 to %scan3A_182 step %scan3A_183  : i32 {
        %mul3A_191 = arith.constant 1 : i32
        %mul3A_192 = arith.muli %scan3A_190, %mul3A_191 : i32
        %add3A_193 = arith.constant 0 : i32
        %add3A_194 = arith.addi %add3A_193, %mul3A_192 : i32
        %mul3A_195 = arith.constant 16 : i32
        %mul3A_196 = arith.muli %add3A_194, %mul3A_195 : i32
        %get3A_197 = arith.constant 0 : i32
        %get3A_198 = arith.index_cast %get3A_197 : i32 to index
        %get3A_199 = arith.index_cast %mul3A_196 : i32 to index
        %get3A_200 = tpu.vector_load %arg8[%get3A_198, %get3A_199] {strides = array<i32>} : memref<16x128xf32, #tpu.memory_space<vmem>>, vector<16xf32>,
        %mul3A_201 = arith.constant 16 : i32
        %mul3A_202 = arith.muli %add3A_194, %mul3A_201 : i32
        %get3A_203 = arith.constant 1 : i32
        %get3A_204 = arith.index_cast %get3A_203 : i32 to index
        %get3A_205 = arith.index_cast %mul3A_202 : i32 to index
        %get3A_206 = tpu.vector_load %arg8[%get3A_204, %get3A_205] {strides = array<i32>} : memref<16x128xf32, #tpu.memory_space<vmem>>, vector<16xf32>,
        %add3A_207 = arith.addf %get3A_200, %get3A_206 : vector<16xf32>
        %mul3A_208 = arith.constant 16 : i32
        %mul3A_209 = arith.muli %add3A_194, %mul3A_208 : i32
        %get3A_210 = arith.constant 2 : i32
        %get3A_211 = arith.index_cast %get3A_210 : i32 to index
        %get3A_212 = arith.index_cast %mul3A_209 : i32 to index
        %get3A_213 = tpu.vector_load %arg8[%get3A_211, %get3A_212] {strides = array<i32>} : memref<16x128xf32, #tpu.memory_space<vmem>>, vector<16xf32>,
        %add3A_214 = arith.addf %add3A_207, %get3A_213 : vector<16xf32>
        %mul3A_215 = arith.constant 16 : i32
        %mul3A_216 = arith.muli %add3A_194, %mul3A_215 : i32
        %get3A_217 = arith.constant 3 : i32
        %get3A_218 = arith.index_cast %get3A_217 : i32 to index
        %get3A_219 = arith.index_cast %mul3A_216 : i32 to index
        %get3A_220 = tpu.vector_load %arg8[%get3A_218, %get3A_219] {strides = array<i32>} : memref<16x128xf32, #tpu.memory_space<vmem>>, vector<16xf32>,
        %add3A_221 = arith.addf %add3A_214, %get3A_220 : vector<16xf32>
        %mul3A_222 = arith.constant 16 : i32
        %mul3A_223 = arith.muli %add3A_194, %mul3A_222 : i32
        %get3A_224 = arith.constant 4 : i32
        %get3A_225 = arith.index_cast %get3A_224 : i32 to index
        %get3A_226 = arith.index_cast %mul3A_223 : i32 to index
        %get3A_227 = tpu.vector_load %arg8[%get3A_225, %get3A_226] {strides = array<i32>} : memref<16x128xf32, #tpu.memory_space<vmem>>, vector<16xf32>,
        %add3A_228 = arith.addf %add3A_221, %get3A_227 : vector<16xf32>
        %mul3A_229 = arith.constant 16 : i32
        %mul3A_230 = arith.muli %add3A_194, %mul3A_229 : i32
        %get3A_231 = arith.constant 5 : i32
        %get3A_232 = arith.index_cast %get3A_231 : i32 to index
        %get3A_233 = arith.index_cast %mul3A_230 : i32 to index
        %get3A_234 = tpu.vector_load %arg8[%get3A_232, %get3A_233] {strides = array<i32>} : memref<16x128xf32, #tpu.memory_space<vmem>>, vector<16xf32>,
        %add3A_235 = arith.addf %add3A_228, %get3A_234 : vector<16xf32>
        %mul3A_236 = arith.constant 16 : i32
        %mul3A_237 = arith.muli %add3A_194, %mul3A_236 : i32
        %get3A_238 = arith.constant 6 : i32
        %get3A_239 = arith.index_cast %get3A_238 : i32 to index
        %get3A_240 = arith.index_cast %mul3A_237 : i32 to index
        %get3A_241 = tpu.vector_load %arg8[%get3A_239, %get3A_240] {strides = array<i32>} : memref<16x128xf32, #tpu.memory_space<vmem>>, vector<16xf32>,
        %add3A_242 = arith.addf %add3A_235, %get3A_241 : vector<16xf32>
        %mul3A_243 = arith.constant 16 : i32
        %mul3A_244 = arith.muli %add3A_194, %mul3A_243 : i32
        %get3A_245 = arith.constant 7 : i32
        %get3A_246 = arith.index_cast %get3A_245 : i32 to index
        %get3A_247 = arith.index_cast %mul3A_244 : i32 to index
        %get3A_248 = tpu.vector_load %arg8[%get3A_246, %get3A_247] {strides = array<i32>} : memref<16x128xf32, #tpu.memory_space<vmem>>, vector<16xf32>,
        %add3A_249 = arith.addf %add3A_242, %get3A_248 : vector<16xf32>
        %mul3A_250 = arith.constant 16 : i32
        %mul3A_251 = arith.muli %add3A_194, %mul3A_250 : i32
        %get3A_252 = arith.constant 8 : i32
        %get3A_253 = arith.index_cast %get3A_252 : i32 to index
        %get3A_254 = arith.index_cast %mul3A_251 : i32 to index
        %get3A_255 = tpu.vector_load %arg8[%get3A_253, %get3A_254] {strides = array<i32>} : memref<16x128xf32, #tpu.memory_space<vmem>>, vector<16xf32>,
        %add3A_256 = arith.addf %add3A_249, %get3A_255 : vector<16xf32>
        %mul3A_257 = arith.constant 16 : i32
        %mul3A_258 = arith.muli %add3A_194, %mul3A_257 : i32
        %get3A_259 = arith.constant 9 : i32
        %get3A_260 = arith.index_cast %get3A_259 : i32 to index
        %get3A_261 = arith.index_cast %mul3A_258 : i32 to index
        %get3A_262 = tpu.vector_load %arg8[%get3A_260, %get3A_261] {strides = array<i32>} : memref<16x128xf32, #tpu.memory_space<vmem>>, vector<16xf32>,
        %add3A_263 = arith.addf %add3A_256, %get3A_262 : vector<16xf32>
        %mul3A_264 = arith.constant 16 : i32
        %mul3A_265 = arith.muli %add3A_194, %mul3A_264 : i32
        %get3A_266 = arith.constant 10 : i32
        %get3A_267 = arith.index_cast %get3A_266 : i32 to index
        %get3A_268 = arith.index_cast %mul3A_265 : i32 to index
        %get3A_269 = tpu.vector_load %arg8[%get3A_267, %get3A_268] {strides = array<i32>} : memref<16x128xf32, #tpu.memory_space<vmem>>, vector<16xf32>,
        %add3A_270 = arith.addf %add3A_263, %get3A_269 : vector<16xf32>
        %mul3A_271 = arith.constant 16 : i32
        %mul3A_272 = arith.muli %add3A_194, %mul3A_271 : i32
        %get3A_273 = arith.constant 11 : i32
        %get3A_274 = arith.index_cast %get3A_273 : i32 to index
        %get3A_275 = arith.index_cast %mul3A_272 : i32 to index
        %get3A_276 = tpu.vector_load %arg8[%get3A_274, %get3A_275] {strides = array<i32>} : memref<16x128xf32, #tpu.memory_space<vmem>>, vector<16xf32>,
        %add3A_277 = arith.addf %add3A_270, %get3A_276 : vector<16xf32>
        %mul3A_278 = arith.constant 16 : i32
        %mul3A_279 = arith.muli %add3A_194, %mul3A_278 : i32
        %get3A_280 = arith.constant 12 : i32
        %get3A_281 = arith.index_cast %get3A_280 : i32 to index
        %get3A_282 = arith.index_cast %mul3A_279 : i32 to index
        %get3A_283 = tpu.vector_load %arg8[%get3A_281, %get3A_282] {strides = array<i32>} : memref<16x128xf32, #tpu.memory_space<vmem>>, vector<16xf32>,
        %add3A_284 = arith.addf %add3A_277, %get3A_283 : vector<16xf32>
        %mul3A_285 = arith.constant 16 : i32
        %mul3A_286 = arith.muli %add3A_194, %mul3A_285 : i32
        %get3A_287 = arith.constant 13 : i32
        %get3A_288 = arith.index_cast %get3A_287 : i32 to index
        %get3A_289 = arith.index_cast %mul3A_286 : i32 to index
        %get3A_290 = tpu.vector_load %arg8[%get3A_288, %get3A_289] {strides = array<i32>} : memref<16x128xf32, #tpu.memory_space<vmem>>, vector<16xf32>,
        %add3A_291 = arith.addf %add3A_284, %get3A_290 : vector<16xf32>
        %mul3A_292 = arith.constant 16 : i32
        %mul3A_293 = arith.muli %add3A_194, %mul3A_292 : i32
        %get3A_294 = arith.constant 14 : i32
        %get3A_295 = arith.index_cast %get3A_294 : i32 to index
        %get3A_296 = arith.index_cast %mul3A_293 : i32 to index
        %get3A_297 = tpu.vector_load %arg8[%get3A_295, %get3A_296] {strides = array<i32>} : memref<16x128xf32, #tpu.memory_space<vmem>>, vector<16xf32>,
        %add3A_298 = arith.addf %add3A_291, %get3A_297 : vector<16xf32>
        %mul3A_299 = arith.constant 16 : i32
        %mul3A_300 = arith.muli %add3A_194, %mul3A_299 : i32
        %get3A_301 = arith.constant 15 : i32
        %get3A_302 = arith.index_cast %get3A_301 : i32 to index
        %get3A_303 = arith.index_cast %mul3A_300 : i32 to index
        %get3A_304 = tpu.vector_load %arg8[%get3A_302, %get3A_303] {strides = array<i32>} : memref<16x128xf32, #tpu.memory_space<vmem>>, vector<16xf32>,
        %add3A_305 = arith.addf %add3A_298, %get3A_304 : vector<16xf32>
        %mul3A_306 = arith.constant 16 : i32
        %mul3A_307 = arith.muli %add3A_194, %mul3A_306 : i32
        %swap3A_308 = arith.index_cast %mul3A_307 : i32 to index
        %swap3A_309 = tpu.vector_load %arg9[%swap3A_308] {strides = array<i32>} : memref<128xf32, #tpu.memory_space<vmem>>, vector<16xf32>,
        tpu.vector_store %arg9[%swap3A_308], %add3A_305 {strides = array<i32>} : memref<128xf32, #tpu.memory_space<vmem>>, vector<16xf32>,
        %mul3A_310 = arith.constant 16 : i32
        %mul3A_311 = arith.muli %add3A_194, %mul3A_310 : i32
        %add3A_312 = arith.constant 0 : i32
        %add3A_313 = arith.addi %mul3A_311, %add3A_312 : i32
        %broadcast_in_dim3A_314 = vector.broadcast %add3A_313 : i32 to vector<16xi32>
        %gather3A = tpu.vector_load_idx %arg9[%broadcast_in_dim3A_314] : memref<128xf32, #tpu.memory_space<vmem>>[vector<16xi32>], vector<16xf32>,
        %mul3A_315 = arith.constant 16 : i32
        %mul3A_316 = arith.muli %add3A_194, %mul3A_315 : i32
        %add3A_317 = arith.constant 0 : i32
        %add3A_318 = arith.addi %mul3A_316, %add3A_317 : i32
        %swap3A_319 = arith.index_cast %add3A_318 : i32 to index
        %swap3A_320 = arith.constant 0 : index
        %swap3A_321 = tpu.vector_load %arg10[%swap3A_319, %swap3A_320] {strides = array<i32>} : memref<128x16xf32, #tpu.memory_space<vmem>>, vector<16xf32>,
        tpu.vector_store %arg10[%swap3A_319, %swap3A_320], %gather3A {strides = array<i32>} : memref<128x16xf32, #tpu.memory_space<vmem>>, vector<16xf32>,
        %mul3A_322 = arith.constant 16 : i32
        %mul3A_323 = arith.muli %add3A_194, %mul3A_322 : i32
        %add3A_324 = arith.constant 1 : i32
        %add3A_325 = arith.addi %mul3A_323, %add3A_324 : i32
        %broadcast_in_dim3A_326 = vector.broadcast %add3A_325 : i32 to vector<16xi32>
        %gather3A_327 = tpu.vector_load_idx %arg9[%broadcast_in_dim3A_326] : memref<128xf32, #tpu.memory_space<vmem>>[vector<16xi32>], vector<16xf32>,
        %mul3A_328 = arith.constant 16 : i32
        %mul3A_329 = arith.muli %add3A_194, %mul3A_328 : i32
        %add3A_330 = arith.constant 1 : i32
        %add3A_331 = arith.addi %mul3A_329, %add3A_330 : i32
        %swap3A_332 = arith.index_cast %add3A_331 : i32 to index
        %swap3A_333 = arith.constant 0 : index
        %swap3A_334 = tpu.vector_load %arg10[%swap3A_332, %swap3A_333] {strides = array<i32>} : memref<128x16xf32, #tpu.memory_space<vmem>>, vector<16xf32>,
        tpu.vector_store %arg10[%swap3A_332, %swap3A_333], %gather3A_327 {strides = array<i32>} : memref<128x16xf32, #tpu.memory_space<vmem>>, vector<16xf32>,
        %mul3A_335 = arith.constant 16 : i32
        %mul3A_336 = arith.muli %add3A_194, %mul3A_335 : i32
        %add3A_337 = arith.constant 2 : i32
        %add3A_338 = arith.addi %mul3A_336, %add3A_337 : i32
        %broadcast_in_dim3A_339 = vector.broadcast %add3A_338 : i32 to vector<16xi32>
        %gather3A_340 = tpu.vector_load_idx %arg9[%broadcast_in_dim3A_339] : memref<128xf32, #tpu.memory_space<vmem>>[vector<16xi32>], vector<16xf32>,
        %mul3A_341 = arith.constant 16 : i32
        %mul3A_342 = arith.muli %add3A_194, %mul3A_341 : i32
        %add3A_343 = arith.constant 2 : i32
        %add3A_344 = arith.addi %mul3A_342, %add3A_343 : i32
        %swap3A_345 = arith.index_cast %add3A_344 : i32 to index
        %swap3A_346 = arith.constant 0 : index
        %swap3A_347 = tpu.vector_load %arg10[%swap3A_345, %swap3A_346] {strides = array<i32>} : memref<128x16xf32, #tpu.memory_space<vmem>>, vector<16xf32>,
        tpu.vector_store %arg10[%swap3A_345, %swap3A_346], %gather3A_340 {strides = array<i32>} : memref<128x16xf32, #tpu.memory_space<vmem>>, vector<16xf32>,
        %mul3A_348 = arith.constant 16 : i32
        %mul3A_349 = arith.muli %add3A_194, %mul3A_348 : i32
        %add3A_350 = arith.constant 3 : i32
        %add3A_351 = arith.addi %mul3A_349, %add3A_350 : i32
        %broadcast_in_dim3A_352 = vector.broadcast %add3A_351 : i32 to vector<16xi32>
        %gather3A_353 = tpu.vector_load_idx %arg9[%broadcast_in_dim3A_352] : memref<128xf32, #tpu.memory_space<vmem>>[vector<16xi32>], vector<16xf32>,
        %mul3A_354 = arith.constant 16 : i32
        %mul3A_355 = arith.muli %add3A_194, %mul3A_354 : i32
        %add3A_356 = arith.constant 3 : i32
        %add3A_357 = arith.addi %mul3A_355, %add3A_356 : i32
        %swap3A_358 = arith.index_cast %add3A_357 : i32 to index
        %swap3A_359 = arith.constant 0 : index
        %swap3A_360 = tpu.vector_load %arg10[%swap3A_358, %swap3A_359] {strides = array<i32>} : memref<128x16xf32, #tpu.memory_space<vmem>>, vector<16xf32>,
        tpu.vector_store %arg10[%swap3A_358, %swap3A_359], %gather3A_353 {strides = array<i32>} : memref<128x16xf32, #tpu.memory_space<vmem>>, vector<16xf32>,
        %mul3A_361 = arith.constant 16 : i32
        %mul3A_362 = arith.muli %add3A_194, %mul3A_361 : i32
        %add3A_363 = arith.constant 4 : i32
        %add3A_364 = arith.addi %mul3A_362, %add3A_363 : i32
        %broadcast_in_dim3A_365 = vector.broadcast %add3A_364 : i32 to vector<16xi32>
        %gather3A_366 = tpu.vector_load_idx %arg9[%broadcast_in_dim3A_365] : memref<128xf32, #tpu.memory_space<vmem>>[vector<16xi32>], vector<16xf32>,
        %mul3A_367 = arith.constant 16 : i32
        %mul3A_368 = arith.muli %add3A_194, %mul3A_367 : i32
        %add3A_369 = arith.constant 4 : i32
        %add3A_370 = arith.addi %mul3A_368, %add3A_369 : i32
        %swap3A_371 = arith.index_cast %add3A_370 : i32 to index
        %swap3A_372 = arith.constant 0 : index
        %swap3A_373 = tpu.vector_load %arg10[%swap3A_371, %swap3A_372] {strides = array<i32>} : memref<128x16xf32, #tpu.memory_space<vmem>>, vector<16xf32>,
        tpu.vector_store %arg10[%swap3A_371, %swap3A_372], %gather3A_366 {strides = array<i32>} : memref<128x16xf32, #tpu.memory_space<vmem>>, vector<16xf32>,
        %mul3A_374 = arith.constant 16 : i32
        %mul3A_375 = arith.muli %add3A_194, %mul3A_374 : i32
        %add3A_376 = arith.constant 5 : i32
        %add3A_377 = arith.addi %mul3A_375, %add3A_376 : i32
        %broadcast_in_dim3A_378 = vector.broadcast %add3A_377 : i32 to vector<16xi32>
        %gather3A_379 = tpu.vector_load_idx %arg9[%broadcast_in_dim3A_378] : memref<128xf32, #tpu.memory_space<vmem>>[vector<16xi32>], vector<16xf32>,
        %mul3A_380 = arith.constant 16 : i32
        %mul3A_381 = arith.muli %add3A_194, %mul3A_380 : i32
        %add3A_382 = arith.constant 5 : i32
        %add3A_383 = arith.addi %mul3A_381, %add3A_382 : i32
        %swap3A_384 = arith.index_cast %add3A_383 : i32 to index
        %swap3A_385 = arith.constant 0 : index
        %swap3A_386 = tpu.vector_load %arg10[%swap3A_384, %swap3A_385] {strides = array<i32>} : memref<128x16xf32, #tpu.memory_space<vmem>>, vector<16xf32>,
        tpu.vector_store %arg10[%swap3A_384, %swap3A_385], %gather3A_379 {strides = array<i32>} : memref<128x16xf32, #tpu.memory_space<vmem>>, vector<16xf32>,
        %mul3A_387 = arith.constant 16 : i32
        %mul3A_388 = arith.muli %add3A_194, %mul3A_387 : i32
        %add3A_389 = arith.constant 6 : i32
        %add3A_390 = arith.addi %mul3A_388, %add3A_389 : i32
        %broadcast_in_dim3A_391 = vector.broadcast %add3A_390 : i32 to vector<16xi32>
        %gather3A_392 = tpu.vector_load_idx %arg9[%broadcast_in_dim3A_391] : memref<128xf32, #tpu.memory_space<vmem>>[vector<16xi32>], vector<16xf32>,
        %mul3A_393 = arith.constant 16 : i32
        %mul3A_394 = arith.muli %add3A_194, %mul3A_393 : i32
        %add3A_395 = arith.constant 6 : i32
        %add3A_396 = arith.addi %mul3A_394, %add3A_395 : i32
        %swap3A_397 = arith.index_cast %add3A_396 : i32 to index
        %swap3A_398 = arith.constant 0 : index
        %swap3A_399 = tpu.vector_load %arg10[%swap3A_397, %swap3A_398] {strides = array<i32>} : memref<128x16xf32, #tpu.memory_space<vmem>>, vector<16xf32>,
        tpu.vector_store %arg10[%swap3A_397, %swap3A_398], %gather3A_392 {strides = array<i32>} : memref<128x16xf32, #tpu.memory_space<vmem>>, vector<16xf32>,
        %mul3A_400 = arith.constant 16 : i32
        %mul3A_401 = arith.muli %add3A_194, %mul3A_400 : i32
        %add3A_402 = arith.constant 7 : i32
        %add3A_403 = arith.addi %mul3A_401, %add3A_402 : i32
        %broadcast_in_dim3A_404 = vector.broadcast %add3A_403 : i32 to vector<16xi32>
        %gather3A_405 = tpu.vector_load_idx %arg9[%broadcast_in_dim3A_404] : memref<128xf32, #tpu.memory_space<vmem>>[vector<16xi32>], vector<16xf32>,
        %mul3A_406 = arith.constant 16 : i32
        %mul3A_407 = arith.muli %add3A_194, %mul3A_406 : i32
        %add3A_408 = arith.constant 7 : i32
        %add3A_409 = arith.addi %mul3A_407, %add3A_408 : i32
        %swap3A_410 = arith.index_cast %add3A_409 : i32 to index
        %swap3A_411 = arith.constant 0 : index
        %swap3A_412 = tpu.vector_load %arg10[%swap3A_410, %swap3A_411] {strides = array<i32>} : memref<128x16xf32, #tpu.memory_space<vmem>>, vector<16xf32>,
        tpu.vector_store %arg10[%swap3A_410, %swap3A_411], %gather3A_405 {strides = array<i32>} : memref<128x16xf32, #tpu.memory_space<vmem>>, vector<16xf32>,
        %mul3A_413 = arith.constant 16 : i32
        %mul3A_414 = arith.muli %add3A_194, %mul3A_413 : i32
        %add3A_415 = arith.constant 8 : i32
        %add3A_416 = arith.addi %mul3A_414, %add3A_415 : i32
        %broadcast_in_dim3A_417 = vector.broadcast %add3A_416 : i32 to vector<16xi32>
        %gather3A_418 = tpu.vector_load_idx %arg9[%broadcast_in_dim3A_417] : memref<128xf32, #tpu.memory_space<vmem>>[vector<16xi32>], vector<16xf32>,
        %mul3A_419 = arith.constant 16 : i32
        %mul3A_420 = arith.muli %add3A_194, %mul3A_419 : i32
        %add3A_421 = arith.constant 8 : i32
        %add3A_422 = arith.addi %mul3A_420, %add3A_421 : i32
        %swap3A_423 = arith.index_cast %add3A_422 : i32 to index
        %swap3A_424 = arith.constant 0 : index
        %swap3A_425 = tpu.vector_load %arg10[%swap3A_423, %swap3A_424] {strides = array<i32>} : memref<128x16xf32, #tpu.memory_space<vmem>>, vector<16xf32>,
        tpu.vector_store %arg10[%swap3A_423, %swap3A_424], %gather3A_418 {strides = array<i32>} : memref<128x16xf32, #tpu.memory_space<vmem>>, vector<16xf32>,
        %mul3A_426 = arith.constant 16 : i32
        %mul3A_427 = arith.muli %add3A_194, %mul3A_426 : i32
        %add3A_428 = arith.constant 9 : i32
        %add3A_429 = arith.addi %mul3A_427, %add3A_428 : i32
        %broadcast_in_dim3A_430 = vector.broadcast %add3A_429 : i32 to vector<16xi32>
        %gather3A_431 = tpu.vector_load_idx %arg9[%broadcast_in_dim3A_430] : memref<128xf32, #tpu.memory_space<vmem>>[vector<16xi32>], vector<16xf32>,
        %mul3A_432 = arith.constant 16 : i32
        %mul3A_433 = arith.muli %add3A_194, %mul3A_432 : i32
        %add3A_434 = arith.constant 9 : i32
        %add3A_435 = arith.addi %mul3A_433, %add3A_434 : i32
        %swap3A_436 = arith.index_cast %add3A_435 : i32 to index
        %swap3A_437 = arith.constant 0 : index
        %swap3A_438 = tpu.vector_load %arg10[%swap3A_436, %swap3A_437] {strides = array<i32>} : memref<128x16xf32, #tpu.memory_space<vmem>>, vector<16xf32>,
        tpu.vector_store %arg10[%swap3A_436, %swap3A_437], %gather3A_431 {strides = array<i32>} : memref<128x16xf32, #tpu.memory_space<vmem>>, vector<16xf32>,
        %mul3A_439 = arith.constant 16 : i32
        %mul3A_440 = arith.muli %add3A_194, %mul3A_439 : i32
        %add3A_441 = arith.constant 10 : i32
        %add3A_442 = arith.addi %mul3A_440, %add3A_441 : i32
        %broadcast_in_dim3A_443 = vector.broadcast %add3A_442 : i32 to vector<16xi32>
        %gather3A_444 = tpu.vector_load_idx %arg9[%broadcast_in_dim3A_443] : memref<128xf32, #tpu.memory_space<vmem>>[vector<16xi32>], vector<16xf32>,
        %mul3A_445 = arith.constant 16 : i32
        %mul3A_446 = arith.muli %add3A_194, %mul3A_445 : i32
        %add3A_447 = arith.constant 10 : i32
        %add3A_448 = arith.addi %mul3A_446, %add3A_447 : i32
        %swap3A_449 = arith.index_cast %add3A_448 : i32 to index
        %swap3A_450 = arith.constant 0 : index
        %swap3A_451 = tpu.vector_load %arg10[%swap3A_449, %swap3A_450] {strides = array<i32>} : memref<128x16xf32, #tpu.memory_space<vmem>>, vector<16xf32>,
        tpu.vector_store %arg10[%swap3A_449, %swap3A_450], %gather3A_444 {strides = array<i32>} : memref<128x16xf32, #tpu.memory_space<vmem>>, vector<16xf32>,
        %mul3A_452 = arith.constant 16 : i32
        %mul3A_453 = arith.muli %add3A_194, %mul3A_452 : i32
        %add3A_454 = arith.constant 11 : i32
        %add3A_455 = arith.addi %mul3A_453, %add3A_454 : i32
        %broadcast_in_dim3A_456 = vector.broadcast %add3A_455 : i32 to vector<16xi32>
        %gather3A_457 = tpu.vector_load_idx %arg9[%broadcast_in_dim3A_456] : memref<128xf32, #tpu.memory_space<vmem>>[vector<16xi32>], vector<16xf32>,
        %mul3A_458 = arith.constant 16 : i32
        %mul3A_459 = arith.muli %add3A_194, %mul3A_458 : i32
        %add3A_460 = arith.constant 11 : i32
        %add3A_461 = arith.addi %mul3A_459, %add3A_460 : i32
        %swap3A_462 = arith.index_cast %add3A_461 : i32 to index
        %swap3A_463 = arith.constant 0 : index
        %swap3A_464 = tpu.vector_load %arg10[%swap3A_462, %swap3A_463] {strides = array<i32>} : memref<128x16xf32, #tpu.memory_space<vmem>>, vector<16xf32>,
        tpu.vector_store %arg10[%swap3A_462, %swap3A_463], %gather3A_457 {strides = array<i32>} : memref<128x16xf32, #tpu.memory_space<vmem>>, vector<16xf32>,
        %mul3A_465 = arith.constant 16 : i32
        %mul3A_466 = arith.muli %add3A_194, %mul3A_465 : i32
        %add3A_467 = arith.constant 12 : i32
        %add3A_468 = arith.addi %mul3A_466, %add3A_467 : i32
        %broadcast_in_dim3A_469 = vector.broadcast %add3A_468 : i32 to vector<16xi32>
        %gather3A_470 = tpu.vector_load_idx %arg9[%broadcast_in_dim3A_469] : memref<128xf32, #tpu.memory_space<vmem>>[vector<16xi32>], vector<16xf32>,
        %mul3A_471 = arith.constant 16 : i32
        %mul3A_472 = arith.muli %add3A_194, %mul3A_471 : i32
        %add3A_473 = arith.constant 12 : i32
        %add3A_474 = arith.addi %mul3A_472, %add3A_473 : i32
        %swap3A_475 = arith.index_cast %add3A_474 : i32 to index
        %swap3A_476 = arith.constant 0 : index
        %swap3A_477 = tpu.vector_load %arg10[%swap3A_475, %swap3A_476] {strides = array<i32>} : memref<128x16xf32, #tpu.memory_space<vmem>>, vector<16xf32>,
        tpu.vector_store %arg10[%swap3A_475, %swap3A_476], %gather3A_470 {strides = array<i32>} : memref<128x16xf32, #tpu.memory_space<vmem>>, vector<16xf32>,
        %mul3A_478 = arith.constant 16 : i32
        %mul3A_479 = arith.muli %add3A_194, %mul3A_478 : i32
        %add3A_480 = arith.constant 13 : i32
        %add3A_481 = arith.addi %mul3A_479, %add3A_480 : i32
        %broadcast_in_dim3A_482 = vector.broadcast %add3A_481 : i32 to vector<16xi32>
        %gather3A_483 = tpu.vector_load_idx %arg9[%broadcast_in_dim3A_482] : memref<128xf32, #tpu.memory_space<vmem>>[vector<16xi32>], vector<16xf32>,
        %mul3A_484 = arith.constant 16 : i32
        %mul3A_485 = arith.muli %add3A_194, %mul3A_484 : i32
        %add3A_486 = arith.constant 13 : i32
        %add3A_487 = arith.addi %mul3A_485, %add3A_486 : i32
        %swap3A_488 = arith.index_cast %add3A_487 : i32 to index
        %swap3A_489 = arith.constant 0 : index
        %swap3A_490 = tpu.vector_load %arg10[%swap3A_488, %swap3A_489] {strides = array<i32>} : memref<128x16xf32, #tpu.memory_space<vmem>>, vector<16xf32>,
        tpu.vector_store %arg10[%swap3A_488, %swap3A_489], %gather3A_483 {strides = array<i32>} : memref<128x16xf32, #tpu.memory_space<vmem>>, vector<16xf32>,
        %mul3A_491 = arith.constant 16 : i32
        %mul3A_492 = arith.muli %add3A_194, %mul3A_491 : i32
        %add3A_493 = arith.constant 14 : i32
        %add3A_494 = arith.addi %mul3A_492, %add3A_493 : i32
        %broadcast_in_dim3A_495 = vector.broadcast %add3A_494 : i32 to vector<16xi32>
        %gather3A_496 = tpu.vector_load_idx %arg9[%broadcast_in_dim3A_495] : memref<128xf32, #tpu.memory_space<vmem>>[vector<16xi32>], vector<16xf32>,
        %mul3A_497 = arith.constant 16 : i32
        %mul3A_498 = arith.muli %add3A_194, %mul3A_497 : i32
        %add3A_499 = arith.constant 14 : i32
        %add3A_500 = arith.addi %mul3A_498, %add3A_499 : i32
        %swap3A_501 = arith.index_cast %add3A_500 : i32 to index
        %swap3A_502 = arith.constant 0 : index
        %swap3A_503 = tpu.vector_load %arg10[%swap3A_501, %swap3A_502] {strides = array<i32>} : memref<128x16xf32, #tpu.memory_space<vmem>>, vector<16xf32>,
        tpu.vector_store %arg10[%swap3A_501, %swap3A_502], %gather3A_496 {strides = array<i32>} : memref<128x16xf32, #tpu.memory_space<vmem>>, vector<16xf32>,
        %mul3A_504 = arith.constant 16 : i32
        %mul3A_505 = arith.muli %add3A_194, %mul3A_504 : i32
        %add3A_506 = arith.constant 15 : i32
        %add3A_507 = arith.addi %mul3A_505, %add3A_506 : i32
        %broadcast_in_dim3A_508 = vector.broadcast %add3A_507 : i32 to vector<16xi32>
        %gather3A_509 = tpu.vector_load_idx %arg9[%broadcast_in_dim3A_508] : memref<128xf32, #tpu.memory_space<vmem>>[vector<16xi32>], vector<16xf32>,
        %mul3A_510 = arith.constant 16 : i32
        %mul3A_511 = arith.muli %add3A_194, %mul3A_510 : i32
        %add3A_512 = arith.constant 15 : i32
        %add3A_513 = arith.addi %mul3A_511, %add3A_512 : i32
        %swap3A_514 = arith.index_cast %add3A_513 : i32 to index
        %swap3A_515 = arith.constant 0 : index
        %swap3A_516 = tpu.vector_load %arg10[%swap3A_514, %swap3A_515] {strides = array<i32>} : memref<128x16xf32, #tpu.memory_space<vmem>>, vector<16xf32>,
        tpu.vector_store %arg10[%swap3A_514, %swap3A_515], %gather3A_509 {strides = array<i32>} : memref<128x16xf32, #tpu.memory_space<vmem>>, vector<16xf32>,
        %scan3A_517 = arith.constant 1 : i32
        %scan3A_518 = arith.addi %scan3A_190, %scan3A_517 : i32
        %mul3A_519 = arith.constant 1 : i32
        %mul3A_520 = arith.muli %scan3A_518, %mul3A_519 : i32
        %add3A_521 = arith.constant 0 : i32
        %add3A_522 = arith.addi %add3A_521, %mul3A_520 : i32
        %mul3A_523 = arith.constant 16 : i32
        %mul3A_524 = arith.muli %add3A_522, %mul3A_523 : i32
        %get3A_525 = arith.constant 0 : i32
        %get3A_526 = arith.index_cast %get3A_525 : i32 to index
        %get3A_527 = arith.index_cast %mul3A_524 : i32 to index
        %get3A_528 = tpu.vector_load %arg8[%get3A_526, %get3A_527] {strides = array<i32>} : memref<16x128xf32, #tpu.memory_space<vmem>>, vector<16xf32>,
        %mul3A_529 = arith.constant 16 : i32
        %mul3A_530 = arith.muli %add3A_522, %mul3A_529 : i32
        %get3A_531 = arith.constant 1 : i32
        %get3A_532 = arith.index_cast %get3A_531 : i32 to index
        %get3A_533 = arith.index_cast %mul3A_530 : i32 to index
        %get3A_534 = tpu.vector_load %arg8[%get3A_532, %get3A_533] {strides = array<i32>} : memref<16x128xf32, #tpu.memory_space<vmem>>, vector<16xf32>,
        %add3A_535 = arith.addf %get3A_528, %get3A_534 : vector<16xf32>
        %mul3A_536 = arith.constant 16 : i32
        %mul3A_537 = arith.muli %add3A_522, %mul3A_536 : i32
        %get3A_538 = arith.constant 2 : i32
        %get3A_539 = arith.index_cast %get3A_538 : i32 to index
        %get3A_540 = arith.index_cast %mul3A_537 : i32 to index
        %get3A_541 = tpu.vector_load %arg8[%get3A_539, %get3A_540] {strides = array<i32>} : memref<16x128xf32, #tpu.memory_space<vmem>>, vector<16xf32>,
        %add3A_542 = arith.addf %add3A_535, %get3A_541 : vector<16xf32>
        %mul3A_543 = arith.constant 16 : i32
        %mul3A_544 = arith.muli %add3A_522, %mul3A_543 : i32
        %get3A_545 = arith.constant 3 : i32
        %get3A_546 = arith.index_cast %get3A_545 : i32 to index
        %get3A_547 = arith.index_cast %mul3A_544 : i32 to index
        %get3A_548 = tpu.vector_load %arg8[%get3A_546, %get3A_547] {strides = array<i32>} : memref<16x128xf32, #tpu.memory_space<vmem>>, vector<16xf32>,
        %add3A_549 = arith.addf %add3A_542, %get3A_548 : vector<16xf32>
        %mul3A_550 = arith.constant 16 : i32
        %mul3A_551 = arith.muli %add3A_522, %mul3A_550 : i32
        %get3A_552 = arith.constant 4 : i32
        %get3A_553 = arith.index_cast %get3A_552 : i32 to index
        %get3A_554 = arith.index_cast %mul3A_551 : i32 to index
        %get3A_555 = tpu.vector_load %arg8[%get3A_553, %get3A_554] {strides = array<i32>} : memref<16x128xf32, #tpu.memory_space<vmem>>, vector<16xf32>,
        %add3A_556 = arith.addf %add3A_549, %get3A_555 : vector<16xf32>
        %mul3A_557 = arith.constant 16 : i32
        %mul3A_558 = arith.muli %add3A_522, %mul3A_557 : i32
        %get3A_559 = arith.constant 5 : i32
        %get3A_560 = arith.index_cast %get3A_559 : i32 to index
        %get3A_561 = arith.index_cast %mul3A_558 : i32 to index
        %get3A_562 = tpu.vector_load %arg8[%get3A_560, %get3A_561] {strides = array<i32>} : memref<16x128xf32, #tpu.memory_space<vmem>>, vector<16xf32>,
        %add3A_563 = arith.addf %add3A_556, %get3A_562 : vector<16xf32>
        %mul3A_564 = arith.constant 16 : i32
        %mul3A_565 = arith.muli %add3A_522, %mul3A_564 : i32
        %get3A_566 = arith.constant 6 : i32
        %get3A_567 = arith.index_cast %get3A_566 : i32 to index
        %get3A_568 = arith.index_cast %mul3A_565 : i32 to index
        %get3A_569 = tpu.vector_load %arg8[%get3A_567, %get3A_568] {strides = array<i32>} : memref<16x128xf32, #tpu.memory_space<vmem>>, vector<16xf32>,
        %add3A_570 = arith.addf %add3A_563, %get3A_569 : vector<16xf32>
        %mul3A_571 = arith.constant 16 : i32
        %mul3A_572 = arith.muli %add3A_522, %mul3A_571 : i32
        %get3A_573 = arith.constant 7 : i32
        %get3A_574 = arith.index_cast %get3A_573 : i32 to index
        %get3A_575 = arith.index_cast %mul3A_572 : i32 to index
        %get3A_576 = tpu.vector_load %arg8[%get3A_574, %get3A_575] {strides = array<i32>} : memref<16x128xf32, #tpu.memory_space<vmem>>, vector<16xf32>,
        %add3A_577 = arith.addf %add3A_570, %get3A_576 : vector<16xf32>
        %mul3A_578 = arith.constant 16 : i32
        %mul3A_579 = arith.muli %add3A_522, %mul3A_578 : i32
        %get3A_580 = arith.constant 8 : i32
        %get3A_581 = arith.index_cast %get3A_580 : i32 to index
        %get3A_582 = arith.index_cast %mul3A_579 : i32 to index
        %get3A_583 = tpu.vector_load %arg8[%get3A_581, %get3A_582] {strides = array<i32>} : memref<16x128xf32, #tpu.memory_space<vmem>>, vector<16xf32>,
        %add3A_584 = arith.addf %add3A_577, %get3A_583 : vector<16xf32>
        %mul3A_585 = arith.constant 16 : i32
        %mul3A_586 = arith.muli %add3A_522, %mul3A_585 : i32
        %get3A_587 = arith.constant 9 : i32
        %get3A_588 = arith.index_cast %get3A_587 : i32 to index
        %get3A_589 = arith.index_cast %mul3A_586 : i32 to index
        %get3A_590 = tpu.vector_load %arg8[%get3A_588, %get3A_589] {strides = array<i32>} : memref<16x128xf32, #tpu.memory_space<vmem>>, vector<16xf32>,
        %add3A_591 = arith.addf %add3A_584, %get3A_590 : vector<16xf32>
        %mul3A_592 = arith.constant 16 : i32
        %mul3A_593 = arith.muli %add3A_522, %mul3A_592 : i32
        %get3A_594 = arith.constant 10 : i32
        %get3A_595 = arith.index_cast %get3A_594 : i32 to index
        %get3A_596 = arith.index_cast %mul3A_593 : i32 to index
        %get3A_597 = tpu.vector_load %arg8[%get3A_595, %get3A_596] {strides = array<i32>} : memref<16x128xf32, #tpu.memory_space<vmem>>, vector<16xf32>,
        %add3A_598 = arith.addf %add3A_591, %get3A_597 : vector<16xf32>
        %mul3A_599 = arith.constant 16 : i32
        %mul3A_600 = arith.muli %add3A_522, %mul3A_599 : i32
        %get3A_601 = arith.constant 11 : i32
        %get3A_602 = arith.index_cast %get3A_601 : i32 to index
        %get3A_603 = arith.index_cast %mul3A_600 : i32 to index
        %get3A_604 = tpu.vector_load %arg8[%get3A_602, %get3A_603] {strides = array<i32>} : memref<16x128xf32, #tpu.memory_space<vmem>>, vector<16xf32>,
        %add3A_605 = arith.addf %add3A_598, %get3A_604 : vector<16xf32>
        %mul3A_606 = arith.constant 16 : i32
        %mul3A_607 = arith.muli %add3A_522, %mul3A_606 : i32
        %get3A_608 = arith.constant 12 : i32
        %get3A_609 = arith.index_cast %get3A_608 : i32 to index
        %get3A_610 = arith.index_cast %mul3A_607 : i32 to index
        %get3A_611 = tpu.vector_load %arg8[%get3A_609, %get3A_610] {strides = array<i32>} : memref<16x128xf32, #tpu.memory_space<vmem>>, vector<16xf32>,
        %add3A_612 = arith.addf %add3A_605, %get3A_611 : vector<16xf32>
        %mul3A_613 = arith.constant 16 : i32
        %mul3A_614 = arith.muli %add3A_522, %mul3A_613 : i32
        %get3A_615 = arith.constant 13 : i32
        %get3A_616 = arith.index_cast %get3A_615 : i32 to index
        %get3A_617 = arith.index_cast %mul3A_614 : i32 to index
        %get3A_618 = tpu.vector_load %arg8[%get3A_616, %get3A_617] {strides = array<i32>} : memref<16x128xf32, #tpu.memory_space<vmem>>, vector<16xf32>,
        %add3A_619 = arith.addf %add3A_612, %get3A_618 : vector<16xf32>
        %mul3A_620 = arith.constant 16 : i32
        %mul3A_621 = arith.muli %add3A_522, %mul3A_620 : i32
        %get3A_622 = arith.constant 14 : i32
        %get3A_623 = arith.index_cast %get3A_622 : i32 to index
        %get3A_624 = arith.index_cast %mul3A_621 : i32 to index
        %get3A_625 = tpu.vector_load %arg8[%get3A_623, %get3A_624] {strides = array<i32>} : memref<16x128xf32, #tpu.memory_space<vmem>>, vector<16xf32>,
        %add3A_626 = arith.addf %add3A_619, %get3A_625 : vector<16xf32>
        %mul3A_627 = arith.constant 16 : i32
        %mul3A_628 = arith.muli %add3A_522, %mul3A_627 : i32
        %get3A_629 = arith.constant 15 : i32
        %get3A_630 = arith.index_cast %get3A_629 : i32 to index
        %get3A_631 = arith.index_cast %mul3A_628 : i32 to index
        %get3A_632 = tpu.vector_load %arg8[%get3A_630, %get3A_631] {strides = array<i32>} : memref<16x128xf32, #tpu.memory_space<vmem>>, vector<16xf32>,
        %add3A_633 = arith.addf %add3A_626, %get3A_632 : vector<16xf32>
        %mul3A_634 = arith.constant 16 : i32
        %mul3A_635 = arith.muli %add3A_522, %mul3A_634 : i32
        %swap3A_636 = arith.index_cast %mul3A_635 : i32 to index
        %swap3A_637 = tpu.vector_load %arg9[%swap3A_636] {strides = array<i32>} : memref<128xf32, #tpu.memory_space<vmem>>, vector<16xf32>,
        tpu.vector_store %arg9[%swap3A_636], %add3A_633 {strides = array<i32>} : memref<128xf32, #tpu.memory_space<vmem>>, vector<16xf32>,
        %mul3A_638 = arith.constant 16 : i32
        %mul3A_639 = arith.muli %add3A_522, %mul3A_638 : i32
        %add3A_640 = arith.constant 0 : i32
        %add3A_641 = arith.addi %mul3A_639, %add3A_640 : i32
        %broadcast_in_dim3A_642 = vector.broadcast %add3A_641 : i32 to vector<16xi32>
        %gather3A_643 = tpu.vector_load_idx %arg9[%broadcast_in_dim3A_642] : memref<128xf32, #tpu.memory_space<vmem>>[vector<16xi32>], vector<16xf32>,
        %mul3A_644 = arith.constant 16 : i32
        %mul3A_645 = arith.muli %add3A_522, %mul3A_644 : i32
        %add3A_646 = arith.constant 0 : i32
        %add3A_647 = arith.addi %mul3A_645, %add3A_646 : i32
        %swap3A_648 = arith.index_cast %add3A_647 : i32 to index
        %swap3A_649 = arith.constant 0 : index
        %swap3A_650 = tpu.vector_load %arg10[%swap3A_648, %swap3A_649] {strides = array<i32>} : memref<128x16xf32, #tpu.memory_space<vmem>>, vector<16xf32>,
        tpu.vector_store %arg10[%swap3A_648, %swap3A_649], %gather3A_643 {strides = array<i32>} : memref<128x16xf32, #tpu.memory_space<vmem>>, vector<16xf32>,
        %mul3A_651 = arith.constant 16 : i32
        %mul3A_652 = arith.muli %add3A_522, %mul3A_651 : i32
        %add3A_653 = arith.constant 1 : i32
        %add3A_654 = arith.addi %mul3A_652, %add3A_653 : i32
        %broadcast_in_dim3A_655 = vector.broadcast %add3A_654 : i32 to vector<16xi32>
        %gather3A_656 = tpu.vector_load_idx %arg9[%broadcast_in_dim3A_655] : memref<128xf32, #tpu.memory_space<vmem>>[vector<16xi32>], vector<16xf32>,
        %mul3A_657 = arith.constant 16 : i32
        %mul3A_658 = arith.muli %add3A_522, %mul3A_657 : i32
        %add3A_659 = arith.constant 1 : i32
        %add3A_660 = arith.addi %mul3A_658, %add3A_659 : i32
        %swap3A_661 = arith.index_cast %add3A_660 : i32 to index
        %swap3A_662 = arith.constant 0 : index
        %swap3A_663 = tpu.vector_load %arg10[%swap3A_661, %swap3A_662] {strides = array<i32>} : memref<128x16xf32, #tpu.memory_space<vmem>>, vector<16xf32>,
        tpu.vector_store %arg10[%swap3A_661, %swap3A_662], %gather3A_656 {strides = array<i32>} : memref<128x16xf32, #tpu.memory_space<vmem>>, vector<16xf32>,
        %mul3A_664 = arith.constant 16 : i32
        %mul3A_665 = arith.muli %add3A_522, %mul3A_664 : i32
        %add3A_666 = arith.constant 2 : i32
        %add3A_667 = arith.addi %mul3A_665, %add3A_666 : i32
        %broadcast_in_dim3A_668 = vector.broadcast %add3A_667 : i32 to vector<16xi32>
        %gather3A_669 = tpu.vector_load_idx %arg9[%broadcast_in_dim3A_668] : memref<128xf32, #tpu.memory_space<vmem>>[vector<16xi32>], vector<16xf32>,
        %mul3A_670 = arith.constant 16 : i32
        %mul3A_671 = arith.muli %add3A_522, %mul3A_670 : i32
        %add3A_672 = arith.constant 2 : i32
        %add3A_673 = arith.addi %mul3A_671, %add3A_672 : i32
        %swap3A_674 = arith.index_cast %add3A_673 : i32 to index
        %swap3A_675 = arith.constant 0 : index
        %swap3A_676 = tpu.vector_load %arg10[%swap3A_674, %swap3A_675] {strides = array<i32>} : memref<128x16xf32, #tpu.memory_space<vmem>>, vector<16xf32>,
        tpu.vector_store %arg10[%swap3A_674, %swap3A_675], %gather3A_669 {strides = array<i32>} : memref<128x16xf32, #tpu.memory_space<vmem>>, vector<16xf32>,
        %mul3A_677 = arith.constant 16 : i32
        %mul3A_678 = arith.muli %add3A_522, %mul3A_677 : i32
        %add3A_679 = arith.constant 3 : i32
        %add3A_680 = arith.addi %mul3A_678, %add3A_679 : i32
        %broadcast_in_dim3A_681 = vector.broadcast %add3A_680 : i32 to vector<16xi32>
        %gather3A_682 = tpu.vector_load_idx %arg9[%broadcast_in_dim3A_681] : memref<128xf32, #tpu.memory_space<vmem>>[vector<16xi32>], vector<16xf32>,
        %mul3A_683 = arith.constant 16 : i32
        %mul3A_684 = arith.muli %add3A_522, %mul3A_683 : i32
        %add3A_685 = arith.constant 3 : i32
        %add3A_686 = arith.addi %mul3A_684, %add3A_685 : i32
        %swap3A_687 = arith.index_cast %add3A_686 : i32 to index
        %swap3A_688 = arith.constant 0 : index
        %swap3A_689 = tpu.vector_load %arg10[%swap3A_687, %swap3A_688] {strides = array<i32>} : memref<128x16xf32, #tpu.memory_space<vmem>>, vector<16xf32>,
        tpu.vector_store %arg10[%swap3A_687, %swap3A_688], %gather3A_682 {strides = array<i32>} : memref<128x16xf32, #tpu.memory_space<vmem>>, vector<16xf32>,
        %mul3A_690 = arith.constant 16 : i32
        %mul3A_691 = arith.muli %add3A_522, %mul3A_690 : i32
        %add3A_692 = arith.constant 4 : i32
        %add3A_693 = arith.addi %mul3A_691, %add3A_692 : i32
        %broadcast_in_dim3A_694 = vector.broadcast %add3A_693 : i32 to vector<16xi32>
        %gather3A_695 = tpu.vector_load_idx %arg9[%broadcast_in_dim3A_694] : memref<128xf32, #tpu.memory_space<vmem>>[vector<16xi32>], vector<16xf32>,
        %mul3A_696 = arith.constant 16 : i32
        %mul3A_697 = arith.muli %add3A_522, %mul3A_696 : i32
        %add3A_698 = arith.constant 4 : i32
        %add3A_699 = arith.addi %mul3A_697, %add3A_698 : i32
        %swap3A_700 = arith.index_cast %add3A_699 : i32 to index
        %swap3A_701 = arith.constant 0 : index
        %swap3A_702 = tpu.vector_load %arg10[%swap3A_700, %swap3A_701] {strides = array<i32>} : memref<128x16xf32, #tpu.memory_space<vmem>>, vector<16xf32>,
        tpu.vector_store %arg10[%swap3A_700, %swap3A_701], %gather3A_695 {strides = array<i32>} : memref<128x16xf32, #tpu.memory_space<vmem>>, vector<16xf32>,
        %mul3A_703 = arith.constant 16 : i32
        %mul3A_704 = arith.muli %add3A_522, %mul3A_703 : i32
        %add3A_705 = arith.constant 5 : i32
        %add3A_706 = arith.addi %mul3A_704, %add3A_705 : i32
        %broadcast_in_dim3A_707 = vector.broadcast %add3A_706 : i32 to vector<16xi32>
        %gather3A_708 = tpu.vector_load_idx %arg9[%broadcast_in_dim3A_707] : memref<128xf32, #tpu.memory_space<vmem>>[vector<16xi32>], vector<16xf32>,
        %mul3A_709 = arith.constant 16 : i32
        %mul3A_710 = arith.muli %add3A_522, %mul3A_709 : i32
        %add3A_711 = arith.constant 5 : i32
        %add3A_712 = arith.addi %mul3A_710, %add3A_711 : i32
        %swap3A_713 = arith.index_cast %add3A_712 : i32 to index
        %swap3A_714 = arith.constant 0 : index
        %swap3A_715 = tpu.vector_load %arg10[%swap3A_713, %swap3A_714] {strides = array<i32>} : memref<128x16xf32, #tpu.memory_space<vmem>>, vector<16xf32>,
        tpu.vector_store %arg10[%swap3A_713, %swap3A_714], %gather3A_708 {strides = array<i32>} : memref<128x16xf32, #tpu.memory_space<vmem>>, vector<16xf32>,
        %mul3A_716 = arith.constant 16 : i32
        %mul3A_717 = arith.muli %add3A_522, %mul3A_716 : i32
        %add3A_718 = arith.constant 6 : i32
        %add3A_719 = arith.addi %mul3A_717, %add3A_718 : i32
        %broadcast_in_dim3A_720 = vector.broadcast %add3A_719 : i32 to vector<16xi32>
        %gather3A_721 = tpu.vector_load_idx %arg9[%broadcast_in_dim3A_720] : memref<128xf32, #tpu.memory_space<vmem>>[vector<16xi32>], vector<16xf32>,
        %mul3A_722 = arith.constant 16 : i32
        %mul3A_723 = arith.muli %add3A_522, %mul3A_722 : i32
        %add3A_724 = arith.constant 6 : i32
        %add3A_725 = arith.addi %mul3A_723, %add3A_724 : i32
        %swap3A_726 = arith.index_cast %add3A_725 : i32 to index
        %swap3A_727 = arith.constant 0 : index
        %swap3A_728 = tpu.vector_load %arg10[%swap3A_726, %swap3A_727] {strides = array<i32>} : memref<128x16xf32, #tpu.memory_space<vmem>>, vector<16xf32>,
        tpu.vector_store %arg10[%swap3A_726, %swap3A_727], %gather3A_721 {strides = array<i32>} : memref<128x16xf32, #tpu.memory_space<vmem>>, vector<16xf32>,
        %mul3A_729 = arith.constant 16 : i32
        %mul3A_730 = arith.muli %add3A_522, %mul3A_729 : i32
        %add3A_731 = arith.constant 7 : i32
        %add3A_732 = arith.addi %mul3A_730, %add3A_731 : i32
        %broadcast_in_dim3A_733 = vector.broadcast %add3A_732 : i32 to vector<16xi32>
        %gather3A_734 = tpu.vector_load_idx %arg9[%broadcast_in_dim3A_733] : memref<128xf32, #tpu.memory_space<vmem>>[vector<16xi32>], vector<16xf32>,
        %mul3A_735 = arith.constant 16 : i32
        %mul3A_736 = arith.muli %add3A_522, %mul3A_735 : i32
        %add3A_737 = arith.constant 7 : i32
        %add3A_738 = arith.addi %mul3A_736, %add3A_737 : i32
        %swap3A_739 = arith.index_cast %add3A_738 : i32 to index
        %swap3A_740 = arith.constant 0 : index
        %swap3A_741 = tpu.vector_load %arg10[%swap3A_739, %swap3A_740] {strides = array<i32>} : memref<128x16xf32, #tpu.memory_space<vmem>>, vector<16xf32>,
        tpu.vector_store %arg10[%swap3A_739, %swap3A_740], %gather3A_734 {strides = array<i32>} : memref<128x16xf32, #tpu.memory_space<vmem>>, vector<16xf32>,
        %mul3A_742 = arith.constant 16 : i32
        %mul3A_743 = arith.muli %add3A_522, %mul3A_742 : i32
        %add3A_744 = arith.constant 8 : i32
        %add3A_745 = arith.addi %mul3A_743, %add3A_744 : i32
        %broadcast_in_dim3A_746 = vector.broadcast %add3A_745 : i32 to vector<16xi32>
        %gather3A_747 = tpu.vector_load_idx %arg9[%broadcast_in_dim3A_746] : memref<128xf32, #tpu.memory_space<vmem>>[vector<16xi32>], vector<16xf32>,
        %mul3A_748 = arith.constant 16 : i32
        %mul3A_749 = arith.muli %add3A_522, %mul3A_748 : i32
        %add3A_750 = arith.constant 8 : i32
        %add3A_751 = arith.addi %mul3A_749, %add3A_750 : i32
        %swap3A_752 = arith.index_cast %add3A_751 : i32 to index
        %swap3A_753 = arith.constant 0 : index
        %swap3A_754 = tpu.vector_load %arg10[%swap3A_752, %swap3A_753] {strides = array<i32>} : memref<128x16xf32, #tpu.memory_space<vmem>>, vector<16xf32>,
        tpu.vector_store %arg10[%swap3A_752, %swap3A_753], %gather3A_747 {strides = array<i32>} : memref<128x16xf32, #tpu.memory_space<vmem>>, vector<16xf32>,
        %mul3A_755 = arith.constant 16 : i32
        %mul3A_756 = arith.muli %add3A_522, %mul3A_755 : i32
        %add3A_757 = arith.constant 9 : i32
        %add3A_758 = arith.addi %mul3A_756, %add3A_757 : i32
        %broadcast_in_dim3A_759 = vector.broadcast %add3A_758 : i32 to vector<16xi32>
        %gather3A_760 = tpu.vector_load_idx %arg9[%broadcast_in_dim3A_759] : memref<128xf32, #tpu.memory_space<vmem>>[vector<16xi32>], vector<16xf32>,
        %mul3A_761 = arith.constant 16 : i32
        %mul3A_762 = arith.muli %add3A_522, %mul3A_761 : i32
        %add3A_763 = arith.constant 9 : i32
        %add3A_764 = arith.addi %mul3A_762, %add3A_763 : i32
        %swap3A_765 = arith.index_cast %add3A_764 : i32 to index
        %swap3A_766 = arith.constant 0 : index
        %swap3A_767 = tpu.vector_load %arg10[%swap3A_765, %swap3A_766] {strides = array<i32>} : memref<128x16xf32, #tpu.memory_space<vmem>>, vector<16xf32>,
        tpu.vector_store %arg10[%swap3A_765, %swap3A_766], %gather3A_760 {strides = array<i32>} : memref<128x16xf32, #tpu.memory_space<vmem>>, vector<16xf32>,
        %mul3A_768 = arith.constant 16 : i32
        %mul3A_769 = arith.muli %add3A_522, %mul3A_768 : i32
        %add3A_770 = arith.constant 10 : i32
        %add3A_771 = arith.addi %mul3A_769, %add3A_770 : i32
        %broadcast_in_dim3A_772 = vector.broadcast %add3A_771 : i32 to vector<16xi32>
        %gather3A_773 = tpu.vector_load_idx %arg9[%broadcast_in_dim3A_772] : memref<128xf32, #tpu.memory_space<vmem>>[vector<16xi32>], vector<16xf32>,
        %mul3A_774 = arith.constant 16 : i32
        %mul3A_775 = arith.muli %add3A_522, %mul3A_774 : i32
        %add3A_776 = arith.constant 10 : i32
        %add3A_777 = arith.addi %mul3A_775, %add3A_776 : i32
        %swap3A_778 = arith.index_cast %add3A_777 : i32 to index
        %swap3A_779 = arith.constant 0 : index
        %swap3A_780 = tpu.vector_load %arg10[%swap3A_778, %swap3A_779] {strides = array<i32>} : memref<128x16xf32, #tpu.memory_space<vmem>>, vector<16xf32>,
        tpu.vector_store %arg10[%swap3A_778, %swap3A_779], %gather3A_773 {strides = array<i32>} : memref<128x16xf32, #tpu.memory_space<vmem>>, vector<16xf32>,
        %mul3A_781 = arith.constant 16 : i32
        %mul3A_782 = arith.muli %add3A_522, %mul3A_781 : i32
        %add3A_783 = arith.constant 11 : i32
        %add3A_784 = arith.addi %mul3A_782, %add3A_783 : i32
        %broadcast_in_dim3A_785 = vector.broadcast %add3A_784 : i32 to vector<16xi32>
        %gather3A_786 = tpu.vector_load_idx %arg9[%broadcast_in_dim3A_785] : memref<128xf32, #tpu.memory_space<vmem>>[vector<16xi32>], vector<16xf32>,
        %mul3A_787 = arith.constant 16 : i32
        %mul3A_788 = arith.muli %add3A_522, %mul3A_787 : i32
        %add3A_789 = arith.constant 11 : i32
        %add3A_790 = arith.addi %mul3A_788, %add3A_789 : i32
        %swap3A_791 = arith.index_cast %add3A_790 : i32 to index
        %swap3A_792 = arith.constant 0 : index
        %swap3A_793 = tpu.vector_load %arg10[%swap3A_791, %swap3A_792] {strides = array<i32>} : memref<128x16xf32, #tpu.memory_space<vmem>>, vector<16xf32>,
        tpu.vector_store %arg10[%swap3A_791, %swap3A_792], %gather3A_786 {strides = array<i32>} : memref<128x16xf32, #tpu.memory_space<vmem>>, vector<16xf32>,
        %mul3A_794 = arith.constant 16 : i32
        %mul3A_795 = arith.muli %add3A_522, %mul3A_794 : i32
        %add3A_796 = arith.constant 12 : i32
        %add3A_797 = arith.addi %mul3A_795, %add3A_796 : i32
        %broadcast_in_dim3A_798 = vector.broadcast %add3A_797 : i32 to vector<16xi32>
        %gather3A_799 = tpu.vector_load_idx %arg9[%broadcast_in_dim3A_798] : memref<128xf32, #tpu.memory_space<vmem>>[vector<16xi32>], vector<16xf32>,
        %mul3A_800 = arith.constant 16 : i32
        %mul3A_801 = arith.muli %add3A_522, %mul3A_800 : i32
        %add3A_802 = arith.constant 12 : i32
        %add3A_803 = arith.addi %mul3A_801, %add3A_802 : i32
        %swap3A_804 = arith.index_cast %add3A_803 : i32 to index
        %swap3A_805 = arith.constant 0 : index
        %swap3A_806 = tpu.vector_load %arg10[%swap3A_804, %swap3A_805] {strides = array<i32>} : memref<128x16xf32, #tpu.memory_space<vmem>>, vector<16xf32>,
        tpu.vector_store %arg10[%swap3A_804, %swap3A_805], %gather3A_799 {strides = array<i32>} : memref<128x16xf32, #tpu.memory_space<vmem>>, vector<16xf32>,
        %mul3A_807 = arith.constant 16 : i32
        %mul3A_808 = arith.muli %add3A_522, %mul3A_807 : i32
        %add3A_809 = arith.constant 13 : i32
        %add3A_810 = arith.addi %mul3A_808, %add3A_809 : i32
        %broadcast_in_dim3A_811 = vector.broadcast %add3A_810 : i32 to vector<16xi32>
        %gather3A_812 = tpu.vector_load_idx %arg9[%broadcast_in_dim3A_811] : memref<128xf32, #tpu.memory_space<vmem>>[vector<16xi32>], vector<16xf32>,
        %mul3A_813 = arith.constant 16 : i32
        %mul3A_814 = arith.muli %add3A_522, %mul3A_813 : i32
        %add3A_815 = arith.constant 13 : i32
        %add3A_816 = arith.addi %mul3A_814, %add3A_815 : i32
        %swap3A_817 = arith.index_cast %add3A_816 : i32 to index
        %swap3A_818 = arith.constant 0 : index
        %swap3A_819 = tpu.vector_load %arg10[%swap3A_817, %swap3A_818] {strides = array<i32>} : memref<128x16xf32, #tpu.memory_space<vmem>>, vector<16xf32>,
        tpu.vector_store %arg10[%swap3A_817, %swap3A_818], %gather3A_812 {strides = array<i32>} : memref<128x16xf32, #tpu.memory_space<vmem>>, vector<16xf32>,
        %mul3A_820 = arith.constant 16 : i32
        %mul3A_821 = arith.muli %add3A_522, %mul3A_820 : i32
        %add3A_822 = arith.constant 14 : i32
        %add3A_823 = arith.addi %mul3A_821, %add3A_822 : i32
        %broadcast_in_dim3A_824 = vector.broadcast %add3A_823 : i32 to vector<16xi32>
        %gather3A_825 = tpu.vector_load_idx %arg9[%broadcast_in_dim3A_824] : memref<128xf32, #tpu.memory_space<vmem>>[vector<16xi32>], vector<16xf32>,
        %mul3A_826 = arith.constant 16 : i32
        %mul3A_827 = arith.muli %add3A_522, %mul3A_826 : i32
        %add3A_828 = arith.constant 14 : i32
        %add3A_829 = arith.addi %mul3A_827, %add3A_828 : i32
        %swap3A_830 = arith.index_cast %add3A_829 : i32 to index
        %swap3A_831 = arith.constant 0 : index
        %swap3A_832 = tpu.vector_load %arg10[%swap3A_830, %swap3A_831] {strides = array<i32>} : memref<128x16xf32, #tpu.memory_space<vmem>>, vector<16xf32>,
        tpu.vector_store %arg10[%swap3A_830, %swap3A_831], %gather3A_825 {strides = array<i32>} : memref<128x16xf32, #tpu.memory_space<vmem>>, vector<16xf32>,
        %mul3A_833 = arith.constant 16 : i32
        %mul3A_834 = arith.muli %add3A_522, %mul3A_833 : i32
        %add3A_835 = arith.constant 15 : i32
        %add3A_836 = arith.addi %mul3A_834, %add3A_835 : i32
        %broadcast_in_dim3A_837 = vector.broadcast %add3A_836 : i32 to vector<16xi32>
        %gather3A_838 = tpu.vector_load_idx %arg9[%broadcast_in_dim3A_837] : memref<128xf32, #tpu.memory_space<vmem>>[vector<16xi32>], vector<16xf32>,
        %mul3A_839 = arith.constant 16 : i32
        %mul3A_840 = arith.muli %add3A_522, %mul3A_839 : i32
        %add3A_841 = arith.constant 15 : i32
        %add3A_842 = arith.addi %mul3A_840, %add3A_841 : i32
        %swap3A_843 = arith.index_cast %add3A_842 : i32 to index
        %swap3A_844 = arith.constant 0 : index
        %swap3A_845 = tpu.vector_load %arg10[%swap3A_843, %swap3A_844] {strides = array<i32>} : memref<128x16xf32, #tpu.memory_space<vmem>>, vector<16xf32>,
        tpu.vector_store %arg10[%swap3A_843, %swap3A_844], %gather3A_838 {strides = array<i32>} : memref<128x16xf32, #tpu.memory_space<vmem>>, vector<16xf32>,
        %scan3A_846 = arith.constant 2 : i32
        %scan3A_847 = arith.addi %scan3A_190, %scan3A_846 : i32
        %mul3A_848 = arith.constant 1 : i32
        %mul3A_849 = arith.muli %scan3A_847, %mul3A_848 : i32
        %add3A_850 = arith.constant 0 : i32
        %add3A_851 = arith.addi %add3A_850, %mul3A_849 : i32
        %mul3A_852 = arith.constant 16 : i32
        %mul3A_853 = arith.muli %add3A_851, %mul3A_852 : i32
        %get3A_854 = arith.constant 0 : i32
        %get3A_855 = arith.index_cast %get3A_854 : i32 to index
        %get3A_856 = arith.index_cast %mul3A_853 : i32 to index
        %get3A_857 = tpu.vector_load %arg8[%get3A_855, %get3A_856] {strides = array<i32>} : memref<16x128xf32, #tpu.memory_space<vmem>>, vector<16xf32>,
        %mul3A_858 = arith.constant 16 : i32
        %mul3A_859 = arith.muli %add3A_851, %mul3A_858 : i32
        %get3A_860 = arith.constant 1 : i32
        %get3A_861 = arith.index_cast %get3A_860 : i32 to index
        %get3A_862 = arith.index_cast %mul3A_859 : i32 to index
        %get3A_863 = tpu.vector_load %arg8[%get3A_861, %get3A_862] {strides = array<i32>} : memref<16x128xf32, #tpu.memory_space<vmem>>, vector<16xf32>,
        %add3A_864 = arith.addf %get3A_857, %get3A_863 : vector<16xf32>
        %mul3A_865 = arith.constant 16 : i32
        %mul3A_866 = arith.muli %add3A_851, %mul3A_865 : i32
        %get3A_867 = arith.constant 2 : i32
        %get3A_868 = arith.index_cast %get3A_867 : i32 to index
        %get3A_869 = arith.index_cast %mul3A_866 : i32 to index
        %get3A_870 = tpu.vector_load %arg8[%get3A_868, %get3A_869] {strides = array<i32>} : memref<16x128xf32, #tpu.memory_space<vmem>>, vector<16xf32>,
        %add3A_871 = arith.addf %add3A_864, %get3A_870 : vector<16xf32>
        %mul3A_872 = arith.constant 16 : i32
        %mul3A_873 = arith.muli %add3A_851, %mul3A_872 : i32
        %get3A_874 = arith.constant 3 : i32
        %get3A_875 = arith.index_cast %get3A_874 : i32 to index
        %get3A_876 = arith.index_cast %mul3A_873 : i32 to index
        %get3A_877 = tpu.vector_load %arg8[%get3A_875, %get3A_876] {strides = array<i32>} : memref<16x128xf32, #tpu.memory_space<vmem>>, vector<16xf32>,
        %add3A_878 = arith.addf %add3A_871, %get3A_877 : vector<16xf32>
        %mul3A_879 = arith.constant 16 : i32
        %mul3A_880 = arith.muli %add3A_851, %mul3A_879 : i32
        %get3A_881 = arith.constant 4 : i32
        %get3A_882 = arith.index_cast %get3A_881 : i32 to index
        %get3A_883 = arith.index_cast %mul3A_880 : i32 to index
        %get3A_884 = tpu.vector_load %arg8[%get3A_882, %get3A_883] {strides = array<i32>} : memref<16x128xf32, #tpu.memory_space<vmem>>, vector<16xf32>,
        %add3A_885 = arith.addf %add3A_878, %get3A_884 : vector<16xf32>
        %mul3A_886 = arith.constant 16 : i32
        %mul3A_887 = arith.muli %add3A_851, %mul3A_886 : i32
        %get3A_888 = arith.constant 5 : i32
        %get3A_889 = arith.index_cast %get3A_888 : i32 to index
        %get3A_890 = arith.index_cast %mul3A_887 : i32 to index
        %get3A_891 = tpu.vector_load %arg8[%get3A_889, %get3A_890] {strides = array<i32>} : memref<16x128xf32, #tpu.memory_space<vmem>>, vector<16xf32>,
        %add3A_892 = arith.addf %add3A_885, %get3A_891 : vector<16xf32>
        %mul3A_893 = arith.constant 16 : i32
        %mul3A_894 = arith.muli %add3A_851, %mul3A_893 : i32
        %get3A_895 = arith.constant 6 : i32
        %get3A_896 = arith.index_cast %get3A_895 : i32 to index
        %get3A_897 = arith.index_cast %mul3A_894 : i32 to index
        %get3A_898 = tpu.vector_load %arg8[%get3A_896, %get3A_897] {strides = array<i32>} : memref<16x128xf32, #tpu.memory_space<vmem>>, vector<16xf32>,
        %add3A_899 = arith.addf %add3A_892, %get3A_898 : vector<16xf32>
        %mul3A_900 = arith.constant 16 : i32
        %mul3A_901 = arith.muli %add3A_851, %mul3A_900 : i32
        %get3A_902 = arith.constant 7 : i32
        %get3A_903 = arith.index_cast %get3A_902 : i32 to index
        %get3A_904 = arith.index_cast %mul3A_901 : i32 to index
        %get3A_905 = tpu.vector_load %arg8[%get3A_903, %get3A_904] {strides = array<i32>} : memref<16x128xf32, #tpu.memory_space<vmem>>, vector<16xf32>,
        %add3A_906 = arith.addf %add3A_899, %get3A_905 : vector<16xf32>
        %mul3A_907 = arith.constant 16 : i32
        %mul3A_908 = arith.muli %add3A_851, %mul3A_907 : i32
        %get3A_909 = arith.constant 8 : i32
        %get3A_910 = arith.index_cast %get3A_909 : i32 to index
        %get3A_911 = arith.index_cast %mul3A_908 : i32 to index
        %get3A_912 = tpu.vector_load %arg8[%get3A_910, %get3A_911] {strides = array<i32>} : memref<16x128xf32, #tpu.memory_space<vmem>>, vector<16xf32>,
        %add3A_913 = arith.addf %add3A_906, %get3A_912 : vector<16xf32>
        %mul3A_914 = arith.constant 16 : i32
        %mul3A_915 = arith.muli %add3A_851, %mul3A_914 : i32
        %get3A_916 = arith.constant 9 : i32
        %get3A_917 = arith.index_cast %get3A_916 : i32 to index
        %get3A_918 = arith.index_cast %mul3A_915 : i32 to index
        %get3A_919 = tpu.vector_load %arg8[%get3A_917, %get3A_918] {strides = array<i32>} : memref<16x128xf32, #tpu.memory_space<vmem>>, vector<16xf32>,
        %add3A_920 = arith.addf %add3A_913, %get3A_919 : vector<16xf32>
        %mul3A_921 = arith.constant 16 : i32
        %mul3A_922 = arith.muli %add3A_851, %mul3A_921 : i32
        %get3A_923 = arith.constant 10 : i32
        %get3A_924 = arith.index_cast %get3A_923 : i32 to index
        %get3A_925 = arith.index_cast %mul3A_922 : i32 to index
        %get3A_926 = tpu.vector_load %arg8[%get3A_924, %get3A_925] {strides = array<i32>} : memref<16x128xf32, #tpu.memory_space<vmem>>, vector<16xf32>,
        %add3A_927 = arith.addf %add3A_920, %get3A_926 : vector<16xf32>
        %mul3A_928 = arith.constant 16 : i32
        %mul3A_929 = arith.muli %add3A_851, %mul3A_928 : i32
        %get3A_930 = arith.constant 11 : i32
        %get3A_931 = arith.index_cast %get3A_930 : i32 to index
        %get3A_932 = arith.index_cast %mul3A_929 : i32 to index
        %get3A_933 = tpu.vector_load %arg8[%get3A_931, %get3A_932] {strides = array<i32>} : memref<16x128xf32, #tpu.memory_space<vmem>>, vector<16xf32>,
        %add3A_934 = arith.addf %add3A_927, %get3A_933 : vector<16xf32>
        %mul3A_935 = arith.constant 16 : i32
        %mul3A_936 = arith.muli %add3A_851, %mul3A_935 : i32
        %get3A_937 = arith.constant 12 : i32
        %get3A_938 = arith.index_cast %get3A_937 : i32 to index
        %get3A_939 = arith.index_cast %mul3A_936 : i32 to index
        %get3A_940 = tpu.vector_load %arg8[%get3A_938, %get3A_939] {strides = array<i32>} : memref<16x128xf32, #tpu.memory_space<vmem>>, vector<16xf32>,
        %add3A_941 = arith.addf %add3A_934, %get3A_940 : vector<16xf32>
        %mul3A_942 = arith.constant 16 : i32
        %mul3A_943 = arith.muli %add3A_851, %mul3A_942 : i32
        %get3A_944 = arith.constant 13 : i32
        %get3A_945 = arith.index_cast %get3A_944 : i32 to index
        %get3A_946 = arith.index_cast %mul3A_943 : i32 to index
        %get3A_947 = tpu.vector_load %arg8[%get3A_945, %get3A_946] {strides = array<i32>} : memref<16x128xf32, #tpu.memory_space<vmem>>, vector<16xf32>,
        %add3A_948 = arith.addf %add3A_941, %get3A_947 : vector<16xf32>
        %mul3A_949 = arith.constant 16 : i32
        %mul3A_950 = arith.muli %add3A_851, %mul3A_949 : i32
        %get3A_951 = arith.constant 14 : i32
        %get3A_952 = arith.index_cast %get3A_951 : i32 to index
        %get3A_953 = arith.index_cast %mul3A_950 : i32 to index
        %get3A_954 = tpu.vector_load %arg8[%get3A_952, %get3A_953] {strides = array<i32>} : memref<16x128xf32, #tpu.memory_space<vmem>>, vector<16xf32>,
        %add3A_955 = arith.addf %add3A_948, %get3A_954 : vector<16xf32>
        %mul3A_956 = arith.constant 16 : i32
        %mul3A_957 = arith.muli %add3A_851, %mul3A_956 : i32
        %get3A_958 = arith.constant 15 : i32
        %get3A_959 = arith.index_cast %get3A_958 : i32 to index
        %get3A_960 = arith.index_cast %mul3A_957 : i32 to index
        %get3A_961 = tpu.vector_load %arg8[%get3A_959, %get3A_960] {strides = array<i32>} : memref<16x128xf32, #tpu.memory_space<vmem>>, vector<16xf32>,
        %add3A_962 = arith.addf %add3A_955, %get3A_961 : vector<16xf32>
        %mul3A_963 = arith.constant 16 : i32
        %mul3A_964 = arith.muli %add3A_851, %mul3A_963 : i32
        %swap3A_965 = arith.index_cast %mul3A_964 : i32 to index
        %swap3A_966 = tpu.vector_load %arg9[%swap3A_965] {strides = array<i32>} : memref<128xf32, #tpu.memory_space<vmem>>, vector<16xf32>,
        tpu.vector_store %arg9[%swap3A_965], %add3A_962 {strides = array<i32>} : memref<128xf32, #tpu.memory_space<vmem>>, vector<16xf32>,
        %mul3A_967 = arith.constant 16 : i32
        %mul3A_968 = arith.muli %add3A_851, %mul3A_967 : i32
        %add3A_969 = arith.constant 0 : i32
        %add3A_970 = arith.addi %mul3A_968, %add3A_969 : i32
        %broadcast_in_dim3A_971 = vector.broadcast %add3A_970 : i32 to vector<16xi32>
        %gather3A_972 = tpu.vector_load_idx %arg9[%broadcast_in_dim3A_971] : memref<128xf32, #tpu.memory_space<vmem>>[vector<16xi32>], vector<16xf32>,
        %mul3A_973 = arith.constant 16 : i32
        %mul3A_974 = arith.muli %add3A_851, %mul3A_973 : i32
        %add3A_975 = arith.constant 0 : i32
        %add3A_976 = arith.addi %mul3A_974, %add3A_975 : i32
        %swap3A_977 = arith.index_cast %add3A_976 : i32 to index
        %swap3A_978 = arith.constant 0 : index
        %swap3A_979 = tpu.vector_load %arg10[%swap3A_977, %swap3A_978] {strides = array<i32>} : memref<128x16xf32, #tpu.memory_space<vmem>>, vector<16xf32>,
        tpu.vector_store %arg10[%swap3A_977, %swap3A_978], %gather3A_972 {strides = array<i32>} : memref<128x16xf32, #tpu.memory_space<vmem>>, vector<16xf32>,
        %mul3A_980 = arith.constant 16 : i32
        %mul3A_981 = arith.muli %add3A_851, %mul3A_980 : i32
        %add3A_982 = arith.constant 1 : i32
        %add3A_983 = arith.addi %mul3A_981, %add3A_982 : i32
        %broadcast_in_dim3A_984 = vector.broadcast %add3A_983 : i32 to vector<16xi32>
        %gather3A_985 = tpu.vector_load_idx %arg9[%broadcast_in_dim3A_984] : memref<128xf32, #tpu.memory_space<vmem>>[vector<16xi32>], vector<16xf32>,
        %mul3A_986 = arith.constant 16 : i32
        %mul3A_987 = arith.muli %add3A_851, %mul3A_986 : i32
        %add3A_988 = arith.constant 1 : i32
        %add3A_989 = arith.addi %mul3A_987, %add3A_988 : i32
        %swap3A_990 = arith.index_cast %add3A_989 : i32 to index
        %swap3A_991 = arith.constant 0 : index
        %swap3A_992 = tpu.vector_load %arg10[%swap3A_990, %swap3A_991] {strides = array<i32>} : memref<128x16xf32, #tpu.memory_space<vmem>>, vector<16xf32>,
        tpu.vector_store %arg10[%swap3A_990, %swap3A_991], %gather3A_985 {strides = array<i32>} : memref<128x16xf32, #tpu.memory_space<vmem>>, vector<16xf32>,
        %mul3A_993 = arith.constant 16 : i32
        %mul3A_994 = arith.muli %add3A_851, %mul3A_993 : i32
        %add3A_995 = arith.constant 2 : i32
        %add3A_996 = arith.addi %mul3A_994, %add3A_995 : i32
        %broadcast_in_dim3A_997 = vector.broadcast %add3A_996 : i32 to vector<16xi32>
        %gather3A_998 = tpu.vector_load_idx %arg9[%broadcast_in_dim3A_997] : memref<128xf32, #tpu.memory_space<vmem>>[vector<16xi32>], vector<16xf32>,
        %mul3A_999 = arith.constant 16 : i32
        %mul3A_1000 = arith.muli %add3A_851, %mul3A_999 : i32
        %add3A_1001 = arith.constant 2 : i32
        %add3A_1002 = arith.addi %mul3A_1000, %add3A_1001 : i32
        %swap3A_1003 = arith.index_cast %add3A_1002 : i32 to index
        %swap3A_1004 = arith.constant 0 : index
        %swap3A_1005 = tpu.vector_load %arg10[%swap3A_1003, %swap3A_1004] {strides = array<i32>} : memref<128x16xf32, #tpu.memory_space<vmem>>, vector<16xf32>,
        tpu.vector_store %arg10[%swap3A_1003, %swap3A_1004], %gather3A_998 {strides = array<i32>} : memref<128x16xf32, #tpu.memory_space<vmem>>, vector<16xf32>,
        %mul3A_1006 = arith.constant 16 : i32
        %mul3A_1007 = arith.muli %add3A_851, %mul3A_1006 : i32
        %add3A_1008 = arith.constant 3 : i32
        %add3A_1009 = arith.addi %mul3A_1007, %add3A_1008 : i32
        %broadcast_in_dim3A_1010 = vector.broadcast %add3A_1009 : i32 to vector<16xi32>
        %gather3A_1011 = tpu.vector_load_idx %arg9[%broadcast_in_dim3A_1010] : memref<128xf32, #tpu.memory_space<vmem>>[vector<16xi32>], vector<16xf32>,
        %mul3A_1012 = arith.constant 16 : i32
        %mul3A_1013 = arith.muli %add3A_851, %mul3A_1012 : i32
        %add3A_1014 = arith.constant 3 : i32
        %add3A_1015 = arith.addi %mul3A_1013, %add3A_1014 : i32
        %swap3A_1016 = arith.index_cast %add3A_1015 : i32 to index
        %swap3A_1017 = arith.constant 0 : index
        %swap3A_1018 = tpu.vector_load %arg10[%swap3A_1016, %swap3A_1017] {strides = array<i32>} : memref<128x16xf32, #tpu.memory_space<vmem>>, vector<16xf32>,
        tpu.vector_store %arg10[%swap3A_1016, %swap3A_1017], %gather3A_1011 {strides = array<i32>} : memref<128x16xf32, #tpu.memory_space<vmem>>, vector<16xf32>,
        %mul3A_1019 = arith.constant 16 : i32
        %mul3A_1020 = arith.muli %add3A_851, %mul3A_1019 : i32
        %add3A_1021 = arith.constant 4 : i32
        %add3A_1022 = arith.addi %mul3A_1020, %add3A_1021 : i32
        %broadcast_in_dim3A_1023 = vector.broadcast %add3A_1022 : i32 to vector<16xi32>
        %gather3A_1024 = tpu.vector_load_idx %arg9[%broadcast_in_dim3A_1023] : memref<128xf32, #tpu.memory_space<vmem>>[vector<16xi32>], vector<16xf32>,
        %mul3A_1025 = arith.constant 16 : i32
        %mul3A_1026 = arith.muli %add3A_851, %mul3A_1025 : i32
        %add3A_1027 = arith.constant 4 : i32
        %add3A_1028 = arith.addi %mul3A_1026, %add3A_1027 : i32
        %swap3A_1029 = arith.index_cast %add3A_1028 : i32 to index
        %swap3A_1030 = arith.constant 0 : index
        %swap3A_1031 = tpu.vector_load %arg10[%swap3A_1029, %swap3A_1030] {strides = array<i32>} : memref<128x16xf32, #tpu.memory_space<vmem>>, vector<16xf32>,
        tpu.vector_store %arg10[%swap3A_1029, %swap3A_1030], %gather3A_1024 {strides = array<i32>} : memref<128x16xf32, #tpu.memory_space<vmem>>, vector<16xf32>,
        %mul3A_1032 = arith.constant 16 : i32
        %mul3A_1033 = arith.muli %add3A_851, %mul3A_1032 : i32
        %add3A_1034 = arith.constant 5 : i32
        %add3A_1035 = arith.addi %mul3A_1033, %add3A_1034 : i32
        %broadcast_in_dim3A_1036 = vector.broadcast %add3A_1035 : i32 to vector<16xi32>
        %gather3A_1037 = tpu.vector_load_idx %arg9[%broadcast_in_dim3A_1036] : memref<128xf32, #tpu.memory_space<vmem>>[vector<16xi32>], vector<16xf32>,
        %mul3A_1038 = arith.constant 16 : i32
        %mul3A_1039 = arith.muli %add3A_851, %mul3A_1038 : i32
        %add3A_1040 = arith.constant 5 : i32
        %add3A_1041 = arith.addi %mul3A_1039, %add3A_1040 : i32
        %swap3A_1042 = arith.index_cast %add3A_1041 : i32 to index
        %swap3A_1043 = arith.constant 0 : index
        %swap3A_1044 = tpu.vector_load %arg10[%swap3A_1042, %swap3A_1043] {strides = array<i32>} : memref<128x16xf32, #tpu.memory_space<vmem>>, vector<16xf32>,
        tpu.vector_store %arg10[%swap3A_1042, %swap3A_1043], %gather3A_1037 {strides = array<i32>} : memref<128x16xf32, #tpu.memory_space<vmem>>, vector<16xf32>,
        %mul3A_1045 = arith.constant 16 : i32
        %mul3A_1046 = arith.muli %add3A_851, %mul3A_1045 : i32
        %add3A_1047 = arith.constant 6 : i32
        %add3A_1048 = arith.addi %mul3A_1046, %add3A_1047 : i32
        %broadcast_in_dim3A_1049 = vector.broadcast %add3A_1048 : i32 to vector<16xi32>
        %gather3A_1050 = tpu.vector_load_idx %arg9[%broadcast_in_dim3A_1049] : memref<128xf32, #tpu.memory_space<vmem>>[vector<16xi32>], vector<16xf32>,
        %mul3A_1051 = arith.constant 16 : i32
        %mul3A_1052 = arith.muli %add3A_851, %mul3A_1051 : i32
        %add3A_1053 = arith.constant 6 : i32
        %add3A_1054 = arith.addi %mul3A_1052, %add3A_1053 : i32
        %swap3A_1055 = arith.index_cast %add3A_1054 : i32 to index
        %swap3A_1056 = arith.constant 0 : index
        %swap3A_1057 = tpu.vector_load %arg10[%swap3A_1055, %swap3A_1056] {strides = array<i32>} : memref<128x16xf32, #tpu.memory_space<vmem>>, vector<16xf32>,
        tpu.vector_store %arg10[%swap3A_1055, %swap3A_1056], %gather3A_1050 {strides = array<i32>} : memref<128x16xf32, #tpu.memory_space<vmem>>, vector<16xf32>,
        %mul3A_1058 = arith.constant 16 : i32
        %mul3A_1059 = arith.muli %add3A_851, %mul3A_1058 : i32
        %add3A_1060 = arith.constant 7 : i32
        %add3A_1061 = arith.addi %mul3A_1059, %add3A_1060 : i32
        %broadcast_in_dim3A_1062 = vector.broadcast %add3A_1061 : i32 to vector<16xi32>
        %gather3A_1063 = tpu.vector_load_idx %arg9[%broadcast_in_dim3A_1062] : memref<128xf32, #tpu.memory_space<vmem>>[vector<16xi32>], vector<16xf32>,
        %mul3A_1064 = arith.constant 16 : i32
        %mul3A_1065 = arith.muli %add3A_851, %mul3A_1064 : i32
        %add3A_1066 = arith.constant 7 : i32
        %add3A_1067 = arith.addi %mul3A_1065, %add3A_1066 : i32
        %swap3A_1068 = arith.index_cast %add3A_1067 : i32 to index
        %swap3A_1069 = arith.constant 0 : index
        %swap3A_1070 = tpu.vector_load %arg10[%swap3A_1068, %swap3A_1069] {strides = array<i32>} : memref<128x16xf32, #tpu.memory_space<vmem>>, vector<16xf32>,
        tpu.vector_store %arg10[%swap3A_1068, %swap3A_1069], %gather3A_1063 {strides = array<i32>} : memref<128x16xf32, #tpu.memory_space<vmem>>, vector<16xf32>,
        %mul3A_1071 = arith.constant 16 : i32
        %mul3A_1072 = arith.muli %add3A_851, %mul3A_1071 : i32
        %add3A_1073 = arith.constant 8 : i32
        %add3A_1074 = arith.addi %mul3A_1072, %add3A_1073 : i32
        %broadcast_in_dim3A_1075 = vector.broadcast %add3A_1074 : i32 to vector<16xi32>
        %gather3A_1076 = tpu.vector_load_idx %arg9[%broadcast_in_dim3A_1075] : memref<128xf32, #tpu.memory_space<vmem>>[vector<16xi32>], vector<16xf32>,
        %mul3A_1077 = arith.constant 16 : i32
        %mul3A_1078 = arith.muli %add3A_851, %mul3A_1077 : i32
        %add3A_1079 = arith.constant 8 : i32
        %add3A_1080 = arith.addi %mul3A_1078, %add3A_1079 : i32
        %swap3A_1081 = arith.index_cast %add3A_1080 : i32 to index
        %swap3A_1082 = arith.constant 0 : index
        %swap3A_1083 = tpu.vector_load %arg10[%swap3A_1081, %swap3A_1082] {strides = array<i32>} : memref<128x16xf32, #tpu.memory_space<vmem>>, vector<16xf32>,
        tpu.vector_store %arg10[%swap3A_1081, %swap3A_1082], %gather3A_1076 {strides = array<i32>} : memref<128x16xf32, #tpu.memory_space<vmem>>, vector<16xf32>,
        %mul3A_1084 = arith.constant 16 : i32
        %mul3A_1085 = arith.muli %add3A_851, %mul3A_1084 : i32
        %add3A_1086 = arith.constant 9 : i32
        %add3A_1087 = arith.addi %mul3A_1085, %add3A_1086 : i32
        %broadcast_in_dim3A_1088 = vector.broadcast %add3A_1087 : i32 to vector<16xi32>
        %gather3A_1089 = tpu.vector_load_idx %arg9[%broadcast_in_dim3A_1088] : memref<128xf32, #tpu.memory_space<vmem>>[vector<16xi32>], vector<16xf32>,
        %mul3A_1090 = arith.constant 16 : i32
        %mul3A_1091 = arith.muli %add3A_851, %mul3A_1090 : i32
        %add3A_1092 = arith.constant 9 : i32
        %add3A_1093 = arith.addi %mul3A_1091, %add3A_1092 : i32
        %swap3A_1094 = arith.index_cast %add3A_1093 : i32 to index
        %swap3A_1095 = arith.constant 0 : index
        %swap3A_1096 = tpu.vector_load %arg10[%swap3A_1094, %swap3A_1095] {strides = array<i32>} : memref<128x16xf32, #tpu.memory_space<vmem>>, vector<16xf32>,
        tpu.vector_store %arg10[%swap3A_1094, %swap3A_1095], %gather3A_1089 {strides = array<i32>} : memref<128x16xf32, #tpu.memory_space<vmem>>, vector<16xf32>,
        %mul3A_1097 = arith.constant 16 : i32
        %mul3A_1098 = arith.muli %add3A_851, %mul3A_1097 : i32
        %add3A_1099 = arith.constant 10 : i32
        %add3A_1100 = arith.addi %mul3A_1098, %add3A_1099 : i32
        %broadcast_in_dim3A_1101 = vector.broadcast %add3A_1100 : i32 to vector<16xi32>
        %gather3A_1102 = tpu.vector_load_idx %arg9[%broadcast_in_dim3A_1101] : memref<128xf32, #tpu.memory_space<vmem>>[vector<16xi32>], vector<16xf32>,
        %mul3A_1103 = arith.constant 16 : i32
        %mul3A_1104 = arith.muli %add3A_851, %mul3A_1103 : i32
        %add3A_1105 = arith.constant 10 : i32
        %add3A_1106 = arith.addi %mul3A_1104, %add3A_1105 : i32
        %swap3A_1107 = arith.index_cast %add3A_1106 : i32 to index
        %swap3A_1108 = arith.constant 0 : index
        %swap3A_1109 = tpu.vector_load %arg10[%swap3A_1107, %swap3A_1108] {strides = array<i32>} : memref<128x16xf32, #tpu.memory_space<vmem>>, vector<16xf32>,
        tpu.vector_store %arg10[%swap3A_1107, %swap3A_1108], %gather3A_1102 {strides = array<i32>} : memref<128x16xf32, #tpu.memory_space<vmem>>, vector<16xf32>,
        %mul3A_1110 = arith.constant 16 : i32
        %mul3A_1111 = arith.muli %add3A_851, %mul3A_1110 : i32
        %add3A_1112 = arith.constant 11 : i32
        %add3A_1113 = arith.addi %mul3A_1111, %add3A_1112 : i32
        %broadcast_in_dim3A_1114 = vector.broadcast %add3A_1113 : i32 to vector<16xi32>
        %gather3A_1115 = tpu.vector_load_idx %arg9[%broadcast_in_dim3A_1114] : memref<128xf32, #tpu.memory_space<vmem>>[vector<16xi32>], vector<16xf32>,
        %mul3A_1116 = arith.constant 16 : i32
        %mul3A_1117 = arith.muli %add3A_851, %mul3A_1116 : i32
        %add3A_1118 = arith.constant 11 : i32
        %add3A_1119 = arith.addi %mul3A_1117, %add3A_1118 : i32
        %swap3A_1120 = arith.index_cast %add3A_1119 : i32 to index
        %swap3A_1121 = arith.constant 0 : index
        %swap3A_1122 = tpu.vector_load %arg10[%swap3A_1120, %swap3A_1121] {strides = array<i32>} : memref<128x16xf32, #tpu.memory_space<vmem>>, vector<16xf32>,
        tpu.vector_store %arg10[%swap3A_1120, %swap3A_1121], %gather3A_1115 {strides = array<i32>} : memref<128x16xf32, #tpu.memory_space<vmem>>, vector<16xf32>,
        %mul3A_1123 = arith.constant 16 : i32
        %mul3A_1124 = arith.muli %add3A_851, %mul3A_1123 : i32
        %add3A_1125 = arith.constant 12 : i32
        %add3A_1126 = arith.addi %mul3A_1124, %add3A_1125 : i32
        %broadcast_in_dim3A_1127 = vector.broadcast %add3A_1126 : i32 to vector<16xi32>
        %gather3A_1128 = tpu.vector_load_idx %arg9[%broadcast_in_dim3A_1127] : memref<128xf32, #tpu.memory_space<vmem>>[vector<16xi32>], vector<16xf32>,
        %mul3A_1129 = arith.constant 16 : i32
        %mul3A_1130 = arith.muli %add3A_851, %mul3A_1129 : i32
        %add3A_1131 = arith.constant 12 : i32
        %add3A_1132 = arith.addi %mul3A_1130, %add3A_1131 : i32
        %swap3A_1133 = arith.index_cast %add3A_1132 : i32 to index
        %swap3A_1134 = arith.constant 0 : index
        %swap3A_1135 = tpu.vector_load %arg10[%swap3A_1133, %swap3A_1134] {strides = array<i32>} : memref<128x16xf32, #tpu.memory_space<vmem>>, vector<16xf32>,
        tpu.vector_store %arg10[%swap3A_1133, %swap3A_1134], %gather3A_1128 {strides = array<i32>} : memref<128x16xf32, #tpu.memory_space<vmem>>, vector<16xf32>,
        %mul3A_1136 = arith.constant 16 : i32
        %mul3A_1137 = arith.muli %add3A_851, %mul3A_1136 : i32
        %add3A_1138 = arith.constant 13 : i32
        %add3A_1139 = arith.addi %mul3A_1137, %add3A_1138 : i32
        %broadcast_in_dim3A_1140 = vector.broadcast %add3A_1139 : i32 to vector<16xi32>
        %gather3A_1141 = tpu.vector_load_idx %arg9[%broadcast_in_dim3A_1140] : memref<128xf32, #tpu.memory_space<vmem>>[vector<16xi32>], vector<16xf32>,
        %mul3A_1142 = arith.constant 16 : i32
        %mul3A_1143 = arith.muli %add3A_851, %mul3A_1142 : i32
        %add3A_1144 = arith.constant 13 : i32
        %add3A_1145 = arith.addi %mul3A_1143, %add3A_1144 : i32
        %swap3A_1146 = arith.index_cast %add3A_1145 : i32 to index
        %swap3A_1147 = arith.constant 0 : index
        %swap3A_1148 = tpu.vector_load %arg10[%swap3A_1146, %swap3A_1147] {strides = array<i32>} : memref<128x16xf32, #tpu.memory_space<vmem>>, vector<16xf32>,
        tpu.vector_store %arg10[%swap3A_1146, %swap3A_1147], %gather3A_1141 {strides = array<i32>} : memref<128x16xf32, #tpu.memory_space<vmem>>, vector<16xf32>,
        %mul3A_1149 = arith.constant 16 : i32
        %mul3A_1150 = arith.muli %add3A_851, %mul3A_1149 : i32
        %add3A_1151 = arith.constant 14 : i32
        %add3A_1152 = arith.addi %mul3A_1150, %add3A_1151 : i32
        %broadcast_in_dim3A_1153 = vector.broadcast %add3A_1152 : i32 to vector<16xi32>
        %gather3A_1154 = tpu.vector_load_idx %arg9[%broadcast_in_dim3A_1153] : memref<128xf32, #tpu.memory_space<vmem>>[vector<16xi32>], vector<16xf32>,
        %mul3A_1155 = arith.constant 16 : i32
        %mul3A_1156 = arith.muli %add3A_851, %mul3A_1155 : i32
        %add3A_1157 = arith.constant 14 : i32
        %add3A_1158 = arith.addi %mul3A_1156, %add3A_1157 : i32
        %swap3A_1159 = arith.index_cast %add3A_1158 : i32 to index
        %swap3A_1160 = arith.constant 0 : index
        %swap3A_1161 = tpu.vector_load %arg10[%swap3A_1159, %swap3A_1160] {strides = array<i32>} : memref<128x16xf32, #tpu.memory_space<vmem>>, vector<16xf32>,
        tpu.vector_store %arg10[%swap3A_1159, %swap3A_1160], %gather3A_1154 {strides = array<i32>} : memref<128x16xf32, #tpu.memory_space<vmem>>, vector<16xf32>,
        %mul3A_1162 = arith.constant 16 : i32
        %mul3A_1163 = arith.muli %add3A_851, %mul3A_1162 : i32
        %add3A_1164 = arith.constant 15 : i32
        %add3A_1165 = arith.addi %mul3A_1163, %add3A_1164 : i32
        %broadcast_in_dim3A_1166 = vector.broadcast %add3A_1165 : i32 to vector<16xi32>
        %gather3A_1167 = tpu.vector_load_idx %arg9[%broadcast_in_dim3A_1166] : memref<128xf32, #tpu.memory_space<vmem>>[vector<16xi32>], vector<16xf32>,
        %mul3A_1168 = arith.constant 16 : i32
        %mul3A_1169 = arith.muli %add3A_851, %mul3A_1168 : i32
        %add3A_1170 = arith.constant 15 : i32
        %add3A_1171 = arith.addi %mul3A_1169, %add3A_1170 : i32
        %swap3A_1172 = arith.index_cast %add3A_1171 : i32 to index
        %swap3A_1173 = arith.constant 0 : index
        %swap3A_1174 = tpu.vector_load %arg10[%swap3A_1172, %swap3A_1173] {strides = array<i32>} : memref<128x16xf32, #tpu.memory_space<vmem>>, vector<16xf32>,
        tpu.vector_store %arg10[%swap3A_1172, %swap3A_1173], %gather3A_1167 {strides = array<i32>} : memref<128x16xf32, #tpu.memory_space<vmem>>, vector<16xf32>,
        %scan3A_1175 = arith.constant 3 : i32
        %scan3A_1176 = arith.addi %scan3A_190, %scan3A_1175 : i32
        %mul3A_1177 = arith.constant 1 : i32
        %mul3A_1178 = arith.muli %scan3A_1176, %mul3A_1177 : i32
        %add3A_1179 = arith.constant 0 : i32
        %add3A_1180 = arith.addi %add3A_1179, %mul3A_1178 : i32
        %mul3A_1181 = arith.constant 16 : i32
        %mul3A_1182 = arith.muli %add3A_1180, %mul3A_1181 : i32
        %get3A_1183 = arith.constant 0 : i32
        %get3A_1184 = arith.index_cast %get3A_1183 : i32 to index
        %get3A_1185 = arith.index_cast %mul3A_1182 : i32 to index
        %get3A_1186 = tpu.vector_load %arg8[%get3A_1184, %get3A_1185] {strides = array<i32>} : memref<16x128xf32, #tpu.memory_space<vmem>>, vector<16xf32>,
        %mul3A_1187 = arith.constant 16 : i32
        %mul3A_1188 = arith.muli %add3A_1180, %mul3A_1187 : i32
        %get3A_1189 = arith.constant 1 : i32
        %get3A_1190 = arith.index_cast %get3A_1189 : i32 to index
        %get3A_1191 = arith.index_cast %mul3A_1188 : i32 to index
        %get3A_1192 = tpu.vector_load %arg8[%get3A_1190, %get3A_1191] {strides = array<i32>} : memref<16x128xf32, #tpu.memory_space<vmem>>, vector<16xf32>,
        %add3A_1193 = arith.addf %get3A_1186, %get3A_1192 : vector<16xf32>
        %mul3A_1194 = arith.constant 16 : i32
        %mul3A_1195 = arith.muli %add3A_1180, %mul3A_1194 : i32
        %get3A_1196 = arith.constant 2 : i32
        %get3A_1197 = arith.index_cast %get3A_1196 : i32 to index
        %get3A_1198 = arith.index_cast %mul3A_1195 : i32 to index
        %get3A_1199 = tpu.vector_load %arg8[%get3A_1197, %get3A_1198] {strides = array<i32>} : memref<16x128xf32, #tpu.memory_space<vmem>>, vector<16xf32>,
        %add3A_1200 = arith.addf %add3A_1193, %get3A_1199 : vector<16xf32>
        %mul3A_1201 = arith.constant 16 : i32
        %mul3A_1202 = arith.muli %add3A_1180, %mul3A_1201 : i32
        %get3A_1203 = arith.constant 3 : i32
        %get3A_1204 = arith.index_cast %get3A_1203 : i32 to index
        %get3A_1205 = arith.index_cast %mul3A_1202 : i32 to index
        %get3A_1206 = tpu.vector_load %arg8[%get3A_1204, %get3A_1205] {strides = array<i32>} : memref<16x128xf32, #tpu.memory_space<vmem>>, vector<16xf32>,
        %add3A_1207 = arith.addf %add3A_1200, %get3A_1206 : vector<16xf32>
        %mul3A_1208 = arith.constant 16 : i32
        %mul3A_1209 = arith.muli %add3A_1180, %mul3A_1208 : i32
        %get3A_1210 = arith.constant 4 : i32
        %get3A_1211 = arith.index_cast %get3A_1210 : i32 to index
        %get3A_1212 = arith.index_cast %mul3A_1209 : i32 to index
        %get3A_1213 = tpu.vector_load %arg8[%get3A_1211, %get3A_1212] {strides = array<i32>} : memref<16x128xf32, #tpu.memory_space<vmem>>, vector<16xf32>,
        %add3A_1214 = arith.addf %add3A_1207, %get3A_1213 : vector<16xf32>
        %mul3A_1215 = arith.constant 16 : i32
        %mul3A_1216 = arith.muli %add3A_1180, %mul3A_1215 : i32
        %get3A_1217 = arith.constant 5 : i32
        %get3A_1218 = arith.index_cast %get3A_1217 : i32 to index
        %get3A_1219 = arith.index_cast %mul3A_1216 : i32 to index
        %get3A_1220 = tpu.vector_load %arg8[%get3A_1218, %get3A_1219] {strides = array<i32>} : memref<16x128xf32, #tpu.memory_space<vmem>>, vector<16xf32>,
        %add3A_1221 = arith.addf %add3A_1214, %get3A_1220 : vector<16xf32>
        %mul3A_1222 = arith.constant 16 : i32
        %mul3A_1223 = arith.muli %add3A_1180, %mul3A_1222 : i32
        %get3A_1224 = arith.constant 6 : i32
        %get3A_1225 = arith.index_cast %get3A_1224 : i32 to index
        %get3A_1226 = arith.index_cast %mul3A_1223 : i32 to index
        %get3A_1227 = tpu.vector_load %arg8[%get3A_1225, %get3A_1226] {strides = array<i32>} : memref<16x128xf32, #tpu.memory_space<vmem>>, vector<16xf32>,
        %add3A_1228 = arith.addf %add3A_1221, %get3A_1227 : vector<16xf32>
        %mul3A_1229 = arith.constant 16 : i32
        %mul3A_1230 = arith.muli %add3A_1180, %mul3A_1229 : i32
        %get3A_1231 = arith.constant 7 : i32
        %get3A_1232 = arith.index_cast %get3A_1231 : i32 to index
        %get3A_1233 = arith.index_cast %mul3A_1230 : i32 to index
        %get3A_1234 = tpu.vector_load %arg8[%get3A_1232, %get3A_1233] {strides = array<i32>} : memref<16x128xf32, #tpu.memory_space<vmem>>, vector<16xf32>,
        %add3A_1235 = arith.addf %add3A_1228, %get3A_1234 : vector<16xf32>
        %mul3A_1236 = arith.constant 16 : i32
        %mul3A_1237 = arith.muli %add3A_1180, %mul3A_1236 : i32
        %get3A_1238 = arith.constant 8 : i32
        %get3A_1239 = arith.index_cast %get3A_1238 : i32 to index
        %get3A_1240 = arith.index_cast %mul3A_1237 : i32 to index
        %get3A_1241 = tpu.vector_load %arg8[%get3A_1239, %get3A_1240] {strides = array<i32>} : memref<16x128xf32, #tpu.memory_space<vmem>>, vector<16xf32>,
        %add3A_1242 = arith.addf %add3A_1235, %get3A_1241 : vector<16xf32>
        %mul3A_1243 = arith.constant 16 : i32
        %mul3A_1244 = arith.muli %add3A_1180, %mul3A_1243 : i32
        %get3A_1245 = arith.constant 9 : i32
        %get3A_1246 = arith.index_cast %get3A_1245 : i32 to index
        %get3A_1247 = arith.index_cast %mul3A_1244 : i32 to index
        %get3A_1248 = tpu.vector_load %arg8[%get3A_1246, %get3A_1247] {strides = array<i32>} : memref<16x128xf32, #tpu.memory_space<vmem>>, vector<16xf32>,
        %add3A_1249 = arith.addf %add3A_1242, %get3A_1248 : vector<16xf32>
        %mul3A_1250 = arith.constant 16 : i32
        %mul3A_1251 = arith.muli %add3A_1180, %mul3A_1250 : i32
        %get3A_1252 = arith.constant 10 : i32
        %get3A_1253 = arith.index_cast %get3A_1252 : i32 to index
        %get3A_1254 = arith.index_cast %mul3A_1251 : i32 to index
        %get3A_1255 = tpu.vector_load %arg8[%get3A_1253, %get3A_1254] {strides = array<i32>} : memref<16x128xf32, #tpu.memory_space<vmem>>, vector<16xf32>,
        %add3A_1256 = arith.addf %add3A_1249, %get3A_1255 : vector<16xf32>
        %mul3A_1257 = arith.constant 16 : i32
        %mul3A_1258 = arith.muli %add3A_1180, %mul3A_1257 : i32
        %get3A_1259 = arith.constant 11 : i32
        %get3A_1260 = arith.index_cast %get3A_1259 : i32 to index
        %get3A_1261 = arith.index_cast %mul3A_1258 : i32 to index
        %get3A_1262 = tpu.vector_load %arg8[%get3A_1260, %get3A_1261] {strides = array<i32>} : memref<16x128xf32, #tpu.memory_space<vmem>>, vector<16xf32>,
        %add3A_1263 = arith.addf %add3A_1256, %get3A_1262 : vector<16xf32>
        %mul3A_1264 = arith.constant 16 : i32
        %mul3A_1265 = arith.muli %add3A_1180, %mul3A_1264 : i32
        %get3A_1266 = arith.constant 12 : i32
        %get3A_1267 = arith.index_cast %get3A_1266 : i32 to index
        %get3A_1268 = arith.index_cast %mul3A_1265 : i32 to index
        %get3A_1269 = tpu.vector_load %arg8[%get3A_1267, %get3A_1268] {strides = array<i32>} : memref<16x128xf32, #tpu.memory_space<vmem>>, vector<16xf32>,
        %add3A_1270 = arith.addf %add3A_1263, %get3A_1269 : vector<16xf32>
        %mul3A_1271 = arith.constant 16 : i32
        %mul3A_1272 = arith.muli %add3A_1180, %mul3A_1271 : i32
        %get3A_1273 = arith.constant 13 : i32
        %get3A_1274 = arith.index_cast %get3A_1273 : i32 to index
        %get3A_1275 = arith.index_cast %mul3A_1272 : i32 to index
        %get3A_1276 = tpu.vector_load %arg8[%get3A_1274, %get3A_1275] {strides = array<i32>} : memref<16x128xf32, #tpu.memory_space<vmem>>, vector<16xf32>,
        %add3A_1277 = arith.addf %add3A_1270, %get3A_1276 : vector<16xf32>
        %mul3A_1278 = arith.constant 16 : i32
        %mul3A_1279 = arith.muli %add3A_1180, %mul3A_1278 : i32
        %get3A_1280 = arith.constant 14 : i32
        %get3A_1281 = arith.index_cast %get3A_1280 : i32 to index
        %get3A_1282 = arith.index_cast %mul3A_1279 : i32 to index
        %get3A_1283 = tpu.vector_load %arg8[%get3A_1281, %get3A_1282] {strides = array<i32>} : memref<16x128xf32, #tpu.memory_space<vmem>>, vector<16xf32>,
        %add3A_1284 = arith.addf %add3A_1277, %get3A_1283 : vector<16xf32>
        %mul3A_1285 = arith.constant 16 : i32
        %mul3A_1286 = arith.muli %add3A_1180, %mul3A_1285 : i32
        %get3A_1287 = arith.constant 15 : i32
        %get3A_1288 = arith.index_cast %get3A_1287 : i32 to index
        %get3A_1289 = arith.index_cast %mul3A_1286 : i32 to index
        %get3A_1290 = tpu.vector_load %arg8[%get3A_1288, %get3A_1289] {strides = array<i32>} : memref<16x128xf32, #tpu.memory_space<vmem>>, vector<16xf32>,
        %add3A_1291 = arith.addf %add3A_1284, %get3A_1290 : vector<16xf32>
        %mul3A_1292 = arith.constant 16 : i32
        %mul3A_1293 = arith.muli %add3A_1180, %mul3A_1292 : i32
        %swap3A_1294 = arith.index_cast %mul3A_1293 : i32 to index
        %swap3A_1295 = tpu.vector_load %arg9[%swap3A_1294] {strides = array<i32>} : memref<128xf32, #tpu.memory_space<vmem>>, vector<16xf32>,
        tpu.vector_store %arg9[%swap3A_1294], %add3A_1291 {strides = array<i32>} : memref<128xf32, #tpu.memory_space<vmem>>, vector<16xf32>,
        %mul3A_1296 = arith.constant 16 : i32
        %mul3A_1297 = arith.muli %add3A_1180, %mul3A_1296 : i32
        %add3A_1298 = arith.constant 0 : i32
        %add3A_1299 = arith.addi %mul3A_1297, %add3A_1298 : i32
        %broadcast_in_dim3A_1300 = vector.broadcast %add3A_1299 : i32 to vector<16xi32>
        %gather3A_1301 = tpu.vector_load_idx %arg9[%broadcast_in_dim3A_1300] : memref<128xf32, #tpu.memory_space<vmem>>[vector<16xi32>], vector<16xf32>,
        %mul3A_1302 = arith.constant 16 : i32
        %mul3A_1303 = arith.muli %add3A_1180, %mul3A_1302 : i32
        %add3A_1304 = arith.constant 0 : i32
        %add3A_1305 = arith.addi %mul3A_1303, %add3A_1304 : i32
        %swap3A_1306 = arith.index_cast %add3A_1305 : i32 to index
        %swap3A_1307 = arith.constant 0 : index
        %swap3A_1308 = tpu.vector_load %arg10[%swap3A_1306, %swap3A_1307] {strides = array<i32>} : memref<128x16xf32, #tpu.memory_space<vmem>>, vector<16xf32>,
        tpu.vector_store %arg10[%swap3A_1306, %swap3A_1307], %gather3A_1301 {strides = array<i32>} : memref<128x16xf32, #tpu.memory_space<vmem>>, vector<16xf32>,
        %mul3A_1309 = arith.constant 16 : i32
        %mul3A_1310 = arith.muli %add3A_1180, %mul3A_1309 : i32
        %add3A_1311 = arith.constant 1 : i32
        %add3A_1312 = arith.addi %mul3A_1310, %add3A_1311 : i32
        %broadcast_in_dim3A_1313 = vector.broadcast %add3A_1312 : i32 to vector<16xi32>
        %gather3A_1314 = tpu.vector_load_idx %arg9[%broadcast_in_dim3A_1313] : memref<128xf32, #tpu.memory_space<vmem>>[vector<16xi32>], vector<16xf32>,
        %mul3A_1315 = arith.constant 16 : i32
        %mul3A_1316 = arith.muli %add3A_1180, %mul3A_1315 : i32
        %add3A_1317 = arith.constant 1 : i32
        %add3A_1318 = arith.addi %mul3A_1316, %add3A_1317 : i32
        %swap3A_1319 = arith.index_cast %add3A_1318 : i32 to index
        %swap3A_1320 = arith.constant 0 : index
        %swap3A_1321 = tpu.vector_load %arg10[%swap3A_1319, %swap3A_1320] {strides = array<i32>} : memref<128x16xf32, #tpu.memory_space<vmem>>, vector<16xf32>,
        tpu.vector_store %arg10[%swap3A_1319, %swap3A_1320], %gather3A_1314 {strides = array<i32>} : memref<128x16xf32, #tpu.memory_space<vmem>>, vector<16xf32>,
        %mul3A_1322 = arith.constant 16 : i32
        %mul3A_1323 = arith.muli %add3A_1180, %mul3A_1322 : i32
        %add3A_1324 = arith.constant 2 : i32
        %add3A_1325 = arith.addi %mul3A_1323, %add3A_1324 : i32
        %broadcast_in_dim3A_1326 = vector.broadcast %add3A_1325 : i32 to vector<16xi32>
        %gather3A_1327 = tpu.vector_load_idx %arg9[%broadcast_in_dim3A_1326] : memref<128xf32, #tpu.memory_space<vmem>>[vector<16xi32>], vector<16xf32>,
        %mul3A_1328 = arith.constant 16 : i32
        %mul3A_1329 = arith.muli %add3A_1180, %mul3A_1328 : i32
        %add3A_1330 = arith.constant 2 : i32
        %add3A_1331 = arith.addi %mul3A_1329, %add3A_1330 : i32
        %swap3A_1332 = arith.index_cast %add3A_1331 : i32 to index
        %swap3A_1333 = arith.constant 0 : index
        %swap3A_1334 = tpu.vector_load %arg10[%swap3A_1332, %swap3A_1333] {strides = array<i32>} : memref<128x16xf32, #tpu.memory_space<vmem>>, vector<16xf32>,
        tpu.vector_store %arg10[%swap3A_1332, %swap3A_1333], %gather3A_1327 {strides = array<i32>} : memref<128x16xf32, #tpu.memory_space<vmem>>, vector<16xf32>,
        %mul3A_1335 = arith.constant 16 : i32
        %mul3A_1336 = arith.muli %add3A_1180, %mul3A_1335 : i32
        %add3A_1337 = arith.constant 3 : i32
        %add3A_1338 = arith.addi %mul3A_1336, %add3A_1337 : i32
        %broadcast_in_dim3A_1339 = vector.broadcast %add3A_1338 : i32 to vector<16xi32>
        %gather3A_1340 = tpu.vector_load_idx %arg9[%broadcast_in_dim3A_1339] : memref<128xf32, #tpu.memory_space<vmem>>[vector<16xi32>], vector<16xf32>,
        %mul3A_1341 = arith.constant 16 : i32
        %mul3A_1342 = arith.muli %add3A_1180, %mul3A_1341 : i32
        %add3A_1343 = arith.constant 3 : i32
        %add3A_1344 = arith.addi %mul3A_1342, %add3A_1343 : i32
        %swap3A_1345 = arith.index_cast %add3A_1344 : i32 to index
        %swap3A_1346 = arith.constant 0 : index
        %swap3A_1347 = tpu.vector_load %arg10[%swap3A_1345, %swap3A_1346] {strides = array<i32>} : memref<128x16xf32, #tpu.memory_space<vmem>>, vector<16xf32>,
        tpu.vector_store %arg10[%swap3A_1345, %swap3A_1346], %gather3A_1340 {strides = array<i32>} : memref<128x16xf32, #tpu.memory_space<vmem>>, vector<16xf32>,
        %mul3A_1348 = arith.constant 16 : i32
        %mul3A_1349 = arith.muli %add3A_1180, %mul3A_1348 : i32
        %add3A_1350 = arith.constant 4 : i32
        %add3A_1351 = arith.addi %mul3A_1349, %add3A_1350 : i32
        %broadcast_in_dim3A_1352 = vector.broadcast %add3A_1351 : i32 to vector<16xi32>
        %gather3A_1353 = tpu.vector_load_idx %arg9[%broadcast_in_dim3A_1352] : memref<128xf32, #tpu.memory_space<vmem>>[vector<16xi32>], vector<16xf32>,
        %mul3A_1354 = arith.constant 16 : i32
        %mul3A_1355 = arith.muli %add3A_1180, %mul3A_1354 : i32
        %add3A_1356 = arith.constant 4 : i32
        %add3A_1357 = arith.addi %mul3A_1355, %add3A_1356 : i32
        %swap3A_1358 = arith.index_cast %add3A_1357 : i32 to index
        %swap3A_1359 = arith.constant 0 : index
        %swap3A_1360 = tpu.vector_load %arg10[%swap3A_1358, %swap3A_1359] {strides = array<i32>} : memref<128x16xf32, #tpu.memory_space<vmem>>, vector<16xf32>,
        tpu.vector_store %arg10[%swap3A_1358, %swap3A_1359], %gather3A_1353 {strides = array<i32>} : memref<128x16xf32, #tpu.memory_space<vmem>>, vector<16xf32>,
        %mul3A_1361 = arith.constant 16 : i32
        %mul3A_1362 = arith.muli %add3A_1180, %mul3A_1361 : i32
        %add3A_1363 = arith.constant 5 : i32
        %add3A_1364 = arith.addi %mul3A_1362, %add3A_1363 : i32
        %broadcast_in_dim3A_1365 = vector.broadcast %add3A_1364 : i32 to vector<16xi32>
        %gather3A_1366 = tpu.vector_load_idx %arg9[%broadcast_in_dim3A_1365] : memref<128xf32, #tpu.memory_space<vmem>>[vector<16xi32>], vector<16xf32>,
        %mul3A_1367 = arith.constant 16 : i32
        %mul3A_1368 = arith.muli %add3A_1180, %mul3A_1367 : i32
        %add3A_1369 = arith.constant 5 : i32
        %add3A_1370 = arith.addi %mul3A_1368, %add3A_1369 : i32
        %swap3A_1371 = arith.index_cast %add3A_1370 : i32 to index
        %swap3A_1372 = arith.constant 0 : index
        %swap3A_1373 = tpu.vector_load %arg10[%swap3A_1371, %swap3A_1372] {strides = array<i32>} : memref<128x16xf32, #tpu.memory_space<vmem>>, vector<16xf32>,
        tpu.vector_store %arg10[%swap3A_1371, %swap3A_1372], %gather3A_1366 {strides = array<i32>} : memref<128x16xf32, #tpu.memory_space<vmem>>, vector<16xf32>,
        %mul3A_1374 = arith.constant 16 : i32
        %mul3A_1375 = arith.muli %add3A_1180, %mul3A_1374 : i32
        %add3A_1376 = arith.constant 6 : i32
        %add3A_1377 = arith.addi %mul3A_1375, %add3A_1376 : i32
        %broadcast_in_dim3A_1378 = vector.broadcast %add3A_1377 : i32 to vector<16xi32>
        %gather3A_1379 = tpu.vector_load_idx %arg9[%broadcast_in_dim3A_1378] : memref<128xf32, #tpu.memory_space<vmem>>[vector<16xi32>], vector<16xf32>,
        %mul3A_1380 = arith.constant 16 : i32
        %mul3A_1381 = arith.muli %add3A_1180, %mul3A_1380 : i32
        %add3A_1382 = arith.constant 6 : i32
        %add3A_1383 = arith.addi %mul3A_1381, %add3A_1382 : i32
        %swap3A_1384 = arith.index_cast %add3A_1383 : i32 to index
        %swap3A_1385 = arith.constant 0 : index
        %swap3A_1386 = tpu.vector_load %arg10[%swap3A_1384, %swap3A_1385] {strides = array<i32>} : memref<128x16xf32, #tpu.memory_space<vmem>>, vector<16xf32>,
        tpu.vector_store %arg10[%swap3A_1384, %swap3A_1385], %gather3A_1379 {strides = array<i32>} : memref<128x16xf32, #tpu.memory_space<vmem>>, vector<16xf32>,
        %mul3A_1387 = arith.constant 16 : i32
        %mul3A_1388 = arith.muli %add3A_1180, %mul3A_1387 : i32
        %add3A_1389 = arith.constant 7 : i32
        %add3A_1390 = arith.addi %mul3A_1388, %add3A_1389 : i32
        %broadcast_in_dim3A_1391 = vector.broadcast %add3A_1390 : i32 to vector<16xi32>
        %gather3A_1392 = tpu.vector_load_idx %arg9[%broadcast_in_dim3A_1391] : memref<128xf32, #tpu.memory_space<vmem>>[vector<16xi32>], vector<16xf32>,
        %mul3A_1393 = arith.constant 16 : i32
        %mul3A_1394 = arith.muli %add3A_1180, %mul3A_1393 : i32
        %add3A_1395 = arith.constant 7 : i32
        %add3A_1396 = arith.addi %mul3A_1394, %add3A_1395 : i32
        %swap3A_1397 = arith.index_cast %add3A_1396 : i32 to index
        %swap3A_1398 = arith.constant 0 : index
        %swap3A_1399 = tpu.vector_load %arg10[%swap3A_1397, %swap3A_1398] {strides = array<i32>} : memref<128x16xf32, #tpu.memory_space<vmem>>, vector<16xf32>,
        tpu.vector_store %arg10[%swap3A_1397, %swap3A_1398], %gather3A_1392 {strides = array<i32>} : memref<128x16xf32, #tpu.memory_space<vmem>>, vector<16xf32>,
        %mul3A_1400 = arith.constant 16 : i32
        %mul3A_1401 = arith.muli %add3A_1180, %mul3A_1400 : i32
        %add3A_1402 = arith.constant 8 : i32
        %add3A_1403 = arith.addi %mul3A_1401, %add3A_1402 : i32
        %broadcast_in_dim3A_1404 = vector.broadcast %add3A_1403 : i32 to vector<16xi32>
        %gather3A_1405 = tpu.vector_load_idx %arg9[%broadcast_in_dim3A_1404] : memref<128xf32, #tpu.memory_space<vmem>>[vector<16xi32>], vector<16xf32>,
        %mul3A_1406 = arith.constant 16 : i32
        %mul3A_1407 = arith.muli %add3A_1180, %mul3A_1406 : i32
        %add3A_1408 = arith.constant 8 : i32
        %add3A_1409 = arith.addi %mul3A_1407, %add3A_1408 : i32
        %swap3A_1410 = arith.index_cast %add3A_1409 : i32 to index
        %swap3A_1411 = arith.constant 0 : index
        %swap3A_1412 = tpu.vector_load %arg10[%swap3A_1410, %swap3A_1411] {strides = array<i32>} : memref<128x16xf32, #tpu.memory_space<vmem>>, vector<16xf32>,
        tpu.vector_store %arg10[%swap3A_1410, %swap3A_1411], %gather3A_1405 {strides = array<i32>} : memref<128x16xf32, #tpu.memory_space<vmem>>, vector<16xf32>,
        %mul3A_1413 = arith.constant 16 : i32
        %mul3A_1414 = arith.muli %add3A_1180, %mul3A_1413 : i32
        %add3A_1415 = arith.constant 9 : i32
        %add3A_1416 = arith.addi %mul3A_1414, %add3A_1415 : i32
        %broadcast_in_dim3A_1417 = vector.broadcast %add3A_1416 : i32 to vector<16xi32>
        %gather3A_1418 = tpu.vector_load_idx %arg9[%broadcast_in_dim3A_1417] : memref<128xf32, #tpu.memory_space<vmem>>[vector<16xi32>], vector<16xf32>,
        %mul3A_1419 = arith.constant 16 : i32
        %mul3A_1420 = arith.muli %add3A_1180, %mul3A_1419 : i32
        %add3A_1421 = arith.constant 9 : i32
        %add3A_1422 = arith.addi %mul3A_1420, %add3A_1421 : i32
        %swap3A_1423 = arith.index_cast %add3A_1422 : i32 to index
        %swap3A_1424 = arith.constant 0 : index
        %swap3A_1425 = tpu.vector_load %arg10[%swap3A_1423, %swap3A_1424] {strides = array<i32>} : memref<128x16xf32, #tpu.memory_space<vmem>>, vector<16xf32>,
        tpu.vector_store %arg10[%swap3A_1423, %swap3A_1424], %gather3A_1418 {strides = array<i32>} : memref<128x16xf32, #tpu.memory_space<vmem>>, vector<16xf32>,
        %mul3A_1426 = arith.constant 16 : i32
        %mul3A_1427 = arith.muli %add3A_1180, %mul3A_1426 : i32
        %add3A_1428 = arith.constant 10 : i32
        %add3A_1429 = arith.addi %mul3A_1427, %add3A_1428 : i32
        %broadcast_in_dim3A_1430 = vector.broadcast %add3A_1429 : i32 to vector<16xi32>
        %gather3A_1431 = tpu.vector_load_idx %arg9[%broadcast_in_dim3A_1430] : memref<128xf32, #tpu.memory_space<vmem>>[vector<16xi32>], vector<16xf32>,
        %mul3A_1432 = arith.constant 16 : i32
        %mul3A_1433 = arith.muli %add3A_1180, %mul3A_1432 : i32
        %add3A_1434 = arith.constant 10 : i32
        %add3A_1435 = arith.addi %mul3A_1433, %add3A_1434 : i32
        %swap3A_1436 = arith.index_cast %add3A_1435 : i32 to index
        %swap3A_1437 = arith.constant 0 : index
        %swap3A_1438 = tpu.vector_load %arg10[%swap3A_1436, %swap3A_1437] {strides = array<i32>} : memref<128x16xf32, #tpu.memory_space<vmem>>, vector<16xf32>,
        tpu.vector_store %arg10[%swap3A_1436, %swap3A_1437], %gather3A_1431 {strides = array<i32>} : memref<128x16xf32, #tpu.memory_space<vmem>>, vector<16xf32>,
        %mul3A_1439 = arith.constant 16 : i32
        %mul3A_1440 = arith.muli %add3A_1180, %mul3A_1439 : i32
        %add3A_1441 = arith.constant 11 : i32
        %add3A_1442 = arith.addi %mul3A_1440, %add3A_1441 : i32
        %broadcast_in_dim3A_1443 = vector.broadcast %add3A_1442 : i32 to vector<16xi32>
        %gather3A_1444 = tpu.vector_load_idx %arg9[%broadcast_in_dim3A_1443] : memref<128xf32, #tpu.memory_space<vmem>>[vector<16xi32>], vector<16xf32>,
        %mul3A_1445 = arith.constant 16 : i32
        %mul3A_1446 = arith.muli %add3A_1180, %mul3A_1445 : i32
        %add3A_1447 = arith.constant 11 : i32
        %add3A_1448 = arith.addi %mul3A_1446, %add3A_1447 : i32
        %swap3A_1449 = arith.index_cast %add3A_1448 : i32 to index
        %swap3A_1450 = arith.constant 0 : index
        %swap3A_1451 = tpu.vector_load %arg10[%swap3A_1449, %swap3A_1450] {strides = array<i32>} : memref<128x16xf32, #tpu.memory_space<vmem>>, vector<16xf32>,
        tpu.vector_store %arg10[%swap3A_1449, %swap3A_1450], %gather3A_1444 {strides = array<i32>} : memref<128x16xf32, #tpu.memory_space<vmem>>, vector<16xf32>,
        %mul3A_1452 = arith.constant 16 : i32
        %mul3A_1453 = arith.muli %add3A_1180, %mul3A_1452 : i32
        %add3A_1454 = arith.constant 12 : i32
        %add3A_1455 = arith.addi %mul3A_1453, %add3A_1454 : i32
        %broadcast_in_dim3A_1456 = vector.broadcast %add3A_1455 : i32 to vector<16xi32>
        %gather3A_1457 = tpu.vector_load_idx %arg9[%broadcast_in_dim3A_1456] : memref<128xf32, #tpu.memory_space<vmem>>[vector<16xi32>], vector<16xf32>,
        %mul3A_1458 = arith.constant 16 : i32
        %mul3A_1459 = arith.muli %add3A_1180, %mul3A_1458 : i32
        %add3A_1460 = arith.constant 12 : i32
        %add3A_1461 = arith.addi %mul3A_1459, %add3A_1460 : i32
        %swap3A_1462 = arith.index_cast %add3A_1461 : i32 to index
        %swap3A_1463 = arith.constant 0 : index
        %swap3A_1464 = tpu.vector_load %arg10[%swap3A_1462, %swap3A_1463] {strides = array<i32>} : memref<128x16xf32, #tpu.memory_space<vmem>>, vector<16xf32>,
        tpu.vector_store %arg10[%swap3A_1462, %swap3A_1463], %gather3A_1457 {strides = array<i32>} : memref<128x16xf32, #tpu.memory_space<vmem>>, vector<16xf32>,
        %mul3A_1465 = arith.constant 16 : i32
        %mul3A_1466 = arith.muli %add3A_1180, %mul3A_1465 : i32
        %add3A_1467 = arith.constant 13 : i32
        %add3A_1468 = arith.addi %mul3A_1466, %add3A_1467 : i32
        %broadcast_in_dim3A_1469 = vector.broadcast %add3A_1468 : i32 to vector<16xi32>
        %gather3A_1470 = tpu.vector_load_idx %arg9[%broadcast_in_dim3A_1469] : memref<128xf32, #tpu.memory_space<vmem>>[vector<16xi32>], vector<16xf32>,
        %mul3A_1471 = arith.constant 16 : i32
        %mul3A_1472 = arith.muli %add3A_1180, %mul3A_1471 : i32
        %add3A_1473 = arith.constant 13 : i32
        %add3A_1474 = arith.addi %mul3A_1472, %add3A_1473 : i32
        %swap3A_1475 = arith.index_cast %add3A_1474 : i32 to index
        %swap3A_1476 = arith.constant 0 : index
        %swap3A_1477 = tpu.vector_load %arg10[%swap3A_1475, %swap3A_1476] {strides = array<i32>} : memref<128x16xf32, #tpu.memory_space<vmem>>, vector<16xf32>,
        tpu.vector_store %arg10[%swap3A_1475, %swap3A_1476], %gather3A_1470 {strides = array<i32>} : memref<128x16xf32, #tpu.memory_space<vmem>>, vector<16xf32>,
        %mul3A_1478 = arith.constant 16 : i32
        %mul3A_1479 = arith.muli %add3A_1180, %mul3A_1478 : i32
        %add3A_1480 = arith.constant 14 : i32
        %add3A_1481 = arith.addi %mul3A_1479, %add3A_1480 : i32
        %broadcast_in_dim3A_1482 = vector.broadcast %add3A_1481 : i32 to vector<16xi32>
        %gather3A_1483 = tpu.vector_load_idx %arg9[%broadcast_in_dim3A_1482] : memref<128xf32, #tpu.memory_space<vmem>>[vector<16xi32>], vector<16xf32>,
        %mul3A_1484 = arith.constant 16 : i32
        %mul3A_1485 = arith.muli %add3A_1180, %mul3A_1484 : i32
        %add3A_1486 = arith.constant 14 : i32
        %add3A_1487 = arith.addi %mul3A_1485, %add3A_1486 : i32
        %swap3A_1488 = arith.index_cast %add3A_1487 : i32 to index
        %swap3A_1489 = arith.constant 0 : index
        %swap3A_1490 = tpu.vector_load %arg10[%swap3A_1488, %swap3A_1489] {strides = array<i32>} : memref<128x16xf32, #tpu.memory_space<vmem>>, vector<16xf32>,
        tpu.vector_store %arg10[%swap3A_1488, %swap3A_1489], %gather3A_1483 {strides = array<i32>} : memref<128x16xf32, #tpu.memory_space<vmem>>, vector<16xf32>,
        %mul3A_1491 = arith.constant 16 : i32
        %mul3A_1492 = arith.muli %add3A_1180, %mul3A_1491 : i32
        %add3A_1493 = arith.constant 15 : i32
        %add3A_1494 = arith.addi %mul3A_1492, %add3A_1493 : i32
        %broadcast_in_dim3A_1495 = vector.broadcast %add3A_1494 : i32 to vector<16xi32>
        %gather3A_1496 = tpu.vector_load_idx %arg9[%broadcast_in_dim3A_1495] : memref<128xf32, #tpu.memory_space<vmem>>[vector<16xi32>], vector<16xf32>,
        %mul3A_1497 = arith.constant 16 : i32
        %mul3A_1498 = arith.muli %add3A_1180, %mul3A_1497 : i32
        %add3A_1499 = arith.constant 15 : i32
        %add3A_1500 = arith.addi %mul3A_1498, %add3A_1499 : i32
        %swap3A_1501 = arith.index_cast %add3A_1500 : i32 to index
        %swap3A_1502 = arith.constant 0 : index
        %swap3A_1503 = tpu.vector_load %arg10[%swap3A_1501, %swap3A_1502] {strides = array<i32>} : memref<128x16xf32, #tpu.memory_space<vmem>>, vector<16xf32>,
        tpu.vector_store %arg10[%swap3A_1501, %swap3A_1502], %gather3A_1496 {strides = array<i32>} : memref<128x16xf32, #tpu.memory_space<vmem>>, vector<16xf32>,
      }
      %scan3A_184 = arith.constant 8 : i32
      %mul3A_185 = arith.constant 640 : i32
      %mul3A_186 = arith.muli %arg1, %mul3A_185 : i32
      %mul3A_187 = arith.constant 128 : i32
      %mul3A_188 = arith.muli %add3A_174, %mul3A_187 : i32
      %add3A_189 = arith.addi %mul3A_186, %mul3A_188 : i32
      "tpu.region"() ({
        %run_scoped3A_190 = tpu.sem_alloc : memref<!tpu.dma_semaphore, #tpu.memory_space<semaphore_mem>>
        %dma_start3A = arith.constant 0 : i32
        %dma_start3A_191 = tpu.memref_slice %arg3[%arg0, %add3A_189, %dma_start3A] : memref<2x10240x16xf32, #tpu.memory_space<hbm>> -> memref<1x128x16xf32, #tpu.memory_space<hbm>>
        %dma_start3A_192 = tpu.memref_squeeze %dma_start3A_191 : memref<1x128x16xf32, #tpu.memory_space<hbm>> -> memref<128x16xf32, #tpu.memory_space<hbm>>
        %dma_start3A_193 = arith.constant 0 : i32
        %dma_start3A_194 = tpu.memref_slice %arg3[%arg0, %add3A_189, %dma_start3A_193] : memref<2x10240x16xf32, #tpu.memory_space<hbm>> -> memref<1x128x16xf32, #tpu.memory_space<hbm>>
        %dma_start3A_195 = tpu.memref_squeeze %dma_start3A_194 : memref<1x128x16xf32, #tpu.memory_space<hbm>> -> memref<128x16xf32, #tpu.memory_space<hbm>>
        tpu.enqueue_dma source(%arg10 : memref<128x16xf32, #tpu.memory_space<vmem>>) target(%dma_start3A_195 : memref<128x16xf32, #tpu.memory_space<hbm>>) target_semaphore(%run_scoped3A_190 : memref<!tpu.dma_semaphore, #tpu.memory_space<semaphore_mem>>)
        %dma_wait3A = arith.constant 0 : i32
        %dma_wait3A_196 = tpu.memref_slice %arg3[%arg0, %add3A_189, %dma_wait3A] : memref<2x10240x16xf32, #tpu.memory_space<hbm>> -> memref<1x128x16xf32, #tpu.memory_space<hbm>>
        %dma_wait3A_197 = tpu.memref_squeeze %dma_wait3A_196 : memref<1x128x16xf32, #tpu.memory_space<hbm>> -> memref<128x16xf32, #tpu.memory_space<hbm>>
        %dma_wait3A_198 = arith.constant 0 : i32
        %dma_wait3A_199 = tpu.memref_slice %arg3[%arg0, %add3A_189, %dma_wait3A_198] : memref<2x10240x16xf32, #tpu.memory_space<hbm>> -> memref<1x128x16xf32, #tpu.memory_space<hbm>>
        %dma_wait3A_200 = tpu.memref_squeeze %dma_wait3A_199 : memref<1x128x16xf32, #tpu.memory_space<hbm>> -> memref<128x16xf32, #tpu.memory_space<hbm>>
        tpu.wait_dma2 semaphore(%run_scoped3A_190 : memref<!tpu.dma_semaphore, #tpu.memory_space<semaphore_mem>>) src(%arg10 : memref<128x16xf32, #tpu.memory_space<vmem>>) dst(%dma_wait3A_200 : memref<128x16xf32, #tpu.memory_space<hbm>>)
        tpu.yield
      }) : () -> ()
    }
    %scan3A_169 = arith.constant 5 : i32
    return
  }
}

module attributes {stable_mosaic.version = 14 : i64} {
  func.func @body(%arg0: i32, %arg1: memref<1000x128xf32, #tpu.memory_space<vmem>>, %arg2: memref<128x128xbf16, #tpu.memory_space<vmem>>, %arg3: memref<128x128xbf16, #tpu.memory_space<vmem>>, %arg4: memref<1x128xf32, #tpu.memory_space<vmem>>, %arg5: memref<128x128xbf16, #tpu.memory_space<vmem>>, %arg6: memref<128x128xbf16, #tpu.memory_space<vmem>>, %arg7: memref<1x128xf32, #tpu.memory_space<vmem>>, %arg8: memref<1x128xf32, #tpu.memory_space<vmem>>, %arg9: memref<1x128xf32, #tpu.memory_space<vmem>>, %arg10: memref<1x1000x16xf32, #tpu.memory_space<vmem>>, %arg11: memref<1x1000x16xf32, #tpu.memory_space<vmem>>, %arg12: memref<1000x128xf32, #tpu.memory_space<vmem>>, %arg13: memref<1000x128xf32, #tpu.memory_space<vmem>>) attributes {dimension_semantics = [#tpu.dimension_semantics<arbitrary>], iteration_bounds = array<i64: 10>, scalar_prefetch = 0 : i64, scratch_operands = 0 : i64, tpu.core_type = #tpu.core_type<tc>, window_params = [{transform_indices = @transform_0, window_bounds = array<i64: 1000, 128>}, {pipeline_mode = #tpu.pipeline_mode<synchronous>, transform_indices = @transform_1, window_bounds = array<i64: 128, 128>}, {pipeline_mode = #tpu.pipeline_mode<synchronous>, transform_indices = @transform_2, window_bounds = array<i64: 128, 128>}, {pipeline_mode = #tpu.pipeline_mode<synchronous>, transform_indices = @transform_3, window_bounds = array<i64: 1, 128>}, {pipeline_mode = #tpu.pipeline_mode<synchronous>, transform_indices = @transform_4, window_bounds = array<i64: 128, 128>}, {pipeline_mode = #tpu.pipeline_mode<synchronous>, transform_indices = @transform_5, window_bounds = array<i64: 128, 128>}, {pipeline_mode = #tpu.pipeline_mode<synchronous>, transform_indices = @transform_6, window_bounds = array<i64: 1, 128>}, {pipeline_mode = #tpu.pipeline_mode<synchronous>, transform_indices = @transform_7, window_bounds = array<i64: 1, 128>}, {pipeline_mode = #tpu.pipeline_mode<synchronous>, transform_indices = @transform_8, window_bounds = array<i64: 1, 128>}, {transform_indices = @transform_9, window_bounds = array<i64: 1, 1000, 16>}, {transform_indices = @transform_10, window_bounds = array<i64: 1, 1000, 16>}, {transform_indices = @transform_11, window_bounds = array<i64: 1000, 128>}, {transform_indices = @transform_12, window_bounds = array<i64: 1000, 128>}]} {
    %get3A = arith.constant 0 : index
    %get3A_0 = arith.constant 0 : index
    %get3A_1 = vector.load %arg1[%get3A, %get3A_0] : memref<1000x128xf32, #tpu.memory_space<vmem>>, vector<1000x128xf32>
    %get3A_2 = arith.constant 0 : index
    %get3A_3 = arith.constant 0 : index
    %get3A_4 = vector.load %arg2[%get3A_2, %get3A_3] : memref<128x128xbf16, #tpu.memory_space<vmem>>, vector<128x128xbf16>
    %get3A_5 = arith.constant 0 : index
    %get3A_6 = arith.constant 0 : index
    %get3A_7 = vector.load %arg3[%get3A_5, %get3A_6] : memref<128x128xbf16, #tpu.memory_space<vmem>>, vector<128x128xbf16>
    %convert_element_type3A = arith.truncf %get3A_1 : vector<1000x128xf32> to vector<1000x128xbf16>
    %convert_element_type3A_8 = arith.extf %convert_element_type3A : vector<1000x128xbf16> to vector<1000x128xf32>
    %sub3A = arith.subf %get3A_1, %convert_element_type3A_8 : vector<1000x128xf32>
    %convert_element_type3A_9 = arith.truncf %sub3A : vector<1000x128xf32> to vector<1000x128xbf16>
    %dot_general3A = arith.constant dense<0.000000e+00> : vector<1000x128xf32>
    %dot_general3A_10 = tpu.matmul %convert_element_type3A, %get3A_4, %dot_general3A {dimension_numbers = #tpu.dot_dimension_numbers<[1], [0], [0], [1], [0, 0, 1, 1], [], []>, transpose_lhs_hint = false} : vector<1000x128xbf16>, vector<128x128xbf16>, vector<1000x128xf32> -> vector<1000x128xf32>
    %dot_general3A_11 = arith.constant dense<0.000000e+00> : vector<1000x128xf32>
    %dot_general3A_12 = tpu.matmul %convert_element_type3A, %get3A_7, %dot_general3A_11 {dimension_numbers = #tpu.dot_dimension_numbers<[1], [0], [0], [1], [0, 0, 1, 1], [], []>, transpose_lhs_hint = false} : vector<1000x128xbf16>, vector<128x128xbf16>, vector<1000x128xf32> -> vector<1000x128xf32>
    %add3A = arith.addf %dot_general3A_10, %dot_general3A_12 : vector<1000x128xf32>
    %dot_general3A_13 = arith.constant dense<0.000000e+00> : vector<1000x128xf32>
    %dot_general3A_14 = tpu.matmul %convert_element_type3A_9, %get3A_4, %dot_general3A_13 {dimension_numbers = #tpu.dot_dimension_numbers<[1], [0], [0], [1], [0, 0, 1, 1], [], []>, transpose_lhs_hint = false} : vector<1000x128xbf16>, vector<128x128xbf16>, vector<1000x128xf32> -> vector<1000x128xf32>
    %add3A_15 = arith.addf %add3A, %dot_general3A_14 : vector<1000x128xf32>
    %get3A_16 = arith.constant 0 : index
    %get3A_17 = arith.constant 0 : index
    %get3A_18 = vector.load %arg4[%get3A_16, %get3A_17] : memref<1x128xf32, #tpu.memory_space<vmem>>, vector<1x128xf32>
    %add3A_19 = vector.broadcast %get3A_18 : vector<1x128xf32> to vector<1000x128xf32>
    %add3A_20 = arith.addf %add3A_15, %add3A_19 : vector<1000x128xf32>
    %max3A = arith.constant 0.000000e+00 : f32
    %max3A_21 = vector.broadcast %max3A : f32 to vector<1000x128xf32>
    %max3A_22 = arith.maximumf %add3A_20, %max3A_21 : vector<1000x128xf32>
    %get3A_23 = arith.constant 0 : index
    %get3A_24 = arith.constant 0 : index
    %get3A_25 = vector.load %arg5[%get3A_23, %get3A_24] : memref<128x128xbf16, #tpu.memory_space<vmem>>, vector<128x128xbf16>
    %get3A_26 = arith.constant 0 : index
    %get3A_27 = arith.constant 0 : index
    %get3A_28 = vector.load %arg6[%get3A_26, %get3A_27] : memref<128x128xbf16, #tpu.memory_space<vmem>>, vector<128x128xbf16>
    %convert_element_type3A_29 = arith.truncf %max3A_22 : vector<1000x128xf32> to vector<1000x128xbf16>
    %convert_element_type3A_30 = arith.extf %convert_element_type3A_29 : vector<1000x128xbf16> to vector<1000x128xf32>
    %sub3A_31 = arith.subf %max3A_22, %convert_element_type3A_30 : vector<1000x128xf32>
    %convert_element_type3A_32 = arith.truncf %sub3A_31 : vector<1000x128xf32> to vector<1000x128xbf16>
    %dot_general3A_33 = arith.constant dense<0.000000e+00> : vector<1000x128xf32>
    %dot_general3A_34 = tpu.matmul %convert_element_type3A_29, %get3A_25, %dot_general3A_33 {dimension_numbers = #tpu.dot_dimension_numbers<[1], [0], [0], [1], [0, 0, 1, 1], [], []>, transpose_lhs_hint = false} : vector<1000x128xbf16>, vector<128x128xbf16>, vector<1000x128xf32> -> vector<1000x128xf32>
    %dot_general3A_35 = arith.constant dense<0.000000e+00> : vector<1000x128xf32>
    %dot_general3A_36 = tpu.matmul %convert_element_type3A_29, %get3A_28, %dot_general3A_35 {dimension_numbers = #tpu.dot_dimension_numbers<[1], [0], [0], [1], [0, 0, 1, 1], [], []>, transpose_lhs_hint = false} : vector<1000x128xbf16>, vector<128x128xbf16>, vector<1000x128xf32> -> vector<1000x128xf32>
    %add3A_37 = arith.addf %dot_general3A_34, %dot_general3A_36 : vector<1000x128xf32>
    %dot_general3A_38 = arith.constant dense<0.000000e+00> : vector<1000x128xf32>
    %dot_general3A_39 = tpu.matmul %convert_element_type3A_32, %get3A_25, %dot_general3A_38 {dimension_numbers = #tpu.dot_dimension_numbers<[1], [0], [0], [1], [0, 0, 1, 1], [], []>, transpose_lhs_hint = false} : vector<1000x128xbf16>, vector<128x128xbf16>, vector<1000x128xf32> -> vector<1000x128xf32>
    %add3A_40 = arith.addf %add3A_37, %dot_general3A_39 : vector<1000x128xf32>
    %get3A_41 = arith.constant 0 : index
    %get3A_42 = arith.constant 0 : index
    %get3A_43 = vector.load %arg7[%get3A_41, %get3A_42] : memref<1x128xf32, #tpu.memory_space<vmem>>, vector<1x128xf32>
    %add3A_44 = vector.broadcast %get3A_43 : vector<1x128xf32> to vector<1000x128xf32>
    %add3A_45 = arith.addf %add3A_40, %add3A_44 : vector<1000x128xf32>
    %reduce_sum3A = arith.constant dense<0.000000e+00> : vector<1000xf32>
    %reduce_sum3A_46 = vector.multi_reduction <add>, %add3A_45, %reduce_sum3A [1] : vector<1000x128xf32> to vector<1000xf32>
    %broadcast_in_dim3A = vector.shape_cast %reduce_sum3A_46 : vector<1000xf32> to vector<1000x1xf32>
    %div3A = arith.constant 1.280000e+02 : f32
    %div3A_47 = vector.broadcast %div3A : f32 to vector<1000x1xf32>
    %div3A_48 = arith.divf %broadcast_in_dim3A, %div3A_47 : vector<1000x1xf32>
    %sub3A_49 = vector.broadcast %div3A_48 : vector<1000x1xf32> to vector<1000x128xf32>
    %sub3A_50 = arith.subf %add3A_45, %sub3A_49 : vector<1000x128xf32>
    %integer_pow3A = arith.mulf %sub3A_50, %sub3A_50 : vector<1000x128xf32>
    %reduce_sum3A_51 = arith.constant dense<0.000000e+00> : vector<1000xf32>
    %reduce_sum3A_52 = vector.multi_reduction <add>, %integer_pow3A, %reduce_sum3A_51 [1] : vector<1000x128xf32> to vector<1000xf32>
    %broadcast_in_dim3A_53 = vector.shape_cast %reduce_sum3A_52 : vector<1000xf32> to vector<1000x1xf32>
    %div3A_54 = arith.constant 1.280000e+02 : f32
    %div3A_55 = vector.broadcast %div3A_54 : f32 to vector<1000x1xf32>
    %div3A_56 = arith.divf %broadcast_in_dim3A_53, %div3A_55 : vector<1000x1xf32>
    %sub3A_57 = vector.broadcast %div3A_48 : vector<1000x1xf32> to vector<1000x128xf32>
    %sub3A_58 = arith.subf %add3A_45, %sub3A_57 : vector<1000x128xf32>
    %add3A_59 = arith.constant 9.99999974E-6 : f32
    %add3A_60 = vector.broadcast %add3A_59 : f32 to vector<1000x1xf32>
    %add3A_61 = arith.addf %div3A_56, %add3A_60 : vector<1000x1xf32>
    %rsqrt3A = math.rsqrt %add3A_61 : vector<1000x1xf32>
    %mul3A = vector.broadcast %rsqrt3A : vector<1000x1xf32> to vector<1000x128xf32>
    %mul3A_62 = arith.mulf %sub3A_58, %mul3A : vector<1000x128xf32>
    %get3A_63 = arith.constant 0 : index
    %get3A_64 = arith.constant 0 : index
    %get3A_65 = vector.load %arg8[%get3A_63, %get3A_64] : memref<1x128xf32, #tpu.memory_space<vmem>>, vector<1x128xf32>
    %mul3A_66 = vector.broadcast %get3A_65 : vector<1x128xf32> to vector<1000x128xf32>
    %mul3A_67 = arith.mulf %mul3A_62, %mul3A_66 : vector<1000x128xf32>
    %get3A_68 = arith.constant 0 : index
    %get3A_69 = arith.constant 0 : index
    %get3A_70 = vector.load %arg9[%get3A_68, %get3A_69] : memref<1x128xf32, #tpu.memory_space<vmem>>, vector<1x128xf32>
    %add3A_71 = vector.broadcast %get3A_70 : vector<1x128xf32> to vector<1000x128xf32>
    %add3A_72 = arith.addf %mul3A_67, %add3A_71 : vector<1000x128xf32>
    %swap3A = arith.constant 0 : index
    %swap3A_73 = arith.constant 0 : index
    %swap3A_74 = vector.load %arg12[%swap3A, %swap3A_73] : memref<1000x128xf32, #tpu.memory_space<vmem>>, vector<1000x128xf32>
    tpu.vector_store %arg12[%swap3A, %swap3A_73], %add3A_72 {strides = array<i32>} : memref<1000x128xf32, #tpu.memory_space<vmem>>, vector<1000x128xf32>,
    %get3A_75 = arith.constant 0 : index
    %get3A_76 = arith.constant 0 : index
    %get3A_77 = arith.constant 0 : index
    %get3A_78 = vector.load %arg10[%get3A_75, %get3A_76, %get3A_77] : memref<1x1000x16xf32, #tpu.memory_space<vmem>>, vector<1x1000x16xf32>
    %get3A_79 = vector.shape_cast %get3A_78 : vector<1x1000x16xf32> to vector<1000x16xf32>
    %slice3A = vector.extract_strided_slice %get3A_79 {offsets = [0, 0], sizes = [1000, 1], strides = [1, 1]} : vector<1000x16xf32> to vector<1000x1xf32>
    %get3A_80 = arith.constant 0 : index
    %get3A_81 = arith.constant 0 : index
    %get3A_82 = arith.constant 0 : index
    %get3A_83 = vector.load %arg11[%get3A_80, %get3A_81, %get3A_82] : memref<1x1000x16xf32, #tpu.memory_space<vmem>>, vector<1x1000x16xf32>
    %get3A_84 = vector.shape_cast %get3A_83 : vector<1x1000x16xf32> to vector<1000x16xf32>
    %slice3A_85 = vector.extract_strided_slice %get3A_84 {offsets = [0, 0], sizes = [1000, 1], strides = [1, 1]} : vector<1000x16xf32> to vector<1000x1xf32>
    %add3A_86 = arith.addf %slice3A, %slice3A_85 : vector<1000x1xf32>
    %add3A_87 = arith.constant 2.000000e+00 : f32
    %add3A_88 = vector.broadcast %add3A_87 : f32 to vector<1000x1xf32>
    %add3A_89 = arith.addf %add3A_86, %add3A_88 : vector<1000x1xf32>
    %rsqrt3A_90 = math.rsqrt %add3A_89 : vector<1000x1xf32>
    %mul3A_91 = vector.broadcast %rsqrt3A_90 : vector<1000x1xf32> to vector<1000x128xf32>
    %mul3A_92 = arith.mulf %mul3A_91, %add3A_72 : vector<1000x128xf32>
    %swap3A_93 = arith.constant 0 : index
    %swap3A_94 = arith.constant 0 : index
    %swap3A_95 = vector.load %arg13[%swap3A_93, %swap3A_94] : memref<1000x128xf32, #tpu.memory_space<vmem>>, vector<1000x128xf32>
    tpu.vector_store %arg13[%swap3A_93, %swap3A_94], %mul3A_92 {strides = array<i32>} : memref<1000x128xf32, #tpu.memory_space<vmem>>, vector<1000x128xf32>,
    return
  }
  func.func @transform_0(%arg0: i32) -> (i32, i32) {
    %c0_i32 = arith.constant 0 : i32
    %c0_i32_0 = arith.constant 0 : i32
    return %arg0, %c0_i32 : i32, i32
  }
  func.func @transform_1(%arg0: i32) -> (i32, i32) {
    %c0_i32 = arith.constant 0 : i32
    %c0_i32_0 = arith.constant 0 : i32
    %c0_i32_1 = arith.constant 0 : i32
    return %c0_i32, %c0_i32_0 : i32, i32
  }
  func.func @transform_2(%arg0: i32) -> (i32, i32) {
    %c0_i32 = arith.constant 0 : i32
    %c0_i32_0 = arith.constant 0 : i32
    %c0_i32_1 = arith.constant 0 : i32
    return %c0_i32, %c0_i32_0 : i32, i32
  }
  func.func @transform_3(%arg0: i32) -> (i32, i32) {
    %c0_i32 = arith.constant 0 : i32
    %c0_i32_0 = arith.constant 0 : i32
    %c0_i32_1 = arith.constant 0 : i32
    return %c0_i32, %c0_i32_0 : i32, i32
  }
  func.func @transform_4(%arg0: i32) -> (i32, i32) {
    %c0_i32 = arith.constant 0 : i32
    %c0_i32_0 = arith.constant 0 : i32
    %c0_i32_1 = arith.constant 0 : i32
    return %c0_i32, %c0_i32_0 : i32, i32
  }
  func.func @transform_5(%arg0: i32) -> (i32, i32) {
    %c0_i32 = arith.constant 0 : i32
    %c0_i32_0 = arith.constant 0 : i32
    %c0_i32_1 = arith.constant 0 : i32
    return %c0_i32, %c0_i32_0 : i32, i32
  }
  func.func @transform_6(%arg0: i32) -> (i32, i32) {
    %c0_i32 = arith.constant 0 : i32
    %c0_i32_0 = arith.constant 0 : i32
    %c0_i32_1 = arith.constant 0 : i32
    return %c0_i32, %c0_i32_0 : i32, i32
  }
  func.func @transform_7(%arg0: i32) -> (i32, i32) {
    %c0_i32 = arith.constant 0 : i32
    %c0_i32_0 = arith.constant 0 : i32
    %c0_i32_1 = arith.constant 0 : i32
    return %c0_i32, %c0_i32_0 : i32, i32
  }
  func.func @transform_8(%arg0: i32) -> (i32, i32) {
    %c0_i32 = arith.constant 0 : i32
    %c0_i32_0 = arith.constant 0 : i32
    %c0_i32_1 = arith.constant 0 : i32
    return %c0_i32, %c0_i32_0 : i32, i32
  }
  func.func @transform_9(%arg0: i32) -> (i32, i32, i32) {
    %c0_i32 = arith.constant 0 : i32
    %c0_i32_0 = arith.constant 0 : i32
    %c0_i32_1 = arith.constant 0 : i32
    return %c0_i32, %arg0, %c0_i32_0 : i32, i32, i32
  }
  func.func @transform_10(%arg0: i32) -> (i32, i32, i32) {
    %c1_i32 = arith.constant 1 : i32
    %c0_i32 = arith.constant 0 : i32
    %c0_i32_0 = arith.constant 0 : i32
    return %c1_i32, %arg0, %c0_i32 : i32, i32, i32
  }
  func.func @transform_11(%arg0: i32) -> (i32, i32) {
    %c0_i32 = arith.constant 0 : i32
    %c0_i32_0 = arith.constant 0 : i32
    return %arg0, %c0_i32 : i32, i32
  }
  func.func @transform_12(%arg0: i32) -> (i32, i32) {
    %c0_i32 = arith.constant 0 : i32
    %c0_i32_0 = arith.constant 0 : i32
    return %arg0, %c0_i32 : i32, i32
  }
}

module attributes {stable_mosaic.version = 14 : i64} {
  func.func @body(%arg0: i32, %arg1: memref<1000x128xf32, #tpu.memory_space<vmem>>, %arg2: memref<1x1000x128xf32, #tpu.memory_space<vmem>>, %arg3: memref<1x1000x128xf32, #tpu.memory_space<vmem>>, %arg4: memref<1x1000x16xf32, #tpu.memory_space<vmem>>, %arg5: memref<1x1000x16xf32, #tpu.memory_space<vmem>>, %arg6: memref<128x256xbf16, #tpu.memory_space<vmem>>, %arg7: memref<128x256xbf16, #tpu.memory_space<vmem>>, %arg8: memref<1x256xf32, #tpu.memory_space<vmem>>, %arg9: memref<128x256xbf16, #tpu.memory_space<vmem>>, %arg10: memref<128x256xbf16, #tpu.memory_space<vmem>>, %arg11: memref<1x256xf32, #tpu.memory_space<vmem>>, %arg12: memref<256x256xbf16, #tpu.memory_space<vmem>>, %arg13: memref<256x256xbf16, #tpu.memory_space<vmem>>, %arg14: memref<1x256xf32, #tpu.memory_space<vmem>>, %arg15: memref<256x1xf32, #tpu.memory_space<vmem>>, %arg16: memref<1x1xf32, #tpu.memory_space<vmem>>, %arg17: memref<1000x1xf32, #tpu.memory_space<vmem>>) attributes {dimension_semantics = [#tpu.dimension_semantics<arbitrary>], iteration_bounds = array<i64: 10>, scalar_prefetch = 0 : i64, scratch_operands = 0 : i64, tpu.core_type = #tpu.core_type<tc>, window_params = [{transform_indices = @transform_0, window_bounds = array<i64: 1000, 128>}, {transform_indices = @transform_1, window_bounds = array<i64: 1, 1000, 128>}, {transform_indices = @transform_2, window_bounds = array<i64: 1, 1000, 128>}, {transform_indices = @transform_3, window_bounds = array<i64: 1, 1000, 16>}, {transform_indices = @transform_4, window_bounds = array<i64: 1, 1000, 16>}, {pipeline_mode = #tpu.pipeline_mode<synchronous>, transform_indices = @transform_5, window_bounds = array<i64: 128, 256>}, {pipeline_mode = #tpu.pipeline_mode<synchronous>, transform_indices = @transform_6, window_bounds = array<i64: 128, 256>}, {pipeline_mode = #tpu.pipeline_mode<synchronous>, transform_indices = @transform_7, window_bounds = array<i64: 1, 256>}, {pipeline_mode = #tpu.pipeline_mode<synchronous>, transform_indices = @transform_8, window_bounds = array<i64: 128, 256>}, {pipeline_mode = #tpu.pipeline_mode<synchronous>, transform_indices = @transform_9, window_bounds = array<i64: 128, 256>}, {pipeline_mode = #tpu.pipeline_mode<synchronous>, transform_indices = @transform_10, window_bounds = array<i64: 1, 256>}, {pipeline_mode = #tpu.pipeline_mode<synchronous>, transform_indices = @transform_11, window_bounds = array<i64: 256, 256>}, {pipeline_mode = #tpu.pipeline_mode<synchronous>, transform_indices = @transform_12, window_bounds = array<i64: 256, 256>}, {pipeline_mode = #tpu.pipeline_mode<synchronous>, transform_indices = @transform_13, window_bounds = array<i64: 1, 256>}, {pipeline_mode = #tpu.pipeline_mode<synchronous>, transform_indices = @transform_14, window_bounds = array<i64: 256, 1>}, {pipeline_mode = #tpu.pipeline_mode<synchronous>, transform_indices = @transform_15, window_bounds = array<i64: 1, 1>}, {transform_indices = @transform_16, window_bounds = array<i64: 1000, 1>}]} {
    %get3A = arith.constant 0 : index
    %get3A_0 = arith.constant 0 : index
    %get3A_1 = vector.load %arg1[%get3A, %get3A_0] : memref<1000x128xf32, #tpu.memory_space<vmem>>, vector<1000x128xf32>
    %get3A_2 = arith.constant 0 : index
    %get3A_3 = arith.constant 0 : index
    %get3A_4 = arith.constant 0 : index
    %get3A_5 = vector.load %arg4[%get3A_2, %get3A_3, %get3A_4] : memref<1x1000x16xf32, #tpu.memory_space<vmem>>, vector<1x1000x16xf32>
    %get3A_6 = vector.shape_cast %get3A_5 : vector<1x1000x16xf32> to vector<1000x16xf32>
    %slice3A = vector.extract_strided_slice %get3A_6 {offsets = [0, 0], sizes = [1000, 1], strides = [1, 1]} : vector<1000x16xf32> to vector<1000x1xf32>
    %get3A_7 = arith.constant 0 : index
    %get3A_8 = arith.constant 0 : index
    %get3A_9 = arith.constant 0 : index
    %get3A_10 = vector.load %arg5[%get3A_7, %get3A_8, %get3A_9] : memref<1x1000x16xf32, #tpu.memory_space<vmem>>, vector<1x1000x16xf32>
    %get3A_11 = vector.shape_cast %get3A_10 : vector<1x1000x16xf32> to vector<1000x16xf32>
    %slice3A_12 = vector.extract_strided_slice %get3A_11 {offsets = [0, 0], sizes = [1000, 1], strides = [1, 1]} : vector<1000x16xf32> to vector<1000x1xf32>
    %add3A = arith.addf %slice3A, %slice3A_12 : vector<1000x1xf32>
    %add3A_13 = arith.constant 2.000000e+00 : f32
    %add3A_14 = vector.broadcast %add3A_13 : f32 to vector<1000x1xf32>
    %add3A_15 = arith.addf %add3A, %add3A_14 : vector<1000x1xf32>
    %rsqrt3A = math.rsqrt %add3A_15 : vector<1000x1xf32>
    %get3A_16 = arith.constant 0 : index
    %get3A_17 = arith.constant 0 : index
    %get3A_18 = arith.constant 0 : index
    %get3A_19 = vector.load %arg2[%get3A_16, %get3A_17, %get3A_18] : memref<1x1000x128xf32, #tpu.memory_space<vmem>>, vector<1x1000x128xf32>
    %get3A_20 = vector.shape_cast %get3A_19 : vector<1x1000x128xf32> to vector<1000x128xf32>
    %get3A_21 = arith.constant 0 : index
    %get3A_22 = arith.constant 0 : index
    %get3A_23 = arith.constant 0 : index
    %get3A_24 = vector.load %arg3[%get3A_21, %get3A_22, %get3A_23] : memref<1x1000x128xf32, #tpu.memory_space<vmem>>, vector<1x1000x128xf32>
    %get3A_25 = vector.shape_cast %get3A_24 : vector<1x1000x128xf32> to vector<1000x128xf32>
    %add3A_26 = arith.addf %get3A_20, %get3A_25 : vector<1000x128xf32>
    %mul3A = vector.broadcast %rsqrt3A : vector<1000x1xf32> to vector<1000x128xf32>
    %mul3A_27 = arith.mulf %mul3A, %add3A_26 : vector<1000x128xf32>
    %mul3A_28 = arith.constant 2.000000e+00 : f32
    %mul3A_29 = vector.broadcast %mul3A_28 : f32 to vector<1000x1xf32>
    %mul3A_30 = arith.mulf %mul3A_29, %rsqrt3A : vector<1000x1xf32>
    %mul3A_31 = arith.mulf %mul3A_30, %rsqrt3A : vector<1000x1xf32>
    %mul3A_32 = vector.broadcast %mul3A_31 : vector<1000x1xf32> to vector<1000x128xf32>
    %mul3A_33 = arith.mulf %mul3A_32, %get3A_1 : vector<1000x128xf32>
    %add3A_34 = arith.addf %mul3A_27, %mul3A_33 : vector<1000x128xf32>
    %get3A_35 = arith.constant 0 : index
    %get3A_36 = arith.constant 0 : index
    %get3A_37 = vector.load %arg6[%get3A_35, %get3A_36] : memref<128x256xbf16, #tpu.memory_space<vmem>>, vector<128x256xbf16>
    %get3A_38 = arith.constant 0 : index
    %get3A_39 = arith.constant 0 : index
    %get3A_40 = vector.load %arg7[%get3A_38, %get3A_39] : memref<128x256xbf16, #tpu.memory_space<vmem>>, vector<128x256xbf16>
    %convert_element_type3A = arith.truncf %add3A_34 : vector<1000x128xf32> to vector<1000x128xbf16>
    %convert_element_type3A_41 = arith.extf %convert_element_type3A : vector<1000x128xbf16> to vector<1000x128xf32>
    %sub3A = arith.subf %add3A_34, %convert_element_type3A_41 : vector<1000x128xf32>
    %convert_element_type3A_42 = arith.truncf %sub3A : vector<1000x128xf32> to vector<1000x128xbf16>
    %dot_general3A = arith.constant dense<0.000000e+00> : vector<1000x256xf32>
    %dot_general3A_43 = tpu.matmul %convert_element_type3A, %get3A_37, %dot_general3A {dimension_numbers = #tpu.dot_dimension_numbers<[1], [0], [0], [1], [0, 0, 1, 1], [], []>, transpose_lhs_hint = false} : vector<1000x128xbf16>, vector<128x256xbf16>, vector<1000x256xf32> -> vector<1000x256xf32>
    %dot_general3A_44 = arith.constant dense<0.000000e+00> : vector<1000x256xf32>
    %dot_general3A_45 = tpu.matmul %convert_element_type3A, %get3A_40, %dot_general3A_44 {dimension_numbers = #tpu.dot_dimension_numbers<[1], [0], [0], [1], [0, 0, 1, 1], [], []>, transpose_lhs_hint = false} : vector<1000x128xbf16>, vector<128x256xbf16>, vector<1000x256xf32> -> vector<1000x256xf32>
    %add3A_46 = arith.addf %dot_general3A_43, %dot_general3A_45 : vector<1000x256xf32>
    %dot_general3A_47 = arith.constant dense<0.000000e+00> : vector<1000x256xf32>
    %dot_general3A_48 = tpu.matmul %convert_element_type3A_42, %get3A_37, %dot_general3A_47 {dimension_numbers = #tpu.dot_dimension_numbers<[1], [0], [0], [1], [0, 0, 1, 1], [], []>, transpose_lhs_hint = false} : vector<1000x128xbf16>, vector<128x256xbf16>, vector<1000x256xf32> -> vector<1000x256xf32>
    %add3A_49 = arith.addf %add3A_46, %dot_general3A_48 : vector<1000x256xf32>
    %get3A_50 = arith.constant 0 : index
    %get3A_51 = arith.constant 0 : index
    %get3A_52 = vector.load %arg8[%get3A_50, %get3A_51] : memref<1x256xf32, #tpu.memory_space<vmem>>, vector<1x256xf32>
    %add3A_53 = vector.broadcast %get3A_52 : vector<1x256xf32> to vector<1000x256xf32>
    %add3A_54 = arith.addf %add3A_49, %add3A_53 : vector<1000x256xf32>
    %get3A_55 = arith.constant 0 : index
    %get3A_56 = arith.constant 0 : index
    %get3A_57 = vector.load %arg9[%get3A_55, %get3A_56] : memref<128x256xbf16, #tpu.memory_space<vmem>>, vector<128x256xbf16>
    %get3A_58 = arith.constant 0 : index
    %get3A_59 = arith.constant 0 : index
    %get3A_60 = vector.load %arg10[%get3A_58, %get3A_59] : memref<128x256xbf16, #tpu.memory_space<vmem>>, vector<128x256xbf16>
    %convert_element_type3A_61 = arith.truncf %get3A_1 : vector<1000x128xf32> to vector<1000x128xbf16>
    %convert_element_type3A_62 = arith.extf %convert_element_type3A_61 : vector<1000x128xbf16> to vector<1000x128xf32>
    %sub3A_63 = arith.subf %get3A_1, %convert_element_type3A_62 : vector<1000x128xf32>
    %convert_element_type3A_64 = arith.truncf %sub3A_63 : vector<1000x128xf32> to vector<1000x128xbf16>
    %dot_general3A_65 = arith.constant dense<0.000000e+00> : vector<1000x256xf32>
    %dot_general3A_66 = tpu.matmul %convert_element_type3A_61, %get3A_57, %dot_general3A_65 {dimension_numbers = #tpu.dot_dimension_numbers<[1], [0], [0], [1], [0, 0, 1, 1], [], []>, transpose_lhs_hint = false} : vector<1000x128xbf16>, vector<128x256xbf16>, vector<1000x256xf32> -> vector<1000x256xf32>
    %dot_general3A_67 = arith.constant dense<0.000000e+00> : vector<1000x256xf32>
    %dot_general3A_68 = tpu.matmul %convert_element_type3A_61, %get3A_60, %dot_general3A_67 {dimension_numbers = #tpu.dot_dimension_numbers<[1], [0], [0], [1], [0, 0, 1, 1], [], []>, transpose_lhs_hint = false} : vector<1000x128xbf16>, vector<128x256xbf16>, vector<1000x256xf32> -> vector<1000x256xf32>
    %add3A_69 = arith.addf %dot_general3A_66, %dot_general3A_68 : vector<1000x256xf32>
    %dot_general3A_70 = arith.constant dense<0.000000e+00> : vector<1000x256xf32>
    %dot_general3A_71 = tpu.matmul %convert_element_type3A_64, %get3A_57, %dot_general3A_70 {dimension_numbers = #tpu.dot_dimension_numbers<[1], [0], [0], [1], [0, 0, 1, 1], [], []>, transpose_lhs_hint = false} : vector<1000x128xbf16>, vector<128x256xbf16>, vector<1000x256xf32> -> vector<1000x256xf32>
    %add3A_72 = arith.addf %add3A_69, %dot_general3A_71 : vector<1000x256xf32>
    %add3A_73 = arith.addf %add3A_54, %add3A_72 : vector<1000x256xf32>
    %get3A_74 = arith.constant 0 : index
    %get3A_75 = arith.constant 0 : index
    %get3A_76 = vector.load %arg11[%get3A_74, %get3A_75] : memref<1x256xf32, #tpu.memory_space<vmem>>, vector<1x256xf32>
    %add3A_77 = vector.broadcast %get3A_76 : vector<1x256xf32> to vector<1000x256xf32>
    %add3A_78 = arith.addf %add3A_73, %add3A_77 : vector<1000x256xf32>
    %gt3A = arith.constant 0.000000e+00 : f32
    %gt3A_79 = vector.broadcast %gt3A : f32 to vector<1000x256xf32>
    %gt3A_80 = arith.cmpf ogt, %add3A_78, %gt3A_79 : vector<1000x256xf32>
    %exp3A = math.exp %add3A_78 : vector<1000x256xf32>
    %sub3A_81 = arith.constant 1.000000e+00 : f32
    %sub3A_82 = vector.broadcast %sub3A_81 : f32 to vector<1000x256xf32>
    %sub3A_83 = arith.subf %exp3A, %sub3A_82 : vector<1000x256xf32>
    %mul3A_84 = arith.constant 1.000000e-01 : f32
    %mul3A_85 = vector.broadcast %mul3A_84 : f32 to vector<1000x256xf32>
    %mul3A_86 = arith.mulf %mul3A_85, %sub3A_83 : vector<1000x256xf32>
    %select_n3A = arith.select %gt3A_80, %add3A_78, %mul3A_86 : vector<1000x256xi1>, vector<1000x256xf32>
    %get3A_87 = arith.constant 0 : index
    %get3A_88 = arith.constant 0 : index
    %get3A_89 = vector.load %arg12[%get3A_87, %get3A_88] : memref<256x256xbf16, #tpu.memory_space<vmem>>, vector<256x256xbf16>
    %get3A_90 = arith.constant 0 : index
    %get3A_91 = arith.constant 0 : index
    %get3A_92 = vector.load %arg13[%get3A_90, %get3A_91] : memref<256x256xbf16, #tpu.memory_space<vmem>>, vector<256x256xbf16>
    %convert_element_type3A_93 = arith.truncf %select_n3A : vector<1000x256xf32> to vector<1000x256xbf16>
    %convert_element_type3A_94 = arith.extf %convert_element_type3A_93 : vector<1000x256xbf16> to vector<1000x256xf32>
    %sub3A_95 = arith.subf %select_n3A, %convert_element_type3A_94 : vector<1000x256xf32>
    %convert_element_type3A_96 = arith.truncf %sub3A_95 : vector<1000x256xf32> to vector<1000x256xbf16>
    %dot_general3A_97 = arith.constant dense<0.000000e+00> : vector<1000x256xf32>
    %dot_general3A_98 = tpu.matmul %convert_element_type3A_93, %get3A_89, %dot_general3A_97 {dimension_numbers = #tpu.dot_dimension_numbers<[1], [0], [0], [1], [0, 0, 1, 1], [], []>, transpose_lhs_hint = false} : vector<1000x256xbf16>, vector<256x256xbf16>, vector<1000x256xf32> -> vector<1000x256xf32>
    %dot_general3A_99 = arith.constant dense<0.000000e+00> : vector<1000x256xf32>
    %dot_general3A_100 = tpu.matmul %convert_element_type3A_93, %get3A_92, %dot_general3A_99 {dimension_numbers = #tpu.dot_dimension_numbers<[1], [0], [0], [1], [0, 0, 1, 1], [], []>, transpose_lhs_hint = false} : vector<1000x256xbf16>, vector<256x256xbf16>, vector<1000x256xf32> -> vector<1000x256xf32>
    %add3A_101 = arith.addf %dot_general3A_98, %dot_general3A_100 : vector<1000x256xf32>
    %dot_general3A_102 = arith.constant dense<0.000000e+00> : vector<1000x256xf32>
    %dot_general3A_103 = tpu.matmul %convert_element_type3A_96, %get3A_89, %dot_general3A_102 {dimension_numbers = #tpu.dot_dimension_numbers<[1], [0], [0], [1], [0, 0, 1, 1], [], []>, transpose_lhs_hint = false} : vector<1000x256xbf16>, vector<256x256xbf16>, vector<1000x256xf32> -> vector<1000x256xf32>
    %add3A_104 = arith.addf %add3A_101, %dot_general3A_103 : vector<1000x256xf32>
    %get3A_105 = arith.constant 0 : index
    %get3A_106 = arith.constant 0 : index
    %get3A_107 = vector.load %arg14[%get3A_105, %get3A_106] : memref<1x256xf32, #tpu.memory_space<vmem>>, vector<1x256xf32>
    %add3A_108 = vector.broadcast %get3A_107 : vector<1x256xf32> to vector<1000x256xf32>
    %add3A_109 = arith.addf %add3A_104, %add3A_108 : vector<1000x256xf32>
    %gt3A_110 = arith.constant 0.000000e+00 : f32
    %gt3A_111 = vector.broadcast %gt3A_110 : f32 to vector<1000x256xf32>
    %gt3A_112 = arith.cmpf ogt, %add3A_109, %gt3A_111 : vector<1000x256xf32>
    %mul3A_113 = arith.constant 1.000000e-01 : f32
    %mul3A_114 = vector.broadcast %mul3A_113 : f32 to vector<1000x256xf32>
    %mul3A_115 = arith.mulf %mul3A_114, %add3A_109 : vector<1000x256xf32>
    %select_n3A_116 = arith.select %gt3A_112, %add3A_109, %mul3A_115 : vector<1000x256xi1>, vector<1000x256xf32>
    %get3A_117 = arith.constant 0 : index
    %get3A_118 = arith.constant 0 : index
    %get3A_119 = vector.load %arg15[%get3A_117, %get3A_118] : memref<256x1xf32, #tpu.memory_space<vmem>>, vector<256x1xf32>
    %dot_general3A_120 = arith.constant dense<0.000000e+00> : vector<1000x1xf32>
    %dot_general3A_121 = tpu.matmul %select_n3A_116, %get3A_119, %dot_general3A_120 {dimension_numbers = #tpu.dot_dimension_numbers<[1], [0], [0], [1], [0, 0, 1, 1], [], []>, precision = #tpu.contract_precision<fp32>, transpose_lhs_hint = false} : vector<1000x256xf32>, vector<256x1xf32>, vector<1000x1xf32> -> vector<1000x1xf32>
    %get3A_122 = arith.constant 0 : index
    %get3A_123 = arith.constant 0 : index
    %get3A_124 = vector.load %arg16[%get3A_122, %get3A_123] : memref<1x1xf32, #tpu.memory_space<vmem>>, vector<1x1xf32>
    %add3A_125 = vector.broadcast %get3A_124 : vector<1x1xf32> to vector<1000x1xf32>
    %add3A_126 = arith.addf %dot_general3A_121, %add3A_125 : vector<1000x1xf32>
    %swap3A = arith.constant 0 : index
    %swap3A_127 = arith.constant 0 : index
    %swap3A_128 = vector.load %arg17[%swap3A, %swap3A_127] : memref<1000x1xf32, #tpu.memory_space<vmem>>, vector<1000x1xf32>
    tpu.vector_store %arg17[%swap3A, %swap3A_127], %add3A_126 {strides = array<i32>} : memref<1000x1xf32, #tpu.memory_space<vmem>>, vector<1000x1xf32>,
    return
  }
  func.func @transform_0(%arg0: i32) -> (i32, i32) {
    %c0_i32 = arith.constant 0 : i32
    %c0_i32_0 = arith.constant 0 : i32
    return %arg0, %c0_i32 : i32, i32
  }
  func.func @transform_1(%arg0: i32) -> (i32, i32, i32) {
    %c0_i32 = arith.constant 0 : i32
    %c0_i32_0 = arith.constant 0 : i32
    %c0_i32_1 = arith.constant 0 : i32
    return %c0_i32, %arg0, %c0_i32_0 : i32, i32, i32
  }
  func.func @transform_2(%arg0: i32) -> (i32, i32, i32) {
    %c1_i32 = arith.constant 1 : i32
    %c0_i32 = arith.constant 0 : i32
    %c0_i32_0 = arith.constant 0 : i32
    return %c1_i32, %arg0, %c0_i32 : i32, i32, i32
  }
  func.func @transform_3(%arg0: i32) -> (i32, i32, i32) {
    %c0_i32 = arith.constant 0 : i32
    %c0_i32_0 = arith.constant 0 : i32
    %c0_i32_1 = arith.constant 0 : i32
    return %c0_i32, %arg0, %c0_i32_0 : i32, i32, i32
  }
  func.func @transform_4(%arg0: i32) -> (i32, i32, i32) {
    %c1_i32 = arith.constant 1 : i32
    %c0_i32 = arith.constant 0 : i32
    %c0_i32_0 = arith.constant 0 : i32
    return %c1_i32, %arg0, %c0_i32 : i32, i32, i32
  }
  func.func @transform_5(%arg0: i32) -> (i32, i32) {
    %c0_i32 = arith.constant 0 : i32
    %c0_i32_0 = arith.constant 0 : i32
    %c0_i32_1 = arith.constant 0 : i32
    return %c0_i32, %c0_i32_0 : i32, i32
  }
  func.func @transform_6(%arg0: i32) -> (i32, i32) {
    %c0_i32 = arith.constant 0 : i32
    %c0_i32_0 = arith.constant 0 : i32
    %c0_i32_1 = arith.constant 0 : i32
    return %c0_i32, %c0_i32_0 : i32, i32
  }
  func.func @transform_7(%arg0: i32) -> (i32, i32) {
    %c0_i32 = arith.constant 0 : i32
    %c0_i32_0 = arith.constant 0 : i32
    %c0_i32_1 = arith.constant 0 : i32
    return %c0_i32, %c0_i32_0 : i32, i32
  }
  func.func @transform_8(%arg0: i32) -> (i32, i32) {
    %c0_i32 = arith.constant 0 : i32
    %c0_i32_0 = arith.constant 0 : i32
    %c0_i32_1 = arith.constant 0 : i32
    return %c0_i32, %c0_i32_0 : i32, i32
  }
  func.func @transform_9(%arg0: i32) -> (i32, i32) {
    %c0_i32 = arith.constant 0 : i32
    %c0_i32_0 = arith.constant 0 : i32
    %c0_i32_1 = arith.constant 0 : i32
    return %c0_i32, %c0_i32_0 : i32, i32
  }
  func.func @transform_10(%arg0: i32) -> (i32, i32) {
    %c0_i32 = arith.constant 0 : i32
    %c0_i32_0 = arith.constant 0 : i32
    %c0_i32_1 = arith.constant 0 : i32
    return %c0_i32, %c0_i32_0 : i32, i32
  }
  func.func @transform_11(%arg0: i32) -> (i32, i32) {
    %c0_i32 = arith.constant 0 : i32
    %c0_i32_0 = arith.constant 0 : i32
    %c0_i32_1 = arith.constant 0 : i32
    return %c0_i32, %c0_i32_0 : i32, i32
  }
  func.func @transform_12(%arg0: i32) -> (i32, i32) {
    %c0_i32 = arith.constant 0 : i32
    %c0_i32_0 = arith.constant 0 : i32
    %c0_i32_1 = arith.constant 0 : i32
    return %c0_i32, %c0_i32_0 : i32, i32
  }
  func.func @transform_13(%arg0: i32) -> (i32, i32) {
    %c0_i32 = arith.constant 0 : i32
    %c0_i32_0 = arith.constant 0 : i32
    %c0_i32_1 = arith.constant 0 : i32
    return %c0_i32, %c0_i32_0 : i32, i32
  }
  func.func @transform_14(%arg0: i32) -> (i32, i32) {
    %c0_i32 = arith.constant 0 : i32
    %c0_i32_0 = arith.constant 0 : i32
    %c0_i32_1 = arith.constant 0 : i32
    return %c0_i32, %c0_i32_0 : i32, i32
  }
  func.func @transform_15(%arg0: i32) -> (i32, i32) {
    %c0_i32 = arith.constant 0 : i32
    %c0_i32_0 = arith.constant 0 : i32
    %c0_i32_1 = arith.constant 0 : i32
    return %c0_i32, %c0_i32_0 : i32, i32
  }
  func.func @transform_16(%arg0: i32) -> (i32, i32) {
    %c0_i32 = arith.constant 0 : i32
    %c0_i32_0 = arith.constant 0 : i32
    return %arg0, %c0_i32 : i32, i32
  }
}

</mosaic_0001>

<sc_bundles>
// kernel: kernel.6.cloned.1.call-start
scs
__scs_entry_jumppad:
0x0: {  	(pc) =	sbr.rel $0x88, $3  }
0x1: {  	(tag) =	ssettag $0x0;
	lr =	simm.s32 $0x1  }
0x2: {  	[smem:$0x3F91] =	sst lr;
	_ =	strace $0xD0000000  }
0x3: {  	_ = 	snop  }
0x4: {  	_ = 	snop  }
0x5: {  	_ = 	snop  }
0x6: {  	_ = 	snop  }
0x7: {  	_ = 	snop  }
__scs_overlays_trampoline_lowered:
0x8: {  	[smem:$0x3FA0] =	sst s0  }
0x9: {  	[smem:$0x3FA1] =	sst s1  }
0xa: {  	[smem:$0x3FA2] =	sst s2  }
0xb: {  	[smem:$0x3FA3] =	sst s3  }
0xc: {  	[smem:$0x3FA4] =	sst s4  }
0xd: {  	[smem:$0x3FA5] =	sst s5  }
0xe: {  	[smem:$0x3FA6] =	sst s6  }
0xf: {  	[smem:$0x3FA7] =	sst s7  }
0x10: {  	[smem:$0x3FA8] =	sst s8  }
0x11: {  	[smem:$0x3FA9] =	sst s9;
	s0 =	simm.s32 @!p0 $0x0  }
0x12: {  	s1 =	sld [smem:$0x3F8F];
	s0 =	simm.s32 @p0 $0x1  }
0x13: {  	[smem:$0x3FAA] =	sst s0;
	s0 =	simm.s32 @!p1 $0x0  }
0x14: {  	s2 =	sld [smem:$0x3F8E];
	s0 =	simm.s32 @p1 $0x1  }
0x15: {  	[smem:$0x3FAB] =	sst s0;
	s0 =	simm.s32 @!p2 $0x0  }
0x16: {  	s3 =	sld [smem:$0x3FDB];
	s0 =	simm.s32 @p2 $0x1  }
0x17: {  	s4 =	simm.s32 $0x1BF5;
	[smem:$0x3FAD] =	sst s0  }
0x18: {  	s0 =	sld [smem:$0x3F90];
	_ =	swait.ge [sflag:s4], $0x0  }
0x19: {  	s7 =	sld [smem:$0x3F91]  }
0x1a: {  	s8 =	sadd.s32 $0xFFFFE003, lr  }
0x1b: {  	s9 =	sadd.s32 $0xFFFFFEF7, lr;
	s5 =	simm.s32 $0xFFFFFFFF;
	p2 =	slt.u32 s8, $0xFFFFF086  }
0x1c: {  	p1 =	slt.u32 s9, $0xF7A;
	s5 =	simm.s32 @!p2 $0x0  }
0x1d: {  	s5 =	simm.s32 @p1 $0x1;
	p0 =	seq.s32 s7, s2  }
0x1e: {  	s7 =	smul.u32 @!p0 $0xF7A, s2;
	p2 =	seq.s32 @!p0 s5, $0x0  }
0x1f: {  	s9 =	smul.u32 $0xF7A, s1;
	s8 =	simm.s32 @!p0 $0x1BF5;
	p2 =	por !p2, p0  }
0x20: {  	[sflag:s8] =	ssyncset.s32 @!p0 $0xFFFFF086;
	s6 =	sadd.s32 @!p0 s3, s7;
	s7 =	simm.s32 @!p0 $0x108  }
0x21: {  	s3 =	sadd.s32 s3, s9;
	s6 =	sadd.s32 @!p0 $0x88, s6;
	s7 =	simm.s32 @p2 $0x1082  }
0x22: {  	[simem:s7], [sflag:s8] =	dma.local @!p0 [hbm:s6], $0xF7A  }
0x23: {  	s9 =	sor.u32 $0xD0000000, s2;
	s6 =	simm.s32 $0x108;
	_ =	swait.ge @!p0 [sflag:s8], $0x0  }
0x24: {  	s3 =	sadd.s32 $0x88, s3;
	s6 =	simm.s32 @!p1 $0x1082;
	[sflag:s4] =	ssyncset.s32 $0xFFFFF086  }
0x25: {  	[simem:s6], [sflag:s4] =	dma.local [hbm:s3], $0xF7A  }
0x26: {  	[smem:$0x3F91] =	sst s1;
	(tag) =	ssettag s2;
	_ =	strace s9  }
0x27: {  	s1 =	sld [smem:$0x3FA1]  }
0x28: {  	s2 =	sld [smem:$0x3FA2]  }
0x29: {  	s4 =	sld [smem:$0x3FA4]  }
0x2a: {  	p0 =	seq.s32 s5, $0x0;
	s5 =	sld [smem:$0x3FA5]  }
0x2b: {  	s6 =	sld [smem:$0x3FA6]  }
0x2c: {  	s7 =	sld [smem:$0x3FA7]  }
0x2d: {  	s3 =	simm.s32 $0x108;
	s8 =	sld [smem:$0x3FA8]  }
0x2e: {  	s3 =	simm.s32 @!p0 $0x1082;
	s9 =	sld [smem:$0x3FA9]  }
0x2f: {  	lr =	sadd.s32 s0, s3;
	s0 =	sld [smem:$0x3FA0]  }
0x30: {  	s3 =	sld [smem:$0x3FA3]  }
0x31: {  	[smem:$0x3FAC] =	sst s10  }
0x32: {  	s10 =	sld [smem:$0x3FAA];
	_ =	sdelay $0x3  }
0x33: {  	p0 =	seq.s32 s10, $0x1;
	s10 =	sld [smem:$0x3FAC];
	_ =	sdelay $0x3  }
0x34: {  	[smem:$0x3FAC] =	sst s10  }
0x35: {  	s10 =	sld [smem:$0x3FAB];
	_ =	sdelay $0x3  }
0x36: {  	p1 =	seq.s32 s10, $0x1;
	s10 =	sld [smem:$0x3FAC];
	_ =	sdelay $0x3  }
0x37: {  	[smem:$0x3FAC] =	sst s10  }
0x38: {  	s10 =	sld [smem:$0x3FAD]  }
0x39: {  	_ = 	snop;
	(pc) =	sbr.ind lr, $3  }
0x3a: {  	_ = 	snop  }
0x3b: {  	_ = 	snop  }
0x3c: {  	p2 =	seq.s32 s10, $0x1;
	s10 =	sld [smem:$0x3FAC]  }
0x3d: {  	_ =	shalt  }
0x3e: {  	_ =	shalt  }
0x3f: {  	_ =	shalt  }
0x40: {  	_ =	shalt  }
0x41: {  	_ =	shalt  }
0x42: {  	_ =	shalt  }
0x43: {  	_ =	shalt  }
0x44: {  	_ =	shalt  }
0x45: {  	_ =	shalt  }
0x46: {  	_ =	shalt  }
0x47: {  	_ =	shalt  }
0x48: {  	_ =	shalt  }
0x49: {  	_ =	shalt  }
0x4a: {  	_ =	shalt  }
0x4b: {  	_ =	shalt  }
0x4c: {  	_ =	shalt  }
0x4d: {  	_ =	shalt  }
0x4e: {  	_ =	shalt  }
0x4f: {  	_ =	shalt  }
0x50: {  	_ =	shalt  }
0x51: {  	_ =	shalt  }
0x52: {  	_ =	shalt  }
0x53: {  	_ =	shalt  }
0x54: {  	_ =	shalt  }
0x55: {  	_ =	shalt  }
0x56: {  	_ =	shalt  }
0x57: {  	_ =	shalt  }
0x58: {  	_ =	shalt  }
0x59: {  	_ =	shalt  }
0x5a: {  	_ =	shalt  }
0x5b: {  	_ =	shalt  }
0x5c: {  	_ =	shalt  }
0x5d: {  	_ =	shalt  }
0x5e: {  	_ =	shalt  }
0x5f: {  	_ =	shalt  }
0x60: {  	_ =	shalt  }
0x61: {  	_ =	shalt  }
0x62: {  	_ =	shalt  }
0x63: {  	_ =	shalt  }
0x64: {  	_ =	shalt  }
0x65: {  	_ =	shalt  }
0x66: {  	_ =	shalt  }
0x67: {  	_ =	shalt  }
0x68: {  	_ =	shalt  }
0x69: {  	_ =	shalt  }
0x6a: {  	_ =	shalt  }
0x6b: {  	_ =	shalt  }
0x6c: {  	_ =	shalt  }
0x6d: {  	_ =	shalt  }
0x6e: {  	_ =	shalt  }
0x6f: {  	_ =	shalt  }
0x70: {  	_ =	shalt  }
0x71: {  	_ =	shalt  }
0x72: {  	_ =	shalt  }
0x73: {  	_ =	shalt  }
0x74: {  	_ =	shalt  }
0x75: {  	_ =	shalt  }
0x76: {  	_ =	shalt  }
0x77: {  	_ =	shalt  }
0x78: {  	_ =	shalt  }
0x79: {  	_ =	shalt  }
0x7a: {  	_ =	shalt  }
0x7b: {  	_ =	shalt  }
0x7c: {  	_ =	shalt  }
0x7d: {  	_ =	shalt  }
0x7e: {  	_ =	shalt  }
0x7f: {  	_ =	shalt  }
0x80: {  	_ =	shalt  }
0x81: {  	_ =	shalt  }
0x82: {  	_ =	shalt  }
0x83: {  	_ =	shalt  }
0x84: {  	_ =	shalt  }
0x85: {  	_ =	shalt  }
0x86: {  	_ =	shalt  }
0x87: {  	_ =	shalt  }
.Lfunc_end0:
.L_simem_size_0:
called_computation_lowered:
.L_overlay_start_0:
0x88: {  	s2 =	sld [smem:$0x3FD9]  }
0x89: {  	s3 =	sld [smem:$0x3FFE];
	_ =	sdelay $0x1  }
0x8a: {  	s1 =	srdreg.scid  }
0x8b: {  	s0 =	sand.u32 $0x1, s1  }
0x8c: {  	s16 =	sshll.u32 s0, $0xA;
	s2 =	sadd.s32 s3, s2  }
0x8d: {  	s2 =	sadd.s32 s2, s16  }
0x8e: {  	[smem:$0x3FB8] =	sst s2  }
0x8f: {  	_ = 	snop  }
0x90: {  	(tm) =	ssettm $0x1  }
0x91: {  	s17 =	sld [smem:$0x3FFB];
	_ =	sdelay $0x3  }
0x92: {  	_ =	strace s17  }
0x93: {  	s2 =	sld [smem:$0x3FFC];
	_ =	sdelay $0x3  }
0x94: {  	_ =	strace s2  }
0x95: {  	s2 =	sld [smem:$0x3FFD];
	_ =	sdelay $0x3  }
0x96: {  	_ =	strace s2  }
0x97: {  	_ =	strace $0x8FFFFFFF  }
0x98: {  	s18 =	sld [smem:$0x3FDB];
	_ =	sdelay $0x1  }
0x99: {  	s19 =	simm.s32 $_scs_section_size  }
0x9a: {  	s4 =	simm.s32 $_size__tile_overlayer_lowered;
	s5 =	simm.s32 $_tile_overlayer_lowered  }
0x9b: {  	s22 =	simm.s32 $0x1BFF;
	s21 =	sshll.u32 s5, $0x1;
	s2 =	sadd.s32 s19, s18  }
0x9c: {  	s6 =	simm.s32 $0x0;
	s20 =	sshll.u32 s4, $0x1;
	s4 =	sadd.s32 s21, s2  }
0x9d: {  	[timem:s6], [sflag:s22] =	dma.local [hbm:s4], s20  }
0x9e: {  	_ =	swait.ge [sflag:s22], s20  }
0x9f: {  	s3 =	ssub.s32 $0x0, s20;
	[sflag:s22] =	ssyncset.done $0x0  }
0xa0: {  	[sflag:s22] =	ssyncadd.s32 s3;
	_ =	sdelay $0x1  }
0xa1: {  	s23 =	simm.s32 $0x1B8B  }
0xa2: {  	_ =	swait.ge [sflag:s23], $0x1  }
0xa3: {  	[sflag:s23] =	ssyncset.done $0x0  }
0xa4: {  	s25 =	simm.s32 $0x1B8E;
	s24 =	sld [smem:$0x3FFE];
	[sflag:s23] =	ssyncadd.s32 $0xFFFFFFFF  }
0xa5: {  	s26 =	simm.s32 $execute0_lowered;
	[smem:$0x3FD2] =	sst s25  }
0xa6: {  	s4 =	sshll.u32 s26, $0x1;
	_ =	strace $0x80000046;
	[dreg:$0x1] =	wrdreg $0xFFFFFFFF  }
0xa7: {  	s28 =	simm.s32 $_size_execute0_lowered;
	s2 =	sadd.s32 s2, s4;
	[dreg:$0x0] =	wrdreg $0x0  }
0xa8: {  	s4 =	sshll.u32 s28, $0x1;
	[dreg:$0x2] =	wrdreg s2  }
0xa9: {  	[dreg:$0x3] =	wrdreg s4  }
0xaa: {  	[dreg:$0x4] =	wrdreg $0xC0  }
0xab: {  	_ =	task [dreg:s6], $0x5FFFF  }
0xac: {  	[dreg:$0x1] =	wrdreg $0xFFFFFFFF  }
0xad: {  	[dreg:$0x0] =	wrdreg $0x60  }
0xae: {  	[dreg:$0x2] =	wrdreg s24  }
0xaf: {  	[dreg:$0x3] =	wrdreg $0xF0800  }
0xb0: {  	[dreg:$0x4] =	wrdreg $0x9  }
0xb1: {  	_ =	task.clear_ibuf [dreg:s6], $0x5FFFF;
	_ =	strace $0x90000046  }
0xb2: {  	s29 =	simm.s32 $0x9;
	_ =	strace $0x80000048  }
0xb3: {  	_ =	swait.ge [sflag:s29], $0x1  }
0xb4: {  	[sflag:s29] =	ssyncadd.s32 $0xFFFFFFFF  }
0xb5: {  	_ =	strace $0x90000048  }
0xb6: {  	_ =	sfence  }
0xb7: {  	s30 =	sld [smem:$0x0];
	_ =	sdelay $0x2  }
0xb8: {  	s31 =	sshll.u32 s1, $0xD;
	s1 =	sshrl.u32 s1, $0x2  }
0xb9: {  	s3 =	sand.u32 $0x4000, s31;
	s1 =	sadd.s32 s1, s30  }
0xba: {  	s0 =	sor.u32 s3, s0;
	s1 =	sshll.u32 s1, $0x11  }
0xbb: {  	s0 =	sor.u32 s1, s0  }
0xbc: {  	s0 =	sadd.s32 $0x8F2B, s0  }
0xbd: {  	[sflag:s0] =	ssyncadd.remote.s32 $0x1  }
0xbe: {  	_ =	sfence.sel $0xFFFF  }
0xbf: {  	[dreg:$0x0] =	wrdreg $0xFFFFFFFF;
	(pc) =	sbr.abs _section_cstart, $3  }
0xc0: {  	[dreg:$0x1] =	wrdreg $0xFFFFFFFF  }
0xc1: {  	_ =	task.clear_ibuf [dreg:s6], $0x2FFFF;
	_ =	strace $0x9FFFFFFF  }
0xc2: {  	(tm) =	ssettm $0x7FFFFFFF  }
0xc3: {  	_ =	shalt  }
tec
execute0_lowered:
.L_overlay_start_1:
0x0: {  	(tag) =	ssettag $0x1  }
0x1: {  	s5 =	rddreg [dreg:$0x0]  }
0x2: {  	s1 =	rddreg [dreg:$0x1]  }
0x3: {  	s0 =	rddreg [dreg:$0x2];
	s2 =	simm.s32 $0x0  }
0x4: {  	s3 =	srdreg.scid;
	s13 =	simm.s32 $0x4000;
	s14 =	simm.s32 $0x8000  }
0x5: {  	s15 =	simm.s32 $0x80;
	s16 =	simm.s32 $0x400;
	s17 =	simm.s32 $0x14000  }
0x6: {  	s18 =	simm.s32 $0xA800;
	s19 =	simm.s32 $0xB000;
	s20 =	simm.s32 $0xB080  }
0x7: {  	s21 =	simm.s32 $0x0;
	[smem:$0x7FF] =	sst s2;
	s10 =	sand.u32 $0x1, s3  }
0x8: {  	s3 =	stileid.u32;
	_ =	strace $0x80000047;
	s4 =	sshll.u32 s10, $0xF  }
0x9: {  	s7 =	ssub.s32 $0x2, s10;
	s8 =	sshrl.u32 s3, $0x3;
	s10 =	smul.u32 $0x140000, s10  }
0xa: {  	s6 =	sshll.u32 s3, $0xB;
	s31 =	sshll.u32 s3, $0x7;
	s8 =	smul.u32 $0x50000, s8  }
0xb: {  	s6 =	sor.u32 s6, s4;
	s9 =	sshrl.u32 s7, $0x1;
	s4 =	sadd.s32 $0x33A00, s5  }
0xc: {  	s11 =	sadd.s32 s6, s5;
	s12 =	ssub.s32 s7, s9;
	s8 =	sshrl.u32 s8, $0x2  }
0xd: {  	s7 =	sand.u32 $0x380, s31;
	s9 =	smul.u32 $0x280, s3;
	s8 =	sadd.s32 s8, s1  }
0xe: {  	s5 =	sadd.s32 $0x3A00, s11;
	s6 =	sadd.s32 $0x13A00, s11;
	s7 =	sadd.s32 s7, s8  }
0xf: {  	v0 =	vimm.f32 $0.0e+00;
	v1 =	vimm.f32 $1.000000000e+00;
	s8 =	sadd.s32 $0x23A00, s11;
	s11 =	smax.u32 s12, $0x1;
	s12 =	simm.s32 $0x1  }
.LBB2_1:
0x10: {  	[tilespmem:s2], [sflag:$0x1] =	stream.linear.gather [hbm4b:s5+s2], $0x3E80, $0x38;
	[tilespmem:$0x11880] =	vst v63  }
0x11: {  	_ =	swait.ge [sflag:s12], $0x3E80  }
0x12: {  	[sflag:s12] =	ssyncset.done $0x0  }
0x13: {  	[sflag:s12] =	ssyncadd.s32 $0xFFFFC180  }
0x14: {  	[tilespmem:s13], [sflag:$0x1] =	stream.linear.gather [hbm4b:s6+s2], $0x3E80, $0x38;
	[tilespmem:$0x11880] =	vst v63  }
0x15: {  	_ =	swait.ge [sflag:s12], $0x3E80  }
0x16: {  	[sflag:s12] =	ssyncset.done $0x0  }
0x17: {  	s25 =	simm.s32 $0x8040;
	[sflag:s12] =	ssyncadd.s32 $0xFFFFC180  }
0x18: {  	[tilespmem:s25+$0xFFFFFFC0] =	vst v0  }
0x19: {  	[tilespmem:s25+$0x30] =	vst v0  }
0x1a: {  	[tilespmem:s25+$0x20] =	vst v0  }
0x1b: {  	[tilespmem:s25+$0x10] =	vst v0  }
0x1c: {  	[tilespmem:s25+$0x0] =	vst v0  }
0x1d: {  	[tilespmem:s25+$0xFFFFFFF0] =	vst v0  }
0x1e: {  	s26 =	simm.s32 $0x0;
	s22 =	simm.s32 $0x4080;
	[tilespmem:s25+$0xFFFFFFE0] =	vst v0  }
.LBB2_2:
0x1f: {  	s26 =	sadd.s32 $0x8, s26;
	[tilespmem:s25+$0xFFFFFFD0] =	vst v0;
	s25 =	sadd.s32 $0x80, s25;
	s23 =	simm.s32 $0xFFFFFFFE  }
0x20: {  	[tilespmem:s25+$0xFFFFFFC0] =	vst v0;
	p0 =	slt.u32 s26, $0x278  }
0x21: {  	[tilespmem:s25+$0x30] =	vst v0  }
.Ltmp0:
0x22: {  	[tilespmem:s25+$0x20] =	vst v0;
	(pc) =	sbr.rel @p0 .LBB2_2-.Ltmp0, $4  }
0x23: {  	[tilespmem:s25+$0x10] =	vst v0  }
0x24: {  	[tilespmem:s25+$0x0] =	vst v0  }
0x25: {  	[tilespmem:s25+$0xFFFFFFF0] =	vst v0  }
0x26: {  	s24 =	simm.s32 $0x80;
	[tilespmem:s25+$0xFFFFFFE0] =	vst v0  }
0x27: {  	[tilespmem:s25+$0xFFFFFFD0] =	vst v0  }
.LBB2_4:
0x28: {  	v2 =	vld [tilespmem:s22+$0xFFFFFF80];
	_ =	sdelay $0x7  }
0x29: {  	[tilespmem:v2+s14+$0x0] =	vst.idx.add.f32.msk $0xffff, v1  }
0x2a: {  	v3 =	vld [tilespmem:s24+$0xFFFFFF80];
	_ =	sdelay $0x3  }
0x2b: {  	v2 =	vshll.u32 v2, $0x10  }
0x2c: {  	v2 =	vor.u32 v2, v3  }
0x2d: {  	[tilespmem:s24+$0xFFFFFF80] =	vst v2  }
0x2e: {  	v2 =	vld [tilespmem:s22+$0xFFFFFF90];
	_ =	sdelay $0x7  }
0x2f: {  	[tilespmem:v2+s14+$0x0] =	vst.idx.add.f32.msk $0xffff, v1  }
0x30: {  	v3 =	vld [tilespmem:s24+$0xFFFFFF90];
	_ =	sdelay $0x3  }
0x31: {  	v2 =	vshll.u32 v2, $0x10  }
0x32: {  	v2 =	vor.u32 v2, v3  }
0x33: {  	[tilespmem:s24+$0xFFFFFF90] =	vst v2  }
0x34: {  	v2 =	vld [tilespmem:s22+$0xFFFFFFA0];
	_ =	sdelay $0x7  }
0x35: {  	[tilespmem:v2+s14+$0x0] =	vst.idx.add.f32.msk $0xffff, v1  }
0x36: {  	v3 =	vld [tilespmem:s24+$0xFFFFFFA0];
	_ =	sdelay $0x3  }
0x37: {  	v2 =	vshll.u32 v2, $0x10  }
0x38: {  	v2 =	vor.u32 v2, v3  }
0x39: {  	[tilespmem:s24+$0xFFFFFFA0] =	vst v2  }
0x3a: {  	v2 =	vld [tilespmem:s22+$0xFFFFFFB0];
	_ =	sdelay $0x7  }
0x3b: {  	[tilespmem:v2+s14+$0x0] =	vst.idx.add.f32.msk $0xffff, v1  }
0x3c: {  	v3 =	vld [tilespmem:s24+$0xFFFFFFB0];
	_ =	sdelay $0x3  }
0x3d: {  	v2 =	vshll.u32 v2, $0x10  }
0x3e: {  	v2 =	vor.u32 v2, v3  }
0x3f: {  	[tilespmem:s24+$0xFFFFFFB0] =	vst v2  }
0x40: {  	v2 =	vld [tilespmem:s22+$0xFFFFFFC0];
	_ =	sdelay $0x7  }
0x41: {  	[tilespmem:v2+s14+$0x0] =	vst.idx.add.f32.msk $0xffff, v1  }
0x42: {  	v3 =	vld [tilespmem:s24+$0xFFFFFFC0];
	_ =	sdelay $0x3  }
0x43: {  	v2 =	vshll.u32 v2, $0x10  }
0x44: {  	v2 =	vor.u32 v2, v3  }
0x45: {  	[tilespmem:s24+$0xFFFFFFC0] =	vst v2  }
0x46: {  	v2 =	vld [tilespmem:s22+$0x0];
	_ =	sdelay $0x7  }
0x47: {  	[tilespmem:v2+s14+$0x0] =	vst.idx.add.f32.msk $0xffff, v1  }
0x48: {  	v3 =	vld [tilespmem:s24+$0x0];
	_ =	sdelay $0x3  }
0x49: {  	v2 =	vshll.u32 v2, $0x10  }
0x4a: {  	v2 =	vor.u32 v2, v3  }
0x4b: {  	[tilespmem:s24+$0x0] =	vst v2  }
0x4c: {  	v2 =	vld [tilespmem:s22+$0x10];
	_ =	sdelay $0x7  }
0x4d: {  	[tilespmem:v2+s14+$0x0] =	vst.idx.add.f32.msk $0xffff, v1  }
0x4e: {  	v3 =	vld [tilespmem:s24+$0x10];
	_ =	sdelay $0x3  }
0x4f: {  	v2 =	vshll.u32 v2, $0x10  }
0x50: {  	v2 =	vor.u32 v2, v3  }
0x51: {  	[tilespmem:s24+$0x10] =	vst v2  }
0x52: {  	v2 =	vld [tilespmem:s22+$0x20];
	_ =	sdelay $0x7  }
0x53: {  	[tilespmem:v2+s14+$0x0] =	vst.idx.add.f32.msk $0xffff, v1  }
0x54: {  	v3 =	vld [tilespmem:s24+$0x20];
	_ =	sdelay $0x3  }
0x55: {  	v2 =	vshll.u32 v2, $0x10  }
0x56: {  	v2 =	vor.u32 v2, v3  }
0x57: {  	[tilespmem:s24+$0x20] =	vst v2  }
0x58: {  	v2 =	vld [tilespmem:s22+$0x30];
	_ =	sdelay $0x7  }
0x59: {  	[tilespmem:v2+s14+$0x0] =	vst.idx.add.f32.msk $0xffff, v1  }
0x5a: {  	v3 =	vld [tilespmem:s24+$0x30];
	_ =	sdelay $0x3  }
0x5b: {  	v2 =	vshll.u32 v2, $0x10  }
0x5c: {  	v2 =	vor.u32 v2, v3  }
0x5d: {  	[tilespmem:s24+$0x30] =	vst v2  }
0x5e: {  	v2 =	vld [tilespmem:s22+$0x40];
	_ =	sdelay $0x7  }
0x5f: {  	[tilespmem:v2+s14+$0x0] =	vst.idx.add.f32.msk $0xffff, v1  }
0x60: {  	s23 =	sadd.s32 $0x2, s23;
	v3 =	vld [tilespmem:s24+$0x40]  }
0x61: {  	p0 =	slt.u32 s23, $0x7A  }
.Ltmp1:
0x62: {  	_ = 	snop;
	(pc) =	sbr.rel @p0 .LBB2_4-.Ltmp1, $4  }
0x63: {  	_ = 	snop  }
0x64: {  	v2 =	vshll.u32 v2, $0x10  }
0x65: {  	v2 =	vor.u32 v2, v3  }
0x66: {  	s22 =	sadd.s32 $0x100, s22;
	[tilespmem:s24+$0x40] =	vst v2;
	s24 =	sadd.s32 $0x100, s24  }
0x67: {  	v2 =	vld [tilespmem:$0x7E00];
	_ =	sdelay $0x7  }
0x68: {  	[tilespmem:v2+s14+$0x0] =	vst.idx.add.f32.msk $0xffff, v1  }
0x69: {  	v3 =	vld [tilespmem:$0x7E10]  }
0x6a: {  	v4 =	vld [tilespmem:$0x3E00];
	_ =	sdelay $0x3  }
0x6b: {  	v2 =	vshll.u32 v2, $0x10  }
0x6c: {  	v2 =	vor.u32 v2, v4  }
0x6d: {  	[tilespmem:$0x3E00] =	vst v2  }
0x6e: {  	[tilespmem:v3+s14+$0x0] =	vst.idx.add.f32.msk $0xffff, v1  }
0x6f: {  	v2 =	vld [tilespmem:$0x7E20]  }
0x70: {  	v61 =	vld [tilespmem:$0x3E10];
	_ =	sdelay $0x3  }
0x71: {  	v3 =	vshll.u32 v3, $0x10  }
0x72: {  	v3 =	vor.u32 v3, v61  }
0x73: {  	[tilespmem:$0x3E10] =	vst v3  }
0x74: {  	[tilespmem:v2+s14+$0x0] =	vst.idx.add.f32.msk $0xffff, v1  }
0x75: {  	v3 =	vld [tilespmem:$0x7E30]  }
0x76: {  	v62 =	vld [tilespmem:$0x3E20];
	_ =	sdelay $0x3  }
0x77: {  	v2 =	vshll.u32 v2, $0x10  }
0x78: {  	v2 =	vor.u32 v2, v62  }
0x79: {  	[tilespmem:$0x3E20] =	vst v2  }
0x7a: {  	[tilespmem:v3+s14+$0x0] =	vst.idx.add.f32.msk $0xffff, v1  }
0x7b: {  	v2 =	vld [tilespmem:$0x7E40]  }
0x7c: {  	v63 =	vld [tilespmem:$0x3E30];
	_ =	sdelay $0x3  }
0x7d: {  	v3 =	vshll.u32 v3, $0x10  }
0x7e: {  	v3 =	vor.u32 v3, v63  }
0x7f: {  	[tilespmem:$0x3E30] =	vst v3  }
0x80: {  	[tilespmem:v2+s14+$0x0] =	vst.idx.add.f32.msk $0xffff, v1  }
0x81: {  	v3 =	vld [tilespmem:$0x3E40];
	_ =	sdelay $0x3  }
0x82: {  	v2 =	vshll.u32 v2, $0x10  }
0x83: {  	v2 =	vor.u32 v2, v3  }
0x84: {  	[tilespmem:$0x3E40] =	vst v2  }
0x85: {  	[spmem:s7] =	stream.strided.scatter [tilespmem:s14], [sflag:$0x1], $0x2800, s16, s15, $0x38;
	[tilespmem:$0x11880] =	vst v63  }
0x86: {  	_ =	swait.ge [sflag:s12], $0x2800  }
0x87: {  	[sflag:s12] =	ssyncset.done $0x0  }
0x88: {  	s22 =	simm.s32 $0x0;
	[sflag:s12] =	ssyncadd.s32 $0xFFFFD800  }
0x89: {  	[hbm4b:s8+s22] =	stream.linear.scatter [tilespmem:s22], [sflag:$0x1], $0x3E80, $0x38;
	[tilespmem:$0x11880] =	vst v63  }
0x8a: {  	_ =	swait.ge [sflag:s12], $0x3E80  }
0x8b: {  	[sflag:s12] =	ssyncset.done $0x0  }
0x8c: {  	[sflag:s12] =	ssyncadd.s32 $0xFFFFC180  }
0x8d: {  	[bflag:$0x0] =	sbarrier.arrive $0xFFFF  }
.LBB2_6:
0x8e: {  	s23 =	sshll.u32 s22, $0x7  }
0x8f: {  	s23 =	sadd.s32 s9, s23  }
0x90: {  	s24 =	sshll.u32 s23, $0x3  }
0x91: {  	s24 =	sand.u32 $0x3FFFFFF8, s24  }
0x92: {  	s24 =	sadd.s32 s24, s1  }
0x93: {  	[tilespmem:s18], [sflag:$0x1] =	stream.strided.gather [spmem:s24], $0x800, s17, s16, $0x38;
	[tilespmem:$0x11880] =	vst v63  }
0x94: {  	_ =	swait.ge [sflag:s12], $0x800  }
0x95: {  	[sflag:s12] =	ssyncset.done $0x0  }
0x96: {  	p0 =	por $0x1, $0x1;
	s25 =	simm.s32 $0x0;
	[sflag:s12] =	ssyncadd.s32 $0xFFFFF800  }
.LBB2_7:
0x97: {  	s24 =	sshll.u32 s25, $0x4  }
0x98: {  	v2 =	vld [tilespmem:s24+$0xA800]  }
0x99: {  	v3 =	vld [tilespmem:s24+$0xA880];
	_ =	sdelay $0x1  }
0x9a: {  	v4 =	vld [tilespmem:s24+$0xA900];
	_ =	sdelay $0x1  }
0x9b: {  	v5 =	vld [tilespmem:s24+$0xA980]  }
0x9c: {  	v2 =	vadd.f32 v3, v2  }
0x9d: {  	v3 =	vld [tilespmem:s24+$0xAA00]  }
0x9e: {  	v2 =	vadd.f32 v4, v2  }
0x9f: {  	v35 =	vld [tilespmem:s24+$0xAA80]  }
0xa0: {  	v2 =	vadd.f32 v5, v2  }
0xa1: {  	v36 =	vld [tilespmem:s24+$0xAB00]  }
0xa2: {  	v2 =	vadd.f32 v3, v2  }
0xa3: {  	v3 =	vld [tilespmem:s24+$0xAB80]  }
0xa4: {  	v2 =	vadd.f32 v35, v2  }
0xa5: {  	v37 =	vld [tilespmem:s24+$0xAC00]  }
0xa6: {  	v2 =	vadd.f32 v36, v2  }
0xa7: {  	v38 =	vld [tilespmem:s24+$0xAC80]  }
0xa8: {  	v2 =	vadd.f32 v3, v2  }
0xa9: {  	v3 =	vld [tilespmem:s24+$0xAD00]  }
0xaa: {  	v2 =	vadd.f32 v37, v2  }
0xab: {  	v39 =	vld [tilespmem:s24+$0xAD80]  }
0xac: {  	v2 =	vadd.f32 v38, v2  }
0xad: {  	v40 =	vld [tilespmem:s24+$0xAE00]  }
0xae: {  	v2 =	vadd.f32 v3, v2  }
0xaf: {  	v3 =	vld [tilespmem:s24+$0xAE80]  }
0xb0: {  	v2 =	vadd.f32 v39, v2  }
0xb1: {  	v41 =	vld [tilespmem:s24+$0xAF00]  }
0xb2: {  	v2 =	vadd.f32 v40, v2  }
0xb3: {  	v42 =	vld [tilespmem:s24+$0xAF80];
	v6 =	vmov s24  }
0xb4: {  	v2 =	vadd.f32 v3, v2;
	v3 =	vand.u32 $0xFFFFFFC0, v6  }
0xb5: {  	v3 =	vbroadcast v3, $0x0  }
0xb6: {  	v2 =	vadd.f32 v41, v2;
	_ =	sdelay $0x1  }
0xb7: {  	s26 =	sor.u32 $0x1, s24;
	v2 =	vadd.f32 v42, v2  }
0xb8: {  	v43 =	vmov s26  }
0xb9: {  	[tilespmem:s24+$0xB000] =	vst v2;
	v2 =	vand.u32 $0xFFFFFFC1, v43  }
0xba: {  	v3 =	vld.idx.msk [tilespmem:v3+s19+$0x0], $0xffff;
	v2 =	vbroadcast v2, $0x0;
	_ =	sdelay $0x2  }
0xbb: {  	s28 =	sshll.u32 s25, $0xB;
	s29 =	sor.u32 $0x2, s24  }
0xbc: {  	s28 =	sand.u32 $0x3FFFF800, s28;
	v44 =	vmov s29  }
0xbd: {  	[tilespmem:s28+$0xB080] =	vst v3;
	v3 =	vand.u32 $0xFFFFFFC2, v44  }
0xbe: {  	v2 =	vld.idx.msk [tilespmem:v2+s19+$0x0], $0xffff;
	v3 =	vbroadcast v3, $0x0;
	_ =	sdelay $0x2  }
0xbf: {  	s31 =	sor.u32 $0x3, s24;
	s26 =	sshll.u32 s26, $0x7  }
0xc0: {  	v45 =	vmov s31;
	s26 =	sand.u32 $0x3FFFF880, s26  }
0xc1: {  	[tilespmem:s26+$0xB080] =	vst v2;
	v2 =	vand.u32 $0xFFFFFFC3, v45  }
0xc2: {  	v3 =	vld.idx.msk [tilespmem:v3+s19+$0x0], $0xffff;
	v2 =	vbroadcast v2, $0x0;
	_ =	sdelay $0x2  }
0xc3: {  	s30 =	sshll.u32 s29, $0x7;
	s29 =	sor.u32 $0x4, s24  }
0xc4: {  	v46 =	vmov s29;
	s26 =	sand.u32 $0x3FFFF900, s30  }
0xc5: {  	[tilespmem:s26+$0xB080] =	vst v3;
	v3 =	vand.u32 $0xFFFFFFC4, v46  }
0xc6: {  	v2 =	vld.idx.msk [tilespmem:v2+s19+$0x0], $0xffff;
	v3 =	vbroadcast v3, $0x0;
	_ =	sdelay $0x2  }
0xc7: {  	s31 =	sshll.u32 s31, $0x7;
	s30 =	sor.u32 $0x5, s24  }
0xc8: {  	v47 =	vmov s30;
	s26 =	sand.u32 $0x3FFFF980, s31  }
0xc9: {  	[tilespmem:s26+$0xB080] =	vst v2;
	v2 =	vand.u32 $0xFFFFFFC5, v47  }
0xca: {  	v3 =	vld.idx.msk [tilespmem:v3+s19+$0x0], $0xffff;
	v2 =	vbroadcast v2, $0x0;
	_ =	sdelay $0x2  }
0xcb: {  	s31 =	sshll.u32 s29, $0x7;
	s29 =	sor.u32 $0x6, s24  }
0xcc: {  	v48 =	vmov s29;
	s26 =	sand.u32 $0x3FFFFA00, s31  }
0xcd: {  	[tilespmem:s26+$0xB080] =	vst v3;
	v3 =	vand.u32 $0xFFFFFFC6, v48  }
0xce: {  	v2 =	vld.idx.msk [tilespmem:v2+s19+$0x0], $0xffff;
	v3 =	vbroadcast v3, $0x0;
	_ =	sdelay $0x2  }
0xcf: {  	s30 =	sshll.u32 s30, $0x7;
	s31 =	sor.u32 $0x7, s24  }
0xd0: {  	v49 =	vmov s31;
	s26 =	sand.u32 $0x3FFFFA80, s30  }
0xd1: {  	[tilespmem:s26+$0xB080] =	vst v2;
	v2 =	vand.u32 $0xFFFFFFC7, v49  }
0xd2: {  	v3 =	vld.idx.msk [tilespmem:v3+s19+$0x0], $0xffff;
	v2 =	vbroadcast v2, $0x0;
	_ =	sdelay $0x2  }
0xd3: {  	s30 =	sshll.u32 s29, $0x7;
	s29 =	sor.u32 $0x8, s24  }
0xd4: {  	v50 =	vmov s29;
	s26 =	sand.u32 $0x3FFFFB00, s30  }
0xd5: {  	[tilespmem:s26+$0xB080] =	vst v3;
	v3 =	vand.u32 $0xFFFFFFC8, v50  }
0xd6: {  	v2 =	vld.idx.msk [tilespmem:v2+s19+$0x0], $0xffff;
	v3 =	vbroadcast v3, $0x0;
	_ =	sdelay $0x2  }
0xd7: {  	s31 =	sshll.u32 s31, $0x7;
	s30 =	sor.u32 $0x9, s24  }
0xd8: {  	v51 =	vmov s30;
	s26 =	sand.u32 $0x3FFFFB80, s31  }
0xd9: {  	[tilespmem:s26+$0xB080] =	vst v2;
	v2 =	vand.u32 $0xFFFFFFC9, v51  }
0xda: {  	v3 =	vld.idx.msk [tilespmem:v3+s19+$0x0], $0xffff;
	v2 =	vbroadcast v2, $0x0;
	_ =	sdelay $0x2  }
0xdb: {  	s31 =	sshll.u32 s29, $0x7;
	s29 =	sor.u32 $0xA, s24  }
0xdc: {  	v52 =	vmov s29;
	s26 =	sand.u32 $0x3FFFFC00, s31  }
0xdd: {  	[tilespmem:s26+$0xB080] =	vst v3;
	v3 =	vand.u32 $0xFFFFFFCA, v52  }
0xde: {  	v2 =	vld.idx.msk [tilespmem:v2+s19+$0x0], $0xffff;
	v3 =	vbroadcast v3, $0x0;
	_ =	sdelay $0x2  }
0xdf: {  	s30 =	sshll.u32 s30, $0x7;
	s31 =	sor.u32 $0xB, s24  }
0xe0: {  	v53 =	vmov s31;
	s26 =	sand.u32 $0x3FFFFC80, s30  }
0xe1: {  	[tilespmem:s26+$0xB080] =	vst v2;
	v2 =	vand.u32 $0xFFFFFFCB, v53  }
0xe2: {  	v3 =	vld.idx.msk [tilespmem:v3+s19+$0x0], $0xffff;
	v2 =	vbroadcast v2, $0x0;
	_ =	sdelay $0x2  }
0xe3: {  	s30 =	sshll.u32 s29, $0x7;
	s29 =	sor.u32 $0xC, s24  }
0xe4: {  	v54 =	vmov s29;
	s26 =	sand.u32 $0x3FFFFD00, s30  }
0xe5: {  	[tilespmem:s26+$0xB080] =	vst v3;
	v3 =	vand.u32 $0xFFFFFFCC, v54  }
0xe6: {  	v2 =	vld.idx.msk [tilespmem:v2+s19+$0x0], $0xffff;
	v3 =	vbroadcast v3, $0x0;
	_ =	sdelay $0x2  }
0xe7: {  	s31 =	sshll.u32 s31, $0x7;
	s30 =	sor.u32 $0xD, s24  }
0xe8: {  	v55 =	vmov s30;
	s26 =	sand.u32 $0x3FFFFD80, s31  }
0xe9: {  	[tilespmem:s26+$0xB080] =	vst v2;
	v2 =	vand.u32 $0xFFFFFFCD, v55  }
0xea: {  	v3 =	vld.idx.msk [tilespmem:v3+s19+$0x0], $0xffff;
	v2 =	vbroadcast v2, $0x0;
	_ =	sdelay $0x2  }
0xeb: {  	s31 =	sshll.u32 s29, $0x7;
	s29 =	sor.u32 $0xE, s24  }
0xec: {  	v56 =	vmov s29;
	s26 =	sand.u32 $0x3FFFFE00, s31  }
0xed: {  	[tilespmem:s26+$0xB080] =	vst v3;
	v3 =	vand.u32 $0xFFFFFFCE, v56  }
0xee: {  	v2 =	vld.idx.msk [tilespmem:v2+s19+$0x0], $0xffff;
	v3 =	vbroadcast v3, $0x0;
	_ =	sdelay $0x2  }
0xef: {  	s30 =	sshll.u32 s30, $0x7;
	s31 =	sshllo.u32 s25, $0x4  }
0xf0: {  	v57 =	vmov s31;
	s26 =	sand.u32 $0x3FFFFE80, s30  }
0xf1: {  	[tilespmem:s26+$0xB080] =	vst v2;
	v2 =	vand.u32 $0xFFFFFFCF, v57  }
0xf2: {  	v3 =	vld.idx.msk [tilespmem:v3+s19+$0x0], $0xffff;
	v2 =	vbroadcast v2, $0x0;
	_ =	sdelay $0x2  }
0xf3: {  	s28 =	sshll.u32 s29, $0x7  }
0xf4: {  	s26 =	sand.u32 $0x3FFFFF00, s28  }
0xf5: {  	[tilespmem:s26+$0xB080] =	vst v3  }
0xf6: {  	v2 =	vld.idx.msk [tilespmem:v2+s19+$0x0], $0xffff;
	_ =	sdelay $0x2  }
0xf7: {  	s25 =	sshll.u32 s31, $0x7  }
0xf8: {  	s25 =	sand.u32 $0x3FFFFF80, s25  }
0xf9: {  	[tilespmem:s25+$0xB080] =	vst v2  }
0xfa: {  	v2 =	vld [tilespmem:s24+$0xA810]  }
0xfb: {  	v3 =	vld [tilespmem:s24+$0xA890];
	_ =	sdelay $0x1  }
0xfc: {  	v58 =	vld [tilespmem:s24+$0xA910];
	_ =	sdelay $0x1  }
0xfd: {  	v59 =	vld [tilespmem:s24+$0xA990]  }
0xfe: {  	v2 =	vadd.f32 v3, v2  }
0xff: {  	v3 =	vld [tilespmem:s24+$0xAA10]  }
0x100: {  	v2 =	vadd.f32 v58, v2  }
0x101: {  	v60 =	vld [tilespmem:s24+$0xAA90]  }
0x102: {  	v2 =	vadd.f32 v59, v2  }
0x103: {  	v61 =	vld [tilespmem:s24+$0xAB10]  }
0x104: {  	v2 =	vadd.f32 v3, v2  }
0x105: {  	v3 =	vld [tilespmem:s24+$0xAB90]  }
0x106: {  	v2 =	vadd.f32 v60, v2  }
0x107: {  	v62 =	vld [tilespmem:s24+$0xAC10]  }
0x108: {  	v2 =	vadd.f32 v61, v2  }
0x109: {  	v63 =	vld [tilespmem:s24+$0xAC90]  }
0x10a: {  	v2 =	vadd.f32 v3, v2  }
0x10b: {  	v3 =	vld [tilespmem:s24+$0xAD10]  }
0x10c: {  	v2 =	vadd.f32 v62, v2  }
0x10d: {  	v8 =	vld [tilespmem:s24+$0xAD90]  }
0x10e: {  	v2 =	vadd.f32 v63, v2  }
0x10f: {  	v9 =	vld [tilespmem:s24+$0xAE10]  }
0x110: {  	v2 =	vadd.f32 v3, v2  }
0x111: {  	v3 =	vld [tilespmem:s24+$0xAE90]  }
0x112: {  	v2 =	vadd.f32 v8, v2  }
0x113: {  	v10 =	vld [tilespmem:s24+$0xAF10]  }
0x114: {  	s29 =	sor.u32 $0x10, s24;
	v2 =	vadd.f32 v9, v2  }
0x115: {  	v12 =	vmov s29;
	v11 =	vld [tilespmem:s24+$0xAF90]  }
0x116: {  	v2 =	vadd.f32 v3, v2;
	v3 =	vand.u32 $0xFFFFFFD0, v12  }
0x117: {  	v3 =	vbroadcast v3, $0x0  }
0x118: {  	v2 =	vadd.f32 v10, v2;
	_ =	sdelay $0x1  }
0x119: {  	s30 =	sor.u32 $0x11, s24;
	v2 =	vadd.f32 v11, v2  }
0x11a: {  	v13 =	vmov s30  }
0x11b: {  	[tilespmem:s24+$0xB010] =	vst v2;
	v2 =	vand.u32 $0xFFFFFFD1, v13  }
0x11c: {  	v3 =	vld.idx.msk [tilespmem:v3+s19+$0x0], $0xffff;
	v2 =	vbroadcast v2, $0x0;
	_ =	sdelay $0x2  }
0x11d: {  	s31 =	sor.u32 $0x12, s24;
	s25 =	sshll.u32 s29, $0x7  }
0x11e: {  	v14 =	vmov s31;
	s25 =	sand.u32 $0x3FFFF800, s25  }
0x11f: {  	[tilespmem:s25+$0xB080] =	vst v3;
	v3 =	vand.u32 $0xFFFFFFD2, v14  }
0x120: {  	v2 =	vld.idx.msk [tilespmem:v2+s19+$0x0], $0xffff;
	v3 =	vbroadcast v3, $0x0;
	_ =	sdelay $0x2  }
0x121: {  	s26 =	sshll.u32 s30, $0x7;
	s29 =	sor.u32 $0x13, s24  }
0x122: {  	v15 =	vmov s29;
	s25 =	sand.u32 $0x3FFFF880, s26  }
0x123: {  	[tilespmem:s25+$0xB080] =	vst v2;
	v2 =	vand.u32 $0xFFFFFFD3, v15  }
0x124: {  	v3 =	vld.idx.msk [tilespmem:v3+s19+$0x0], $0xffff;
	v2 =	vbroadcast v2, $0x0;
	_ =	sdelay $0x2  }
0x125: {  	s30 =	sshll.u32 s31, $0x7;
	s31 =	sor.u32 $0x14, s24  }
0x126: {  	v16 =	vmov s31;
	s25 =	sand.u32 $0x3FFFF900, s30  }
0x127: {  	[tilespmem:s25+$0xB080] =	vst v3;
	v3 =	vand.u32 $0xFFFFFFD4, v16  }
0x128: {  	v2 =	vld.idx.msk [tilespmem:v2+s19+$0x0], $0xffff;
	v3 =	vbroadcast v3, $0x0;
	_ =	sdelay $0x2  }
0x129: {  	s26 =	sshll.u32 s29, $0x7;
	s29 =	sor.u32 $0x15, s24  }
0x12a: {  	v17 =	vmov s29;
	s25 =	sand.u32 $0x3FFFF980, s26  }
0x12b: {  	[tilespmem:s25+$0xB080] =	vst v2;
	v2 =	vand.u32 $0xFFFFFFD5, v17  }
0x12c: {  	v3 =	vld.idx.msk [tilespmem:v3+s19+$0x0], $0xffff;
	v2 =	vbroadcast v2, $0x0;
	_ =	sdelay $0x2  }
0x12d: {  	s30 =	sshll.u32 s31, $0x7;
	s31 =	sor.u32 $0x16, s24  }
0x12e: {  	v18 =	vmov s31;
	s25 =	sand.u32 $0x3FFFFA00, s30  }
0x12f: {  	[tilespmem:s25+$0xB080] =	vst v3;
	v3 =	vand.u32 $0xFFFFFFD6, v18  }
0x130: {  	v2 =	vld.idx.msk [tilespmem:v2+s19+$0x0], $0xffff;
	v3 =	vbroadcast v3, $0x0;
	_ =	sdelay $0x2  }
0x131: {  	s26 =	sshll.u32 s29, $0x7;
	s29 =	sor.u32 $0x17, s24  }
0x132: {  	v19 =	vmov s29;
	s25 =	sand.u32 $0x3FFFFA80, s26  }
0x133: {  	[tilespmem:s25+$0xB080] =	vst v2;
	v2 =	vand.u32 $0xFFFFFFD7, v19  }
0x134: {  	v3 =	vld.idx.msk [tilespmem:v3+s19+$0x0], $0xffff;
	v2 =	vbroadcast v2, $0x0;
	_ =	sdelay $0x2  }
0x135: {  	s30 =	sshll.u32 s31, $0x7;
	s31 =	sor.u32 $0x18, s24  }
0x136: {  	v20 =	vmov s31;
	s25 =	sand.u32 $0x3FFFFB00, s30  }
0x137: {  	[tilespmem:s25+$0xB080] =	vst v3;
	v3 =	vand.u32 $0xFFFFFFD8, v20  }
0x138: {  	v2 =	vld.idx.msk [tilespmem:v2+s19+$0x0], $0xffff;
	v3 =	vbroadcast v3, $0x0;
	_ =	sdelay $0x2  }
0x139: {  	s26 =	sshll.u32 s29, $0x7;
	s29 =	sor.u32 $0x19, s24  }
0x13a: {  	v21 =	vmov s29;
	s25 =	sand.u32 $0x3FFFFB80, s26  }
0x13b: {  	[tilespmem:s25+$0xB080] =	vst v2;
	v2 =	vand.u32 $0xFFFFFFD9, v21  }
0x13c: {  	v3 =	vld.idx.msk [tilespmem:v3+s19+$0x0], $0xffff;
	v2 =	vbroadcast v2, $0x0;
	_ =	sdelay $0x2  }
0x13d: {  	s30 =	sshll.u32 s31, $0x7;
	s31 =	sor.u32 $0x1A, s24  }
0x13e: {  	v22 =	vmov s31;
	s25 =	sand.u32 $0x3FFFFC00, s30  }
0x13f: {  	[tilespmem:s25+$0xB080] =	vst v3;
	v3 =	vand.u32 $0xFFFFFFDA, v22  }
0x140: {  	v2 =	vld.idx.msk [tilespmem:v2+s19+$0x0], $0xffff;
	v3 =	vbroadcast v3, $0x0;
	_ =	sdelay $0x2  }
0x141: {  	s26 =	sshll.u32 s29, $0x7;
	s29 =	sor.u32 $0x1B, s24  }
0x142: {  	v23 =	vmov s29;
	s25 =	sand.u32 $0x3FFFFC80, s26  }
0x143: {  	[tilespmem:s25+$0xB080] =	vst v2;
	v2 =	vand.u32 $0xFFFFFFDB, v23  }
0x144: {  	v3 =	vld.idx.msk [tilespmem:v3+s19+$0x0], $0xffff;
	v2 =	vbroadcast v2, $0x0;
	_ =	sdelay $0x2  }
0x145: {  	s30 =	sshll.u32 s31, $0x7;
	s31 =	sor.u32 $0x1C, s24  }
0x146: {  	v24 =	vmov s31;
	s25 =	sand.u32 $0x3FFFFD00, s30  }
0x147: {  	[tilespmem:s25+$0xB080] =	vst v3;
	v3 =	vand.u32 $0xFFFFFFDC, v24  }
0x148: {  	v2 =	vld.idx.msk [tilespmem:v2+s19+$0x0], $0xffff;
	v3 =	vbroadcast v3, $0x0;
	_ =	sdelay $0x2  }
0x149: {  	s26 =	sshll.u32 s29, $0x7;
	s29 =	sor.u32 $0x1D, s24  }
0x14a: {  	v25 =	vmov s29;
	s25 =	sand.u32 $0x3FFFFD80, s26  }
0x14b: {  	[tilespmem:s25+$0xB080] =	vst v2;
	v2 =	vand.u32 $0xFFFFFFDD, v25  }
0x14c: {  	v3 =	vld.idx.msk [tilespmem:v3+s19+$0x0], $0xffff;
	v2 =	vbroadcast v2, $0x0;
	_ =	sdelay $0x2  }
0x14d: {  	s30 =	sshll.u32 s31, $0x7;
	s31 =	sor.u32 $0x1E, s24  }
0x14e: {  	v26 =	vmov s31;
	s25 =	sand.u32 $0x3FFFFE00, s30  }
0x14f: {  	[tilespmem:s25+$0xB080] =	vst v3;
	v3 =	vand.u32 $0xFFFFFFDE, v26  }
0x150: {  	v2 =	vld.idx.msk [tilespmem:v2+s19+$0x0], $0xffff;
	v3 =	vbroadcast v3, $0x0;
	_ =	sdelay $0x2  }
0x151: {  	s29 =	sshll.u32 s29, $0x7;
	s30 =	sor.u32 $0x1F, s24  }
0x152: {  	v27 =	vmov s30;
	s25 =	sand.u32 $0x3FFFFE80, s29  }
0x153: {  	[tilespmem:s25+$0xB080] =	vst v2;
	v2 =	vand.u32 $0xFFFFFFDF, v27  }
0x154: {  	v3 =	vld.idx.msk [tilespmem:v3+s19+$0x0], $0xffff;
	v2 =	vbroadcast v2, $0x0;
	_ =	sdelay $0x2  }
0x155: {  	s31 =	sshll.u32 s31, $0x7  }
0x156: {  	s25 =	sand.u32 $0x3FFFFF00, s31  }
0x157: {  	[tilespmem:s25+$0xB080] =	vst v3  }
0x158: {  	v2 =	vld.idx.msk [tilespmem:v2+s19+$0x0], $0xffff;
	_ =	sdelay $0x2  }
0x159: {  	s28 =	sshll.u32 s30, $0x7  }
0x15a: {  	s25 =	sand.u32 $0x3FFFFF80, s28  }
0x15b: {  	[tilespmem:s25+$0xB080] =	vst v2  }
0x15c: {  	v2 =	vld [tilespmem:s24+$0xA820]  }
0x15d: {  	v3 =	vld [tilespmem:s24+$0xA8A0];
	_ =	sdelay $0x1  }
0x15e: {  	v28 =	vld [tilespmem:s24+$0xA920];
	_ =	sdelay $0x1  }
0x15f: {  	v29 =	vld [tilespmem:s24+$0xA9A0]  }
0x160: {  	v2 =	vadd.f32 v3, v2  }
0x161: {  	v3 =	vld [tilespmem:s24+$0xAA20]  }
0x162: {  	v2 =	vadd.f32 v28, v2  }
0x163: {  	v30 =	vld [tilespmem:s24+$0xAAA0]  }
0x164: {  	v2 =	vadd.f32 v29, v2  }
0x165: {  	v31 =	vld [tilespmem:s24+$0xAB20]  }
0x166: {  	v2 =	vadd.f32 v3, v2  }
0x167: {  	v3 =	vld [tilespmem:s24+$0xABA0]  }
0x168: {  	v2 =	vadd.f32 v30, v2  }
0x169: {  	v32 =	vld [tilespmem:s24+$0xAC20]  }
0x16a: {  	v2 =	vadd.f32 v31, v2  }
0x16b: {  	v33 =	vld [tilespmem:s24+$0xACA0]  }
0x16c: {  	v2 =	vadd.f32 v3, v2  }
0x16d: {  	v3 =	vld [tilespmem:s24+$0xAD20]  }
0x16e: {  	v2 =	vadd.f32 v32, v2  }
0x16f: {  	v34 =	vld [tilespmem:s24+$0xADA0]  }
0x170: {  	v2 =	vadd.f32 v33, v2  }
0x171: {  	v35 =	vld [tilespmem:s24+$0xAE20]  }
0x172: {  	v2 =	vadd.f32 v3, v2  }
0x173: {  	v3 =	vld [tilespmem:s24+$0xAEA0]  }
0x174: {  	v2 =	vadd.f32 v34, v2  }
0x175: {  	v36 =	vld [tilespmem:s24+$0xAF20]  }
0x176: {  	s29 =	sor.u32 $0x20, s24;
	v2 =	vadd.f32 v35, v2  }
0x177: {  	v38 =	vmov s29;
	v37 =	vld [tilespmem:s24+$0xAFA0]  }
0x178: {  	v2 =	vadd.f32 v3, v2;
	v3 =	vand.u32 $0xFFFFFFE0, v38  }
0x179: {  	v3 =	vbroadcast v3, $0x0  }
0x17a: {  	v2 =	vadd.f32 v36, v2;
	_ =	sdelay $0x1  }
0x17b: {  	s30 =	sor.u32 $0x21, s24;
	v2 =	vadd.f32 v37, v2  }
0x17c: {  	v39 =	vmov s30  }
0x17d: {  	[tilespmem:s24+$0xB020] =	vst v2;
	v2 =	vand.u32 $0xFFFFFFE1, v39  }
0x17e: {  	v3 =	vld.idx.msk [tilespmem:v3+s19+$0x0], $0xffff;
	v2 =	vbroadcast v2, $0x0;
	_ =	sdelay $0x2  }
0x17f: {  	s31 =	sor.u32 $0x22, s24;
	s25 =	sshll.u32 s29, $0x7  }
0x180: {  	v40 =	vmov s31;
	s25 =	sand.u32 $0x3FFFF800, s25  }
0x181: {  	[tilespmem:s25+$0xB080] =	vst v3;
	v3 =	vand.u32 $0xFFFFFFE2, v40  }
0x182: {  	v2 =	vld.idx.msk [tilespmem:v2+s19+$0x0], $0xffff;
	v3 =	vbroadcast v3, $0x0;
	_ =	sdelay $0x2  }
0x183: {  	s26 =	sshll.u32 s30, $0x7;
	s29 =	sor.u32 $0x23, s24  }
0x184: {  	v41 =	vmov s29;
	s25 =	sand.u32 $0x3FFFF880, s26  }
0x185: {  	[tilespmem:s25+$0xB080] =	vst v2;
	v2 =	vand.u32 $0xFFFFFFE3, v41  }
0x186: {  	v3 =	vld.idx.msk [tilespmem:v3+s19+$0x0], $0xffff;
	v2 =	vbroadcast v2, $0x0;
	_ =	sdelay $0x2  }
0x187: {  	s30 =	sshll.u32 s31, $0x7;
	s31 =	sor.u32 $0x24, s24  }
0x188: {  	v42 =	vmov s31;
	s25 =	sand.u32 $0x3FFFF900, s30  }
0x189: {  	[tilespmem:s25+$0xB080] =	vst v3;
	v3 =	vand.u32 $0xFFFFFFE4, v42  }
0x18a: {  	v2 =	vld.idx.msk [tilespmem:v2+s19+$0x0], $0xffff;
	v3 =	vbroadcast v3, $0x0;
	_ =	sdelay $0x2  }
0x18b: {  	s26 =	sshll.u32 s29, $0x7;
	s29 =	sor.u32 $0x25, s24  }
0x18c: {  	v43 =	vmov s29;
	s25 =	sand.u32 $0x3FFFF980, s26  }
0x18d: {  	[tilespmem:s25+$0xB080] =	vst v2;
	v2 =	vand.u32 $0xFFFFFFE5, v43  }
0x18e: {  	v3 =	vld.idx.msk [tilespmem:v3+s19+$0x0], $0xffff;
	v2 =	vbroadcast v2, $0x0;
	_ =	sdelay $0x2  }
0x18f: {  	s30 =	sshll.u32 s31, $0x7;
	s31 =	sor.u32 $0x26, s24  }
0x190: {  	v44 =	vmov s31;
	s25 =	sand.u32 $0x3FFFFA00, s30  }
0x191: {  	[tilespmem:s25+$0xB080] =	vst v3;
	v3 =	vand.u32 $0xFFFFFFE6, v44  }
0x192: {  	v2 =	vld.idx.msk [tilespmem:v2+s19+$0x0], $0xffff;
	v3 =	vbroadcast v3, $0x0;
	_ =	sdelay $0x2  }
0x193: {  	s26 =	sshll.u32 s29, $0x7;
	s29 =	sor.u32 $0x27, s24  }
0x194: {  	v45 =	vmov s29;
	s25 =	sand.u32 $0x3FFFFA80, s26  }
0x195: {  	[tilespmem:s25+$0xB080] =	vst v2;
	v2 =	vand.u32 $0xFFFFFFE7, v45  }
0x196: {  	v3 =	vld.idx.msk [tilespmem:v3+s19+$0x0], $0xffff;
	v2 =	vbroadcast v2, $0x0;
	_ =	sdelay $0x2  }
0x197: {  	s30 =	sshll.u32 s31, $0x7;
	s31 =	sor.u32 $0x28, s24  }
0x198: {  	v46 =	vmov s31;
	s25 =	sand.u32 $0x3FFFFB00, s30  }
0x199: {  	[tilespmem:s25+$0xB080] =	vst v3;
	v3 =	vand.u32 $0xFFFFFFE8, v46  }
0x19a: {  	v2 =	vld.idx.msk [tilespmem:v2+s19+$0x0], $0xffff;
	v3 =	vbroadcast v3, $0x0;
	_ =	sdelay $0x2  }
0x19b: {  	s26 =	sshll.u32 s29, $0x7;
	s29 =	sor.u32 $0x29, s24  }
0x19c: {  	v47 =	vmov s29;
	s25 =	sand.u32 $0x3FFFFB80, s26  }
0x19d: {  	[tilespmem:s25+$0xB080] =	vst v2;
	v2 =	vand.u32 $0xFFFFFFE9, v47  }
0x19e: {  	v3 =	vld.idx.msk [tilespmem:v3+s19+$0x0], $0xffff;
	v2 =	vbroadcast v2, $0x0;
	_ =	sdelay $0x2  }
0x19f: {  	s30 =	sshll.u32 s31, $0x7;
	s31 =	sor.u32 $0x2A, s24  }
0x1a0: {  	v48 =	vmov s31;
	s25 =	sand.u32 $0x3FFFFC00, s30  }
0x1a1: {  	[tilespmem:s25+$0xB080] =	vst v3;
	v3 =	vand.u32 $0xFFFFFFEA, v48  }
0x1a2: {  	v2 =	vld.idx.msk [tilespmem:v2+s19+$0x0], $0xffff;
	v3 =	vbroadcast v3, $0x0;
	_ =	sdelay $0x2  }
0x1a3: {  	s26 =	sshll.u32 s29, $0x7;
	s29 =	sor.u32 $0x2B, s24  }
0x1a4: {  	v49 =	vmov s29;
	s25 =	sand.u32 $0x3FFFFC80, s26  }
0x1a5: {  	[tilespmem:s25+$0xB080] =	vst v2;
	v2 =	vand.u32 $0xFFFFFFEB, v49  }
0x1a6: {  	v3 =	vld.idx.msk [tilespmem:v3+s19+$0x0], $0xffff;
	v2 =	vbroadcast v2, $0x0;
	_ =	sdelay $0x2  }
0x1a7: {  	s30 =	sshll.u32 s31, $0x7;
	s31 =	sor.u32 $0x2C, s24  }
0x1a8: {  	v50 =	vmov s31;
	s25 =	sand.u32 $0x3FFFFD00, s30  }
0x1a9: {  	[tilespmem:s25+$0xB080] =	vst v3;
	v3 =	vand.u32 $0xFFFFFFEC, v50  }
0x1aa: {  	v2 =	vld.idx.msk [tilespmem:v2+s19+$0x0], $0xffff;
	v3 =	vbroadcast v3, $0x0;
	_ =	sdelay $0x2  }
0x1ab: {  	s29 =	sshll.u32 s29, $0x7;
	s30 =	sor.u32 $0x2D, s24  }
0x1ac: {  	v51 =	vmov s30;
	s25 =	sand.u32 $0x3FFFFD80, s29  }
0x1ad: {  	[tilespmem:s25+$0xB080] =	vst v2;
	v2 =	vand.u32 $0xFFFFFFED, v51  }
0x1ae: {  	v3 =	vld.idx.msk [tilespmem:v3+s19+$0x0], $0xffff;
	v2 =	vbroadcast v2, $0x0;
	_ =	sdelay $0x2  }
0x1af: {  	s31 =	sshll.u32 s31, $0x7;
	s29 =	sor.u32 $0x2E, s24  }
0x1b0: {  	v52 =	vmov s29;
	s25 =	sand.u32 $0x3FFFFE00, s31  }
0x1b1: {  	[tilespmem:s25+$0xB080] =	vst v3;
	v3 =	vand.u32 $0xFFFFFFEE, v52  }
0x1b2: {  	v2 =	vld.idx.msk [tilespmem:v2+s19+$0x0], $0xffff;
	v3 =	vbroadcast v3, $0x0;
	_ =	sdelay $0x2  }
0x1b3: {  	s30 =	sshll.u32 s30, $0x7;
	s31 =	sor.u32 $0x2F, s24  }
0x1b4: {  	v53 =	vmov s31;
	s25 =	sand.u32 $0x3FFFFE80, s30  }
0x1b5: {  	[tilespmem:s25+$0xB080] =	vst v2;
	v2 =	vand.u32 $0xFFFFFFEF, v53  }
0x1b6: {  	v3 =	vld.idx.msk [tilespmem:v3+s19+$0x0], $0xffff;
	v2 =	vbroadcast v2, $0x0;
	_ =	sdelay $0x2  }
0x1b7: {  	s28 =	sshll.u32 s29, $0x7  }
0x1b8: {  	s25 =	sand.u32 $0x3FFFFF00, s28  }
0x1b9: {  	[tilespmem:s25+$0xB080] =	vst v3  }
0x1ba: {  	v2 =	vld.idx.msk [tilespmem:v2+s19+$0x0], $0xffff;
	_ =	sdelay $0x2  }
0x1bb: {  	s29 =	sshll.u32 s31, $0x7  }
0x1bc: {  	s25 =	sand.u32 $0x3FFFFF80, s29  }
0x1bd: {  	[tilespmem:s25+$0xB080] =	vst v2  }
0x1be: {  	v2 =	vld [tilespmem:s24+$0xA830]  }
0x1bf: {  	v3 =	vld [tilespmem:s24+$0xA8B0];
	_ =	sdelay $0x1  }
0x1c0: {  	v54 =	vld [tilespmem:s24+$0xA930];
	_ =	sdelay $0x1  }
0x1c1: {  	v55 =	vld [tilespmem:s24+$0xA9B0]  }
0x1c2: {  	v2 =	vadd.f32 v3, v2  }
0x1c3: {  	v3 =	vld [tilespmem:s24+$0xAA30]  }
0x1c4: {  	v2 =	vadd.f32 v54, v2  }
0x1c5: {  	v56 =	vld [tilespmem:s24+$0xAAB0]  }
0x1c6: {  	v2 =	vadd.f32 v55, v2  }
0x1c7: {  	v57 =	vld [tilespmem:s24+$0xAB30]  }
0x1c8: {  	v2 =	vadd.f32 v3, v2  }
0x1c9: {  	v3 =	vld [tilespmem:s24+$0xABB0]  }
0x1ca: {  	v2 =	vadd.f32 v56, v2  }
0x1cb: {  	v58 =	vld [tilespmem:s24+$0xAC30]  }
0x1cc: {  	v2 =	vadd.f32 v57, v2  }
0x1cd: {  	v59 =	vld [tilespmem:s24+$0xACB0]  }
0x1ce: {  	v2 =	vadd.f32 v3, v2  }
0x1cf: {  	v3 =	vld [tilespmem:s24+$0xAD30]  }
0x1d0: {  	v2 =	vadd.f32 v58, v2  }
0x1d1: {  	v60 =	vld [tilespmem:s24+$0xADB0]  }
0x1d2: {  	v2 =	vadd.f32 v59, v2  }
0x1d3: {  	v61 =	vld [tilespmem:s24+$0xAE30]  }
0x1d4: {  	v2 =	vadd.f32 v3, v2  }
0x1d5: {  	v3 =	vld [tilespmem:s24+$0xAEB0]  }
0x1d6: {  	v2 =	vadd.f32 v60, v2  }
0x1d7: {  	v62 =	vld [tilespmem:s24+$0xAF30]  }
0x1d8: {  	v2 =	vadd.f32 v61, v2  }
0x1d9: {  	s30 =	sor.u32 $0x30, s24;
	v63 =	vld [tilespmem:s24+$0xAFB0]  }
0x1da: {  	v2 =	vadd.f32 v3, v2;
	v3 =	vmov s30  }
0x1db: {  	v3 =	vbroadcast v3, $0x0  }
0x1dc: {  	v2 =	vadd.f32 v62, v2;
	_ =	sdelay $0x1  }
0x1dd: {  	v2 =	vadd.f32 v63, v2  }
0x1de: {  	s31 =	sor.u32 $0x31, s24  }
0x1df: {  	[tilespmem:s24+$0xB030] =	vst v2;
	v2 =	vmov s31  }
0x1e0: {  	v3 =	vld.idx.msk [tilespmem:v3+s19+$0x0], $0xffff;
	v2 =	vbroadcast v2, $0x0;
	_ =	sdelay $0x2  }
0x1e1: {  	s25 =	sshll.u32 s30, $0x7  }
0x1e2: {  	s29 =	sor.u32 $0x32, s24;
	s25 =	sand.u32 $0x3FFFF800, s25  }
0x1e3: {  	[tilespmem:s25+$0xB080] =	vst v3;
	v3 =	vmov s29  }
0x1e4: {  	v2 =	vld.idx.msk [tilespmem:v2+s19+$0x0], $0xffff;
	v3 =	vbroadcast v3, $0x0;
	_ =	sdelay $0x2  }
0x1e5: {  	s30 =	sshll.u32 s31, $0x7  }
0x1e6: {  	s31 =	sor.u32 $0x33, s24;
	s25 =	sand.u32 $0x3FFFF880, s30  }
0x1e7: {  	[tilespmem:s25+$0xB080] =	vst v2;
	v2 =	vmov s31  }
0x1e8: {  	v3 =	vld.idx.msk [tilespmem:v3+s19+$0x0], $0xffff;
	v2 =	vbroadcast v2, $0x0;
	_ =	sdelay $0x2  }
0x1e9: {  	s28 =	sshll.u32 s29, $0x7  }
0x1ea: {  	s29 =	sor.u32 $0x34, s24;
	s25 =	sand.u32 $0x3FFFF900, s28  }
0x1eb: {  	[tilespmem:s25+$0xB080] =	vst v3;
	v3 =	vmov s29  }
0x1ec: {  	v2 =	vld.idx.msk [tilespmem:v2+s19+$0x0], $0xffff;
	v3 =	vbroadcast v3, $0x0;
	_ =	sdelay $0x2  }
0x1ed: {  	s30 =	sshll.u32 s31, $0x7  }
0x1ee: {  	s31 =	sor.u32 $0x35, s24;
	s25 =	sand.u32 $0x3FFFF980, s30  }
0x1ef: {  	[tilespmem:s25+$0xB080] =	vst v2;
	v2 =	vmov s31  }
0x1f0: {  	v3 =	vld.idx.msk [tilespmem:v3+s19+$0x0], $0xffff;
	v2 =	vbroadcast v2, $0x0;
	_ =	sdelay $0x2  }
0x1f1: {  	s28 =	sshll.u32 s29, $0x7  }
0x1f2: {  	s29 =	sor.u32 $0x36, s24;
	s25 =	sand.u32 $0x3FFFFA00, s28  }
0x1f3: {  	[tilespmem:s25+$0xB080] =	vst v3;
	v3 =	vmov s29  }
0x1f4: {  	v2 =	vld.idx.msk [tilespmem:v2+s19+$0x0], $0xffff;
	v3 =	vbroadcast v3, $0x0;
	_ =	sdelay $0x2  }
0x1f5: {  	s30 =	sshll.u32 s31, $0x7  }
0x1f6: {  	s31 =	sor.u32 $0x37, s24;
	s25 =	sand.u32 $0x3FFFFA80, s30  }
0x1f7: {  	[tilespmem:s25+$0xB080] =	vst v2;
	v2 =	vmov s31  }
0x1f8: {  	v3 =	vld.idx.msk [tilespmem:v3+s19+$0x0], $0xffff;
	v2 =	vbroadcast v2, $0x0;
	_ =	sdelay $0x2  }
0x1f9: {  	s28 =	sshll.u32 s29, $0x7  }
0x1fa: {  	s29 =	sor.u32 $0x38, s24;
	s25 =	sand.u32 $0x3FFFFB00, s28  }
0x1fb: {  	[tilespmem:s25+$0xB080] =	vst v3;
	v3 =	vmov s29  }
0x1fc: {  	v2 =	vld.idx.msk [tilespmem:v2+s19+$0x0], $0xffff;
	v3 =	vbroadcast v3, $0x0;
	_ =	sdelay $0x2  }
0x1fd: {  	s30 =	sshll.u32 s31, $0x7  }
0x1fe: {  	s31 =	sor.u32 $0x39, s24;
	s25 =	sand.u32 $0x3FFFFB80, s30  }
0x1ff: {  	[tilespmem:s25+$0xB080] =	vst v2;
	v2 =	vmov s31  }
0x200: {  	v3 =	vld.idx.msk [tilespmem:v3+s19+$0x0], $0xffff;
	v2 =	vbroadcast v2, $0x0;
	_ =	sdelay $0x2  }
0x201: {  	s28 =	sshll.u32 s29, $0x7  }
0x202: {  	s29 =	sor.u32 $0x3A, s24;
	s25 =	sand.u32 $0x3FFFFC00, s28  }
0x203: {  	[tilespmem:s25+$0xB080] =	vst v3;
	v3 =	vmov s29  }
0x204: {  	v2 =	vld.idx.msk [tilespmem:v2+s19+$0x0], $0xffff;
	v3 =	vbroadcast v3, $0x0;
	_ =	sdelay $0x2  }
0x205: {  	s30 =	sshll.u32 s31, $0x7  }
0x206: {  	s31 =	sor.u32 $0x3B, s24;
	s25 =	sand.u32 $0x3FFFFC80, s30  }
0x207: {  	[tilespmem:s25+$0xB080] =	vst v2;
	v2 =	vmov s31  }
0x208: {  	v3 =	vld.idx.msk [tilespmem:v3+s19+$0x0], $0xffff;
	v2 =	vbroadcast v2, $0x0;
	_ =	sdelay $0x2  }
0x209: {  	s28 =	sshll.u32 s29, $0x7  }
0x20a: {  	s29 =	sor.u32 $0x3C, s24;
	s25 =	sand.u32 $0x3FFFFD00, s28  }
0x20b: {  	[tilespmem:s25+$0xB080] =	vst v3;
	v3 =	vmov s29  }
0x20c: {  	v2 =	vld.idx.msk [tilespmem:v2+s19+$0x0], $0xffff;
	v3 =	vbroadcast v3, $0x0;
	_ =	sdelay $0x2  }
0x20d: {  	s30 =	sshll.u32 s31, $0x7  }
0x20e: {  	s31 =	sor.u32 $0x3D, s24;
	s25 =	sand.u32 $0x3FFFFD80, s30  }
0x20f: {  	[tilespmem:s25+$0xB080] =	vst v2;
	v2 =	vmov s31  }
0x210: {  	v3 =	vld.idx.msk [tilespmem:v3+s19+$0x0], $0xffff;
	v2 =	vbroadcast v2, $0x0;
	_ =	sdelay $0x2  }
0x211: {  	s28 =	sshll.u32 s29, $0x7  }
0x212: {  	s29 =	sor.u32 $0x3E, s24;
	s25 =	sand.u32 $0x3FFFFE00, s28  }
0x213: {  	[tilespmem:s25+$0xB080] =	vst v3;
	v3 =	vmov s29  }
0x214: {  	v2 =	vld.idx.msk [tilespmem:v2+s19+$0x0], $0xffff;
	v3 =	vbroadcast v3, $0x0;
	_ =	sdelay $0x2  }
0x215: {  	s30 =	sshll.u32 s31, $0x7  }
0x216: {  	s25 =	sand.u32 $0x3FFFFE80, s30  }
0x217: {  	[tilespmem:s25+$0xB080] =	vst v2  }
0x218: {  	s24 =	sor.u32 $0x3F, s24;
	v2 =	vld.idx.msk [tilespmem:v3+s19+$0x0], $0xffff  }
0x219: {  	v3 =	vmov s24;
	_ =	sdelay $0x1  }
0x21a: {  	s31 =	sshll.u32 s29, $0x7  }
0x21b: {  	s25 =	sand.u32 $0x3FFFFF00, s31  }
0x21c: {  	[tilespmem:s25+$0xB080] =	vst v2  }
0x21d: {  	p1 =	por p0, p0;
	v2 =	vld.idx.msk [tilespmem:v3+s19+$0x0], $0xffff  }
.Ltmp2:
0x21e: {  	_ = 	snop;
	(pc) =	sbr.rel @p1 .LBB2_7-.Ltmp2, $4  }
0x21f: {  	_ = 	snop  }
0x220: {  	s24 =	sshll.u32 s24, $0x7  }
0x221: {  	s24 =	sand.u32 $0x3FFFFF80, s24  }
0x222: {  	p0 =	por $0x0, $0x0;
	s25 =	simm.s32 $0x4;
	[tilespmem:s24+$0xB080] =	vst v2  }
0x223: {  	s23 =	sshll.u32 s23, $0x7  }
0x224: {  	s22 =	sadd.s32 $0x1, s22;
	s23 =	sadd.s32 s10, s23  }
0x225: {  	p0 =	sne.s32 s22, $0x5;
	s23 =	sshrl.u32 s23, $0x3  }
.Ltmp3:
0x226: {  	s23 =	sadd.s32 s4, s23;
	(pc) =	sbr.rel @p0 .LBB2_6-.Ltmp3, $4  }
0x227: {  	[hbm4b:s23+s2] =	stream.linear.scatter [tilespmem:s20], [sflag:$0x1], $0x4000, $0x38;
	[tilespmem:$0x11880] =	vst v63  }
0x228: {  	_ =	swait.ge [sflag:s12], $0x4000  }
0x229: {  	[sflag:s12] =	ssyncset.done $0x0  }
0x22a: {  	[sflag:s12] =	ssyncadd.s32 $0xFFFFC000  }
0x22b: {  	s21 =	sadd.s32 $0x1, s21  }
0x22c: {  	p0 =	sne.s32 s21, s11  }
.Ltmp4:
0x22d: {  	_ = 	snop;
	(pc) =	sbr.rel @p0 .LBB2_1-.Ltmp4, $1  }
0x22e: {  	_ =	sdelay $0x3  }
0x22f: {  	_ =	sfence.sel $0x180000  }
0x230: {  	[bflag:$0x0] =	sbarrier.arrive $0xFFFF  }
0x231: {  	p0 =	sne.s32 s3, $0x0;
	_ =	strace $0x90000047  }
0x232: {  	s0 =	sadd.s32 @!p0 $0x100000, s0;
	[bflag:$0x2] =	sbarrier.arrive $0xFFFF  }
0x233: {  	[sflag:s0] =	ssyncadd.tile.s32 @!p0 $0x1;
	_ =	shalt  }
.Lfunc_end2:
_tile_overlayer_lowered:
.L_overlay_start_2:
0x234: {  	(tag) =	ssettag $0x2  }
0x235: {  	s0 =	rddreg [dreg:$0x0];
	s2 =	stileid.u32  }
0x236: {  	s1 =	rddreg [dreg:$0x1];
	p0 =	sne.s32 s2, $0x0  }
0x237: {  	s3 =	rddreg [dreg:$0x2];
	[bflag:$0x3] =	sbarrier.arrive $0xFFFF;
	s2 =	simm.s32 @!p0 $0x1C01  }
0x238: {  	[timem:s3], [sflag:s2] =	dma.local @!p0 [hbm:s0], s1  }
0x239: {  	s0 =	simm.s32 @!p0 $0x1  }
0x23a: {  	_ =	swait.ge @!p0 [sflag:s0], s1  }
0x23b: {  	s1 =	ssub.s32 @!p0 $0x0, s1;
	[sflag:s0] =	ssyncset.done @!p0 $0x0  }
0x23c: {  	[sflag:s0] =	ssyncadd.s32 @!p0 s1  }
0x23d: {  	[bflag:$0x3] =	sbarrier.arrive $0xFFFF  }
0x23e: {  	_ =	shalt  }

// kernel: kernel.9.cloned.1.call-start
scs
__scs_entry_jumppad:
0x0: {  	(pc) =	sbr.rel $0x88, $3  }
0x1: {  	(tag) =	ssettag $0x0;
	lr =	simm.s32 $0x1  }
0x2: {  	[smem:$0x3F91] =	sst lr;
	_ =	strace $0xD0000000  }
0x3: {  	_ = 	snop  }
0x4: {  	_ = 	snop  }
0x5: {  	_ = 	snop  }
0x6: {  	_ = 	snop  }
0x7: {  	_ = 	snop  }
__scs_overlays_trampoline_lowered:
0x8: {  	[smem:$0x3FA0] =	sst s0  }
0x9: {  	[smem:$0x3FA1] =	sst s1  }
0xa: {  	[smem:$0x3FA2] =	sst s2  }
0xb: {  	[smem:$0x3FA3] =	sst s3  }
0xc: {  	[smem:$0x3FA4] =	sst s4  }
0xd: {  	[smem:$0x3FA5] =	sst s5  }
0xe: {  	[smem:$0x3FA6] =	sst s6  }
0xf: {  	[smem:$0x3FA7] =	sst s7  }
0x10: {  	[smem:$0x3FA8] =	sst s8  }
0x11: {  	[smem:$0x3FA9] =	sst s9;
	s0 =	simm.s32 @!p0 $0x0  }
0x12: {  	s1 =	sld [smem:$0x3F8F];
	s0 =	simm.s32 @p0 $0x1  }
0x13: {  	[smem:$0x3FAA] =	sst s0;
	s0 =	simm.s32 @!p1 $0x0  }
0x14: {  	s2 =	sld [smem:$0x3F8E];
	s0 =	simm.s32 @p1 $0x1  }
0x15: {  	[smem:$0x3FAB] =	sst s0;
	s0 =	simm.s32 @!p2 $0x0  }
0x16: {  	s3 =	sld [smem:$0x3FDB];
	s0 =	simm.s32 @p2 $0x1  }
0x17: {  	s4 =	simm.s32 $0x1BF5;
	[smem:$0x3FAD] =	sst s0  }
0x18: {  	s0 =	sld [smem:$0x3F90];
	_ =	swait.ge [sflag:s4], $0x0  }
0x19: {  	s7 =	sld [smem:$0x3F91]  }
0x1a: {  	s8 =	sadd.s32 $0xFFFFE003, lr  }
0x1b: {  	s9 =	sadd.s32 $0xFFFFFEF7, lr;
	s5 =	simm.s32 $0xFFFFFFFF;
	p2 =	slt.u32 s8, $0xFFFFF086  }
0x1c: {  	p1 =	slt.u32 s9, $0xF7A;
	s5 =	simm.s32 @!p2 $0x0  }
0x1d: {  	s5 =	simm.s32 @p1 $0x1;
	p0 =	seq.s32 s7, s2  }
0x1e: {  	s7 =	smul.u32 @!p0 $0xF7A, s2;
	p2 =	seq.s32 @!p0 s5, $0x0  }
0x1f: {  	s9 =	smul.u32 $0xF7A, s1;
	s8 =	simm.s32 @!p0 $0x1BF5;
	p2 =	por !p2, p0  }
0x20: {  	[sflag:s8] =	ssyncset.s32 @!p0 $0xFFFFF086;
	s6 =	sadd.s32 @!p0 s3, s7;
	s7 =	simm.s32 @!p0 $0x108  }
0x21: {  	s3 =	sadd.s32 s3, s9;
	s6 =	sadd.s32 @!p0 $0x88, s6;
	s7 =	simm.s32 @p2 $0x1082  }
0x22: {  	[simem:s7], [sflag:s8] =	dma.local @!p0 [hbm:s6], $0xF7A  }
0x23: {  	s9 =	sor.u32 $0xD0000000, s2;
	s6 =	simm.s32 $0x108;
	_ =	swait.ge @!p0 [sflag:s8], $0x0  }
0x24: {  	s3 =	sadd.s32 $0x88, s3;
	s6 =	simm.s32 @!p1 $0x1082;
	[sflag:s4] =	ssyncset.s32 $0xFFFFF086  }
0x25: {  	[simem:s6], [sflag:s4] =	dma.local [hbm:s3], $0xF7A  }
0x26: {  	[smem:$0x3F91] =	sst s1;
	(tag) =	ssettag s2;
	_ =	strace s9  }
0x27: {  	s1 =	sld [smem:$0x3FA1]  }
0x28: {  	s2 =	sld [smem:$0x3FA2]  }
0x29: {  	s4 =	sld [smem:$0x3FA4]  }
0x2a: {  	p0 =	seq.s32 s5, $0x0;
	s5 =	sld [smem:$0x3FA5]  }
0x2b: {  	s6 =	sld [smem:$0x3FA6]  }
0x2c: {  	s7 =	sld [smem:$0x3FA7]  }
0x2d: {  	s3 =	simm.s32 $0x108;
	s8 =	sld [smem:$0x3FA8]  }
0x2e: {  	s3 =	simm.s32 @!p0 $0x1082;
	s9 =	sld [smem:$0x3FA9]  }
0x2f: {  	lr =	sadd.s32 s0, s3;
	s0 =	sld [smem:$0x3FA0]  }
0x30: {  	s3 =	sld [smem:$0x3FA3]  }
0x31: {  	[smem:$0x3FAC] =	sst s10  }
0x32: {  	s10 =	sld [smem:$0x3FAA];
	_ =	sdelay $0x3  }
0x33: {  	p0 =	seq.s32 s10, $0x1;
	s10 =	sld [smem:$0x3FAC];
	_ =	sdelay $0x3  }
0x34: {  	[smem:$0x3FAC] =	sst s10  }
0x35: {  	s10 =	sld [smem:$0x3FAB];
	_ =	sdelay $0x3  }
0x36: {  	p1 =	seq.s32 s10, $0x1;
	s10 =	sld [smem:$0x3FAC];
	_ =	sdelay $0x3  }
0x37: {  	[smem:$0x3FAC] =	sst s10  }
0x38: {  	s10 =	sld [smem:$0x3FAD]  }
0x39: {  	_ = 	snop;
	(pc) =	sbr.ind lr, $3  }
0x3a: {  	_ = 	snop  }
0x3b: {  	_ = 	snop  }
0x3c: {  	p2 =	seq.s32 s10, $0x1;
	s10 =	sld [smem:$0x3FAC]  }
0x3d: {  	_ =	shalt  }
0x3e: {  	_ =	shalt  }
0x3f: {  	_ =	shalt  }
0x40: {  	_ =	shalt  }
0x41: {  	_ =	shalt  }
0x42: {  	_ =	shalt  }
0x43: {  	_ =	shalt  }
0x44: {  	_ =	shalt  }
0x45: {  	_ =	shalt  }
0x46: {  	_ =	shalt  }
0x47: {  	_ =	shalt  }
0x48: {  	_ =	shalt  }
0x49: {  	_ =	shalt  }
0x4a: {  	_ =	shalt  }
0x4b: {  	_ =	shalt  }
0x4c: {  	_ =	shalt  }
0x4d: {  	_ =	shalt  }
0x4e: {  	_ =	shalt  }
0x4f: {  	_ =	shalt  }
0x50: {  	_ =	shalt  }
0x51: {  	_ =	shalt  }
0x52: {  	_ =	shalt  }
0x53: {  	_ =	shalt  }
0x54: {  	_ =	shalt  }
0x55: {  	_ =	shalt  }
0x56: {  	_ =	shalt  }
0x57: {  	_ =	shalt  }
0x58: {  	_ =	shalt  }
0x59: {  	_ =	shalt  }
0x5a: {  	_ =	shalt  }
0x5b: {  	_ =	shalt  }
0x5c: {  	_ =	shalt  }
0x5d: {  	_ =	shalt  }
0x5e: {  	_ =	shalt  }
0x5f: {  	_ =	shalt  }
0x60: {  	_ =	shalt  }
0x61: {  	_ =	shalt  }
0x62: {  	_ =	shalt  }
0x63: {  	_ =	shalt  }
0x64: {  	_ =	shalt  }
0x65: {  	_ =	shalt  }
0x66: {  	_ =	shalt  }
0x67: {  	_ =	shalt  }
0x68: {  	_ =	shalt  }
0x69: {  	_ =	shalt  }
0x6a: {  	_ =	shalt  }
0x6b: {  	_ =	shalt  }
0x6c: {  	_ =	shalt  }
0x6d: {  	_ =	shalt  }
0x6e: {  	_ =	shalt  }
0x6f: {  	_ =	shalt  }
0x70: {  	_ =	shalt  }
0x71: {  	_ =	shalt  }
0x72: {  	_ =	shalt  }
0x73: {  	_ =	shalt  }
0x74: {  	_ =	shalt  }
0x75: {  	_ =	shalt  }
0x76: {  	_ =	shalt  }
0x77: {  	_ =	shalt  }
0x78: {  	_ =	shalt  }
0x79: {  	_ =	shalt  }
0x7a: {  	_ =	shalt  }
0x7b: {  	_ =	shalt  }
0x7c: {  	_ =	shalt  }
0x7d: {  	_ =	shalt  }
0x7e: {  	_ =	shalt  }
0x7f: {  	_ =	shalt  }
0x80: {  	_ =	shalt  }
0x81: {  	_ =	shalt  }
0x82: {  	_ =	shalt  }
0x83: {  	_ =	shalt  }
0x84: {  	_ =	shalt  }
0x85: {  	_ =	shalt  }
0x86: {  	_ =	shalt  }
0x87: {  	_ =	shalt  }
.Lfunc_end0:
.L_simem_size_0:
called_computation.1_lowered:
.L_overlay_start_0:
0x88: {  	s2 =	sld [smem:$0x3FD9]  }
0x89: {  	s3 =	sld [smem:$0x3FFE];
	_ =	sdelay $0x1  }
0x8a: {  	s1 =	srdreg.scid  }
0x8b: {  	s0 =	sand.u32 $0x1, s1  }
0x8c: {  	s16 =	sshll.u32 s0, $0xA;
	s2 =	sadd.s32 s3, s2  }
0x8d: {  	s2 =	sadd.s32 s2, s16  }
0x8e: {  	[smem:$0x3FB8] =	sst s2  }
0x8f: {  	_ = 	snop  }
0x90: {  	(tm) =	ssettm $0x1  }
0x91: {  	s17 =	sld [smem:$0x3FFB];
	_ =	sdelay $0x3  }
0x92: {  	_ =	strace s17  }
0x93: {  	s2 =	sld [smem:$0x3FFC];
	_ =	sdelay $0x3  }
0x94: {  	_ =	strace s2  }
0x95: {  	s2 =	sld [smem:$0x3FFD];
	_ =	sdelay $0x3  }
0x96: {  	_ =	strace s2  }
0x97: {  	_ =	strace $0x8FFFFFFF  }
0x98: {  	s18 =	sld [smem:$0x3FDB];
	_ =	sdelay $0x1  }
0x99: {  	s19 =	simm.s32 $_scs_section_size  }
0x9a: {  	s4 =	simm.s32 $_size__tile_overlayer_lowered;
	s5 =	simm.s32 $_tile_overlayer_lowered  }
0x9b: {  	s22 =	simm.s32 $0x1BFF;
	s21 =	sshll.u32 s5, $0x1;
	s2 =	sadd.s32 s19, s18  }
0x9c: {  	s6 =	simm.s32 $0x0;
	s20 =	sshll.u32 s4, $0x1;
	s4 =	sadd.s32 s21, s2  }
0x9d: {  	[timem:s6], [sflag:s22] =	dma.local [hbm:s4], s20  }
0x9e: {  	_ =	swait.ge [sflag:s22], s20  }
0x9f: {  	s3 =	ssub.s32 $0x0, s20;
	[sflag:s22] =	ssyncset.done $0x0  }
0xa0: {  	[sflag:s22] =	ssyncadd.s32 s3;
	_ =	sdelay $0x1  }
0xa1: {  	s23 =	simm.s32 $0x1B8B  }
0xa2: {  	_ =	swait.ge [sflag:s23], $0x1  }
0xa3: {  	[sflag:s23] =	ssyncset.done $0x0  }
0xa4: {  	s25 =	simm.s32 $0x1B8E;
	s24 =	sld [smem:$0x3FFE];
	[sflag:s23] =	ssyncadd.s32 $0xFFFFFFFF  }
0xa5: {  	s26 =	simm.s32 $execute0_lowered;
	[smem:$0x3FD2] =	sst s25  }
0xa6: {  	s4 =	sshll.u32 s26, $0x1;
	_ =	strace $0x80000049;
	[dreg:$0x1] =	wrdreg $0xFFFFFFFF  }
0xa7: {  	s28 =	simm.s32 $_size_execute0_lowered;
	s2 =	sadd.s32 s2, s4;
	[dreg:$0x0] =	wrdreg $0x0  }
0xa8: {  	s4 =	sshll.u32 s28, $0x1;
	[dreg:$0x2] =	wrdreg s2  }
0xa9: {  	[dreg:$0x3] =	wrdreg s4  }
0xaa: {  	[dreg:$0x4] =	wrdreg $0xC0  }
0xab: {  	_ =	task [dreg:s6], $0x5FFFF  }
0xac: {  	[dreg:$0x1] =	wrdreg $0xFFFFFFFF  }
0xad: {  	[dreg:$0x0] =	wrdreg $0x60  }
0xae: {  	[dreg:$0x2] =	wrdreg s24  }
0xaf: {  	[dreg:$0x3] =	wrdreg $0x92000  }
0xb0: {  	[dreg:$0x4] =	wrdreg $0x9  }
0xb1: {  	_ =	task.clear_ibuf [dreg:s6], $0x5FFFF;
	_ =	strace $0x90000049  }
0xb2: {  	s29 =	simm.s32 $0x9;
	_ =	strace $0x8000004B  }
0xb3: {  	_ =	swait.ge [sflag:s29], $0x1  }
0xb4: {  	[sflag:s29] =	ssyncadd.s32 $0xFFFFFFFF  }
0xb5: {  	_ =	strace $0x9000004B  }
0xb6: {  	_ =	sfence  }
0xb7: {  	s30 =	sld [smem:$0x0];
	_ =	sdelay $0x2  }
0xb8: {  	s31 =	sshll.u32 s1, $0xD;
	s1 =	sshrl.u32 s1, $0x2  }
0xb9: {  	s3 =	sand.u32 $0x4000, s31;
	s1 =	sadd.s32 s1, s30  }
0xba: {  	s0 =	sor.u32 s3, s0;
	s1 =	sshll.u32 s1, $0x11  }
0xbb: {  	s0 =	sor.u32 s1, s0  }
0xbc: {  	s0 =	sadd.s32 $0x8F2B, s0  }
0xbd: {  	[sflag:s0] =	ssyncadd.remote.s32 $0x1  }
0xbe: {  	_ =	sfence.sel $0xFFFF  }
0xbf: {  	[dreg:$0x0] =	wrdreg $0xFFFFFFFF;
	(pc) =	sbr.abs _section_cstart, $3  }
0xc0: {  	[dreg:$0x1] =	wrdreg $0xFFFFFFFF  }
0xc1: {  	_ =	task.clear_ibuf [dreg:s6], $0x2FFFF;
	_ =	strace $0x9FFFFFFF  }
0xc2: {  	(tm) =	ssettm $0x7FFFFFFF  }
0xc3: {  	_ =	shalt  }
tec
execute0_lowered:
.L_overlay_start_1:
0x0: {  	(tag) =	ssettag $0x1  }
0x1: {  	s6 =	rddreg [dreg:$0x0]  }
0x2: {  	s1 =	rddreg [dreg:$0x1];
	s2 =	srdreg.scid  }
0x3: {  	s0 =	rddreg [dreg:$0x2];
	s3 =	simm.s32 $0x0;
	s12 =	simm.s32 $0x50  }
0x4: {  	s13 =	simm.s32 $0x4000;
	s14 =	simm.s32 $0x4200;
	s15 =	simm.s32 $0x4100  }
0x5: {  	s16 =	simm.s32 $0x6A00;
	s17 =	simm.s32 $0x1;
	s18 =	simm.s32 $0x4080  }
0x6: {  	s19 =	simm.s32 $0x2;
	s20 =	simm.s32 $0x4180;
	s21 =	simm.s32 $0x3  }
0x7: {  	s22 =	simm.s32 $0x4;
	s7 =	sand.u32 $0x1, s2;
	s2 =	stileid.u32  }
0x8: {  	s23 =	simm.s32 $0x0;
	[smem:$0x7FF] =	sst s3;
	s5 =	smul.u32 $0x140000, s7  }
0x9: {  	s4 =	sadd.s32 $0x83A00, s6;
	s8 =	smul.u32 $0x14000, s2;
	_ =	strace $0x8000004A  }
0xa: {  	s9 =	sshll.u32 s2, $0xB;
	s10 =	smul.u32 $0x50000, s2;
	s26 =	ssub.s32 $0x2, s7  }
0xb: {  	s7 =	sshll.u32 s7, $0xF;
	s31 =	sshll.u32 s2, $0x6;
	s9 =	sadd.s32 s9, s6  }
0xc: {  	s11 =	sshrl.u32 s26, $0x1;
	s8 =	sadd.s32 s8, s5;
	s5 =	sadd.s32 $0x3A00, s6  }
0xd: {  	s7 =	sadd.s32 s7, s9;
	s28 =	sshrl.u32 s10, $0x2;
	s29 =	ssub.s32 s26, s11  }
0xe: {  	s9 =	simm.s32 $0x5;
	s10 =	sor.u32 $0x1C05, s31;
	s8 =	sshrl.u32 s8, $0x3  }
0xf: {  	s30 =	sadd.s32 s28, s1;
	s8 =	sadd.s32 s8, s6;
	s6 =	sadd.s32 $0x23A00, s7  }
0x10: {  	s11 =	sshrl.u32 s30, $0x3;
	s7 =	sadd.s32 $0xAAC00, s8;
	s8 =	smax.u32 s29, $0x1  }
.LBB2_1:
0x11: {  	[tilespmem:s3], [sflag:$0x5] =	stream.linear.gather [hbm4b:s6+s3], $0x3E80, $0x38;
	[tilespmem:$0x1D200] =	vst v63  }
0x12: {  	_ =	swait.ge [sflag:s9], $0x3E80  }
0x13: {  	[sflag:s9] =	ssyncset.done $0x0  }
0x14: {  	[sflag:s9] =	ssyncadd.s32 $0xFFFFC180  }
0x15: {  	[spmem:s11], [sflag:s10] =	dma.local [hbm:s5], $0x2800  }
0x16: {  	_ =	swait.ge [sflag:s9], $0x2800  }
0x17: {  	[sflag:s9] =	ssyncset.done $0x0  }
0x18: {  	[sflag:s9] =	ssyncadd.s32 $0xFFFFD800  }
0x19: {  	v0 =	vld [tilespmem:$0x0];
	_ =	sdelay $0x1  }
0x1a: {  	v1 =	vld [tilespmem:$0x10];
	_ =	sdelay $0x1  }
0x1b: {  	v2 =	vld [tilespmem:$0x20]  }
0x1c: {  	v3 =	vand.u32 $0xFFFF, v0  }
0x1d: {  	v0 =	vshrl.u32 v0, $0x10;
	[tilespmem:$0x4000] =	vst v3;
	v3 =	vld [tilespmem:$0x30]  }
0x1e: {  	[tilespmem:$0x4080] =	vst v0;
	v0 =	vand.u32 $0xFFFF, v1  }
0x1f: {  	[tilespmem:$0x4010] =	vst v0;
	v0 =	vshrl.u32 v1, $0x10;
	v1 =	vld [tilespmem:$0x40]  }
0x20: {  	[tilespmem:$0x4090] =	vst v0;
	v0 =	vand.u32 $0xFFFF, v2  }
0x21: {  	[tilespmem:$0x4020] =	vst v0;
	v0 =	vshrl.u32 v2, $0x10;
	v2 =	vld [tilespmem:$0x80]  }
0x22: {  	[tilespmem:$0x40A0] =	vst v0;
	v0 =	vand.u32 $0xFFFF, v3  }
0x23: {  	[tilespmem:$0x4030] =	vst v0;
	v0 =	vshrl.u32 v3, $0x10;
	v3 =	vld [tilespmem:$0x90]  }
0x24: {  	[tilespmem:$0x40B0] =	vst v0;
	v0 =	vand.u32 $0xFFFF, v1  }
0x25: {  	[tilespmem:$0x4040] =	vst v0;
	v0 =	vshrl.u32 v1, $0x10;
	v1 =	vld [tilespmem:$0xA0]  }
0x26: {  	[tilespmem:$0x40C0] =	vst v0;
	v0 =	vand.u32 $0xFFFF, v2  }
0x27: {  	[tilespmem:$0x4100] =	vst v0;
	v0 =	vshrl.u32 v2, $0x10;
	v2 =	vld [tilespmem:$0xB0]  }
0x28: {  	[tilespmem:$0x4180] =	vst v0;
	v0 =	vand.u32 $0xFFFF, v3  }
0x29: {  	[tilespmem:$0x4110] =	vst v0;
	v0 =	vshrl.u32 v3, $0x10;
	v3 =	vld [tilespmem:$0xC0]  }
0x2a: {  	[tilespmem:$0x4190] =	vst v0;
	v0 =	vand.u32 $0xFFFF, v1  }
0x2b: {  	[tilespmem:$0x4120] =	vst v0;
	v0 =	vshrl.u32 v1, $0x10  }
0x2c: {  	[tilespmem:$0x41A0] =	vst v0;
	v0 =	vand.u32 $0xFFFF, v2  }
0x2d: {  	[tilespmem:$0x4130] =	vst v0;
	v0 =	vshrl.u32 v2, $0x10  }
0x2e: {  	[tilespmem:$0x41B0] =	vst v0;
	v0 =	vand.u32 $0xFFFF, v3  }
0x2f: {  	[tilespmem:$0x4140] =	vst v0;
	v0 =	vshrl.u32 v3, $0x10  }
0x30: {  	[tilespmem:$0x41C0] =	vst v0  }
0x31: {  	[bflag:$0x0] =	sbarrier.arrive $0xFFFF  }
0x32: {  	[tilespmem:s14], [sflag:$0x1] =	stream.indirect.gather [hbm4b:s4+s12], $0x80, s13, s12, $0xb8;
	[tilespmem:$0x1D200] =	vst v63  }
0x33: {  	_ = 	snop  }
0x34: {  	[tilespmem:s16], [sflag:$0x2] =	stream.indirect.gather [hbm4b:s4+s12], $0x80, s15, s12, $0xb8;
	[tilespmem:$0x1D200] =	vst v63  }
0x35: {  	_ =	swait.ge [sflag:s17], $0x2800  }
0x36: {  	[sflag:s17] =	ssyncset.done $0x0  }
0x37: {  	[sflag:s17] =	ssyncadd.s32 $0xFFFFD800  }
0x38: {  	[spmem:s1] =	stream.indirect.scatter.add.f32 [tilespmem:s14], [sflag:$0x3], $0x80, s18, s12, $0xb8;
	[tilespmem:$0x1D200] =	vst v63  }
0x39: {  	_ =	swait.ge [sflag:s19], $0x2800  }
0x3a: {  	[sflag:s19] =	ssyncset.done $0x0  }
0x3b: {  	[sflag:s19] =	ssyncadd.s32 $0xFFFFD800  }
0x3c: {  	[spmem:s1] =	stream.indirect.scatter.add.f32 [tilespmem:s16], [sflag:$0x4], $0x80, s20, s12, $0xb8;
	[tilespmem:$0x1D200] =	vst v63  }
0x3d: {  	_ =	swait.ge [sflag:s21], $0x2800  }
0x3e: {  	[sflag:s21] =	ssyncset.done $0x0  }
0x3f: {  	s24 =	simm.s32 $0x0;
	[sflag:s21] =	ssyncadd.s32 $0xFFFFD800  }
0x40: {  	v0 =	vld [tilespmem:s24+$0x100];
	_ =	sdelay $0x4  }
0x41: {  	v1 =	vand.u32 $0xFFFF, v0  }
0x42: {  	v0 =	vshrl.u32 v0, $0x10;
	[tilespmem:$0x4000] =	vst v1  }
0x43: {  	[tilespmem:$0x4080] =	vst v0  }
0x44: {  	v0 =	vld [tilespmem:s24+$0x110];
	_ =	sdelay $0x4  }
0x45: {  	v1 =	vand.u32 $0xFFFF, v0  }
0x46: {  	v0 =	vshrl.u32 v0, $0x10;
	[tilespmem:$0x4010] =	vst v1  }
0x47: {  	[tilespmem:$0x4090] =	vst v0  }
0x48: {  	v0 =	vld [tilespmem:s24+$0x120];
	_ =	sdelay $0x4  }
0x49: {  	v1 =	vand.u32 $0xFFFF, v0  }
0x4a: {  	v0 =	vshrl.u32 v0, $0x10;
	[tilespmem:$0x4020] =	vst v1  }
0x4b: {  	[tilespmem:$0x40A0] =	vst v0  }
0x4c: {  	v0 =	vld [tilespmem:s24+$0x130];
	_ =	sdelay $0x4  }
0x4d: {  	v1 =	vand.u32 $0xFFFF, v0  }
0x4e: {  	v0 =	vshrl.u32 v0, $0x10;
	[tilespmem:$0x4030] =	vst v1  }
0x4f: {  	[tilespmem:$0x40B0] =	vst v0  }
0x50: {  	v0 =	vld [tilespmem:s24+$0x140];
	_ =	sdelay $0x4  }
0x51: {  	v1 =	vand.u32 $0xFFFF, v0  }
0x52: {  	v0 =	vshrl.u32 v0, $0x10;
	[tilespmem:$0x4040] =	vst v1  }
0x53: {  	[tilespmem:$0x40C0] =	vst v0  }
0x54: {  	[tilespmem:s14], [sflag:$0x1] =	stream.indirect.gather [hbm4b:s4+s12], $0x80, s13, s12, $0xb8;
	[tilespmem:$0x1D200] =	vst v63  }
0x55: {  	_ =	swait.ge [sflag:s22], $0x2800  }
0x56: {  	[sflag:s22] =	ssyncset.done $0x0  }
0x57: {  	[sflag:s22] =	ssyncadd.s32 $0xFFFFD800  }
0x58: {  	v0 =	vld [tilespmem:s24+$0x180];
	_ =	sdelay $0x4  }
0x59: {  	v1 =	vand.u32 $0xFFFF, v0  }
0x5a: {  	v0 =	vshrl.u32 v0, $0x10;
	[tilespmem:$0x4100] =	vst v1  }
0x5b: {  	[tilespmem:$0x4180] =	vst v0  }
0x5c: {  	v0 =	vld [tilespmem:s24+$0x190];
	_ =	sdelay $0x4  }
0x5d: {  	v1 =	vand.u32 $0xFFFF, v0  }
0x5e: {  	v0 =	vshrl.u32 v0, $0x10;
	[tilespmem:$0x4110] =	vst v1  }
0x5f: {  	[tilespmem:$0x4190] =	vst v0  }
0x60: {  	v0 =	vld [tilespmem:s24+$0x1A0];
	_ =	sdelay $0x4  }
0x61: {  	v1 =	vand.u32 $0xFFFF, v0  }
0x62: {  	v0 =	vshrl.u32 v0, $0x10;
	[tilespmem:$0x4120] =	vst v1  }
0x63: {  	[tilespmem:$0x41A0] =	vst v0  }
0x64: {  	v0 =	vld [tilespmem:s24+$0x1B0];
	_ =	sdelay $0x4  }
0x65: {  	s25 =	simm.s32 $0x400;
	v1 =	vand.u32 $0xFFFF, v0;
	v0 =	vshrl.u32 v0, $0x10  }
.LBB2_2:
0x66: {  	p0 =	sne.s32 s25, $0xF000;
	[tilespmem:$0x4130] =	vst v1;
	s26 =	smov.u32 s25;
	s25 =	sadd.s32 $0x400, s25  }
0x67: {  	[tilespmem:$0x41B0] =	vst v0  }
0x68: {  	v0 =	vld [tilespmem:s24+$0x1C0];
	_ =	sdelay $0x4  }
0x69: {  	v1 =	vand.u32 $0xFFFF, v0;
	v0 =	vshrl.u32 v0, $0x10  }
0x6a: {  	[tilespmem:$0x4140] =	vst v1  }
0x6b: {  	[tilespmem:$0x41C0] =	vst v0  }
0x6c: {  	[tilespmem:s16], [sflag:$0x2] =	stream.indirect.gather [hbm4b:s4+s12], $0x80, s15, s12, $0xb8;
	[tilespmem:$0x1D200] =	vst v63  }
0x6d: {  	_ =	swait.ge [sflag:s17], $0x2800  }
0x6e: {  	[sflag:s17] =	ssyncset.done $0x0  }
0x6f: {  	[sflag:s17] =	ssyncadd.s32 $0xFFFFD800  }
0x70: {  	[spmem:s1] =	stream.indirect.scatter.add.f32 [tilespmem:s14], [sflag:$0x3], $0x80, s18, s12, $0xb8;
	[tilespmem:$0x1D200] =	vst v63  }
0x71: {  	_ =	swait.ge [sflag:s19], $0x2800  }
0x72: {  	[sflag:s19] =	ssyncset.done $0x0  }
0x73: {  	[sflag:s19] =	ssyncadd.s32 $0xFFFFD800  }
0x74: {  	[spmem:s1] =	stream.indirect.scatter.add.f32 [tilespmem:s16], [sflag:$0x4], $0x80, s20, s12, $0xb8;
	[tilespmem:$0x1D200] =	vst v63  }
0x75: {  	_ =	swait.ge [sflag:s21], $0x2800  }
0x76: {  	[sflag:s21] =	ssyncset.done $0x0  }
0x77: {  	s24 =	sshra.s32 s26, $0x2;
	[sflag:s21] =	ssyncadd.s32 $0xFFFFD800  }
0x78: {  	v0 =	vld [tilespmem:s24+$0x100];
	_ =	sdelay $0x4  }
0x79: {  	v1 =	vand.u32 $0xFFFF, v0;
	v0 =	vshrl.u32 v0, $0x10  }
0x7a: {  	[tilespmem:$0x4000] =	vst v1  }
0x7b: {  	[tilespmem:$0x4080] =	vst v0  }
0x7c: {  	v0 =	vld [tilespmem:s24+$0x110];
	_ =	sdelay $0x4  }
0x7d: {  	v1 =	vand.u32 $0xFFFF, v0;
	v0 =	vshrl.u32 v0, $0x10  }
0x7e: {  	[tilespmem:$0x4010] =	vst v1  }
0x7f: {  	[tilespmem:$0x4090] =	vst v0  }
0x80: {  	v0 =	vld [tilespmem:s24+$0x120];
	_ =	sdelay $0x4  }
0x81: {  	v1 =	vand.u32 $0xFFFF, v0;
	v0 =	vshrl.u32 v0, $0x10  }
0x82: {  	[tilespmem:$0x4020] =	vst v1  }
0x83: {  	[tilespmem:$0x40A0] =	vst v0  }
0x84: {  	v0 =	vld [tilespmem:s24+$0x130];
	_ =	sdelay $0x4  }
0x85: {  	v1 =	vand.u32 $0xFFFF, v0;
	v0 =	vshrl.u32 v0, $0x10  }
0x86: {  	[tilespmem:$0x4030] =	vst v1  }
0x87: {  	[tilespmem:$0x40B0] =	vst v0  }
0x88: {  	v0 =	vld [tilespmem:s24+$0x140];
	_ =	sdelay $0x4  }
0x89: {  	v1 =	vand.u32 $0xFFFF, v0;
	v0 =	vshrl.u32 v0, $0x10  }
0x8a: {  	[tilespmem:$0x4040] =	vst v1  }
0x8b: {  	[tilespmem:$0x40C0] =	vst v0  }
0x8c: {  	[tilespmem:s14], [sflag:$0x1] =	stream.indirect.gather [hbm4b:s4+s12], $0x80, s13, s12, $0xb8;
	[tilespmem:$0x1D200] =	vst v63  }
0x8d: {  	_ =	swait.ge [sflag:s22], $0x2800  }
0x8e: {  	[sflag:s22] =	ssyncset.done $0x0  }
0x8f: {  	[sflag:s22] =	ssyncadd.s32 $0xFFFFD800  }
0x90: {  	v0 =	vld [tilespmem:s24+$0x180];
	_ =	sdelay $0x4  }
0x91: {  	v1 =	vand.u32 $0xFFFF, v0;
	v0 =	vshrl.u32 v0, $0x10  }
0x92: {  	[tilespmem:$0x4100] =	vst v1  }
0x93: {  	[tilespmem:$0x4180] =	vst v0  }
0x94: {  	v0 =	vld [tilespmem:s24+$0x190];
	_ =	sdelay $0x4  }
0x95: {  	v1 =	vand.u32 $0xFFFF, v0;
	v0 =	vshrl.u32 v0, $0x10  }
0x96: {  	[tilespmem:$0x4110] =	vst v1  }
0x97: {  	[tilespmem:$0x4190] =	vst v0  }
0x98: {  	v0 =	vld [tilespmem:s24+$0x1A0];
	_ =	sdelay $0x4  }
0x99: {  	v1 =	vand.u32 $0xFFFF, v0;
	v0 =	vshrl.u32 v0, $0x10  }
0x9a: {  	[tilespmem:$0x4120] =	vst v1  }
0x9b: {  	[tilespmem:$0x41A0] =	vst v0  }
0x9c: {  	v0 =	vld [tilespmem:s24+$0x1B0]  }
.Ltmp0:
0x9d: {  	(pc) =	sbr.rel @p0 .LBB2_2-.Ltmp0, $2  }
0x9e: {  	_ =	sdelay $0x2  }
0x9f: {  	v1 =	vand.u32 $0xFFFF, v0;
	v0 =	vshrl.u32 v0, $0x10  }
0xa0: {  	[tilespmem:$0x4130] =	vst v1  }
0xa1: {  	[tilespmem:$0x41B0] =	vst v0  }
0xa2: {  	v0 =	vld [tilespmem:s24+$0x1C0];
	_ =	sdelay $0x4  }
0xa3: {  	v51 =	vand.u32 $0xFFFF, v0  }
0xa4: {  	v0 =	vshrl.u32 v0, $0x10;
	[tilespmem:$0x4140] =	vst v51  }
0xa5: {  	[tilespmem:$0x41C0] =	vst v0  }
0xa6: {  	[tilespmem:s16], [sflag:$0x2] =	stream.indirect.gather [hbm4b:s4+s12], $0x80, s15, s12, $0xb8;
	[tilespmem:$0x1D200] =	vst v63  }
0xa7: {  	_ =	swait.ge [sflag:s17], $0x2800  }
0xa8: {  	[sflag:s17] =	ssyncset.done $0x0  }
0xa9: {  	[sflag:s17] =	ssyncadd.s32 $0xFFFFD800  }
0xaa: {  	[spmem:s1] =	stream.indirect.scatter.add.f32 [tilespmem:s14], [sflag:$0x3], $0x80, s18, s12, $0xb8;
	[tilespmem:$0x1D200] =	vst v63  }
0xab: {  	_ =	swait.ge [sflag:s19], $0x2800  }
0xac: {  	[sflag:s19] =	ssyncset.done $0x0  }
0xad: {  	[sflag:s19] =	ssyncadd.s32 $0xFFFFD800  }
0xae: {  	[spmem:s1] =	stream.indirect.scatter.add.f32 [tilespmem:s16], [sflag:$0x4], $0x80, s20, s12, $0xb8;
	[tilespmem:$0x1D200] =	vst v63  }
0xaf: {  	_ =	swait.ge [sflag:s21], $0x2800  }
0xb0: {  	[sflag:s21] =	ssyncset.done $0x0  }
0xb1: {  	[sflag:s21] =	ssyncadd.s32 $0xFFFFD800  }
0xb2: {  	v52 =	vld [tilespmem:$0x3E00];
	_ =	sdelay $0x1  }
0xb3: {  	v53 =	vld [tilespmem:$0x3E10];
	_ =	sdelay $0x1  }
0xb4: {  	v2 =	vld [tilespmem:$0x3E20]  }
0xb5: {  	v3 =	vand.u32 $0xFFFF, v52  }
0xb6: {  	v54 =	vld [tilespmem:$0x3E30];
	v0 =	vshrl.u32 v52, $0x10;
	[tilespmem:$0x4000] =	vst v3  }
0xb7: {  	v55 =	vand.u32 $0xFFFF, v53;
	[tilespmem:$0x4080] =	vst v0  }
0xb8: {  	v57 =	vld [tilespmem:$0x3E40];
	v56 =	vshrl.u32 v53, $0x10;
	[tilespmem:$0x4010] =	vst v55  }
0xb9: {  	v58 =	vand.u32 $0xFFFF, v2;
	[tilespmem:$0x4090] =	vst v56  }
0xba: {  	v59 =	vshrl.u32 v2, $0x10;
	[tilespmem:$0x4020] =	vst v58  }
0xbb: {  	v60 =	vand.u32 $0xFFFF, v54;
	[tilespmem:$0x40A0] =	vst v59  }
0xbc: {  	v61 =	vshrl.u32 v54, $0x10;
	[tilespmem:$0x4030] =	vst v60  }
0xbd: {  	v62 =	vand.u32 $0xFFFF, v57;
	[tilespmem:$0x40B0] =	vst v61  }
0xbe: {  	v63 =	vshrl.u32 v57, $0x10;
	[tilespmem:$0x4040] =	vst v62  }
0xbf: {  	[tilespmem:$0x40C0] =	vst v63  }
0xc0: {  	[tilespmem:s14], [sflag:$0x1] =	stream.indirect.gather [hbm4b:s4+s12], $0x80, s13, s12, $0xb8;
	[tilespmem:$0x1D200] =	vst v63  }
0xc1: {  	_ =	swait.ge [sflag:s22], $0x2800  }
0xc2: {  	[sflag:s22] =	ssyncset.done $0x0  }
0xc3: {  	[sflag:s22] =	ssyncadd.s32 $0xFFFFD800  }
0xc4: {  	_ =	swait.ge [sflag:s17], $0x2800  }
0xc5: {  	[sflag:s17] =	ssyncset.done $0x0  }
0xc6: {  	[sflag:s17] =	ssyncadd.s32 $0xFFFFD800  }
0xc7: {  	[spmem:s1] =	stream.indirect.scatter.add.f32 [tilespmem:s14], [sflag:$0x5], $0x80, s18, s12, $0xb8;
	[tilespmem:$0x1D200] =	vst v63  }
0xc8: {  	_ =	swait.ge [sflag:s9], $0x2800  }
0xc9: {  	s23 =	sadd.s32 $0x1, s23;
	[sflag:s9] =	ssyncset.done $0x0  }
0xca: {  	p0 =	sne.s32 s23, s8;
	[sflag:s9] =	ssyncadd.s32 $0xFFFFD800  }
.Ltmp1:
0xcb: {  	[bflag:$0x0] =	sbarrier.arrive $0xFFFF;
	(pc) =	sbr.rel @p0 .LBB2_1-.Ltmp1, $4  }
0xcc: {  	[hbm:s7], [sflag:s10] =	dma.local [spmem:s11], $0x2800  }
0xcd: {  	_ =	swait.ge [sflag:s9], $0x2800  }
0xce: {  	[sflag:s9] =	ssyncset.done $0x0  }
0xcf: {  	[sflag:s9] =	ssyncadd.s32 $0xFFFFD800  }
0xd0: {  	_ =	sfence.sel $0x180000  }
0xd1: {  	[bflag:$0x0] =	sbarrier.arrive $0xFFFF  }
0xd2: {  	p0 =	sne.s32 s2, $0x0;
	_ =	strace $0x9000004A  }
0xd3: {  	s0 =	sadd.s32 @!p0 $0x100000, s0;
	[bflag:$0x2] =	sbarrier.arrive $0xFFFF  }
0xd4: {  	[sflag:s0] =	ssyncadd.tile.s32 @!p0 $0x1;
	_ =	shalt  }
.Lfunc_end2:
_tile_overlayer_lowered:
.L_overlay_start_2:
0xd5: {  	(tag) =	ssettag $0x2  }
0xd6: {  	s0 =	rddreg [dreg:$0x0];
	s2 =	stileid.u32  }
0xd7: {  	s1 =	rddreg [dreg:$0x1];
	p0 =	sne.s32 s2, $0x0  }
0xd8: {  	s3 =	rddreg [dreg:$0x2];
	[bflag:$0x3] =	sbarrier.arrive $0xFFFF;
	s2 =	simm.s32 @!p0 $0x1C05  }
0xd9: {  	[timem:s3], [sflag:s2] =	dma.local @!p0 [hbm:s0], s1  }
0xda: {  	s0 =	simm.s32 @!p0 $0x5  }
0xdb: {  	_ =	swait.ge @!p0 [sflag:s0], s1  }
0xdc: {  	s1 =	ssub.s32 @!p0 $0x0, s1;
	[sflag:s0] =	ssyncset.done @!p0 $0x0  }
0xdd: {  	[sflag:s0] =	ssyncadd.s32 @!p0 s1  }
0xde: {  	[bflag:$0x3] =	sbarrier.arrive $0xFFFF  }
0xdf: {  	_ =	shalt  }

</sc_bundles>
